<compile_context>
chip_gen: v7x
topology: tpu7x:2x2x1
jax: 0.10.2.dev20260603
libtpu: 0.0.44.dev20260713+nightly
codegen_flags: <defaults>
</compile_context>

<pallas_src>
import functools

import numpy as np
import jax
from jax import lax
import jax.numpy as jnp
from jax.experimental import pallas as pl
from jax.experimental.pallas import tpu as pltpu
from jax.experimental.pallas import tpu_sc as plsc

N = 4096
RAD_ORDER = 16
RAD_CUTOFF = 6.0
ANG_ORDER = 8
ANG_CUTOFF = 4.0
MIN_CUTOFF = 0.55
M_ANG = 48
BIG = 1e30
VTHRESH = 1e20


def _cheb_monomial_coeffs(nmax):
    polys = [[1], [0, 1]]
    for n in range(2, nmax + 1):
        c = [0] * (n + 1)
        for i, v in enumerate(polys[n - 1]):
            c[i + 1] += 2 * v
        for i, v in enumerate(polys[n - 2]):
            c[i] -= v
        polys.append(c)
    return polys


_CHEB = _cheb_monomial_coeffs(ANG_ORDER)
_FACT = [1, 1, 2, 6, 24, 120, 720, 5040, 40320]

BI = 256
BJ = 512
BA = 64
MSLOT = 64

NC = 2
NS = 16
NW = NC * NS
ROWS_PER = N // NW
LANE = 16
RBATCH = 4


def _dang_kernel(pos_ref, posT_ref, dang_ref):
    xi = pos_ref[:, 0:1]
    yi = pos_ref[:, 1:2]
    zi = pos_ref[:, 2:3]
    xj = posT_ref[0:1, :]
    yj = posT_ref[1:2, :]
    zj = posT_ref[2:3, :]
    dx = xi - xj
    dy = yi - yj
    dz = zi - zj
    z = dx * dx + dy * dy + dz * dz + 1e-12
    mang = (z <= 16.000001907348633) & (z > 0.30250003933906555)
    dang_ref[...] = jnp.where(mang, z, BIG)


def _rad_kernel(pos_ref, posT_ref, spinT_ref, radu_ref, radw_ref):
    j_blk = pl.program_id(1)
    xi = pos_ref[:, 0:1]
    yi = pos_ref[:, 1:2]
    zi = pos_ref[:, 2:3]
    xj = posT_ref[0:1, :]
    yj = posT_ref[1:2, :]
    zj = posT_ref[2:3, :]
    dx = xi - xj
    dy = yi - yj
    dz = zi - zj
    d = jnp.sqrt(dx * dx + dy * dy + dz * dz + 1e-12)
    mrad = (d <= RAD_CUTOFF) & (d > MIN_CUTOFF)
    w = jnp.where(mrad, 0.5 * (jnp.cos(jnp.float32(np.pi / RAD_CUTOFF) * d) + 1.0), 0.0)
    ws = w * spinT_ref[0:1, :]
    x = jnp.where(mrad, 2.0 * (d - MIN_CUTOFF) / (RAD_CUTOFF - MIN_CUTOFF) - 1.0, 0.0)
    su = [jnp.sum(w, axis=1, keepdims=True), jnp.sum(w * x, axis=1, keepdims=True)]
    sw = [jnp.sum(ws, axis=1, keepdims=True), jnp.sum(ws * x, axis=1, keepdims=True)]
    tkm1 = jnp.ones_like(x)
    tk = x
    for _ in range(2, RAD_ORDER + 1):
        tnew = 2.0 * x * tk - tkm1
        tkm1, tk = tk, tnew
        su.append(jnp.sum(w * tnew, axis=1, keepdims=True))
        sw.append(jnp.sum(ws * tnew, axis=1, keepdims=True))
    su_c = jnp.concatenate(su, axis=1)
    sw_c = jnp.concatenate(sw, axis=1)

    @pl.when(j_blk == 0)
    def _init():
        radu_ref[...] = su_c
        radw_ref[...] = sw_c

    @pl.when(j_blk != 0)
    def _acc():
        radu_ref[...] += su_c
        radw_ref[...] += sw_c


def _sc_body(dang_hbm, posx_hbm, posy_hbm, posz_hbm, spin_hbm,
             outd_hbm, outx_hbm, outy_hbm, outz_hbm, outs_hbm,
             posx_v, posy_v, posz_v, spin_v, row_v, cd_v, cj_v,
             std_v, stx_v, sty_v, stz_v, sts_v):
    wid = lax.axis_index("s") * NC + lax.axis_index("c")
    base = wid * ROWS_PER
    pltpu.sync_copy(posx_hbm, posx_v)
    pltpu.sync_copy(posy_hbm, posy_v)
    pltpu.sync_copy(posz_hbm, posz_v)
    pltpu.sync_copy(spin_hbm, spin_v)
    lane_iota = lax.iota(jnp.int32, LANE)
    big_vec = jnp.full((LANE,), BIG, dtype=jnp.float32)
    zero_vec = jnp.zeros((LANE,), dtype=jnp.int32)

    def quad_body(q, _):
        pltpu.sync_copy(dang_hbm.at[pl.ds(base + q * RBATCH, RBATCH)], row_v)
        for rr in range(RBATCH):
            r = q * RBATCH + rr
            for k in range(MSLOT // LANE + 1):
                cd_v[pl.ds(k * LANE, LANE)] = big_vec
                cj_v[pl.ds(k * LANE, LANE)] = zero_vec

            def scan_body(c, cnt):
                v = row_v[rr, pl.ds(c * LANE, LANE)]
                m = v < VTHRESH
                pref = plsc.cumsum(m.astype(jnp.int32))
                slots = cnt + pref - 1
                jvec = c * LANE + lane_iota
                plsc.store_scatter(cd_v, [slots], v, mask=m)
                plsc.store_scatter(cj_v, [slots], jvec, mask=m)
                return cnt + plsc.all_reduce_population_count(m)

            lax.fori_loop(0, N // LANE, scan_body,
                          jnp.zeros((LANE,), jnp.int32), unroll=4)

            for k in range(MSLOT // LANE):
                sl = pl.ds(k * LANE, LANE)
                jv = cj_v[sl]
                std_v[r, sl] = cd_v[sl]
                stx_v[r, sl] = plsc.load_gather(posx_v, [jv])
                sty_v[r, sl] = plsc.load_gather(posy_v, [jv])
                stz_v[r, sl] = plsc.load_gather(posz_v, [jv])
                sts_v[r, sl] = plsc.load_gather(spin_v, [jv])
        return 0

    lax.fori_loop(0, ROWS_PER // RBATCH, quad_body, 0)
    pltpu.sync_copy(std_v, outd_hbm.at[pl.ds(base, ROWS_PER)])
    pltpu.sync_copy(stx_v, outx_hbm.at[pl.ds(base, ROWS_PER)])
    pltpu.sync_copy(sty_v, outy_hbm.at[pl.ds(base, ROWS_PER)])
    pltpu.sync_copy(stz_v, outz_hbm.at[pl.ds(base, ROWS_PER)])
    pltpu.sync_copy(sts_v, outs_hbm.at[pl.ds(base, ROWS_PER)])


_sc_compact = functools.partial(
    pl.kernel,
    out_type=[jax.ShapeDtypeStruct((N, MSLOT), jnp.float32)] * 5,
    mesh=plsc.VectorSubcoreMesh(core_axis_name="c", subcore_axis_name="s"),
    compiler_params=pltpu.CompilerParams(needs_layout_passes=False),
    scratch_types=[
        pltpu.VMEM((N,), jnp.float32),
        pltpu.VMEM((N,), jnp.float32),
        pltpu.VMEM((N,), jnp.float32),
        pltpu.VMEM((N,), jnp.float32),
        pltpu.VMEM((RBATCH, N), jnp.float32),
        pltpu.VMEM((N + LANE,), jnp.float32),
        pltpu.VMEM((N + LANE,), jnp.int32),
        pltpu.VMEM((ROWS_PER, MSLOT), jnp.float32),
        pltpu.VMEM((ROWS_PER, MSLOT), jnp.float32),
        pltpu.VMEM((ROWS_PER, MSLOT), jnp.float32),
        pltpu.VMEM((ROWS_PER, MSLOT), jnp.float32),
        pltpu.VMEM((ROWS_PER, MSLOT), jnp.float32),
    ],
)(_sc_body)


def _ang_kernel(pos_ref, dsel_ref, pxj_ref, pyj_ref, pzj_ref, sj_ref,
                angu_ref, angw_ref):
    xi = pos_ref[:, 0:1]
    yi = pos_ref[:, 1:2]
    zi = pos_ref[:, 2:3]
    dsel = dsel_ref[...]
    valid = dsel < VTHRESH
    da = dsel[:, :, None]
    db = dsel[:, None, :]
    a_sl = jax.lax.broadcasted_iota(jnp.int32, (1, MSLOT, MSLOT), 1)
    b_sl = jax.lax.broadcasted_iota(jnp.int32, (1, MSLOT, MSLOT), 2)
    less = (db < da) | ((db == da) & (b_sl < a_sl))
    rank = jnp.sum((valid[:, None, :] & less).astype(jnp.int32), axis=2)
    keep = valid & (rank < M_ANG)
    dx = pxj_ref[...] - xi
    dy = pyj_ref[...] - yi
    dz = pzj_ref[...] - zi
    dn = jnp.sqrt(dx * dx + dy * dy + dz * dz + 1e-12)
    dn_safe = jnp.where(keep, dn, 1.0)
    inv = 1.0 / dn_safe
    ux = dx * inv
    uy = dy * inv
    uz = dz * inv
    fcn = jnp.where(keep, 0.5 * (jnp.cos(jnp.float32(np.pi / ANG_CUTOFF) * dn_safe) + 1.0), 0.0)
    fs = fcn * sj_ref[...]
    ux = jnp.where(keep, ux, 0.0)
    uy = jnp.where(keep, uy, 0.0)
    uz = jnp.where(keep, uz, 0.0)
    Sf = []
    Sg = []
    cur = {(0, 0, 0): None}
    for p in range(ANG_ORDER + 1):
        if p > 0:
            nxt = {}
            for a in range(p, -1, -1):
                for b in range(p - a, -1, -1):
                    c = p - a - b
                    if a > 0:
                        parent, fac = (a - 1, b, c), ux
                    elif b > 0:
                        parent, fac = (a, b - 1, c), uy
                    else:
                        parent, fac = (a, b, c - 1), uz
                    pv = cur[parent]
                    nxt[(a, b, c)] = fac if pv is None else pv * fac
            cur = nxt
        sf_p = None
        sg_p = None
        for (a, b, c), val in cur.items():
            mult = float(_FACT[p] // (_FACT[a] * _FACT[b] * _FACT[c]))
            wf = fcn if val is None else fcn * val
            wg = fs if val is None else fs * val
            mf = jnp.sum(wf, axis=1, keepdims=True)
            mg = jnp.sum(wg, axis=1, keepdims=True)
            tf = mult * (mf * mf)
            tg = mult * (mg * mg)
            sf_p = tf if sf_p is None else sf_p + tf
            sg_p = tg if sg_p is None else sg_p + tg
        Sf.append(sf_p)
        Sg.append(sg_p)
    sumf2 = jnp.sum(fcn * fcn, axis=1, keepdims=True)
    su_cols = []
    sw_cols = []
    for n in range(ANG_ORDER + 1):
        tot_f = None
        tot_g = None
        for p, cc in enumerate(_CHEB[n]):
            if cc == 0:
                continue
            tf = float(cc) * Sf[p]
            tg = float(cc) * Sg[p]
            tot_f = tf if tot_f is None else tot_f + tf
            tot_g = tg if tot_g is None else tot_g + tg
        su_cols.append(0.5 * (tot_f - sumf2))
        sw_cols.append(0.5 * (tot_g - sumf2))
    angu_ref[...] = jnp.concatenate(su_cols, axis=1)
    angw_ref[...] = jnp.concatenate(sw_cols, axis=1)


def kernel(positions, species_indices):
    pos = positions.astype(jnp.float32)
    spin = (2 * species_indices - 1).astype(jnp.float32)
    posT = pos.T
    spinT = spin[None, :]
    n_rad = RAD_ORDER + 1
    dang = pl.pallas_call(
        _dang_kernel,
        grid=(N // BI, N // BJ),
        in_specs=[
            pl.BlockSpec((BI, 3), lambda i, j: (i, 0)),
            pl.BlockSpec((3, BJ), lambda i, j: (0, j)),
        ],
        out_specs=pl.BlockSpec((BI, BJ), lambda i, j: (i, j)),
        out_shape=jax.ShapeDtypeStruct((N, N), jnp.float32),
        compiler_params=pltpu.CompilerParams(
            dimension_semantics=("parallel", "parallel")),
    )(pos, posT)

    posx = jnp.ravel(posT[0])
    posy = jnp.ravel(posT[1])
    posz = jnp.ravel(posT[2])
    dsel, pxj, pyj, pzj, sj = _sc_compact(dang, posx, posy, posz, spin)

    radu, radw = pl.pallas_call(
        _rad_kernel,
        grid=(N // BI, N // BJ),
        in_specs=[
            pl.BlockSpec((BI, 3), lambda i, j: (i, 0)),
            pl.BlockSpec((3, BJ), lambda i, j: (0, j)),
            pl.BlockSpec((1, BJ), lambda i, j: (0, j)),
        ],
        out_specs=[
            pl.BlockSpec((BI, n_rad), lambda i, j: (i, 0)),
            pl.BlockSpec((BI, n_rad), lambda i, j: (i, 0)),
        ],
        out_shape=[
            jax.ShapeDtypeStruct((N, n_rad), jnp.float32),
            jax.ShapeDtypeStruct((N, n_rad), jnp.float32),
        ],
        compiler_params=pltpu.CompilerParams(
            dimension_semantics=("parallel", "arbitrary")),
    )(pos, posT, spinT)

    n_ang = ANG_ORDER + 1
    angu, angw = pl.pallas_call(
        _ang_kernel,
        grid=(N // BA,),
        in_specs=[
            pl.BlockSpec((BA, 3), lambda i: (i, 0)),
            pl.BlockSpec((BA, MSLOT), lambda i: (i, 0)),
            pl.BlockSpec((BA, MSLOT), lambda i: (i, 0)),
            pl.BlockSpec((BA, MSLOT), lambda i: (i, 0)),
            pl.BlockSpec((BA, MSLOT), lambda i: (i, 0)),
            pl.BlockSpec((BA, MSLOT), lambda i: (i, 0)),
        ],
        out_specs=[
            pl.BlockSpec((BA, n_ang), lambda i: (i, 0)),
            pl.BlockSpec((BA, n_ang), lambda i: (i, 0)),
        ],
        out_shape=[
            jax.ShapeDtypeStruct((N, n_ang), jnp.float32),
            jax.ShapeDtypeStruct((N, n_ang), jnp.float32),
        ],
    )(pos, dsel, pxj, pyj, pzj, sj)

    return jnp.concatenate([radu, radw, angu, angw], axis=1)

# --- scband reference (transcript-rebuilt; emitter-appended) ---
"""Pipeline reference for scband-chebyshev-descriptor-31001073943089 (READ-ONLY COPY).

The authoritative reference and input builder live on the scoring server;
editing this copy changes nothing except your own understanding.
"""

import jax, jax.numpy as jnp
import numpy as np

N = 4096
BOX = 40.0
RAD_ORDER = 16
RAD_CUTOFF = 6.0
ANG_ORDER = 8
ANG_CUTOFF = 4.0
MIN_CUTOFF = 0.55
M_ANG = 48
TYPESPIN = jnp.array([-1.0, 1.0], dtype=jnp.float32)


def setup_inputs(seed: int = 0):
    key = jax.random.key(seed)
    k1, k2 = jax.random.split(key)
    positions = jax.random.uniform(k1, (N, 3), dtype=jnp.float32) * BOX
    species_indices = jax.random.randint(k2, (N,), 0, 2)
    return {"positions": positions, "species_indices": species_indices}


def _pair_dists(positions):
    diff = positions[None, :, :] - positions[:, None, :]
    d = jnp.sqrt(jnp.sum(diff * diff, axis=-1) + 1e-12)
    d = d + jnp.eye(positions.shape[0], dtype=d.dtype) * 1e6
    return d


def reference(positions, species_indices):
    n_rad = RAD_ORDER + 1
    n_ang = ANG_ORDER + 1
    d = _pair_dists(positions)

    # ---- radial features (edge list + scatter-add) ----
    mask_rad = (d <= RAD_CUTOFF) & (d > MIN_CUTOFF)
    ci, ni = jnp.nonzero(mask_rad, size=N * N, fill_value=0)
    valid_edge = mask_rad[ci, ni]
    d_rad = jnp.where(valid_edge, d[ci, ni], RAD_CUTOFF)
    x = 2.0 * (d_rad - MIN_CUTOFF) / (RAD_CUTOFF - MIN_CUTOFF) - 1.0
    fc = 0.5 * (jnp.cos(np.pi * d_rad / RAD_CUTOFF) + 1.0)
    Ts = [jnp.ones_like(x), x]
    for _ in range(2, n_rad):
        Ts.append(2.0 * x * Ts[-1] - Ts[-2])
    G_rad = jnp.stack(Ts[:n_rad], axis=1) * (fc * valid_edge)[:, None]
    rad_unw = jnp.zeros((N, n_rad), dtype=positions.dtype).at[ci].add(G_rad)
    w_edge = TYPESPIN[species_indices[ni]]
    rad_w = jnp.zeros((N, n_rad), dtype=positions.dtype).at[ci].add(G_rad * w_edge[:, None])

    # ---- angular features (padded neighbor list, j<k triplets) ----
    mask_ang = (d <= ANG_CUTOFF) & (d > MIN_CUTOFF)
    d_m = jnp.where(mask_ang, d, jnp.inf)
    order_idx = jnp.argsort(d_m, axis=1)[:, :M_ANG]
    valid = jnp.take_along_axis(mask_ang, order_idx, axis=1)
    r = positions[order_idx] - positions[:, None, :]
    dn = jnp.sqrt(jnp.sum(r * r, axis=-1) + 1e-12)
    dn_safe = jnp.where(valid, dn, 1.0)
    u = r / dn_safe[..., None]
    fcn = jnp.where(valid, 0.5 * (jnp.cos(np.pi * dn_safe / ANG_CUTOFF) + 1.0), 0.0)
    cosx = jnp.clip(jnp.einsum('nad,nbd->nab', u, u), -1.0, 1.0)
    tri = jnp.triu(jnp.ones((M_ANG, M_ANG), dtype=bool), k=1)
    pair_mask = (valid[:, :, None] & valid[:, None, :] & tri[None]).astype(positions.dtype)
    w_pair = fcn[:, :, None] * fcn[:, None, :] * pair_mask
    s_n = jnp.where(valid, TYPESPIN[species_indices[order_idx]], 0.0)
    sw_pair = w_pair * s_n[:, :, None] * s_n[:, None, :]

    sums_u = []
    sums_w = []
    tkm1 = jnp.ones_like(cosx)
    tk = cosx
    for n in range(n_ang):
        if n == 0:
            T = tkm1
        elif n == 1:
            T = tk
        else:
            tnew = 2.0 * cosx * tk - tkm1
            tkm1, tk = tk, tnew
            T = tnew
        sums_u.append(jnp.sum(T * w_pair, axis=(1, 2)))
        sums_w.append(jnp.sum(T * sw_pair, axis=(1, 2)))
    ang_unw = jnp.stack(sums_u, axis=1)
    ang_w = jnp.stack(sums_w, axis=1)

    return jnp.concatenate([rad_unw, rad_w, ang_unw, ang_w], axis=1)

if __name__ == "__main__":
    import jax
    _d = setup_inputs()
    print(jax.jit(kernel)(*tuple(_d.values())))

</pallas_src>

<mosaic_0001>
#map = affine_map<(d0, d1) -> (0, 0)>
#map1 = affine_map<(d0, d1) -> (0)>
module attributes {stable_mosaic.version = 14 : i64} {
  func.func @_sc_body(%arg0: i32, %arg1: i32, %arg2: memref<4096x4096xf32, #tpu.memory_space<hbm>>, %arg3: memref<4096xf32, #tpu.memory_space<hbm>>, %arg4: memref<4096xf32, #tpu.memory_space<hbm>>, %arg5: memref<4096xf32, #tpu.memory_space<hbm>>, %arg6: memref<4096xf32, #tpu.memory_space<hbm>>, %arg7: memref<4096x64xf32, #tpu.memory_space<hbm>>, %arg8: memref<4096x64xf32, #tpu.memory_space<hbm>>, %arg9: memref<4096x64xf32, #tpu.memory_space<hbm>>, %arg10: memref<4096x64xf32, #tpu.memory_space<hbm>>, %arg11: memref<4096x64xf32, #tpu.memory_space<hbm>>, %arg12: memref<4096xf32, #tpu.memory_space<vmem>>, %arg13: memref<4096xf32, #tpu.memory_space<vmem>>, %arg14: memref<4096xf32, #tpu.memory_space<vmem>>, %arg15: memref<4096xf32, #tpu.memory_space<vmem>>, %arg16: memref<4x4096xf32, #tpu.memory_space<vmem>>, %arg17: memref<4112xf32, #tpu.memory_space<vmem>>, %arg18: memref<4112xi32, #tpu.memory_space<vmem>>, %arg19: memref<128x64xf32, #tpu.memory_space<vmem>>, %arg20: memref<128x64xf32, #tpu.memory_space<vmem>>, %arg21: memref<128x64xf32, #tpu.memory_space<vmem>>, %arg22: memref<128x64xf32, #tpu.memory_space<vmem>>, %arg23: memref<128x64xf32, #tpu.memory_space<vmem>>) attributes {dimension_semantics = [#tpu.dimension_semantics<core_parallel>, #tpu.dimension_semantics<subcore_parallel>], iteration_bounds = array<i64: 2, 16>, scalar_prefetch = 0 : i64, scratch_operands = 12 : i64, tpu.core_type = #tpu.core_type<sc_vector_subcore>, window_params = [{transform_indices = #map}, {transform_indices = #map1}, {transform_indices = #map1}, {transform_indices = #map1}, {transform_indices = #map1}, {transform_indices = #map}, {transform_indices = #map}, {transform_indices = #map}, {transform_indices = #map}, {transform_indices = #map}]} {
    %mul3A = arith.constant 2 : i32
    %mul3A_0 = arith.muli %arg1, %mul3A : i32
    %add3A = arith.addi %mul3A_0, %arg0 : i32
    %mul3A_1 = arith.constant 128 : i32
    %mul3A_2 = arith.muli %add3A, %mul3A_1 : i32
    "tpu.region"() ({
      %run_scoped3A = tpu.sem_alloc : memref<!tpu.dma_semaphore, #tpu.memory_space<semaphore_mem>>
      tpu.enqueue_dma source(%arg3 : memref<4096xf32, #tpu.memory_space<hbm>>) target(%arg12 : memref<4096xf32, #tpu.memory_space<vmem>>) target_semaphore(%run_scoped3A : memref<!tpu.dma_semaphore, #tpu.memory_space<semaphore_mem>>)
      tpu.wait_dma2 semaphore(%run_scoped3A : memref<!tpu.dma_semaphore, #tpu.memory_space<semaphore_mem>>) src(%arg3 : memref<4096xf32, #tpu.memory_space<hbm>>) dst(%arg12 : memref<4096xf32, #tpu.memory_space<vmem>>)
      tpu.yield
    }) : () -> ()
    "tpu.region"() ({
      %run_scoped3A = tpu.sem_alloc : memref<!tpu.dma_semaphore, #tpu.memory_space<semaphore_mem>>
      tpu.enqueue_dma source(%arg4 : memref<4096xf32, #tpu.memory_space<hbm>>) target(%arg13 : memref<4096xf32, #tpu.memory_space<vmem>>) target_semaphore(%run_scoped3A : memref<!tpu.dma_semaphore, #tpu.memory_space<semaphore_mem>>)
      tpu.wait_dma2 semaphore(%run_scoped3A : memref<!tpu.dma_semaphore, #tpu.memory_space<semaphore_mem>>) src(%arg4 : memref<4096xf32, #tpu.memory_space<hbm>>) dst(%arg13 : memref<4096xf32, #tpu.memory_space<vmem>>)
      tpu.yield
    }) : () -> ()
    "tpu.region"() ({
      %run_scoped3A = tpu.sem_alloc : memref<!tpu.dma_semaphore, #tpu.memory_space<semaphore_mem>>
      tpu.enqueue_dma source(%arg5 : memref<4096xf32, #tpu.memory_space<hbm>>) target(%arg14 : memref<4096xf32, #tpu.memory_space<vmem>>) target_semaphore(%run_scoped3A : memref<!tpu.dma_semaphore, #tpu.memory_space<semaphore_mem>>)
      tpu.wait_dma2 semaphore(%run_scoped3A : memref<!tpu.dma_semaphore, #tpu.memory_space<semaphore_mem>>) src(%arg5 : memref<4096xf32, #tpu.memory_space<hbm>>) dst(%arg14 : memref<4096xf32, #tpu.memory_space<vmem>>)
      tpu.yield
    }) : () -> ()
    "tpu.region"() ({
      %run_scoped3A = tpu.sem_alloc : memref<!tpu.dma_semaphore, #tpu.memory_space<semaphore_mem>>
      tpu.enqueue_dma source(%arg6 : memref<4096xf32, #tpu.memory_space<hbm>>) target(%arg15 : memref<4096xf32, #tpu.memory_space<vmem>>) target_semaphore(%run_scoped3A : memref<!tpu.dma_semaphore, #tpu.memory_space<semaphore_mem>>)
      tpu.wait_dma2 semaphore(%run_scoped3A : memref<!tpu.dma_semaphore, #tpu.memory_space<semaphore_mem>>) src(%arg6 : memref<4096xf32, #tpu.memory_space<hbm>>) dst(%arg15 : memref<4096xf32, #tpu.memory_space<vmem>>)
      tpu.yield
    }) : () -> ()
    %iota3A = tpu.iota {dimensions = array<i32: 0>} : vector<16xi32>
    %broadcast_in_dim3A = arith.constant 1.000000e+30 : f32
    %broadcast_in_dim3A_3 = vector.broadcast %broadcast_in_dim3A : f32 to vector<16xf32>
    %broadcast_in_dim3A_4 = arith.constant 0 : i32
    %broadcast_in_dim3A_5 = vector.broadcast %broadcast_in_dim3A_4 : i32 to vector<16xi32>
    %scan3A = arith.constant 0 : i32
    %scan3A_6 = arith.constant 0 : i32
    %scan3A_7 = arith.constant 32 : i32
    %scan3A_8 = arith.addi %scan3A_6, %scan3A_7 : i32
    %scan3A_9 = arith.constant 1 : i32
    %scan3A_10 = scf.for %scan3A_12 = %scan3A_6 to %scan3A_8 step %scan3A_9 iter_args(%scan3A_13 = %scan3A) -> (i32)  : i32 {
      %mul3A_14 = arith.constant 4 : i32
      %mul3A_15 = arith.muli %scan3A_12, %mul3A_14 : i32
      %add3A_16 = arith.addi %mul3A_2, %mul3A_15 : i32
      "tpu.region"() ({
        %run_scoped3A = tpu.sem_alloc : memref<!tpu.dma_semaphore, #tpu.memory_space<semaphore_mem>>
        %dma_start3A = arith.constant 0 : i32
        %dma_start3A_511 = tpu.memref_slice %arg2[%add3A_16, %dma_start3A] : memref<4096x4096xf32, #tpu.memory_space<hbm>> -> memref<4x4096xf32, #tpu.memory_space<hbm>>
        %dma_start3A_512 = arith.constant 0 : i32
        %dma_start3A_513 = tpu.memref_slice %arg2[%add3A_16, %dma_start3A_512] : memref<4096x4096xf32, #tpu.memory_space<hbm>> -> memref<4x4096xf32, #tpu.memory_space<hbm>>
        tpu.enqueue_dma source(%dma_start3A_513 : memref<4x4096xf32, #tpu.memory_space<hbm>>) target(%arg16 : memref<4x4096xf32, #tpu.memory_space<vmem>>) target_semaphore(%run_scoped3A : memref<!tpu.dma_semaphore, #tpu.memory_space<semaphore_mem>>)
        %dma_wait3A = arith.constant 0 : i32
        %dma_wait3A_514 = tpu.memref_slice %arg2[%add3A_16, %dma_wait3A] : memref<4096x4096xf32, #tpu.memory_space<hbm>> -> memref<4x4096xf32, #tpu.memory_space<hbm>>
        %dma_wait3A_515 = arith.constant 0 : i32
        %dma_wait3A_516 = tpu.memref_slice %arg2[%add3A_16, %dma_wait3A_515] : memref<4096x4096xf32, #tpu.memory_space<hbm>> -> memref<4x4096xf32, #tpu.memory_space<hbm>>
        tpu.wait_dma2 semaphore(%run_scoped3A : memref<!tpu.dma_semaphore, #tpu.memory_space<semaphore_mem>>) src(%dma_wait3A_516 : memref<4x4096xf32, #tpu.memory_space<hbm>>) dst(%arg16 : memref<4x4096xf32, #tpu.memory_space<vmem>>)
        tpu.yield
      }) : () -> ()
      %mul3A_17 = arith.constant 4 : i32
      %mul3A_18 = arith.muli %scan3A_12, %mul3A_17 : i32
      %add3A_19 = arith.constant 0 : i32
      %add3A_20 = arith.addi %mul3A_18, %add3A_19 : i32
      %swap3A = arith.constant 0 : index
      %swap3A_21 = tpu.vector_load %arg17[%swap3A] {strides = array<i32>} : memref<4112xf32, #tpu.memory_space<vmem>>, vector<16xf32>,
      tpu.vector_store %arg17[%swap3A], %broadcast_in_dim3A_3 {strides = array<i32>} : memref<4112xf32, #tpu.memory_space<vmem>>, vector<16xf32>,
      %swap3A_22 = arith.constant 0 : index
      %swap3A_23 = tpu.vector_load %arg18[%swap3A_22] {strides = array<i32>} : memref<4112xi32, #tpu.memory_space<vmem>>, vector<16xi32>,
      tpu.vector_store %arg18[%swap3A_22], %broadcast_in_dim3A_5 {strides = array<i32>} : memref<4112xi32, #tpu.memory_space<vmem>>, vector<16xi32>,
      %swap3A_24 = arith.constant 16 : index
      %swap3A_25 = tpu.vector_load %arg17[%swap3A_24] {strides = array<i32>} : memref<4112xf32, #tpu.memory_space<vmem>>, vector<16xf32>,
      tpu.vector_store %arg17[%swap3A_24], %broadcast_in_dim3A_3 {strides = array<i32>} : memref<4112xf32, #tpu.memory_space<vmem>>, vector<16xf32>,
      %swap3A_26 = arith.constant 16 : index
      %swap3A_27 = tpu.vector_load %arg18[%swap3A_26] {strides = array<i32>} : memref<4112xi32, #tpu.memory_space<vmem>>, vector<16xi32>,
      tpu.vector_store %arg18[%swap3A_26], %broadcast_in_dim3A_5 {strides = array<i32>} : memref<4112xi32, #tpu.memory_space<vmem>>, vector<16xi32>,
      %swap3A_28 = arith.constant 32 : index
      %swap3A_29 = tpu.vector_load %arg17[%swap3A_28] {strides = array<i32>} : memref<4112xf32, #tpu.memory_space<vmem>>, vector<16xf32>,
      tpu.vector_store %arg17[%swap3A_28], %broadcast_in_dim3A_3 {strides = array<i32>} : memref<4112xf32, #tpu.memory_space<vmem>>, vector<16xf32>,
      %swap3A_30 = arith.constant 32 : index
      %swap3A_31 = tpu.vector_load %arg18[%swap3A_30] {strides = array<i32>} : memref<4112xi32, #tpu.memory_space<vmem>>, vector<16xi32>,
      tpu.vector_store %arg18[%swap3A_30], %broadcast_in_dim3A_5 {strides = array<i32>} : memref<4112xi32, #tpu.memory_space<vmem>>, vector<16xi32>,
      %swap3A_32 = arith.constant 48 : index
      %swap3A_33 = tpu.vector_load %arg17[%swap3A_32] {strides = array<i32>} : memref<4112xf32, #tpu.memory_space<vmem>>, vector<16xf32>,
      tpu.vector_store %arg17[%swap3A_32], %broadcast_in_dim3A_3 {strides = array<i32>} : memref<4112xf32, #tpu.memory_space<vmem>>, vector<16xf32>,
      %swap3A_34 = arith.constant 48 : index
      %swap3A_35 = tpu.vector_load %arg18[%swap3A_34] {strides = array<i32>} : memref<4112xi32, #tpu.memory_space<vmem>>, vector<16xi32>,
      tpu.vector_store %arg18[%swap3A_34], %broadcast_in_dim3A_5 {strides = array<i32>} : memref<4112xi32, #tpu.memory_space<vmem>>, vector<16xi32>,
      %swap3A_36 = arith.constant 64 : index
      %swap3A_37 = tpu.vector_load %arg17[%swap3A_36] {strides = array<i32>} : memref<4112xf32, #tpu.memory_space<vmem>>, vector<16xf32>,
      tpu.vector_store %arg17[%swap3A_36], %broadcast_in_dim3A_3 {strides = array<i32>} : memref<4112xf32, #tpu.memory_space<vmem>>, vector<16xf32>,
      %swap3A_38 = arith.constant 64 : index
      %swap3A_39 = tpu.vector_load %arg18[%swap3A_38] {strides = array<i32>} : memref<4112xi32, #tpu.memory_space<vmem>>, vector<16xi32>,
      tpu.vector_store %arg18[%swap3A_38], %broadcast_in_dim3A_5 {strides = array<i32>} : memref<4112xi32, #tpu.memory_space<vmem>>, vector<16xi32>,
      %broadcast_in_dim3A_40 = arith.constant 0 : i32
      %broadcast_in_dim3A_41 = vector.broadcast %broadcast_in_dim3A_40 : i32 to vector<16xi32>
      %scan3A_42 = arith.constant 0 : i32
      %scan3A_43 = arith.constant 256 : i32
      %scan3A_44 = arith.addi %scan3A_42, %scan3A_43 : i32
      %scan3A_45 = arith.constant 4 : i32
      %scan3A_46 = scf.for %scan3A_511 = %scan3A_42 to %scan3A_44 step %scan3A_45 iter_args(%scan3A_512 = %broadcast_in_dim3A_41) -> (vector<16xi32>)  : i32 {
        %mul3A_513 = arith.constant 16 : i32
        %mul3A_514 = arith.muli %scan3A_511, %mul3A_513 : i32
        %get3A_515 = arith.constant 0 : i32
        %get3A_516 = arith.index_cast %get3A_515 : i32 to index
        %get3A_517 = arith.index_cast %mul3A_514 : i32 to index
        %get3A_518 = tpu.vector_load %arg16[%get3A_516, %get3A_517] {strides = array<i32>} : memref<4x4096xf32, #tpu.memory_space<vmem>>, vector<16xf32>,
        %lt3A = arith.constant 1.000000e+20 : f32
        %lt3A_519 = vector.broadcast %lt3A : f32 to vector<16xf32>
        %lt3A_520 = arith.cmpf olt, %get3A_518, %lt3A_519 : vector<16xf32>
        %convert_element_type3A = arith.extui %lt3A_520 : vector<16xi1> to vector<16xi32>
        %broadcast_in_dim3A_521 = arith.constant true
        %broadcast_in_dim3A_522 = vector.broadcast %broadcast_in_dim3A_521 : i1 to vector<16xi1>
        %masked_cumsum3A = tpu.scan <sum>, %convert_element_type3A masked %broadcast_in_dim3A_522 : vector<16xi32>, vector<16xi1> -> vector<16xi32>
        %add3A_523 = arith.addi %scan3A_512, %masked_cumsum3A : vector<16xi32>
        %sub3A = arith.constant 1 : i32
        %sub3A_524 = vector.broadcast %sub3A : i32 to vector<16xi32>
        %sub3A_525 = arith.subi %add3A_523, %sub3A_524 : vector<16xi32>
        %mul3A_526 = arith.constant 16 : i32
        %mul3A_527 = arith.muli %scan3A_511, %mul3A_526 : i32
        %add3A_528 = vector.broadcast %mul3A_527 : i32 to vector<16xi32>
        %add3A_529 = arith.addi %add3A_528, %iota3A : vector<16xi32>
        tpu.vector_store_idx %arg17[%sub3A_525], %get3A_518 masked %lt3A_520 : memref<4112xf32, #tpu.memory_space<vmem>>[vector<16xi32>], vector<16xf32>, vector<16xi1>
        tpu.vector_store_idx %arg18[%sub3A_525], %add3A_529 masked %lt3A_520 : memref<4112xi32, #tpu.memory_space<vmem>>[vector<16xi32>], vector<16xi32>, vector<16xi1>
        %all_reduce_population_count3A = tpu.all_reduce %lt3A_520 {dim = 0 : i64, kind = #tpu.reduction_kind<sum>} : vector<16xi1> -> vector<16xi32>
        %add3A_530 = arith.addi %scan3A_512, %all_reduce_population_count3A : vector<16xi32>
        %scan3A_531 = arith.constant 1 : i32
        %scan3A_532 = arith.addi %scan3A_511, %scan3A_531 : i32
        %mul3A_533 = arith.constant 16 : i32
        %mul3A_534 = arith.muli %scan3A_532, %mul3A_533 : i32
        %get3A_535 = arith.constant 0 : i32
        %get3A_536 = arith.index_cast %get3A_535 : i32 to index
        %get3A_537 = arith.index_cast %mul3A_534 : i32 to index
        %get3A_538 = tpu.vector_load %arg16[%get3A_536, %get3A_537] {strides = array<i32>} : memref<4x4096xf32, #tpu.memory_space<vmem>>, vector<16xf32>,
        %lt3A_539 = arith.constant 1.000000e+20 : f32
        %lt3A_540 = vector.broadcast %lt3A_539 : f32 to vector<16xf32>
        %lt3A_541 = arith.cmpf olt, %get3A_538, %lt3A_540 : vector<16xf32>
        %convert_element_type3A_542 = arith.extui %lt3A_541 : vector<16xi1> to vector<16xi32>
        %broadcast_in_dim3A_543 = arith.constant true
        %broadcast_in_dim3A_544 = vector.broadcast %broadcast_in_dim3A_543 : i1 to vector<16xi1>
        %masked_cumsum3A_545 = tpu.scan <sum>, %convert_element_type3A_542 masked %broadcast_in_dim3A_544 : vector<16xi32>, vector<16xi1> -> vector<16xi32>
        %add3A_546 = arith.addi %add3A_530, %masked_cumsum3A_545 : vector<16xi32>
        %sub3A_547 = arith.constant 1 : i32
        %sub3A_548 = vector.broadcast %sub3A_547 : i32 to vector<16xi32>
        %sub3A_549 = arith.subi %add3A_546, %sub3A_548 : vector<16xi32>
        %mul3A_550 = arith.constant 16 : i32
        %mul3A_551 = arith.muli %scan3A_532, %mul3A_550 : i32
        %add3A_552 = vector.broadcast %mul3A_551 : i32 to vector<16xi32>
        %add3A_553 = arith.addi %add3A_552, %iota3A : vector<16xi32>
        tpu.vector_store_idx %arg17[%sub3A_549], %get3A_538 masked %lt3A_541 : memref<4112xf32, #tpu.memory_space<vmem>>[vector<16xi32>], vector<16xf32>, vector<16xi1>
        tpu.vector_store_idx %arg18[%sub3A_549], %add3A_553 masked %lt3A_541 : memref<4112xi32, #tpu.memory_space<vmem>>[vector<16xi32>], vector<16xi32>, vector<16xi1>
        %all_reduce_population_count3A_554 = tpu.all_reduce %lt3A_541 {dim = 0 : i64, kind = #tpu.reduction_kind<sum>} : vector<16xi1> -> vector<16xi32>
        %add3A_555 = arith.addi %add3A_530, %all_reduce_population_count3A_554 : vector<16xi32>
        %scan3A_556 = arith.constant 2 : i32
        %scan3A_557 = arith.addi %scan3A_511, %scan3A_556 : i32
        %mul3A_558 = arith.constant 16 : i32
        %mul3A_559 = arith.muli %scan3A_557, %mul3A_558 : i32
        %get3A_560 = arith.constant 0 : i32
        %get3A_561 = arith.index_cast %get3A_560 : i32 to index
        %get3A_562 = arith.index_cast %mul3A_559 : i32 to index
        %get3A_563 = tpu.vector_load %arg16[%get3A_561, %get3A_562] {strides = array<i32>} : memref<4x4096xf32, #tpu.memory_space<vmem>>, vector<16xf32>,
        %lt3A_564 = arith.constant 1.000000e+20 : f32
        %lt3A_565 = vector.broadcast %lt3A_564 : f32 to vector<16xf32>
        %lt3A_566 = arith.cmpf olt, %get3A_563, %lt3A_565 : vector<16xf32>
        %convert_element_type3A_567 = arith.extui %lt3A_566 : vector<16xi1> to vector<16xi32>
        %broadcast_in_dim3A_568 = arith.constant true
        %broadcast_in_dim3A_569 = vector.broadcast %broadcast_in_dim3A_568 : i1 to vector<16xi1>
        %masked_cumsum3A_570 = tpu.scan <sum>, %convert_element_type3A_567 masked %broadcast_in_dim3A_569 : vector<16xi32>, vector<16xi1> -> vector<16xi32>
        %add3A_571 = arith.addi %add3A_555, %masked_cumsum3A_570 : vector<16xi32>
        %sub3A_572 = arith.constant 1 : i32
        %sub3A_573 = vector.broadcast %sub3A_572 : i32 to vector<16xi32>
        %sub3A_574 = arith.subi %add3A_571, %sub3A_573 : vector<16xi32>
        %mul3A_575 = arith.constant 16 : i32
        %mul3A_576 = arith.muli %scan3A_557, %mul3A_575 : i32
        %add3A_577 = vector.broadcast %mul3A_576 : i32 to vector<16xi32>
        %add3A_578 = arith.addi %add3A_577, %iota3A : vector<16xi32>
        tpu.vector_store_idx %arg17[%sub3A_574], %get3A_563 masked %lt3A_566 : memref<4112xf32, #tpu.memory_space<vmem>>[vector<16xi32>], vector<16xf32>, vector<16xi1>
        tpu.vector_store_idx %arg18[%sub3A_574], %add3A_578 masked %lt3A_566 : memref<4112xi32, #tpu.memory_space<vmem>>[vector<16xi32>], vector<16xi32>, vector<16xi1>
        %all_reduce_population_count3A_579 = tpu.all_reduce %lt3A_566 {dim = 0 : i64, kind = #tpu.reduction_kind<sum>} : vector<16xi1> -> vector<16xi32>
        %add3A_580 = arith.addi %add3A_555, %all_reduce_population_count3A_579 : vector<16xi32>
        %scan3A_581 = arith.constant 3 : i32
        %scan3A_582 = arith.addi %scan3A_511, %scan3A_581 : i32
        %mul3A_583 = arith.constant 16 : i32
        %mul3A_584 = arith.muli %scan3A_582, %mul3A_583 : i32
        %get3A_585 = arith.constant 0 : i32
        %get3A_586 = arith.index_cast %get3A_585 : i32 to index
        %get3A_587 = arith.index_cast %mul3A_584 : i32 to index
        %get3A_588 = tpu.vector_load %arg16[%get3A_586, %get3A_587] {strides = array<i32>} : memref<4x4096xf32, #tpu.memory_space<vmem>>, vector<16xf32>,
        %lt3A_589 = arith.constant 1.000000e+20 : f32
        %lt3A_590 = vector.broadcast %lt3A_589 : f32 to vector<16xf32>
        %lt3A_591 = arith.cmpf olt, %get3A_588, %lt3A_590 : vector<16xf32>
        %convert_element_type3A_592 = arith.extui %lt3A_591 : vector<16xi1> to vector<16xi32>
        %broadcast_in_dim3A_593 = arith.constant true
        %broadcast_in_dim3A_594 = vector.broadcast %broadcast_in_dim3A_593 : i1 to vector<16xi1>
        %masked_cumsum3A_595 = tpu.scan <sum>, %convert_element_type3A_592 masked %broadcast_in_dim3A_594 : vector<16xi32>, vector<16xi1> -> vector<16xi32>
        %add3A_596 = arith.addi %add3A_580, %masked_cumsum3A_595 : vector<16xi32>
        %sub3A_597 = arith.constant 1 : i32
        %sub3A_598 = vector.broadcast %sub3A_597 : i32 to vector<16xi32>
        %sub3A_599 = arith.subi %add3A_596, %sub3A_598 : vector<16xi32>
        %mul3A_600 = arith.constant 16 : i32
        %mul3A_601 = arith.muli %scan3A_582, %mul3A_600 : i32
        %add3A_602 = vector.broadcast %mul3A_601 : i32 to vector<16xi32>
        %add3A_603 = arith.addi %add3A_602, %iota3A : vector<16xi32>
        tpu.vector_store_idx %arg17[%sub3A_599], %get3A_588 masked %lt3A_591 : memref<4112xf32, #tpu.memory_space<vmem>>[vector<16xi32>], vector<16xf32>, vector<16xi1>
        tpu.vector_store_idx %arg18[%sub3A_599], %add3A_603 masked %lt3A_591 : memref<4112xi32, #tpu.memory_space<vmem>>[vector<16xi32>], vector<16xi32>, vector<16xi1>
        %all_reduce_population_count3A_604 = tpu.all_reduce %lt3A_591 {dim = 0 : i64, kind = #tpu.reduction_kind<sum>} : vector<16xi1> -> vector<16xi32>
        %add3A_605 = arith.addi %add3A_580, %all_reduce_population_count3A_604 : vector<16xi32>
        scf.yield %add3A_605 : vector<16xi32>
      }
      %scan3A_47 = arith.constant 256 : i32
      %get3A = arith.constant 0 : index
      %get3A_48 = tpu.vector_load %arg18[%get3A] {strides = array<i32>} : memref<4112xi32, #tpu.memory_space<vmem>>, vector<16xi32>,
      %get3A_49 = arith.constant 0 : index
      %get3A_50 = tpu.vector_load %arg17[%get3A_49] {strides = array<i32>} : memref<4112xf32, #tpu.memory_space<vmem>>, vector<16xf32>,
      %swap3A_51 = arith.index_cast %add3A_20 : i32 to index
      %swap3A_52 = arith.constant 0 : index
      %swap3A_53 = tpu.vector_load %arg19[%swap3A_51, %swap3A_52] {strides = array<i32>} : memref<128x64xf32, #tpu.memory_space<vmem>>, vector<16xf32>,
      tpu.vector_store %arg19[%swap3A_51, %swap3A_52], %get3A_50 {strides = array<i32>} : memref<128x64xf32, #tpu.memory_space<vmem>>, vector<16xf32>,
      %gather3A = tpu.vector_load_idx %arg12[%get3A_48] : memref<4096xf32, #tpu.memory_space<vmem>>[vector<16xi32>], vector<16xf32>,
      %swap3A_54 = arith.index_cast %add3A_20 : i32 to index
      %swap3A_55 = arith.constant 0 : index
      %swap3A_56 = tpu.vector_load %arg20[%swap3A_54, %swap3A_55] {strides = array<i32>} : memref<128x64xf32, #tpu.memory_space<vmem>>, vector<16xf32>,
      tpu.vector_store %arg20[%swap3A_54, %swap3A_55], %gather3A {strides = array<i32>} : memref<128x64xf32, #tpu.memory_space<vmem>>, vector<16xf32>,
      %gather3A_57 = tpu.vector_load_idx %arg13[%get3A_48] : memref<4096xf32, #tpu.memory_space<vmem>>[vector<16xi32>], vector<16xf32>,
      %swap3A_58 = arith.index_cast %add3A_20 : i32 to index
      %swap3A_59 = arith.constant 0 : index
      %swap3A_60 = tpu.vector_load %arg21[%swap3A_58, %swap3A_59] {strides = array<i32>} : memref<128x64xf32, #tpu.memory_space<vmem>>, vector<16xf32>,
      tpu.vector_store %arg21[%swap3A_58, %swap3A_59], %gather3A_57 {strides = array<i32>} : memref<128x64xf32, #tpu.memory_space<vmem>>, vector<16xf32>,
      %gather3A_61 = tpu.vector_load_idx %arg14[%get3A_48] : memref<4096xf32, #tpu.memory_space<vmem>>[vector<16xi32>], vector<16xf32>,
      %swap3A_62 = arith.index_cast %add3A_20 : i32 to index
      %swap3A_63 = arith.constant 0 : index
      %swap3A_64 = tpu.vector_load %arg22[%swap3A_62, %swap3A_63] {strides = array<i32>} : memref<128x64xf32, #tpu.memory_space<vmem>>, vector<16xf32>,
      tpu.vector_store %arg22[%swap3A_62, %swap3A_63], %gather3A_61 {strides = array<i32>} : memref<128x64xf32, #tpu.memory_space<vmem>>, vector<16xf32>,
      %gather3A_65 = tpu.vector_load_idx %arg15[%get3A_48] : memref<4096xf32, #tpu.memory_space<vmem>>[vector<16xi32>], vector<16xf32>,
      %swap3A_66 = arith.index_cast %add3A_20 : i32 to index
      %swap3A_67 = arith.constant 0 : index
      %swap3A_68 = tpu.vector_load %arg23[%swap3A_66, %swap3A_67] {strides = array<i32>} : memref<128x64xf32, #tpu.memory_space<vmem>>, vector<16xf32>,
      tpu.vector_store %arg23[%swap3A_66, %swap3A_67], %gather3A_65 {strides = array<i32>} : memref<128x64xf32, #tpu.memory_space<vmem>>, vector<16xf32>,
      %get3A_69 = arith.constant 16 : index
      %get3A_70 = tpu.vector_load %arg18[%get3A_69] {strides = array<i32>} : memref<4112xi32, #tpu.memory_space<vmem>>, vector<16xi32>,
      %get3A_71 = arith.constant 16 : index
      %get3A_72 = tpu.vector_load %arg17[%get3A_71] {strides = array<i32>} : memref<4112xf32, #tpu.memory_space<vmem>>, vector<16xf32>,
      %swap3A_73 = arith.index_cast %add3A_20 : i32 to index
      %swap3A_74 = arith.constant 16 : index
      %swap3A_75 = tpu.vector_load %arg19[%swap3A_73, %swap3A_74] {strides = array<i32>} : memref<128x64xf32, #tpu.memory_space<vmem>>, vector<16xf32>,
      tpu.vector_store %arg19[%swap3A_73, %swap3A_74], %get3A_72 {strides = array<i32>} : memref<128x64xf32, #tpu.memory_space<vmem>>, vector<16xf32>,
      %gather3A_76 = tpu.vector_load_idx %arg12[%get3A_70] : memref<4096xf32, #tpu.memory_space<vmem>>[vector<16xi32>], vector<16xf32>,
      %swap3A_77 = arith.index_cast %add3A_20 : i32 to index
      %swap3A_78 = arith.constant 16 : index
      %swap3A_79 = tpu.vector_load %arg20[%swap3A_77, %swap3A_78] {strides = array<i32>} : memref<128x64xf32, #tpu.memory_space<vmem>>, vector<16xf32>,
      tpu.vector_store %arg20[%swap3A_77, %swap3A_78], %gather3A_76 {strides = array<i32>} : memref<128x64xf32, #tpu.memory_space<vmem>>, vector<16xf32>,
      %gather3A_80 = tpu.vector_load_idx %arg13[%get3A_70] : memref<4096xf32, #tpu.memory_space<vmem>>[vector<16xi32>], vector<16xf32>,
      %swap3A_81 = arith.index_cast %add3A_20 : i32 to index
      %swap3A_82 = arith.constant 16 : index
      %swap3A_83 = tpu.vector_load %arg21[%swap3A_81, %swap3A_82] {strides = array<i32>} : memref<128x64xf32, #tpu.memory_space<vmem>>, vector<16xf32>,
      tpu.vector_store %arg21[%swap3A_81, %swap3A_82], %gather3A_80 {strides = array<i32>} : memref<128x64xf32, #tpu.memory_space<vmem>>, vector<16xf32>,
      %gather3A_84 = tpu.vector_load_idx %arg14[%get3A_70] : memref<4096xf32, #tpu.memory_space<vmem>>[vector<16xi32>], vector<16xf32>,
      %swap3A_85 = arith.index_cast %add3A_20 : i32 to index
      %swap3A_86 = arith.constant 16 : index
      %swap3A_87 = tpu.vector_load %arg22[%swap3A_85, %swap3A_86] {strides = array<i32>} : memref<128x64xf32, #tpu.memory_space<vmem>>, vector<16xf32>,
      tpu.vector_store %arg22[%swap3A_85, %swap3A_86], %gather3A_84 {strides = array<i32>} : memref<128x64xf32, #tpu.memory_space<vmem>>, vector<16xf32>,
      %gather3A_88 = tpu.vector_load_idx %arg15[%get3A_70] : memref<4096xf32, #tpu.memory_space<vmem>>[vector<16xi32>], vector<16xf32>,
      %swap3A_89 = arith.index_cast %add3A_20 : i32 to index
      %swap3A_90 = arith.constant 16 : index
      %swap3A_91 = tpu.vector_load %arg23[%swap3A_89, %swap3A_90] {strides = array<i32>} : memref<128x64xf32, #tpu.memory_space<vmem>>, vector<16xf32>,
      tpu.vector_store %arg23[%swap3A_89, %swap3A_90], %gather3A_88 {strides = array<i32>} : memref<128x64xf32, #tpu.memory_space<vmem>>, vector<16xf32>,
      %get3A_92 = arith.constant 32 : index
      %get3A_93 = tpu.vector_load %arg18[%get3A_92] {strides = array<i32>} : memref<4112xi32, #tpu.memory_space<vmem>>, vector<16xi32>,
      %get3A_94 = arith.constant 32 : index
      %get3A_95 = tpu.vector_load %arg17[%get3A_94] {strides = array<i32>} : memref<4112xf32, #tpu.memory_space<vmem>>, vector<16xf32>,
      %swap3A_96 = arith.index_cast %add3A_20 : i32 to index
      %swap3A_97 = arith.constant 32 : index
      %swap3A_98 = tpu.vector_load %arg19[%swap3A_96, %swap3A_97] {strides = array<i32>} : memref<128x64xf32, #tpu.memory_space<vmem>>, vector<16xf32>,
      tpu.vector_store %arg19[%swap3A_96, %swap3A_97], %get3A_95 {strides = array<i32>} : memref<128x64xf32, #tpu.memory_space<vmem>>, vector<16xf32>,
      %gather3A_99 = tpu.vector_load_idx %arg12[%get3A_93] : memref<4096xf32, #tpu.memory_space<vmem>>[vector<16xi32>], vector<16xf32>,
      %swap3A_100 = arith.index_cast %add3A_20 : i32 to index
      %swap3A_101 = arith.constant 32 : index
      %swap3A_102 = tpu.vector_load %arg20[%swap3A_100, %swap3A_101] {strides = array<i32>} : memref<128x64xf32, #tpu.memory_space<vmem>>, vector<16xf32>,
      tpu.vector_store %arg20[%swap3A_100, %swap3A_101], %gather3A_99 {strides = array<i32>} : memref<128x64xf32, #tpu.memory_space<vmem>>, vector<16xf32>,
      %gather3A_103 = tpu.vector_load_idx %arg13[%get3A_93] : memref<4096xf32, #tpu.memory_space<vmem>>[vector<16xi32>], vector<16xf32>,
      %swap3A_104 = arith.index_cast %add3A_20 : i32 to index
      %swap3A_105 = arith.constant 32 : index
      %swap3A_106 = tpu.vector_load %arg21[%swap3A_104, %swap3A_105] {strides = array<i32>} : memref<128x64xf32, #tpu.memory_space<vmem>>, vector<16xf32>,
      tpu.vector_store %arg21[%swap3A_104, %swap3A_105], %gather3A_103 {strides = array<i32>} : memref<128x64xf32, #tpu.memory_space<vmem>>, vector<16xf32>,
      %gather3A_107 = tpu.vector_load_idx %arg14[%get3A_93] : memref<4096xf32, #tpu.memory_space<vmem>>[vector<16xi32>], vector<16xf32>,
      %swap3A_108 = arith.index_cast %add3A_20 : i32 to index
      %swap3A_109 = arith.constant 32 : index
      %swap3A_110 = tpu.vector_load %arg22[%swap3A_108, %swap3A_109] {strides = array<i32>} : memref<128x64xf32, #tpu.memory_space<vmem>>, vector<16xf32>,
      tpu.vector_store %arg22[%swap3A_108, %swap3A_109], %gather3A_107 {strides = array<i32>} : memref<128x64xf32, #tpu.memory_space<vmem>>, vector<16xf32>,
      %gather3A_111 = tpu.vector_load_idx %arg15[%get3A_93] : memref<4096xf32, #tpu.memory_space<vmem>>[vector<16xi32>], vector<16xf32>,
      %swap3A_112 = arith.index_cast %add3A_20 : i32 to index
      %swap3A_113 = arith.constant 32 : index
      %swap3A_114 = tpu.vector_load %arg23[%swap3A_112, %swap3A_113] {strides = array<i32>} : memref<128x64xf32, #tpu.memory_space<vmem>>, vector<16xf32>,
      tpu.vector_store %arg23[%swap3A_112, %swap3A_113], %gather3A_111 {strides = array<i32>} : memref<128x64xf32, #tpu.memory_space<vmem>>, vector<16xf32>,
      %get3A_115 = arith.constant 48 : index
      %get3A_116 = tpu.vector_load %arg18[%get3A_115] {strides = array<i32>} : memref<4112xi32, #tpu.memory_space<vmem>>, vector<16xi32>,
      %get3A_117 = arith.constant 48 : index
      %get3A_118 = tpu.vector_load %arg17[%get3A_117] {strides = array<i32>} : memref<4112xf32, #tpu.memory_space<vmem>>, vector<16xf32>,
      %swap3A_119 = arith.index_cast %add3A_20 : i32 to index
      %swap3A_120 = arith.constant 48 : index
      %swap3A_121 = tpu.vector_load %arg19[%swap3A_119, %swap3A_120] {strides = array<i32>} : memref<128x64xf32, #tpu.memory_space<vmem>>, vector<16xf32>,
      tpu.vector_store %arg19[%swap3A_119, %swap3A_120], %get3A_118 {strides = array<i32>} : memref<128x64xf32, #tpu.memory_space<vmem>>, vector<16xf32>,
      %gather3A_122 = tpu.vector_load_idx %arg12[%get3A_116] : memref<4096xf32, #tpu.memory_space<vmem>>[vector<16xi32>], vector<16xf32>,
      %swap3A_123 = arith.index_cast %add3A_20 : i32 to index
      %swap3A_124 = arith.constant 48 : index
      %swap3A_125 = tpu.vector_load %arg20[%swap3A_123, %swap3A_124] {strides = array<i32>} : memref<128x64xf32, #tpu.memory_space<vmem>>, vector<16xf32>,
      tpu.vector_store %arg20[%swap3A_123, %swap3A_124], %gather3A_122 {strides = array<i32>} : memref<128x64xf32, #tpu.memory_space<vmem>>, vector<16xf32>,
      %gather3A_126 = tpu.vector_load_idx %arg13[%get3A_116] : memref<4096xf32, #tpu.memory_space<vmem>>[vector<16xi32>], vector<16xf32>,
      %swap3A_127 = arith.index_cast %add3A_20 : i32 to index
      %swap3A_128 = arith.constant 48 : index
      %swap3A_129 = tpu.vector_load %arg21[%swap3A_127, %swap3A_128] {strides = array<i32>} : memref<128x64xf32, #tpu.memory_space<vmem>>, vector<16xf32>,
      tpu.vector_store %arg21[%swap3A_127, %swap3A_128], %gather3A_126 {strides = array<i32>} : memref<128x64xf32, #tpu.memory_space<vmem>>, vector<16xf32>,
      %gather3A_130 = tpu.vector_load_idx %arg14[%get3A_116] : memref<4096xf32, #tpu.memory_space<vmem>>[vector<16xi32>], vector<16xf32>,
      %swap3A_131 = arith.index_cast %add3A_20 : i32 to index
      %swap3A_132 = arith.constant 48 : index
      %swap3A_133 = tpu.vector_load %arg22[%swap3A_131, %swap3A_132] {strides = array<i32>} : memref<128x64xf32, #tpu.memory_space<vmem>>, vector<16xf32>,
      tpu.vector_store %arg22[%swap3A_131, %swap3A_132], %gather3A_130 {strides = array<i32>} : memref<128x64xf32, #tpu.memory_space<vmem>>, vector<16xf32>,
      %gather3A_134 = tpu.vector_load_idx %arg15[%get3A_116] : memref<4096xf32, #tpu.memory_space<vmem>>[vector<16xi32>], vector<16xf32>,
      %swap3A_135 = arith.index_cast %add3A_20 : i32 to index
      %swap3A_136 = arith.constant 48 : index
      %swap3A_137 = tpu.vector_load %arg23[%swap3A_135, %swap3A_136] {strides = array<i32>} : memref<128x64xf32, #tpu.memory_space<vmem>>, vector<16xf32>,
      tpu.vector_store %arg23[%swap3A_135, %swap3A_136], %gather3A_134 {strides = array<i32>} : memref<128x64xf32, #tpu.memory_space<vmem>>, vector<16xf32>,
      %mul3A_138 = arith.constant 4 : i32
      %mul3A_139 = arith.muli %scan3A_12, %mul3A_138 : i32
      %add3A_140 = arith.constant 1 : i32
      %add3A_141 = arith.addi %mul3A_139, %add3A_140 : i32
      %swap3A_142 = arith.constant 0 : index
      %swap3A_143 = tpu.vector_load %arg17[%swap3A_142] {strides = array<i32>} : memref<4112xf32, #tpu.memory_space<vmem>>, vector<16xf32>,
      tpu.vector_store %arg17[%swap3A_142], %broadcast_in_dim3A_3 {strides = array<i32>} : memref<4112xf32, #tpu.memory_space<vmem>>, vector<16xf32>,
      %swap3A_144 = arith.constant 0 : index
      %swap3A_145 = tpu.vector_load %arg18[%swap3A_144] {strides = array<i32>} : memref<4112xi32, #tpu.memory_space<vmem>>, vector<16xi32>,
      tpu.vector_store %arg18[%swap3A_144], %broadcast_in_dim3A_5 {strides = array<i32>} : memref<4112xi32, #tpu.memory_space<vmem>>, vector<16xi32>,
      %swap3A_146 = arith.constant 16 : index
      %swap3A_147 = tpu.vector_load %arg17[%swap3A_146] {strides = array<i32>} : memref<4112xf32, #tpu.memory_space<vmem>>, vector<16xf32>,
      tpu.vector_store %arg17[%swap3A_146], %broadcast_in_dim3A_3 {strides = array<i32>} : memref<4112xf32, #tpu.memory_space<vmem>>, vector<16xf32>,
      %swap3A_148 = arith.constant 16 : index
      %swap3A_149 = tpu.vector_load %arg18[%swap3A_148] {strides = array<i32>} : memref<4112xi32, #tpu.memory_space<vmem>>, vector<16xi32>,
      tpu.vector_store %arg18[%swap3A_148], %broadcast_in_dim3A_5 {strides = array<i32>} : memref<4112xi32, #tpu.memory_space<vmem>>, vector<16xi32>,
      %swap3A_150 = arith.constant 32 : index
      %swap3A_151 = tpu.vector_load %arg17[%swap3A_150] {strides = array<i32>} : memref<4112xf32, #tpu.memory_space<vmem>>, vector<16xf32>,
      tpu.vector_store %arg17[%swap3A_150], %broadcast_in_dim3A_3 {strides = array<i32>} : memref<4112xf32, #tpu.memory_space<vmem>>, vector<16xf32>,
      %swap3A_152 = arith.constant 32 : index
      %swap3A_153 = tpu.vector_load %arg18[%swap3A_152] {strides = array<i32>} : memref<4112xi32, #tpu.memory_space<vmem>>, vector<16xi32>,
      tpu.vector_store %arg18[%swap3A_152], %broadcast_in_dim3A_5 {strides = array<i32>} : memref<4112xi32, #tpu.memory_space<vmem>>, vector<16xi32>,
      %swap3A_154 = arith.constant 48 : index
      %swap3A_155 = tpu.vector_load %arg17[%swap3A_154] {strides = array<i32>} : memref<4112xf32, #tpu.memory_space<vmem>>, vector<16xf32>,
      tpu.vector_store %arg17[%swap3A_154], %broadcast_in_dim3A_3 {strides = array<i32>} : memref<4112xf32, #tpu.memory_space<vmem>>, vector<16xf32>,
      %swap3A_156 = arith.constant 48 : index
      %swap3A_157 = tpu.vector_load %arg18[%swap3A_156] {strides = array<i32>} : memref<4112xi32, #tpu.memory_space<vmem>>, vector<16xi32>,
      tpu.vector_store %arg18[%swap3A_156], %broadcast_in_dim3A_5 {strides = array<i32>} : memref<4112xi32, #tpu.memory_space<vmem>>, vector<16xi32>,
      %swap3A_158 = arith.constant 64 : index
      %swap3A_159 = tpu.vector_load %arg17[%swap3A_158] {strides = array<i32>} : memref<4112xf32, #tpu.memory_space<vmem>>, vector<16xf32>,
      tpu.vector_store %arg17[%swap3A_158], %broadcast_in_dim3A_3 {strides = array<i32>} : memref<4112xf32, #tpu.memory_space<vmem>>, vector<16xf32>,
      %swap3A_160 = arith.constant 64 : index
      %swap3A_161 = tpu.vector_load %arg18[%swap3A_160] {strides = array<i32>} : memref<4112xi32, #tpu.memory_space<vmem>>, vector<16xi32>,
      tpu.vector_store %arg18[%swap3A_160], %broadcast_in_dim3A_5 {strides = array<i32>} : memref<4112xi32, #tpu.memory_space<vmem>>, vector<16xi32>,
      %broadcast_in_dim3A_162 = arith.constant 0 : i32
      %broadcast_in_dim3A_163 = vector.broadcast %broadcast_in_dim3A_162 : i32 to vector<16xi32>
      %scan3A_164 = arith.constant 0 : i32
      %scan3A_165 = arith.constant 256 : i32
      %scan3A_166 = arith.addi %scan3A_164, %scan3A_165 : i32
      %scan3A_167 = arith.constant 4 : i32
      %scan3A_168 = scf.for %scan3A_511 = %scan3A_164 to %scan3A_166 step %scan3A_167 iter_args(%scan3A_512 = %broadcast_in_dim3A_163) -> (vector<16xi32>)  : i32 {
        %mul3A_513 = arith.constant 16 : i32
        %mul3A_514 = arith.muli %scan3A_511, %mul3A_513 : i32
        %get3A_515 = arith.constant 1 : i32
        %get3A_516 = arith.index_cast %get3A_515 : i32 to index
        %get3A_517 = arith.index_cast %mul3A_514 : i32 to index
        %get3A_518 = tpu.vector_load %arg16[%get3A_516, %get3A_517] {strides = array<i32>} : memref<4x4096xf32, #tpu.memory_space<vmem>>, vector<16xf32>,
        %lt3A = arith.constant 1.000000e+20 : f32
        %lt3A_519 = vector.broadcast %lt3A : f32 to vector<16xf32>
        %lt3A_520 = arith.cmpf olt, %get3A_518, %lt3A_519 : vector<16xf32>
        %convert_element_type3A = arith.extui %lt3A_520 : vector<16xi1> to vector<16xi32>
        %broadcast_in_dim3A_521 = arith.constant true
        %broadcast_in_dim3A_522 = vector.broadcast %broadcast_in_dim3A_521 : i1 to vector<16xi1>
        %masked_cumsum3A = tpu.scan <sum>, %convert_element_type3A masked %broadcast_in_dim3A_522 : vector<16xi32>, vector<16xi1> -> vector<16xi32>
        %add3A_523 = arith.addi %scan3A_512, %masked_cumsum3A : vector<16xi32>
        %sub3A = arith.constant 1 : i32
        %sub3A_524 = vector.broadcast %sub3A : i32 to vector<16xi32>
        %sub3A_525 = arith.subi %add3A_523, %sub3A_524 : vector<16xi32>
        %mul3A_526 = arith.constant 16 : i32
        %mul3A_527 = arith.muli %scan3A_511, %mul3A_526 : i32
        %add3A_528 = vector.broadcast %mul3A_527 : i32 to vector<16xi32>
        %add3A_529 = arith.addi %add3A_528, %iota3A : vector<16xi32>
        tpu.vector_store_idx %arg17[%sub3A_525], %get3A_518 masked %lt3A_520 : memref<4112xf32, #tpu.memory_space<vmem>>[vector<16xi32>], vector<16xf32>, vector<16xi1>
        tpu.vector_store_idx %arg18[%sub3A_525], %add3A_529 masked %lt3A_520 : memref<4112xi32, #tpu.memory_space<vmem>>[vector<16xi32>], vector<16xi32>, vector<16xi1>
        %all_reduce_population_count3A = tpu.all_reduce %lt3A_520 {dim = 0 : i64, kind = #tpu.reduction_kind<sum>} : vector<16xi1> -> vector<16xi32>
        %add3A_530 = arith.addi %scan3A_512, %all_reduce_population_count3A : vector<16xi32>
        %scan3A_531 = arith.constant 1 : i32
        %scan3A_532 = arith.addi %scan3A_511, %scan3A_531 : i32
        %mul3A_533 = arith.constant 16 : i32
        %mul3A_534 = arith.muli %scan3A_532, %mul3A_533 : i32
        %get3A_535 = arith.constant 1 : i32
        %get3A_536 = arith.index_cast %get3A_535 : i32 to index
        %get3A_537 = arith.index_cast %mul3A_534 : i32 to index
        %get3A_538 = tpu.vector_load %arg16[%get3A_536, %get3A_537] {strides = array<i32>} : memref<4x4096xf32, #tpu.memory_space<vmem>>, vector<16xf32>,
        %lt3A_539 = arith.constant 1.000000e+20 : f32
        %lt3A_540 = vector.broadcast %lt3A_539 : f32 to vector<16xf32>
        %lt3A_541 = arith.cmpf olt, %get3A_538, %lt3A_540 : vector<16xf32>
        %convert_element_type3A_542 = arith.extui %lt3A_541 : vector<16xi1> to vector<16xi32>
        %broadcast_in_dim3A_543 = arith.constant true
        %broadcast_in_dim3A_544 = vector.broadcast %broadcast_in_dim3A_543 : i1 to vector<16xi1>
        %masked_cumsum3A_545 = tpu.scan <sum>, %convert_element_type3A_542 masked %broadcast_in_dim3A_544 : vector<16xi32>, vector<16xi1> -> vector<16xi32>
        %add3A_546 = arith.addi %add3A_530, %masked_cumsum3A_545 : vector<16xi32>
        %sub3A_547 = arith.constant 1 : i32
        %sub3A_548 = vector.broadcast %sub3A_547 : i32 to vector<16xi32>
        %sub3A_549 = arith.subi %add3A_546, %sub3A_548 : vector<16xi32>
        %mul3A_550 = arith.constant 16 : i32
        %mul3A_551 = arith.muli %scan3A_532, %mul3A_550 : i32
        %add3A_552 = vector.broadcast %mul3A_551 : i32 to vector<16xi32>
        %add3A_553 = arith.addi %add3A_552, %iota3A : vector<16xi32>
        tpu.vector_store_idx %arg17[%sub3A_549], %get3A_538 masked %lt3A_541 : memref<4112xf32, #tpu.memory_space<vmem>>[vector<16xi32>], vector<16xf32>, vector<16xi1>
        tpu.vector_store_idx %arg18[%sub3A_549], %add3A_553 masked %lt3A_541 : memref<4112xi32, #tpu.memory_space<vmem>>[vector<16xi32>], vector<16xi32>, vector<16xi1>
        %all_reduce_population_count3A_554 = tpu.all_reduce %lt3A_541 {dim = 0 : i64, kind = #tpu.reduction_kind<sum>} : vector<16xi1> -> vector<16xi32>
        %add3A_555 = arith.addi %add3A_530, %all_reduce_population_count3A_554 : vector<16xi32>
        %scan3A_556 = arith.constant 2 : i32
        %scan3A_557 = arith.addi %scan3A_511, %scan3A_556 : i32
        %mul3A_558 = arith.constant 16 : i32
        %mul3A_559 = arith.muli %scan3A_557, %mul3A_558 : i32
        %get3A_560 = arith.constant 1 : i32
        %get3A_561 = arith.index_cast %get3A_560 : i32 to index
        %get3A_562 = arith.index_cast %mul3A_559 : i32 to index
        %get3A_563 = tpu.vector_load %arg16[%get3A_561, %get3A_562] {strides = array<i32>} : memref<4x4096xf32, #tpu.memory_space<vmem>>, vector<16xf32>,
        %lt3A_564 = arith.constant 1.000000e+20 : f32
        %lt3A_565 = vector.broadcast %lt3A_564 : f32 to vector<16xf32>
        %lt3A_566 = arith.cmpf olt, %get3A_563, %lt3A_565 : vector<16xf32>
        %convert_element_type3A_567 = arith.extui %lt3A_566 : vector<16xi1> to vector<16xi32>
        %broadcast_in_dim3A_568 = arith.constant true
        %broadcast_in_dim3A_569 = vector.broadcast %broadcast_in_dim3A_568 : i1 to vector<16xi1>
        %masked_cumsum3A_570 = tpu.scan <sum>, %convert_element_type3A_567 masked %broadcast_in_dim3A_569 : vector<16xi32>, vector<16xi1> -> vector<16xi32>
        %add3A_571 = arith.addi %add3A_555, %masked_cumsum3A_570 : vector<16xi32>
        %sub3A_572 = arith.constant 1 : i32
        %sub3A_573 = vector.broadcast %sub3A_572 : i32 to vector<16xi32>
        %sub3A_574 = arith.subi %add3A_571, %sub3A_573 : vector<16xi32>
        %mul3A_575 = arith.constant 16 : i32
        %mul3A_576 = arith.muli %scan3A_557, %mul3A_575 : i32
        %add3A_577 = vector.broadcast %mul3A_576 : i32 to vector<16xi32>
        %add3A_578 = arith.addi %add3A_577, %iota3A : vector<16xi32>
        tpu.vector_store_idx %arg17[%sub3A_574], %get3A_563 masked %lt3A_566 : memref<4112xf32, #tpu.memory_space<vmem>>[vector<16xi32>], vector<16xf32>, vector<16xi1>
        tpu.vector_store_idx %arg18[%sub3A_574], %add3A_578 masked %lt3A_566 : memref<4112xi32, #tpu.memory_space<vmem>>[vector<16xi32>], vector<16xi32>, vector<16xi1>
        %all_reduce_population_count3A_579 = tpu.all_reduce %lt3A_566 {dim = 0 : i64, kind = #tpu.reduction_kind<sum>} : vector<16xi1> -> vector<16xi32>
        %add3A_580 = arith.addi %add3A_555, %all_reduce_population_count3A_579 : vector<16xi32>
        %scan3A_581 = arith.constant 3 : i32
        %scan3A_582 = arith.addi %scan3A_511, %scan3A_581 : i32
        %mul3A_583 = arith.constant 16 : i32
        %mul3A_584 = arith.muli %scan3A_582, %mul3A_583 : i32
        %get3A_585 = arith.constant 1 : i32
        %get3A_586 = arith.index_cast %get3A_585 : i32 to index
        %get3A_587 = arith.index_cast %mul3A_584 : i32 to index
        %get3A_588 = tpu.vector_load %arg16[%get3A_586, %get3A_587] {strides = array<i32>} : memref<4x4096xf32, #tpu.memory_space<vmem>>, vector<16xf32>,
        %lt3A_589 = arith.constant 1.000000e+20 : f32
        %lt3A_590 = vector.broadcast %lt3A_589 : f32 to vector<16xf32>
        %lt3A_591 = arith.cmpf olt, %get3A_588, %lt3A_590 : vector<16xf32>
        %convert_element_type3A_592 = arith.extui %lt3A_591 : vector<16xi1> to vector<16xi32>
        %broadcast_in_dim3A_593 = arith.constant true
        %broadcast_in_dim3A_594 = vector.broadcast %broadcast_in_dim3A_593 : i1 to vector<16xi1>
        %masked_cumsum3A_595 = tpu.scan <sum>, %convert_element_type3A_592 masked %broadcast_in_dim3A_594 : vector<16xi32>, vector<16xi1> -> vector<16xi32>
        %add3A_596 = arith.addi %add3A_580, %masked_cumsum3A_595 : vector<16xi32>
        %sub3A_597 = arith.constant 1 : i32
        %sub3A_598 = vector.broadcast %sub3A_597 : i32 to vector<16xi32>
        %sub3A_599 = arith.subi %add3A_596, %sub3A_598 : vector<16xi32>
        %mul3A_600 = arith.constant 16 : i32
        %mul3A_601 = arith.muli %scan3A_582, %mul3A_600 : i32
        %add3A_602 = vector.broadcast %mul3A_601 : i32 to vector<16xi32>
        %add3A_603 = arith.addi %add3A_602, %iota3A : vector<16xi32>
        tpu.vector_store_idx %arg17[%sub3A_599], %get3A_588 masked %lt3A_591 : memref<4112xf32, #tpu.memory_space<vmem>>[vector<16xi32>], vector<16xf32>, vector<16xi1>
        tpu.vector_store_idx %arg18[%sub3A_599], %add3A_603 masked %lt3A_591 : memref<4112xi32, #tpu.memory_space<vmem>>[vector<16xi32>], vector<16xi32>, vector<16xi1>
        %all_reduce_population_count3A_604 = tpu.all_reduce %lt3A_591 {dim = 0 : i64, kind = #tpu.reduction_kind<sum>} : vector<16xi1> -> vector<16xi32>
        %add3A_605 = arith.addi %add3A_580, %all_reduce_population_count3A_604 : vector<16xi32>
        scf.yield %add3A_605 : vector<16xi32>
      }
      %scan3A_169 = arith.constant 256 : i32
      %get3A_170 = arith.constant 0 : index
      %get3A_171 = tpu.vector_load %arg18[%get3A_170] {strides = array<i32>} : memref<4112xi32, #tpu.memory_space<vmem>>, vector<16xi32>,
      %get3A_172 = arith.constant 0 : index
      %get3A_173 = tpu.vector_load %arg17[%get3A_172] {strides = array<i32>} : memref<4112xf32, #tpu.memory_space<vmem>>, vector<16xf32>,
      %swap3A_174 = arith.index_cast %add3A_141 : i32 to index
      %swap3A_175 = arith.constant 0 : index
      %swap3A_176 = tpu.vector_load %arg19[%swap3A_174, %swap3A_175] {strides = array<i32>} : memref<128x64xf32, #tpu.memory_space<vmem>>, vector<16xf32>,
      tpu.vector_store %arg19[%swap3A_174, %swap3A_175], %get3A_173 {strides = array<i32>} : memref<128x64xf32, #tpu.memory_space<vmem>>, vector<16xf32>,
      %gather3A_177 = tpu.vector_load_idx %arg12[%get3A_171] : memref<4096xf32, #tpu.memory_space<vmem>>[vector<16xi32>], vector<16xf32>,
      %swap3A_178 = arith.index_cast %add3A_141 : i32 to index
      %swap3A_179 = arith.constant 0 : index
      %swap3A_180 = tpu.vector_load %arg20[%swap3A_178, %swap3A_179] {strides = array<i32>} : memref<128x64xf32, #tpu.memory_space<vmem>>, vector<16xf32>,
      tpu.vector_store %arg20[%swap3A_178, %swap3A_179], %gather3A_177 {strides = array<i32>} : memref<128x64xf32, #tpu.memory_space<vmem>>, vector<16xf32>,
      %gather3A_181 = tpu.vector_load_idx %arg13[%get3A_171] : memref<4096xf32, #tpu.memory_space<vmem>>[vector<16xi32>], vector<16xf32>,
      %swap3A_182 = arith.index_cast %add3A_141 : i32 to index
      %swap3A_183 = arith.constant 0 : index
      %swap3A_184 = tpu.vector_load %arg21[%swap3A_182, %swap3A_183] {strides = array<i32>} : memref<128x64xf32, #tpu.memory_space<vmem>>, vector<16xf32>,
      tpu.vector_store %arg21[%swap3A_182, %swap3A_183], %gather3A_181 {strides = array<i32>} : memref<128x64xf32, #tpu.memory_space<vmem>>, vector<16xf32>,
      %gather3A_185 = tpu.vector_load_idx %arg14[%get3A_171] : memref<4096xf32, #tpu.memory_space<vmem>>[vector<16xi32>], vector<16xf32>,
      %swap3A_186 = arith.index_cast %add3A_141 : i32 to index
      %swap3A_187 = arith.constant 0 : index
      %swap3A_188 = tpu.vector_load %arg22[%swap3A_186, %swap3A_187] {strides = array<i32>} : memref<128x64xf32, #tpu.memory_space<vmem>>, vector<16xf32>,
      tpu.vector_store %arg22[%swap3A_186, %swap3A_187], %gather3A_185 {strides = array<i32>} : memref<128x64xf32, #tpu.memory_space<vmem>>, vector<16xf32>,
      %gather3A_189 = tpu.vector_load_idx %arg15[%get3A_171] : memref<4096xf32, #tpu.memory_space<vmem>>[vector<16xi32>], vector<16xf32>,
      %swap3A_190 = arith.index_cast %add3A_141 : i32 to index
      %swap3A_191 = arith.constant 0 : index
      %swap3A_192 = tpu.vector_load %arg23[%swap3A_190, %swap3A_191] {strides = array<i32>} : memref<128x64xf32, #tpu.memory_space<vmem>>, vector<16xf32>,
      tpu.vector_store %arg23[%swap3A_190, %swap3A_191], %gather3A_189 {strides = array<i32>} : memref<128x64xf32, #tpu.memory_space<vmem>>, vector<16xf32>,
      %get3A_193 = arith.constant 16 : index
      %get3A_194 = tpu.vector_load %arg18[%get3A_193] {strides = array<i32>} : memref<4112xi32, #tpu.memory_space<vmem>>, vector<16xi32>,
      %get3A_195 = arith.constant 16 : index
      %get3A_196 = tpu.vector_load %arg17[%get3A_195] {strides = array<i32>} : memref<4112xf32, #tpu.memory_space<vmem>>, vector<16xf32>,
      %swap3A_197 = arith.index_cast %add3A_141 : i32 to index
      %swap3A_198 = arith.constant 16 : index
      %swap3A_199 = tpu.vector_load %arg19[%swap3A_197, %swap3A_198] {strides = array<i32>} : memref<128x64xf32, #tpu.memory_space<vmem>>, vector<16xf32>,
      tpu.vector_store %arg19[%swap3A_197, %swap3A_198], %get3A_196 {strides = array<i32>} : memref<128x64xf32, #tpu.memory_space<vmem>>, vector<16xf32>,
      %gather3A_200 = tpu.vector_load_idx %arg12[%get3A_194] : memref<4096xf32, #tpu.memory_space<vmem>>[vector<16xi32>], vector<16xf32>,
      %swap3A_201 = arith.index_cast %add3A_141 : i32 to index
      %swap3A_202 = arith.constant 16 : index
      %swap3A_203 = tpu.vector_load %arg20[%swap3A_201, %swap3A_202] {strides = array<i32>} : memref<128x64xf32, #tpu.memory_space<vmem>>, vector<16xf32>,
      tpu.vector_store %arg20[%swap3A_201, %swap3A_202], %gather3A_200 {strides = array<i32>} : memref<128x64xf32, #tpu.memory_space<vmem>>, vector<16xf32>,
      %gather3A_204 = tpu.vector_load_idx %arg13[%get3A_194] : memref<4096xf32, #tpu.memory_space<vmem>>[vector<16xi32>], vector<16xf32>,
      %swap3A_205 = arith.index_cast %add3A_141 : i32 to index
      %swap3A_206 = arith.constant 16 : index
      %swap3A_207 = tpu.vector_load %arg21[%swap3A_205, %swap3A_206] {strides = array<i32>} : memref<128x64xf32, #tpu.memory_space<vmem>>, vector<16xf32>,
      tpu.vector_store %arg21[%swap3A_205, %swap3A_206], %gather3A_204 {strides = array<i32>} : memref<128x64xf32, #tpu.memory_space<vmem>>, vector<16xf32>,
      %gather3A_208 = tpu.vector_load_idx %arg14[%get3A_194] : memref<4096xf32, #tpu.memory_space<vmem>>[vector<16xi32>], vector<16xf32>,
      %swap3A_209 = arith.index_cast %add3A_141 : i32 to index
      %swap3A_210 = arith.constant 16 : index
      %swap3A_211 = tpu.vector_load %arg22[%swap3A_209, %swap3A_210] {strides = array<i32>} : memref<128x64xf32, #tpu.memory_space<vmem>>, vector<16xf32>,
      tpu.vector_store %arg22[%swap3A_209, %swap3A_210], %gather3A_208 {strides = array<i32>} : memref<128x64xf32, #tpu.memory_space<vmem>>, vector<16xf32>,
      %gather3A_212 = tpu.vector_load_idx %arg15[%get3A_194] : memref<4096xf32, #tpu.memory_space<vmem>>[vector<16xi32>], vector<16xf32>,
      %swap3A_213 = arith.index_cast %add3A_141 : i32 to index
      %swap3A_214 = arith.constant 16 : index
      %swap3A_215 = tpu.vector_load %arg23[%swap3A_213, %swap3A_214] {strides = array<i32>} : memref<128x64xf32, #tpu.memory_space<vmem>>, vector<16xf32>,
      tpu.vector_store %arg23[%swap3A_213, %swap3A_214], %gather3A_212 {strides = array<i32>} : memref<128x64xf32, #tpu.memory_space<vmem>>, vector<16xf32>,
      %get3A_216 = arith.constant 32 : index
      %get3A_217 = tpu.vector_load %arg18[%get3A_216] {strides = array<i32>} : memref<4112xi32, #tpu.memory_space<vmem>>, vector<16xi32>,
      %get3A_218 = arith.constant 32 : index
      %get3A_219 = tpu.vector_load %arg17[%get3A_218] {strides = array<i32>} : memref<4112xf32, #tpu.memory_space<vmem>>, vector<16xf32>,
      %swap3A_220 = arith.index_cast %add3A_141 : i32 to index
      %swap3A_221 = arith.constant 32 : index
      %swap3A_222 = tpu.vector_load %arg19[%swap3A_220, %swap3A_221] {strides = array<i32>} : memref<128x64xf32, #tpu.memory_space<vmem>>, vector<16xf32>,
      tpu.vector_store %arg19[%swap3A_220, %swap3A_221], %get3A_219 {strides = array<i32>} : memref<128x64xf32, #tpu.memory_space<vmem>>, vector<16xf32>,
      %gather3A_223 = tpu.vector_load_idx %arg12[%get3A_217] : memref<4096xf32, #tpu.memory_space<vmem>>[vector<16xi32>], vector<16xf32>,
      %swap3A_224 = arith.index_cast %add3A_141 : i32 to index
      %swap3A_225 = arith.constant 32 : index
      %swap3A_226 = tpu.vector_load %arg20[%swap3A_224, %swap3A_225] {strides = array<i32>} : memref<128x64xf32, #tpu.memory_space<vmem>>, vector<16xf32>,
      tpu.vector_store %arg20[%swap3A_224, %swap3A_225], %gather3A_223 {strides = array<i32>} : memref<128x64xf32, #tpu.memory_space<vmem>>, vector<16xf32>,
      %gather3A_227 = tpu.vector_load_idx %arg13[%get3A_217] : memref<4096xf32, #tpu.memory_space<vmem>>[vector<16xi32>], vector<16xf32>,
      %swap3A_228 = arith.index_cast %add3A_141 : i32 to index
      %swap3A_229 = arith.constant 32 : index
      %swap3A_230 = tpu.vector_load %arg21[%swap3A_228, %swap3A_229] {strides = array<i32>} : memref<128x64xf32, #tpu.memory_space<vmem>>, vector<16xf32>,
      tpu.vector_store %arg21[%swap3A_228, %swap3A_229], %gather3A_227 {strides = array<i32>} : memref<128x64xf32, #tpu.memory_space<vmem>>, vector<16xf32>,
      %gather3A_231 = tpu.vector_load_idx %arg14[%get3A_217] : memref<4096xf32, #tpu.memory_space<vmem>>[vector<16xi32>], vector<16xf32>,
      %swap3A_232 = arith.index_cast %add3A_141 : i32 to index
      %swap3A_233 = arith.constant 32 : index
      %swap3A_234 = tpu.vector_load %arg22[%swap3A_232, %swap3A_233] {strides = array<i32>} : memref<128x64xf32, #tpu.memory_space<vmem>>, vector<16xf32>,
      tpu.vector_store %arg22[%swap3A_232, %swap3A_233], %gather3A_231 {strides = array<i32>} : memref<128x64xf32, #tpu.memory_space<vmem>>, vector<16xf32>,
      %gather3A_235 = tpu.vector_load_idx %arg15[%get3A_217] : memref<4096xf32, #tpu.memory_space<vmem>>[vector<16xi32>], vector<16xf32>,
      %swap3A_236 = arith.index_cast %add3A_141 : i32 to index
      %swap3A_237 = arith.constant 32 : index
      %swap3A_238 = tpu.vector_load %arg23[%swap3A_236, %swap3A_237] {strides = array<i32>} : memref<128x64xf32, #tpu.memory_space<vmem>>, vector<16xf32>,
      tpu.vector_store %arg23[%swap3A_236, %swap3A_237], %gather3A_235 {strides = array<i32>} : memref<128x64xf32, #tpu.memory_space<vmem>>, vector<16xf32>,
      %get3A_239 = arith.constant 48 : index
      %get3A_240 = tpu.vector_load %arg18[%get3A_239] {strides = array<i32>} : memref<4112xi32, #tpu.memory_space<vmem>>, vector<16xi32>,
      %get3A_241 = arith.constant 48 : index
      %get3A_242 = tpu.vector_load %arg17[%get3A_241] {strides = array<i32>} : memref<4112xf32, #tpu.memory_space<vmem>>, vector<16xf32>,
      %swap3A_243 = arith.index_cast %add3A_141 : i32 to index
      %swap3A_244 = arith.constant 48 : index
      %swap3A_245 = tpu.vector_load %arg19[%swap3A_243, %swap3A_244] {strides = array<i32>} : memref<128x64xf32, #tpu.memory_space<vmem>>, vector<16xf32>,
      tpu.vector_store %arg19[%swap3A_243, %swap3A_244], %get3A_242 {strides = array<i32>} : memref<128x64xf32, #tpu.memory_space<vmem>>, vector<16xf32>,
      %gather3A_246 = tpu.vector_load_idx %arg12[%get3A_240] : memref<4096xf32, #tpu.memory_space<vmem>>[vector<16xi32>], vector<16xf32>,
      %swap3A_247 = arith.index_cast %add3A_141 : i32 to index
      %swap3A_248 = arith.constant 48 : index
      %swap3A_249 = tpu.vector_load %arg20[%swap3A_247, %swap3A_248] {strides = array<i32>} : memref<128x64xf32, #tpu.memory_space<vmem>>, vector<16xf32>,
      tpu.vector_store %arg20[%swap3A_247, %swap3A_248], %gather3A_246 {strides = array<i32>} : memref<128x64xf32, #tpu.memory_space<vmem>>, vector<16xf32>,
      %gather3A_250 = tpu.vector_load_idx %arg13[%get3A_240] : memref<4096xf32, #tpu.memory_space<vmem>>[vector<16xi32>], vector<16xf32>,
      %swap3A_251 = arith.index_cast %add3A_141 : i32 to index
      %swap3A_252 = arith.constant 48 : index
      %swap3A_253 = tpu.vector_load %arg21[%swap3A_251, %swap3A_252] {strides = array<i32>} : memref<128x64xf32, #tpu.memory_space<vmem>>, vector<16xf32>,
      tpu.vector_store %arg21[%swap3A_251, %swap3A_252], %gather3A_250 {strides = array<i32>} : memref<128x64xf32, #tpu.memory_space<vmem>>, vector<16xf32>,
      %gather3A_254 = tpu.vector_load_idx %arg14[%get3A_240] : memref<4096xf32, #tpu.memory_space<vmem>>[vector<16xi32>], vector<16xf32>,
      %swap3A_255 = arith.index_cast %add3A_141 : i32 to index
      %swap3A_256 = arith.constant 48 : index
      %swap3A_257 = tpu.vector_load %arg22[%swap3A_255, %swap3A_256] {strides = array<i32>} : memref<128x64xf32, #tpu.memory_space<vmem>>, vector<16xf32>,
      tpu.vector_store %arg22[%swap3A_255, %swap3A_256], %gather3A_254 {strides = array<i32>} : memref<128x64xf32, #tpu.memory_space<vmem>>, vector<16xf32>,
      %gather3A_258 = tpu.vector_load_idx %arg15[%get3A_240] : memref<4096xf32, #tpu.memory_space<vmem>>[vector<16xi32>], vector<16xf32>,
      %swap3A_259 = arith.index_cast %add3A_141 : i32 to index
      %swap3A_260 = arith.constant 48 : index
      %swap3A_261 = tpu.vector_load %arg23[%swap3A_259, %swap3A_260] {strides = array<i32>} : memref<128x64xf32, #tpu.memory_space<vmem>>, vector<16xf32>,
      tpu.vector_store %arg23[%swap3A_259, %swap3A_260], %gather3A_258 {strides = array<i32>} : memref<128x64xf32, #tpu.memory_space<vmem>>, vector<16xf32>,
      %mul3A_262 = arith.constant 4 : i32
      %mul3A_263 = arith.muli %scan3A_12, %mul3A_262 : i32
      %add3A_264 = arith.constant 2 : i32
      %add3A_265 = arith.addi %mul3A_263, %add3A_264 : i32
      %swap3A_266 = arith.constant 0 : index
      %swap3A_267 = tpu.vector_load %arg17[%swap3A_266] {strides = array<i32>} : memref<4112xf32, #tpu.memory_space<vmem>>, vector<16xf32>,
      tpu.vector_store %arg17[%swap3A_266], %broadcast_in_dim3A_3 {strides = array<i32>} : memref<4112xf32, #tpu.memory_space<vmem>>, vector<16xf32>,
      %swap3A_268 = arith.constant 0 : index
      %swap3A_269 = tpu.vector_load %arg18[%swap3A_268] {strides = array<i32>} : memref<4112xi32, #tpu.memory_space<vmem>>, vector<16xi32>,
      tpu.vector_store %arg18[%swap3A_268], %broadcast_in_dim3A_5 {strides = array<i32>} : memref<4112xi32, #tpu.memory_space<vmem>>, vector<16xi32>,
      %swap3A_270 = arith.constant 16 : index
      %swap3A_271 = tpu.vector_load %arg17[%swap3A_270] {strides = array<i32>} : memref<4112xf32, #tpu.memory_space<vmem>>, vector<16xf32>,
      tpu.vector_store %arg17[%swap3A_270], %broadcast_in_dim3A_3 {strides = array<i32>} : memref<4112xf32, #tpu.memory_space<vmem>>, vector<16xf32>,
      %swap3A_272 = arith.constant 16 : index
      %swap3A_273 = tpu.vector_load %arg18[%swap3A_272] {strides = array<i32>} : memref<4112xi32, #tpu.memory_space<vmem>>, vector<16xi32>,
      tpu.vector_store %arg18[%swap3A_272], %broadcast_in_dim3A_5 {strides = array<i32>} : memref<4112xi32, #tpu.memory_space<vmem>>, vector<16xi32>,
      %swap3A_274 = arith.constant 32 : index
      %swap3A_275 = tpu.vector_load %arg17[%swap3A_274] {strides = array<i32>} : memref<4112xf32, #tpu.memory_space<vmem>>, vector<16xf32>,
      tpu.vector_store %arg17[%swap3A_274], %broadcast_in_dim3A_3 {strides = array<i32>} : memref<4112xf32, #tpu.memory_space<vmem>>, vector<16xf32>,
      %swap3A_276 = arith.constant 32 : index
      %swap3A_277 = tpu.vector_load %arg18[%swap3A_276] {strides = array<i32>} : memref<4112xi32, #tpu.memory_space<vmem>>, vector<16xi32>,
      tpu.vector_store %arg18[%swap3A_276], %broadcast_in_dim3A_5 {strides = array<i32>} : memref<4112xi32, #tpu.memory_space<vmem>>, vector<16xi32>,
      %swap3A_278 = arith.constant 48 : index
      %swap3A_279 = tpu.vector_load %arg17[%swap3A_278] {strides = array<i32>} : memref<4112xf32, #tpu.memory_space<vmem>>, vector<16xf32>,
      tpu.vector_store %arg17[%swap3A_278], %broadcast_in_dim3A_3 {strides = array<i32>} : memref<4112xf32, #tpu.memory_space<vmem>>, vector<16xf32>,
      %swap3A_280 = arith.constant 48 : index
      %swap3A_281 = tpu.vector_load %arg18[%swap3A_280] {strides = array<i32>} : memref<4112xi32, #tpu.memory_space<vmem>>, vector<16xi32>,
      tpu.vector_store %arg18[%swap3A_280], %broadcast_in_dim3A_5 {strides = array<i32>} : memref<4112xi32, #tpu.memory_space<vmem>>, vector<16xi32>,
      %swap3A_282 = arith.constant 64 : index
      %swap3A_283 = tpu.vector_load %arg17[%swap3A_282] {strides = array<i32>} : memref<4112xf32, #tpu.memory_space<vmem>>, vector<16xf32>,
      tpu.vector_store %arg17[%swap3A_282], %broadcast_in_dim3A_3 {strides = array<i32>} : memref<4112xf32, #tpu.memory_space<vmem>>, vector<16xf32>,
      %swap3A_284 = arith.constant 64 : index
      %swap3A_285 = tpu.vector_load %arg18[%swap3A_284] {strides = array<i32>} : memref<4112xi32, #tpu.memory_space<vmem>>, vector<16xi32>,
      tpu.vector_store %arg18[%swap3A_284], %broadcast_in_dim3A_5 {strides = array<i32>} : memref<4112xi32, #tpu.memory_space<vmem>>, vector<16xi32>,
      %broadcast_in_dim3A_286 = arith.constant 0 : i32
      %broadcast_in_dim3A_287 = vector.broadcast %broadcast_in_dim3A_286 : i32 to vector<16xi32>
      %scan3A_288 = arith.constant 0 : i32
      %scan3A_289 = arith.constant 256 : i32
      %scan3A_290 = arith.addi %scan3A_288, %scan3A_289 : i32
      %scan3A_291 = arith.constant 4 : i32
      %scan3A_292 = scf.for %scan3A_511 = %scan3A_288 to %scan3A_290 step %scan3A_291 iter_args(%scan3A_512 = %broadcast_in_dim3A_287) -> (vector<16xi32>)  : i32 {
        %mul3A_513 = arith.constant 16 : i32
        %mul3A_514 = arith.muli %scan3A_511, %mul3A_513 : i32
        %get3A_515 = arith.constant 2 : i32
        %get3A_516 = arith.index_cast %get3A_515 : i32 to index
        %get3A_517 = arith.index_cast %mul3A_514 : i32 to index
        %get3A_518 = tpu.vector_load %arg16[%get3A_516, %get3A_517] {strides = array<i32>} : memref<4x4096xf32, #tpu.memory_space<vmem>>, vector<16xf32>,
        %lt3A = arith.constant 1.000000e+20 : f32
        %lt3A_519 = vector.broadcast %lt3A : f32 to vector<16xf32>
        %lt3A_520 = arith.cmpf olt, %get3A_518, %lt3A_519 : vector<16xf32>
        %convert_element_type3A = arith.extui %lt3A_520 : vector<16xi1> to vector<16xi32>
        %broadcast_in_dim3A_521 = arith.constant true
        %broadcast_in_dim3A_522 = vector.broadcast %broadcast_in_dim3A_521 : i1 to vector<16xi1>
        %masked_cumsum3A = tpu.scan <sum>, %convert_element_type3A masked %broadcast_in_dim3A_522 : vector<16xi32>, vector<16xi1> -> vector<16xi32>
        %add3A_523 = arith.addi %scan3A_512, %masked_cumsum3A : vector<16xi32>
        %sub3A = arith.constant 1 : i32
        %sub3A_524 = vector.broadcast %sub3A : i32 to vector<16xi32>
        %sub3A_525 = arith.subi %add3A_523, %sub3A_524 : vector<16xi32>
        %mul3A_526 = arith.constant 16 : i32
        %mul3A_527 = arith.muli %scan3A_511, %mul3A_526 : i32
        %add3A_528 = vector.broadcast %mul3A_527 : i32 to vector<16xi32>
        %add3A_529 = arith.addi %add3A_528, %iota3A : vector<16xi32>
        tpu.vector_store_idx %arg17[%sub3A_525], %get3A_518 masked %lt3A_520 : memref<4112xf32, #tpu.memory_space<vmem>>[vector<16xi32>], vector<16xf32>, vector<16xi1>
        tpu.vector_store_idx %arg18[%sub3A_525], %add3A_529 masked %lt3A_520 : memref<4112xi32, #tpu.memory_space<vmem>>[vector<16xi32>], vector<16xi32>, vector<16xi1>
        %all_reduce_population_count3A = tpu.all_reduce %lt3A_520 {dim = 0 : i64, kind = #tpu.reduction_kind<sum>} : vector<16xi1> -> vector<16xi32>
        %add3A_530 = arith.addi %scan3A_512, %all_reduce_population_count3A : vector<16xi32>
        %scan3A_531 = arith.constant 1 : i32
        %scan3A_532 = arith.addi %scan3A_511, %scan3A_531 : i32
        %mul3A_533 = arith.constant 16 : i32
        %mul3A_534 = arith.muli %scan3A_532, %mul3A_533 : i32
        %get3A_535 = arith.constant 2 : i32
        %get3A_536 = arith.index_cast %get3A_535 : i32 to index
        %get3A_537 = arith.index_cast %mul3A_534 : i32 to index
        %get3A_538 = tpu.vector_load %arg16[%get3A_536, %get3A_537] {strides = array<i32>} : memref<4x4096xf32, #tpu.memory_space<vmem>>, vector<16xf32>,
        %lt3A_539 = arith.constant 1.000000e+20 : f32
        %lt3A_540 = vector.broadcast %lt3A_539 : f32 to vector<16xf32>
        %lt3A_541 = arith.cmpf olt, %get3A_538, %lt3A_540 : vector<16xf32>
        %convert_element_type3A_542 = arith.extui %lt3A_541 : vector<16xi1> to vector<16xi32>
        %broadcast_in_dim3A_543 = arith.constant true
        %broadcast_in_dim3A_544 = vector.broadcast %broadcast_in_dim3A_543 : i1 to vector<16xi1>
        %masked_cumsum3A_545 = tpu.scan <sum>, %convert_element_type3A_542 masked %broadcast_in_dim3A_544 : vector<16xi32>, vector<16xi1> -> vector<16xi32>
        %add3A_546 = arith.addi %add3A_530, %masked_cumsum3A_545 : vector<16xi32>
        %sub3A_547 = arith.constant 1 : i32
        %sub3A_548 = vector.broadcast %sub3A_547 : i32 to vector<16xi32>
        %sub3A_549 = arith.subi %add3A_546, %sub3A_548 : vector<16xi32>
        %mul3A_550 = arith.constant 16 : i32
        %mul3A_551 = arith.muli %scan3A_532, %mul3A_550 : i32
        %add3A_552 = vector.broadcast %mul3A_551 : i32 to vector<16xi32>
        %add3A_553 = arith.addi %add3A_552, %iota3A : vector<16xi32>
        tpu.vector_store_idx %arg17[%sub3A_549], %get3A_538 masked %lt3A_541 : memref<4112xf32, #tpu.memory_space<vmem>>[vector<16xi32>], vector<16xf32>, vector<16xi1>
        tpu.vector_store_idx %arg18[%sub3A_549], %add3A_553 masked %lt3A_541 : memref<4112xi32, #tpu.memory_space<vmem>>[vector<16xi32>], vector<16xi32>, vector<16xi1>
        %all_reduce_population_count3A_554 = tpu.all_reduce %lt3A_541 {dim = 0 : i64, kind = #tpu.reduction_kind<sum>} : vector<16xi1> -> vector<16xi32>
        %add3A_555 = arith.addi %add3A_530, %all_reduce_population_count3A_554 : vector<16xi32>
        %scan3A_556 = arith.constant 2 : i32
        %scan3A_557 = arith.addi %scan3A_511, %scan3A_556 : i32
        %mul3A_558 = arith.constant 16 : i32
        %mul3A_559 = arith.muli %scan3A_557, %mul3A_558 : i32
        %get3A_560 = arith.constant 2 : i32
        %get3A_561 = arith.index_cast %get3A_560 : i32 to index
        %get3A_562 = arith.index_cast %mul3A_559 : i32 to index
        %get3A_563 = tpu.vector_load %arg16[%get3A_561, %get3A_562] {strides = array<i32>} : memref<4x4096xf32, #tpu.memory_space<vmem>>, vector<16xf32>,
        %lt3A_564 = arith.constant 1.000000e+20 : f32
        %lt3A_565 = vector.broadcast %lt3A_564 : f32 to vector<16xf32>
        %lt3A_566 = arith.cmpf olt, %get3A_563, %lt3A_565 : vector<16xf32>
        %convert_element_type3A_567 = arith.extui %lt3A_566 : vector<16xi1> to vector<16xi32>
        %broadcast_in_dim3A_568 = arith.constant true
        %broadcast_in_dim3A_569 = vector.broadcast %broadcast_in_dim3A_568 : i1 to vector<16xi1>
        %masked_cumsum3A_570 = tpu.scan <sum>, %convert_element_type3A_567 masked %broadcast_in_dim3A_569 : vector<16xi32>, vector<16xi1> -> vector<16xi32>
        %add3A_571 = arith.addi %add3A_555, %masked_cumsum3A_570 : vector<16xi32>
        %sub3A_572 = arith.constant 1 : i32
        %sub3A_573 = vector.broadcast %sub3A_572 : i32 to vector<16xi32>
        %sub3A_574 = arith.subi %add3A_571, %sub3A_573 : vector<16xi32>
        %mul3A_575 = arith.constant 16 : i32
        %mul3A_576 = arith.muli %scan3A_557, %mul3A_575 : i32
        %add3A_577 = vector.broadcast %mul3A_576 : i32 to vector<16xi32>
        %add3A_578 = arith.addi %add3A_577, %iota3A : vector<16xi32>
        tpu.vector_store_idx %arg17[%sub3A_574], %get3A_563 masked %lt3A_566 : memref<4112xf32, #tpu.memory_space<vmem>>[vector<16xi32>], vector<16xf32>, vector<16xi1>
        tpu.vector_store_idx %arg18[%sub3A_574], %add3A_578 masked %lt3A_566 : memref<4112xi32, #tpu.memory_space<vmem>>[vector<16xi32>], vector<16xi32>, vector<16xi1>
        %all_reduce_population_count3A_579 = tpu.all_reduce %lt3A_566 {dim = 0 : i64, kind = #tpu.reduction_kind<sum>} : vector<16xi1> -> vector<16xi32>
        %add3A_580 = arith.addi %add3A_555, %all_reduce_population_count3A_579 : vector<16xi32>
        %scan3A_581 = arith.constant 3 : i32
        %scan3A_582 = arith.addi %scan3A_511, %scan3A_581 : i32
        %mul3A_583 = arith.constant 16 : i32
        %mul3A_584 = arith.muli %scan3A_582, %mul3A_583 : i32
        %get3A_585 = arith.constant 2 : i32
        %get3A_586 = arith.index_cast %get3A_585 : i32 to index
        %get3A_587 = arith.index_cast %mul3A_584 : i32 to index
        %get3A_588 = tpu.vector_load %arg16[%get3A_586, %get3A_587] {strides = array<i32>} : memref<4x4096xf32, #tpu.memory_space<vmem>>, vector<16xf32>,
        %lt3A_589 = arith.constant 1.000000e+20 : f32
        %lt3A_590 = vector.broadcast %lt3A_589 : f32 to vector<16xf32>
        %lt3A_591 = arith.cmpf olt, %get3A_588, %lt3A_590 : vector<16xf32>
        %convert_element_type3A_592 = arith.extui %lt3A_591 : vector<16xi1> to vector<16xi32>
        %broadcast_in_dim3A_593 = arith.constant true
        %broadcast_in_dim3A_594 = vector.broadcast %broadcast_in_dim3A_593 : i1 to vector<16xi1>
        %masked_cumsum3A_595 = tpu.scan <sum>, %convert_element_type3A_592 masked %broadcast_in_dim3A_594 : vector<16xi32>, vector<16xi1> -> vector<16xi32>
        %add3A_596 = arith.addi %add3A_580, %masked_cumsum3A_595 : vector<16xi32>
        %sub3A_597 = arith.constant 1 : i32
        %sub3A_598 = vector.broadcast %sub3A_597 : i32 to vector<16xi32>
        %sub3A_599 = arith.subi %add3A_596, %sub3A_598 : vector<16xi32>
        %mul3A_600 = arith.constant 16 : i32
        %mul3A_601 = arith.muli %scan3A_582, %mul3A_600 : i32
        %add3A_602 = vector.broadcast %mul3A_601 : i32 to vector<16xi32>
        %add3A_603 = arith.addi %add3A_602, %iota3A : vector<16xi32>
        tpu.vector_store_idx %arg17[%sub3A_599], %get3A_588 masked %lt3A_591 : memref<4112xf32, #tpu.memory_space<vmem>>[vector<16xi32>], vector<16xf32>, vector<16xi1>
        tpu.vector_store_idx %arg18[%sub3A_599], %add3A_603 masked %lt3A_591 : memref<4112xi32, #tpu.memory_space<vmem>>[vector<16xi32>], vector<16xi32>, vector<16xi1>
        %all_reduce_population_count3A_604 = tpu.all_reduce %lt3A_591 {dim = 0 : i64, kind = #tpu.reduction_kind<sum>} : vector<16xi1> -> vector<16xi32>
        %add3A_605 = arith.addi %add3A_580, %all_reduce_population_count3A_604 : vector<16xi32>
        scf.yield %add3A_605 : vector<16xi32>
      }
      %scan3A_293 = arith.constant 256 : i32
      %get3A_294 = arith.constant 0 : index
      %get3A_295 = tpu.vector_load %arg18[%get3A_294] {strides = array<i32>} : memref<4112xi32, #tpu.memory_space<vmem>>, vector<16xi32>,
      %get3A_296 = arith.constant 0 : index
      %get3A_297 = tpu.vector_load %arg17[%get3A_296] {strides = array<i32>} : memref<4112xf32, #tpu.memory_space<vmem>>, vector<16xf32>,
      %swap3A_298 = arith.index_cast %add3A_265 : i32 to index
      %swap3A_299 = arith.constant 0 : index
      %swap3A_300 = tpu.vector_load %arg19[%swap3A_298, %swap3A_299] {strides = array<i32>} : memref<128x64xf32, #tpu.memory_space<vmem>>, vector<16xf32>,
      tpu.vector_store %arg19[%swap3A_298, %swap3A_299], %get3A_297 {strides = array<i32>} : memref<128x64xf32, #tpu.memory_space<vmem>>, vector<16xf32>,
      %gather3A_301 = tpu.vector_load_idx %arg12[%get3A_295] : memref<4096xf32, #tpu.memory_space<vmem>>[vector<16xi32>], vector<16xf32>,
      %swap3A_302 = arith.index_cast %add3A_265 : i32 to index
      %swap3A_303 = arith.constant 0 : index
      %swap3A_304 = tpu.vector_load %arg20[%swap3A_302, %swap3A_303] {strides = array<i32>} : memref<128x64xf32, #tpu.memory_space<vmem>>, vector<16xf32>,
      tpu.vector_store %arg20[%swap3A_302, %swap3A_303], %gather3A_301 {strides = array<i32>} : memref<128x64xf32, #tpu.memory_space<vmem>>, vector<16xf32>,
      %gather3A_305 = tpu.vector_load_idx %arg13[%get3A_295] : memref<4096xf32, #tpu.memory_space<vmem>>[vector<16xi32>], vector<16xf32>,
      %swap3A_306 = arith.index_cast %add3A_265 : i32 to index
      %swap3A_307 = arith.constant 0 : index
      %swap3A_308 = tpu.vector_load %arg21[%swap3A_306, %swap3A_307] {strides = array<i32>} : memref<128x64xf32, #tpu.memory_space<vmem>>, vector<16xf32>,
      tpu.vector_store %arg21[%swap3A_306, %swap3A_307], %gather3A_305 {strides = array<i32>} : memref<128x64xf32, #tpu.memory_space<vmem>>, vector<16xf32>,
      %gather3A_309 = tpu.vector_load_idx %arg14[%get3A_295] : memref<4096xf32, #tpu.memory_space<vmem>>[vector<16xi32>], vector<16xf32>,
      %swap3A_310 = arith.index_cast %add3A_265 : i32 to index
      %swap3A_311 = arith.constant 0 : index
      %swap3A_312 = tpu.vector_load %arg22[%swap3A_310, %swap3A_311] {strides = array<i32>} : memref<128x64xf32, #tpu.memory_space<vmem>>, vector<16xf32>,
      tpu.vector_store %arg22[%swap3A_310, %swap3A_311], %gather3A_309 {strides = array<i32>} : memref<128x64xf32, #tpu.memory_space<vmem>>, vector<16xf32>,
      %gather3A_313 = tpu.vector_load_idx %arg15[%get3A_295] : memref<4096xf32, #tpu.memory_space<vmem>>[vector<16xi32>], vector<16xf32>,
      %swap3A_314 = arith.index_cast %add3A_265 : i32 to index
      %swap3A_315 = arith.constant 0 : index
      %swap3A_316 = tpu.vector_load %arg23[%swap3A_314, %swap3A_315] {strides = array<i32>} : memref<128x64xf32, #tpu.memory_space<vmem>>, vector<16xf32>,
      tpu.vector_store %arg23[%swap3A_314, %swap3A_315], %gather3A_313 {strides = array<i32>} : memref<128x64xf32, #tpu.memory_space<vmem>>, vector<16xf32>,
      %get3A_317 = arith.constant 16 : index
      %get3A_318 = tpu.vector_load %arg18[%get3A_317] {strides = array<i32>} : memref<4112xi32, #tpu.memory_space<vmem>>, vector<16xi32>,
      %get3A_319 = arith.constant 16 : index
      %get3A_320 = tpu.vector_load %arg17[%get3A_319] {strides = array<i32>} : memref<4112xf32, #tpu.memory_space<vmem>>, vector<16xf32>,
      %swap3A_321 = arith.index_cast %add3A_265 : i32 to index
      %swap3A_322 = arith.constant 16 : index
      %swap3A_323 = tpu.vector_load %arg19[%swap3A_321, %swap3A_322] {strides = array<i32>} : memref<128x64xf32, #tpu.memory_space<vmem>>, vector<16xf32>,
      tpu.vector_store %arg19[%swap3A_321, %swap3A_322], %get3A_320 {strides = array<i32>} : memref<128x64xf32, #tpu.memory_space<vmem>>, vector<16xf32>,
      %gather3A_324 = tpu.vector_load_idx %arg12[%get3A_318] : memref<4096xf32, #tpu.memory_space<vmem>>[vector<16xi32>], vector<16xf32>,
      %swap3A_325 = arith.index_cast %add3A_265 : i32 to index
      %swap3A_326 = arith.constant 16 : index
      %swap3A_327 = tpu.vector_load %arg20[%swap3A_325, %swap3A_326] {strides = array<i32>} : memref<128x64xf32, #tpu.memory_space<vmem>>, vector<16xf32>,
      tpu.vector_store %arg20[%swap3A_325, %swap3A_326], %gather3A_324 {strides = array<i32>} : memref<128x64xf32, #tpu.memory_space<vmem>>, vector<16xf32>,
      %gather3A_328 = tpu.vector_load_idx %arg13[%get3A_318] : memref<4096xf32, #tpu.memory_space<vmem>>[vector<16xi32>], vector<16xf32>,
      %swap3A_329 = arith.index_cast %add3A_265 : i32 to index
      %swap3A_330 = arith.constant 16 : index
      %swap3A_331 = tpu.vector_load %arg21[%swap3A_329, %swap3A_330] {strides = array<i32>} : memref<128x64xf32, #tpu.memory_space<vmem>>, vector<16xf32>,
      tpu.vector_store %arg21[%swap3A_329, %swap3A_330], %gather3A_328 {strides = array<i32>} : memref<128x64xf32, #tpu.memory_space<vmem>>, vector<16xf32>,
      %gather3A_332 = tpu.vector_load_idx %arg14[%get3A_318] : memref<4096xf32, #tpu.memory_space<vmem>>[vector<16xi32>], vector<16xf32>,
      %swap3A_333 = arith.index_cast %add3A_265 : i32 to index
      %swap3A_334 = arith.constant 16 : index
      %swap3A_335 = tpu.vector_load %arg22[%swap3A_333, %swap3A_334] {strides = array<i32>} : memref<128x64xf32, #tpu.memory_space<vmem>>, vector<16xf32>,
      tpu.vector_store %arg22[%swap3A_333, %swap3A_334], %gather3A_332 {strides = array<i32>} : memref<128x64xf32, #tpu.memory_space<vmem>>, vector<16xf32>,
      %gather3A_336 = tpu.vector_load_idx %arg15[%get3A_318] : memref<4096xf32, #tpu.memory_space<vmem>>[vector<16xi32>], vector<16xf32>,
      %swap3A_337 = arith.index_cast %add3A_265 : i32 to index
      %swap3A_338 = arith.constant 16 : index
      %swap3A_339 = tpu.vector_load %arg23[%swap3A_337, %swap3A_338] {strides = array<i32>} : memref<128x64xf32, #tpu.memory_space<vmem>>, vector<16xf32>,
      tpu.vector_store %arg23[%swap3A_337, %swap3A_338], %gather3A_336 {strides = array<i32>} : memref<128x64xf32, #tpu.memory_space<vmem>>, vector<16xf32>,
      %get3A_340 = arith.constant 32 : index
      %get3A_341 = tpu.vector_load %arg18[%get3A_340] {strides = array<i32>} : memref<4112xi32, #tpu.memory_space<vmem>>, vector<16xi32>,
      %get3A_342 = arith.constant 32 : index
      %get3A_343 = tpu.vector_load %arg17[%get3A_342] {strides = array<i32>} : memref<4112xf32, #tpu.memory_space<vmem>>, vector<16xf32>,
      %swap3A_344 = arith.index_cast %add3A_265 : i32 to index
      %swap3A_345 = arith.constant 32 : index
      %swap3A_346 = tpu.vector_load %arg19[%swap3A_344, %swap3A_345] {strides = array<i32>} : memref<128x64xf32, #tpu.memory_space<vmem>>, vector<16xf32>,
      tpu.vector_store %arg19[%swap3A_344, %swap3A_345], %get3A_343 {strides = array<i32>} : memref<128x64xf32, #tpu.memory_space<vmem>>, vector<16xf32>,
      %gather3A_347 = tpu.vector_load_idx %arg12[%get3A_341] : memref<4096xf32, #tpu.memory_space<vmem>>[vector<16xi32>], vector<16xf32>,
      %swap3A_348 = arith.index_cast %add3A_265 : i32 to index
      %swap3A_349 = arith.constant 32 : index
      %swap3A_350 = tpu.vector_load %arg20[%swap3A_348, %swap3A_349] {strides = array<i32>} : memref<128x64xf32, #tpu.memory_space<vmem>>, vector<16xf32>,
      tpu.vector_store %arg20[%swap3A_348, %swap3A_349], %gather3A_347 {strides = array<i32>} : memref<128x64xf32, #tpu.memory_space<vmem>>, vector<16xf32>,
      %gather3A_351 = tpu.vector_load_idx %arg13[%get3A_341] : memref<4096xf32, #tpu.memory_space<vmem>>[vector<16xi32>], vector<16xf32>,
      %swap3A_352 = arith.index_cast %add3A_265 : i32 to index
      %swap3A_353 = arith.constant 32 : index
      %swap3A_354 = tpu.vector_load %arg21[%swap3A_352, %swap3A_353] {strides = array<i32>} : memref<128x64xf32, #tpu.memory_space<vmem>>, vector<16xf32>,
      tpu.vector_store %arg21[%swap3A_352, %swap3A_353], %gather3A_351 {strides = array<i32>} : memref<128x64xf32, #tpu.memory_space<vmem>>, vector<16xf32>,
      %gather3A_355 = tpu.vector_load_idx %arg14[%get3A_341] : memref<4096xf32, #tpu.memory_space<vmem>>[vector<16xi32>], vector<16xf32>,
      %swap3A_356 = arith.index_cast %add3A_265 : i32 to index
      %swap3A_357 = arith.constant 32 : index
      %swap3A_358 = tpu.vector_load %arg22[%swap3A_356, %swap3A_357] {strides = array<i32>} : memref<128x64xf32, #tpu.memory_space<vmem>>, vector<16xf32>,
      tpu.vector_store %arg22[%swap3A_356, %swap3A_357], %gather3A_355 {strides = array<i32>} : memref<128x64xf32, #tpu.memory_space<vmem>>, vector<16xf32>,
      %gather3A_359 = tpu.vector_load_idx %arg15[%get3A_341] : memref<4096xf32, #tpu.memory_space<vmem>>[vector<16xi32>], vector<16xf32>,
      %swap3A_360 = arith.index_cast %add3A_265 : i32 to index
      %swap3A_361 = arith.constant 32 : index
      %swap3A_362 = tpu.vector_load %arg23[%swap3A_360, %swap3A_361] {strides = array<i32>} : memref<128x64xf32, #tpu.memory_space<vmem>>, vector<16xf32>,
      tpu.vector_store %arg23[%swap3A_360, %swap3A_361], %gather3A_359 {strides = array<i32>} : memref<128x64xf32, #tpu.memory_space<vmem>>, vector<16xf32>,
      %get3A_363 = arith.constant 48 : index
      %get3A_364 = tpu.vector_load %arg18[%get3A_363] {strides = array<i32>} : memref<4112xi32, #tpu.memory_space<vmem>>, vector<16xi32>,
      %get3A_365 = arith.constant 48 : index
      %get3A_366 = tpu.vector_load %arg17[%get3A_365] {strides = array<i32>} : memref<4112xf32, #tpu.memory_space<vmem>>, vector<16xf32>,
      %swap3A_367 = arith.index_cast %add3A_265 : i32 to index
      %swap3A_368 = arith.constant 48 : index
      %swap3A_369 = tpu.vector_load %arg19[%swap3A_367, %swap3A_368] {strides = array<i32>} : memref<128x64xf32, #tpu.memory_space<vmem>>, vector<16xf32>,
      tpu.vector_store %arg19[%swap3A_367, %swap3A_368], %get3A_366 {strides = array<i32>} : memref<128x64xf32, #tpu.memory_space<vmem>>, vector<16xf32>,
      %gather3A_370 = tpu.vector_load_idx %arg12[%get3A_364] : memref<4096xf32, #tpu.memory_space<vmem>>[vector<16xi32>], vector<16xf32>,
      %swap3A_371 = arith.index_cast %add3A_265 : i32 to index
      %swap3A_372 = arith.constant 48 : index
      %swap3A_373 = tpu.vector_load %arg20[%swap3A_371, %swap3A_372] {strides = array<i32>} : memref<128x64xf32, #tpu.memory_space<vmem>>, vector<16xf32>,
      tpu.vector_store %arg20[%swap3A_371, %swap3A_372], %gather3A_370 {strides = array<i32>} : memref<128x64xf32, #tpu.memory_space<vmem>>, vector<16xf32>,
      %gather3A_374 = tpu.vector_load_idx %arg13[%get3A_364] : memref<4096xf32, #tpu.memory_space<vmem>>[vector<16xi32>], vector<16xf32>,
      %swap3A_375 = arith.index_cast %add3A_265 : i32 to index
      %swap3A_376 = arith.constant 48 : index
      %swap3A_377 = tpu.vector_load %arg21[%swap3A_375, %swap3A_376] {strides = array<i32>} : memref<128x64xf32, #tpu.memory_space<vmem>>, vector<16xf32>,
      tpu.vector_store %arg21[%swap3A_375, %swap3A_376], %gather3A_374 {strides = array<i32>} : memref<128x64xf32, #tpu.memory_space<vmem>>, vector<16xf32>,
      %gather3A_378 = tpu.vector_load_idx %arg14[%get3A_364] : memref<4096xf32, #tpu.memory_space<vmem>>[vector<16xi32>], vector<16xf32>,
      %swap3A_379 = arith.index_cast %add3A_265 : i32 to index
      %swap3A_380 = arith.constant 48 : index
      %swap3A_381 = tpu.vector_load %arg22[%swap3A_379, %swap3A_380] {strides = array<i32>} : memref<128x64xf32, #tpu.memory_space<vmem>>, vector<16xf32>,
      tpu.vector_store %arg22[%swap3A_379, %swap3A_380], %gather3A_378 {strides = array<i32>} : memref<128x64xf32, #tpu.memory_space<vmem>>, vector<16xf32>,
      %gather3A_382 = tpu.vector_load_idx %arg15[%get3A_364] : memref<4096xf32, #tpu.memory_space<vmem>>[vector<16xi32>], vector<16xf32>,
      %swap3A_383 = arith.index_cast %add3A_265 : i32 to index
      %swap3A_384 = arith.constant 48 : index
      %swap3A_385 = tpu.vector_load %arg23[%swap3A_383, %swap3A_384] {strides = array<i32>} : memref<128x64xf32, #tpu.memory_space<vmem>>, vector<16xf32>,
      tpu.vector_store %arg23[%swap3A_383, %swap3A_384], %gather3A_382 {strides = array<i32>} : memref<128x64xf32, #tpu.memory_space<vmem>>, vector<16xf32>,
      %mul3A_386 = arith.constant 4 : i32
      %mul3A_387 = arith.muli %scan3A_12, %mul3A_386 : i32
      %add3A_388 = arith.constant 3 : i32
      %add3A_389 = arith.addi %mul3A_387, %add3A_388 : i32
      %swap3A_390 = arith.constant 0 : index
      %swap3A_391 = tpu.vector_load %arg17[%swap3A_390] {strides = array<i32>} : memref<4112xf32, #tpu.memory_space<vmem>>, vector<16xf32>,
      tpu.vector_store %arg17[%swap3A_390], %broadcast_in_dim3A_3 {strides = array<i32>} : memref<4112xf32, #tpu.memory_space<vmem>>, vector<16xf32>,
      %swap3A_392 = arith.constant 0 : index
      %swap3A_393 = tpu.vector_load %arg18[%swap3A_392] {strides = array<i32>} : memref<4112xi32, #tpu.memory_space<vmem>>, vector<16xi32>,
      tpu.vector_store %arg18[%swap3A_392], %broadcast_in_dim3A_5 {strides = array<i32>} : memref<4112xi32, #tpu.memory_space<vmem>>, vector<16xi32>,
      %swap3A_394 = arith.constant 16 : index
      %swap3A_395 = tpu.vector_load %arg17[%swap3A_394] {strides = array<i32>} : memref<4112xf32, #tpu.memory_space<vmem>>, vector<16xf32>,
      tpu.vector_store %arg17[%swap3A_394], %broadcast_in_dim3A_3 {strides = array<i32>} : memref<4112xf32, #tpu.memory_space<vmem>>, vector<16xf32>,
      %swap3A_396 = arith.constant 16 : index
      %swap3A_397 = tpu.vector_load %arg18[%swap3A_396] {strides = array<i32>} : memref<4112xi32, #tpu.memory_space<vmem>>, vector<16xi32>,
      tpu.vector_store %arg18[%swap3A_396], %broadcast_in_dim3A_5 {strides = array<i32>} : memref<4112xi32, #tpu.memory_space<vmem>>, vector<16xi32>,
      %swap3A_398 = arith.constant 32 : index
      %swap3A_399 = tpu.vector_load %arg17[%swap3A_398] {strides = array<i32>} : memref<4112xf32, #tpu.memory_space<vmem>>, vector<16xf32>,
      tpu.vector_store %arg17[%swap3A_398], %broadcast_in_dim3A_3 {strides = array<i32>} : memref<4112xf32, #tpu.memory_space<vmem>>, vector<16xf32>,
      %swap3A_400 = arith.constant 32 : index
      %swap3A_401 = tpu.vector_load %arg18[%swap3A_400] {strides = array<i32>} : memref<4112xi32, #tpu.memory_space<vmem>>, vector<16xi32>,
      tpu.vector_store %arg18[%swap3A_400], %broadcast_in_dim3A_5 {strides = array<i32>} : memref<4112xi32, #tpu.memory_space<vmem>>, vector<16xi32>,
      %swap3A_402 = arith.constant 48 : index
      %swap3A_403 = tpu.vector_load %arg17[%swap3A_402] {strides = array<i32>} : memref<4112xf32, #tpu.memory_space<vmem>>, vector<16xf32>,
      tpu.vector_store %arg17[%swap3A_402], %broadcast_in_dim3A_3 {strides = array<i32>} : memref<4112xf32, #tpu.memory_space<vmem>>, vector<16xf32>,
      %swap3A_404 = arith.constant 48 : index
      %swap3A_405 = tpu.vector_load %arg18[%swap3A_404] {strides = array<i32>} : memref<4112xi32, #tpu.memory_space<vmem>>, vector<16xi32>,
      tpu.vector_store %arg18[%swap3A_404], %broadcast_in_dim3A_5 {strides = array<i32>} : memref<4112xi32, #tpu.memory_space<vmem>>, vector<16xi32>,
      %swap3A_406 = arith.constant 64 : index
      %swap3A_407 = tpu.vector_load %arg17[%swap3A_406] {strides = array<i32>} : memref<4112xf32, #tpu.memory_space<vmem>>, vector<16xf32>,
      tpu.vector_store %arg17[%swap3A_406], %broadcast_in_dim3A_3 {strides = array<i32>} : memref<4112xf32, #tpu.memory_space<vmem>>, vector<16xf32>,
      %swap3A_408 = arith.constant 64 : index
      %swap3A_409 = tpu.vector_load %arg18[%swap3A_408] {strides = array<i32>} : memref<4112xi32, #tpu.memory_space<vmem>>, vector<16xi32>,
      tpu.vector_store %arg18[%swap3A_408], %broadcast_in_dim3A_5 {strides = array<i32>} : memref<4112xi32, #tpu.memory_space<vmem>>, vector<16xi32>,
      %broadcast_in_dim3A_410 = arith.constant 0 : i32
      %broadcast_in_dim3A_411 = vector.broadcast %broadcast_in_dim3A_410 : i32 to vector<16xi32>
      %scan3A_412 = arith.constant 0 : i32
      %scan3A_413 = arith.constant 256 : i32
      %scan3A_414 = arith.addi %scan3A_412, %scan3A_413 : i32
      %scan3A_415 = arith.constant 4 : i32
      %scan3A_416 = scf.for %scan3A_511 = %scan3A_412 to %scan3A_414 step %scan3A_415 iter_args(%scan3A_512 = %broadcast_in_dim3A_411) -> (vector<16xi32>)  : i32 {
        %mul3A_513 = arith.constant 16 : i32
        %mul3A_514 = arith.muli %scan3A_511, %mul3A_513 : i32
        %get3A_515 = arith.constant 3 : i32
        %get3A_516 = arith.index_cast %get3A_515 : i32 to index
        %get3A_517 = arith.index_cast %mul3A_514 : i32 to index
        %get3A_518 = tpu.vector_load %arg16[%get3A_516, %get3A_517] {strides = array<i32>} : memref<4x4096xf32, #tpu.memory_space<vmem>>, vector<16xf32>,
        %lt3A = arith.constant 1.000000e+20 : f32
        %lt3A_519 = vector.broadcast %lt3A : f32 to vector<16xf32>
        %lt3A_520 = arith.cmpf olt, %get3A_518, %lt3A_519 : vector<16xf32>
        %convert_element_type3A = arith.extui %lt3A_520 : vector<16xi1> to vector<16xi32>
        %broadcast_in_dim3A_521 = arith.constant true
        %broadcast_in_dim3A_522 = vector.broadcast %broadcast_in_dim3A_521 : i1 to vector<16xi1>
        %masked_cumsum3A = tpu.scan <sum>, %convert_element_type3A masked %broadcast_in_dim3A_522 : vector<16xi32>, vector<16xi1> -> vector<16xi32>
        %add3A_523 = arith.addi %scan3A_512, %masked_cumsum3A : vector<16xi32>
        %sub3A = arith.constant 1 : i32
        %sub3A_524 = vector.broadcast %sub3A : i32 to vector<16xi32>
        %sub3A_525 = arith.subi %add3A_523, %sub3A_524 : vector<16xi32>
        %mul3A_526 = arith.constant 16 : i32
        %mul3A_527 = arith.muli %scan3A_511, %mul3A_526 : i32
        %add3A_528 = vector.broadcast %mul3A_527 : i32 to vector<16xi32>
        %add3A_529 = arith.addi %add3A_528, %iota3A : vector<16xi32>
        tpu.vector_store_idx %arg17[%sub3A_525], %get3A_518 masked %lt3A_520 : memref<4112xf32, #tpu.memory_space<vmem>>[vector<16xi32>], vector<16xf32>, vector<16xi1>
        tpu.vector_store_idx %arg18[%sub3A_525], %add3A_529 masked %lt3A_520 : memref<4112xi32, #tpu.memory_space<vmem>>[vector<16xi32>], vector<16xi32>, vector<16xi1>
        %all_reduce_population_count3A = tpu.all_reduce %lt3A_520 {dim = 0 : i64, kind = #tpu.reduction_kind<sum>} : vector<16xi1> -> vector<16xi32>
        %add3A_530 = arith.addi %scan3A_512, %all_reduce_population_count3A : vector<16xi32>
        %scan3A_531 = arith.constant 1 : i32
        %scan3A_532 = arith.addi %scan3A_511, %scan3A_531 : i32
        %mul3A_533 = arith.constant 16 : i32
        %mul3A_534 = arith.muli %scan3A_532, %mul3A_533 : i32
        %get3A_535 = arith.constant 3 : i32
        %get3A_536 = arith.index_cast %get3A_535 : i32 to index
        %get3A_537 = arith.index_cast %mul3A_534 : i32 to index
        %get3A_538 = tpu.vector_load %arg16[%get3A_536, %get3A_537] {strides = array<i32>} : memref<4x4096xf32, #tpu.memory_space<vmem>>, vector<16xf32>,
        %lt3A_539 = arith.constant 1.000000e+20 : f32
        %lt3A_540 = vector.broadcast %lt3A_539 : f32 to vector<16xf32>
        %lt3A_541 = arith.cmpf olt, %get3A_538, %lt3A_540 : vector<16xf32>
        %convert_element_type3A_542 = arith.extui %lt3A_541 : vector<16xi1> to vector<16xi32>
        %broadcast_in_dim3A_543 = arith.constant true
        %broadcast_in_dim3A_544 = vector.broadcast %broadcast_in_dim3A_543 : i1 to vector<16xi1>
        %masked_cumsum3A_545 = tpu.scan <sum>, %convert_element_type3A_542 masked %broadcast_in_dim3A_544 : vector<16xi32>, vector<16xi1> -> vector<16xi32>
        %add3A_546 = arith.addi %add3A_530, %masked_cumsum3A_545 : vector<16xi32>
        %sub3A_547 = arith.constant 1 : i32
        %sub3A_548 = vector.broadcast %sub3A_547 : i32 to vector<16xi32>
        %sub3A_549 = arith.subi %add3A_546, %sub3A_548 : vector<16xi32>
        %mul3A_550 = arith.constant 16 : i32
        %mul3A_551 = arith.muli %scan3A_532, %mul3A_550 : i32
        %add3A_552 = vector.broadcast %mul3A_551 : i32 to vector<16xi32>
        %add3A_553 = arith.addi %add3A_552, %iota3A : vector<16xi32>
        tpu.vector_store_idx %arg17[%sub3A_549], %get3A_538 masked %lt3A_541 : memref<4112xf32, #tpu.memory_space<vmem>>[vector<16xi32>], vector<16xf32>, vector<16xi1>
        tpu.vector_store_idx %arg18[%sub3A_549], %add3A_553 masked %lt3A_541 : memref<4112xi32, #tpu.memory_space<vmem>>[vector<16xi32>], vector<16xi32>, vector<16xi1>
        %all_reduce_population_count3A_554 = tpu.all_reduce %lt3A_541 {dim = 0 : i64, kind = #tpu.reduction_kind<sum>} : vector<16xi1> -> vector<16xi32>
        %add3A_555 = arith.addi %add3A_530, %all_reduce_population_count3A_554 : vector<16xi32>
        %scan3A_556 = arith.constant 2 : i32
        %scan3A_557 = arith.addi %scan3A_511, %scan3A_556 : i32
        %mul3A_558 = arith.constant 16 : i32
        %mul3A_559 = arith.muli %scan3A_557, %mul3A_558 : i32
        %get3A_560 = arith.constant 3 : i32
        %get3A_561 = arith.index_cast %get3A_560 : i32 to index
        %get3A_562 = arith.index_cast %mul3A_559 : i32 to index
        %get3A_563 = tpu.vector_load %arg16[%get3A_561, %get3A_562] {strides = array<i32>} : memref<4x4096xf32, #tpu.memory_space<vmem>>, vector<16xf32>,
        %lt3A_564 = arith.constant 1.000000e+20 : f32
        %lt3A_565 = vector.broadcast %lt3A_564 : f32 to vector<16xf32>
        %lt3A_566 = arith.cmpf olt, %get3A_563, %lt3A_565 : vector<16xf32>
        %convert_element_type3A_567 = arith.extui %lt3A_566 : vector<16xi1> to vector<16xi32>
        %broadcast_in_dim3A_568 = arith.constant true
        %broadcast_in_dim3A_569 = vector.broadcast %broadcast_in_dim3A_568 : i1 to vector<16xi1>
        %masked_cumsum3A_570 = tpu.scan <sum>, %convert_element_type3A_567 masked %broadcast_in_dim3A_569 : vector<16xi32>, vector<16xi1> -> vector<16xi32>
        %add3A_571 = arith.addi %add3A_555, %masked_cumsum3A_570 : vector<16xi32>
        %sub3A_572 = arith.constant 1 : i32
        %sub3A_573 = vector.broadcast %sub3A_572 : i32 to vector<16xi32>
        %sub3A_574 = arith.subi %add3A_571, %sub3A_573 : vector<16xi32>
        %mul3A_575 = arith.constant 16 : i32
        %mul3A_576 = arith.muli %scan3A_557, %mul3A_575 : i32
        %add3A_577 = vector.broadcast %mul3A_576 : i32 to vector<16xi32>
        %add3A_578 = arith.addi %add3A_577, %iota3A : vector<16xi32>
        tpu.vector_store_idx %arg17[%sub3A_574], %get3A_563 masked %lt3A_566 : memref<4112xf32, #tpu.memory_space<vmem>>[vector<16xi32>], vector<16xf32>, vector<16xi1>
        tpu.vector_store_idx %arg18[%sub3A_574], %add3A_578 masked %lt3A_566 : memref<4112xi32, #tpu.memory_space<vmem>>[vector<16xi32>], vector<16xi32>, vector<16xi1>
        %all_reduce_population_count3A_579 = tpu.all_reduce %lt3A_566 {dim = 0 : i64, kind = #tpu.reduction_kind<sum>} : vector<16xi1> -> vector<16xi32>
        %add3A_580 = arith.addi %add3A_555, %all_reduce_population_count3A_579 : vector<16xi32>
        %scan3A_581 = arith.constant 3 : i32
        %scan3A_582 = arith.addi %scan3A_511, %scan3A_581 : i32
        %mul3A_583 = arith.constant 16 : i32
        %mul3A_584 = arith.muli %scan3A_582, %mul3A_583 : i32
        %get3A_585 = arith.constant 3 : i32
        %get3A_586 = arith.index_cast %get3A_585 : i32 to index
        %get3A_587 = arith.index_cast %mul3A_584 : i32 to index
        %get3A_588 = tpu.vector_load %arg16[%get3A_586, %get3A_587] {strides = array<i32>} : memref<4x4096xf32, #tpu.memory_space<vmem>>, vector<16xf32>,
        %lt3A_589 = arith.constant 1.000000e+20 : f32
        %lt3A_590 = vector.broadcast %lt3A_589 : f32 to vector<16xf32>
        %lt3A_591 = arith.cmpf olt, %get3A_588, %lt3A_590 : vector<16xf32>
        %convert_element_type3A_592 = arith.extui %lt3A_591 : vector<16xi1> to vector<16xi32>
        %broadcast_in_dim3A_593 = arith.constant true
        %broadcast_in_dim3A_594 = vector.broadcast %broadcast_in_dim3A_593 : i1 to vector<16xi1>
        %masked_cumsum3A_595 = tpu.scan <sum>, %convert_element_type3A_592 masked %broadcast_in_dim3A_594 : vector<16xi32>, vector<16xi1> -> vector<16xi32>
        %add3A_596 = arith.addi %add3A_580, %masked_cumsum3A_595 : vector<16xi32>
        %sub3A_597 = arith.constant 1 : i32
        %sub3A_598 = vector.broadcast %sub3A_597 : i32 to vector<16xi32>
        %sub3A_599 = arith.subi %add3A_596, %sub3A_598 : vector<16xi32>
        %mul3A_600 = arith.constant 16 : i32
        %mul3A_601 = arith.muli %scan3A_582, %mul3A_600 : i32
        %add3A_602 = vector.broadcast %mul3A_601 : i32 to vector<16xi32>
        %add3A_603 = arith.addi %add3A_602, %iota3A : vector<16xi32>
        tpu.vector_store_idx %arg17[%sub3A_599], %get3A_588 masked %lt3A_591 : memref<4112xf32, #tpu.memory_space<vmem>>[vector<16xi32>], vector<16xf32>, vector<16xi1>
        tpu.vector_store_idx %arg18[%sub3A_599], %add3A_603 masked %lt3A_591 : memref<4112xi32, #tpu.memory_space<vmem>>[vector<16xi32>], vector<16xi32>, vector<16xi1>
        %all_reduce_population_count3A_604 = tpu.all_reduce %lt3A_591 {dim = 0 : i64, kind = #tpu.reduction_kind<sum>} : vector<16xi1> -> vector<16xi32>
        %add3A_605 = arith.addi %add3A_580, %all_reduce_population_count3A_604 : vector<16xi32>
        scf.yield %add3A_605 : vector<16xi32>
      }
      %scan3A_417 = arith.constant 256 : i32
      %get3A_418 = arith.constant 0 : index
      %get3A_419 = tpu.vector_load %arg18[%get3A_418] {strides = array<i32>} : memref<4112xi32, #tpu.memory_space<vmem>>, vector<16xi32>,
      %get3A_420 = arith.constant 0 : index
      %get3A_421 = tpu.vector_load %arg17[%get3A_420] {strides = array<i32>} : memref<4112xf32, #tpu.memory_space<vmem>>, vector<16xf32>,
      %swap3A_422 = arith.index_cast %add3A_389 : i32 to index
      %swap3A_423 = arith.constant 0 : index
      %swap3A_424 = tpu.vector_load %arg19[%swap3A_422, %swap3A_423] {strides = array<i32>} : memref<128x64xf32, #tpu.memory_space<vmem>>, vector<16xf32>,
      tpu.vector_store %arg19[%swap3A_422, %swap3A_423], %get3A_421 {strides = array<i32>} : memref<128x64xf32, #tpu.memory_space<vmem>>, vector<16xf32>,
      %gather3A_425 = tpu.vector_load_idx %arg12[%get3A_419] : memref<4096xf32, #tpu.memory_space<vmem>>[vector<16xi32>], vector<16xf32>,
      %swap3A_426 = arith.index_cast %add3A_389 : i32 to index
      %swap3A_427 = arith.constant 0 : index
      %swap3A_428 = tpu.vector_load %arg20[%swap3A_426, %swap3A_427] {strides = array<i32>} : memref<128x64xf32, #tpu.memory_space<vmem>>, vector<16xf32>,
      tpu.vector_store %arg20[%swap3A_426, %swap3A_427], %gather3A_425 {strides = array<i32>} : memref<128x64xf32, #tpu.memory_space<vmem>>, vector<16xf32>,
      %gather3A_429 = tpu.vector_load_idx %arg13[%get3A_419] : memref<4096xf32, #tpu.memory_space<vmem>>[vector<16xi32>], vector<16xf32>,
      %swap3A_430 = arith.index_cast %add3A_389 : i32 to index
      %swap3A_431 = arith.constant 0 : index
      %swap3A_432 = tpu.vector_load %arg21[%swap3A_430, %swap3A_431] {strides = array<i32>} : memref<128x64xf32, #tpu.memory_space<vmem>>, vector<16xf32>,
      tpu.vector_store %arg21[%swap3A_430, %swap3A_431], %gather3A_429 {strides = array<i32>} : memref<128x64xf32, #tpu.memory_space<vmem>>, vector<16xf32>,
      %gather3A_433 = tpu.vector_load_idx %arg14[%get3A_419] : memref<4096xf32, #tpu.memory_space<vmem>>[vector<16xi32>], vector<16xf32>,
      %swap3A_434 = arith.index_cast %add3A_389 : i32 to index
      %swap3A_435 = arith.constant 0 : index
      %swap3A_436 = tpu.vector_load %arg22[%swap3A_434, %swap3A_435] {strides = array<i32>} : memref<128x64xf32, #tpu.memory_space<vmem>>, vector<16xf32>,
      tpu.vector_store %arg22[%swap3A_434, %swap3A_435], %gather3A_433 {strides = array<i32>} : memref<128x64xf32, #tpu.memory_space<vmem>>, vector<16xf32>,
      %gather3A_437 = tpu.vector_load_idx %arg15[%get3A_419] : memref<4096xf32, #tpu.memory_space<vmem>>[vector<16xi32>], vector<16xf32>,
      %swap3A_438 = arith.index_cast %add3A_389 : i32 to index
      %swap3A_439 = arith.constant 0 : index
      %swap3A_440 = tpu.vector_load %arg23[%swap3A_438, %swap3A_439] {strides = array<i32>} : memref<128x64xf32, #tpu.memory_space<vmem>>, vector<16xf32>,
      tpu.vector_store %arg23[%swap3A_438, %swap3A_439], %gather3A_437 {strides = array<i32>} : memref<128x64xf32, #tpu.memory_space<vmem>>, vector<16xf32>,
      %get3A_441 = arith.constant 16 : index
      %get3A_442 = tpu.vector_load %arg18[%get3A_441] {strides = array<i32>} : memref<4112xi32, #tpu.memory_space<vmem>>, vector<16xi32>,
      %get3A_443 = arith.constant 16 : index
      %get3A_444 = tpu.vector_load %arg17[%get3A_443] {strides = array<i32>} : memref<4112xf32, #tpu.memory_space<vmem>>, vector<16xf32>,
      %swap3A_445 = arith.index_cast %add3A_389 : i32 to index
      %swap3A_446 = arith.constant 16 : index
      %swap3A_447 = tpu.vector_load %arg19[%swap3A_445, %swap3A_446] {strides = array<i32>} : memref<128x64xf32, #tpu.memory_space<vmem>>, vector<16xf32>,
      tpu.vector_store %arg19[%swap3A_445, %swap3A_446], %get3A_444 {strides = array<i32>} : memref<128x64xf32, #tpu.memory_space<vmem>>, vector<16xf32>,
      %gather3A_448 = tpu.vector_load_idx %arg12[%get3A_442] : memref<4096xf32, #tpu.memory_space<vmem>>[vector<16xi32>], vector<16xf32>,
      %swap3A_449 = arith.index_cast %add3A_389 : i32 to index
      %swap3A_450 = arith.constant 16 : index
      %swap3A_451 = tpu.vector_load %arg20[%swap3A_449, %swap3A_450] {strides = array<i32>} : memref<128x64xf32, #tpu.memory_space<vmem>>, vector<16xf32>,
      tpu.vector_store %arg20[%swap3A_449, %swap3A_450], %gather3A_448 {strides = array<i32>} : memref<128x64xf32, #tpu.memory_space<vmem>>, vector<16xf32>,
      %gather3A_452 = tpu.vector_load_idx %arg13[%get3A_442] : memref<4096xf32, #tpu.memory_space<vmem>>[vector<16xi32>], vector<16xf32>,
      %swap3A_453 = arith.index_cast %add3A_389 : i32 to index
      %swap3A_454 = arith.constant 16 : index
      %swap3A_455 = tpu.vector_load %arg21[%swap3A_453, %swap3A_454] {strides = array<i32>} : memref<128x64xf32, #tpu.memory_space<vmem>>, vector<16xf32>,
      tpu.vector_store %arg21[%swap3A_453, %swap3A_454], %gather3A_452 {strides = array<i32>} : memref<128x64xf32, #tpu.memory_space<vmem>>, vector<16xf32>,
      %gather3A_456 = tpu.vector_load_idx %arg14[%get3A_442] : memref<4096xf32, #tpu.memory_space<vmem>>[vector<16xi32>], vector<16xf32>,
      %swap3A_457 = arith.index_cast %add3A_389 : i32 to index
      %swap3A_458 = arith.constant 16 : index
      %swap3A_459 = tpu.vector_load %arg22[%swap3A_457, %swap3A_458] {strides = array<i32>} : memref<128x64xf32, #tpu.memory_space<vmem>>, vector<16xf32>,
      tpu.vector_store %arg22[%swap3A_457, %swap3A_458], %gather3A_456 {strides = array<i32>} : memref<128x64xf32, #tpu.memory_space<vmem>>, vector<16xf32>,
      %gather3A_460 = tpu.vector_load_idx %arg15[%get3A_442] : memref<4096xf32, #tpu.memory_space<vmem>>[vector<16xi32>], vector<16xf32>,
      %swap3A_461 = arith.index_cast %add3A_389 : i32 to index
      %swap3A_462 = arith.constant 16 : index
      %swap3A_463 = tpu.vector_load %arg23[%swap3A_461, %swap3A_462] {strides = array<i32>} : memref<128x64xf32, #tpu.memory_space<vmem>>, vector<16xf32>,
      tpu.vector_store %arg23[%swap3A_461, %swap3A_462], %gather3A_460 {strides = array<i32>} : memref<128x64xf32, #tpu.memory_space<vmem>>, vector<16xf32>,
      %get3A_464 = arith.constant 32 : index
      %get3A_465 = tpu.vector_load %arg18[%get3A_464] {strides = array<i32>} : memref<4112xi32, #tpu.memory_space<vmem>>, vector<16xi32>,
      %get3A_466 = arith.constant 32 : index
      %get3A_467 = tpu.vector_load %arg17[%get3A_466] {strides = array<i32>} : memref<4112xf32, #tpu.memory_space<vmem>>, vector<16xf32>,
      %swap3A_468 = arith.index_cast %add3A_389 : i32 to index
      %swap3A_469 = arith.constant 32 : index
      %swap3A_470 = tpu.vector_load %arg19[%swap3A_468, %swap3A_469] {strides = array<i32>} : memref<128x64xf32, #tpu.memory_space<vmem>>, vector<16xf32>,
      tpu.vector_store %arg19[%swap3A_468, %swap3A_469], %get3A_467 {strides = array<i32>} : memref<128x64xf32, #tpu.memory_space<vmem>>, vector<16xf32>,
      %gather3A_471 = tpu.vector_load_idx %arg12[%get3A_465] : memref<4096xf32, #tpu.memory_space<vmem>>[vector<16xi32>], vector<16xf32>,
      %swap3A_472 = arith.index_cast %add3A_389 : i32 to index
      %swap3A_473 = arith.constant 32 : index
      %swap3A_474 = tpu.vector_load %arg20[%swap3A_472, %swap3A_473] {strides = array<i32>} : memref<128x64xf32, #tpu.memory_space<vmem>>, vector<16xf32>,
      tpu.vector_store %arg20[%swap3A_472, %swap3A_473], %gather3A_471 {strides = array<i32>} : memref<128x64xf32, #tpu.memory_space<vmem>>, vector<16xf32>,
      %gather3A_475 = tpu.vector_load_idx %arg13[%get3A_465] : memref<4096xf32, #tpu.memory_space<vmem>>[vector<16xi32>], vector<16xf32>,
      %swap3A_476 = arith.index_cast %add3A_389 : i32 to index
      %swap3A_477 = arith.constant 32 : index
      %swap3A_478 = tpu.vector_load %arg21[%swap3A_476, %swap3A_477] {strides = array<i32>} : memref<128x64xf32, #tpu.memory_space<vmem>>, vector<16xf32>,
      tpu.vector_store %arg21[%swap3A_476, %swap3A_477], %gather3A_475 {strides = array<i32>} : memref<128x64xf32, #tpu.memory_space<vmem>>, vector<16xf32>,
      %gather3A_479 = tpu.vector_load_idx %arg14[%get3A_465] : memref<4096xf32, #tpu.memory_space<vmem>>[vector<16xi32>], vector<16xf32>,
      %swap3A_480 = arith.index_cast %add3A_389 : i32 to index
      %swap3A_481 = arith.constant 32 : index
      %swap3A_482 = tpu.vector_load %arg22[%swap3A_480, %swap3A_481] {strides = array<i32>} : memref<128x64xf32, #tpu.memory_space<vmem>>, vector<16xf32>,
      tpu.vector_store %arg22[%swap3A_480, %swap3A_481], %gather3A_479 {strides = array<i32>} : memref<128x64xf32, #tpu.memory_space<vmem>>, vector<16xf32>,
      %gather3A_483 = tpu.vector_load_idx %arg15[%get3A_465] : memref<4096xf32, #tpu.memory_space<vmem>>[vector<16xi32>], vector<16xf32>,
      %swap3A_484 = arith.index_cast %add3A_389 : i32 to index
      %swap3A_485 = arith.constant 32 : index
      %swap3A_486 = tpu.vector_load %arg23[%swap3A_484, %swap3A_485] {strides = array<i32>} : memref<128x64xf32, #tpu.memory_space<vmem>>, vector<16xf32>,
      tpu.vector_store %arg23[%swap3A_484, %swap3A_485], %gather3A_483 {strides = array<i32>} : memref<128x64xf32, #tpu.memory_space<vmem>>, vector<16xf32>,
      %get3A_487 = arith.constant 48 : index
      %get3A_488 = tpu.vector_load %arg18[%get3A_487] {strides = array<i32>} : memref<4112xi32, #tpu.memory_space<vmem>>, vector<16xi32>,
      %get3A_489 = arith.constant 48 : index
      %get3A_490 = tpu.vector_load %arg17[%get3A_489] {strides = array<i32>} : memref<4112xf32, #tpu.memory_space<vmem>>, vector<16xf32>,
      %swap3A_491 = arith.index_cast %add3A_389 : i32 to index
      %swap3A_492 = arith.constant 48 : index
      %swap3A_493 = tpu.vector_load %arg19[%swap3A_491, %swap3A_492] {strides = array<i32>} : memref<128x64xf32, #tpu.memory_space<vmem>>, vector<16xf32>,
      tpu.vector_store %arg19[%swap3A_491, %swap3A_492], %get3A_490 {strides = array<i32>} : memref<128x64xf32, #tpu.memory_space<vmem>>, vector<16xf32>,
      %gather3A_494 = tpu.vector_load_idx %arg12[%get3A_488] : memref<4096xf32, #tpu.memory_space<vmem>>[vector<16xi32>], vector<16xf32>,
      %swap3A_495 = arith.index_cast %add3A_389 : i32 to index
      %swap3A_496 = arith.constant 48 : index
      %swap3A_497 = tpu.vector_load %arg20[%swap3A_495, %swap3A_496] {strides = array<i32>} : memref<128x64xf32, #tpu.memory_space<vmem>>, vector<16xf32>,
      tpu.vector_store %arg20[%swap3A_495, %swap3A_496], %gather3A_494 {strides = array<i32>} : memref<128x64xf32, #tpu.memory_space<vmem>>, vector<16xf32>,
      %gather3A_498 = tpu.vector_load_idx %arg13[%get3A_488] : memref<4096xf32, #tpu.memory_space<vmem>>[vector<16xi32>], vector<16xf32>,
      %swap3A_499 = arith.index_cast %add3A_389 : i32 to index
      %swap3A_500 = arith.constant 48 : index
      %swap3A_501 = tpu.vector_load %arg21[%swap3A_499, %swap3A_500] {strides = array<i32>} : memref<128x64xf32, #tpu.memory_space<vmem>>, vector<16xf32>,
      tpu.vector_store %arg21[%swap3A_499, %swap3A_500], %gather3A_498 {strides = array<i32>} : memref<128x64xf32, #tpu.memory_space<vmem>>, vector<16xf32>,
      %gather3A_502 = tpu.vector_load_idx %arg14[%get3A_488] : memref<4096xf32, #tpu.memory_space<vmem>>[vector<16xi32>], vector<16xf32>,
      %swap3A_503 = arith.index_cast %add3A_389 : i32 to index
      %swap3A_504 = arith.constant 48 : index
      %swap3A_505 = tpu.vector_load %arg22[%swap3A_503, %swap3A_504] {strides = array<i32>} : memref<128x64xf32, #tpu.memory_space<vmem>>, vector<16xf32>,
      tpu.vector_store %arg22[%swap3A_503, %swap3A_504], %gather3A_502 {strides = array<i32>} : memref<128x64xf32, #tpu.memory_space<vmem>>, vector<16xf32>,
      %gather3A_506 = tpu.vector_load_idx %arg15[%get3A_488] : memref<4096xf32, #tpu.memory_space<vmem>>[vector<16xi32>], vector<16xf32>,
      %swap3A_507 = arith.index_cast %add3A_389 : i32 to index
      %swap3A_508 = arith.constant 48 : index
      %swap3A_509 = tpu.vector_load %arg23[%swap3A_507, %swap3A_508] {strides = array<i32>} : memref<128x64xf32, #tpu.memory_space<vmem>>, vector<16xf32>,
      tpu.vector_store %arg23[%swap3A_507, %swap3A_508], %gather3A_506 {strides = array<i32>} : memref<128x64xf32, #tpu.memory_space<vmem>>, vector<16xf32>,
      %scan3A_510 = arith.constant 0 : i32
      scf.yield %scan3A_510 : i32
    }
    %scan3A_11 = arith.constant 32 : i32
    "tpu.region"() ({
      %run_scoped3A = tpu.sem_alloc : memref<!tpu.dma_semaphore, #tpu.memory_space<semaphore_mem>>
      %dma_start3A = arith.constant 0 : i32
      %dma_start3A_12 = tpu.memref_slice %arg7[%mul3A_2, %dma_start3A] : memref<4096x64xf32, #tpu.memory_space<hbm>> -> memref<128x64xf32, #tpu.memory_space<hbm>>
      %dma_start3A_13 = arith.constant 0 : i32
      %dma_start3A_14 = tpu.memref_slice %arg7[%mul3A_2, %dma_start3A_13] : memref<4096x64xf32, #tpu.memory_space<hbm>> -> memref<128x64xf32, #tpu.memory_space<hbm>>
      tpu.enqueue_dma source(%arg19 : memref<128x64xf32, #tpu.memory_space<vmem>>) target(%dma_start3A_14 : memref<128x64xf32, #tpu.memory_space<hbm>>) target_semaphore(%run_scoped3A : memref<!tpu.dma_semaphore, #tpu.memory_space<semaphore_mem>>)
      %dma_wait3A = arith.constant 0 : i32
      %dma_wait3A_15 = tpu.memref_slice %arg7[%mul3A_2, %dma_wait3A] : memref<4096x64xf32, #tpu.memory_space<hbm>> -> memref<128x64xf32, #tpu.memory_space<hbm>>
      %dma_wait3A_16 = arith.constant 0 : i32
      %dma_wait3A_17 = tpu.memref_slice %arg7[%mul3A_2, %dma_wait3A_16] : memref<4096x64xf32, #tpu.memory_space<hbm>> -> memref<128x64xf32, #tpu.memory_space<hbm>>
      tpu.wait_dma2 semaphore(%run_scoped3A : memref<!tpu.dma_semaphore, #tpu.memory_space<semaphore_mem>>) src(%arg19 : memref<128x64xf32, #tpu.memory_space<vmem>>) dst(%dma_wait3A_17 : memref<128x64xf32, #tpu.memory_space<hbm>>)
      tpu.yield
    }) : () -> ()
    "tpu.region"() ({
      %run_scoped3A = tpu.sem_alloc : memref<!tpu.dma_semaphore, #tpu.memory_space<semaphore_mem>>
      %dma_start3A = arith.constant 0 : i32
      %dma_start3A_12 = tpu.memref_slice %arg8[%mul3A_2, %dma_start3A] : memref<4096x64xf32, #tpu.memory_space<hbm>> -> memref<128x64xf32, #tpu.memory_space<hbm>>
      %dma_start3A_13 = arith.constant 0 : i32
      %dma_start3A_14 = tpu.memref_slice %arg8[%mul3A_2, %dma_start3A_13] : memref<4096x64xf32, #tpu.memory_space<hbm>> -> memref<128x64xf32, #tpu.memory_space<hbm>>
      tpu.enqueue_dma source(%arg20 : memref<128x64xf32, #tpu.memory_space<vmem>>) target(%dma_start3A_14 : memref<128x64xf32, #tpu.memory_space<hbm>>) target_semaphore(%run_scoped3A : memref<!tpu.dma_semaphore, #tpu.memory_space<semaphore_mem>>)
      %dma_wait3A = arith.constant 0 : i32
      %dma_wait3A_15 = tpu.memref_slice %arg8[%mul3A_2, %dma_wait3A] : memref<4096x64xf32, #tpu.memory_space<hbm>> -> memref<128x64xf32, #tpu.memory_space<hbm>>
      %dma_wait3A_16 = arith.constant 0 : i32
      %dma_wait3A_17 = tpu.memref_slice %arg8[%mul3A_2, %dma_wait3A_16] : memref<4096x64xf32, #tpu.memory_space<hbm>> -> memref<128x64xf32, #tpu.memory_space<hbm>>
      tpu.wait_dma2 semaphore(%run_scoped3A : memref<!tpu.dma_semaphore, #tpu.memory_space<semaphore_mem>>) src(%arg20 : memref<128x64xf32, #tpu.memory_space<vmem>>) dst(%dma_wait3A_17 : memref<128x64xf32, #tpu.memory_space<hbm>>)
      tpu.yield
    }) : () -> ()
    "tpu.region"() ({
      %run_scoped3A = tpu.sem_alloc : memref<!tpu.dma_semaphore, #tpu.memory_space<semaphore_mem>>
      %dma_start3A = arith.constant 0 : i32
      %dma_start3A_12 = tpu.memref_slice %arg9[%mul3A_2, %dma_start3A] : memref<4096x64xf32, #tpu.memory_space<hbm>> -> memref<128x64xf32, #tpu.memory_space<hbm>>
      %dma_start3A_13 = arith.constant 0 : i32
      %dma_start3A_14 = tpu.memref_slice %arg9[%mul3A_2, %dma_start3A_13] : memref<4096x64xf32, #tpu.memory_space<hbm>> -> memref<128x64xf32, #tpu.memory_space<hbm>>
      tpu.enqueue_dma source(%arg21 : memref<128x64xf32, #tpu.memory_space<vmem>>) target(%dma_start3A_14 : memref<128x64xf32, #tpu.memory_space<hbm>>) target_semaphore(%run_scoped3A : memref<!tpu.dma_semaphore, #tpu.memory_space<semaphore_mem>>)
      %dma_wait3A = arith.constant 0 : i32
      %dma_wait3A_15 = tpu.memref_slice %arg9[%mul3A_2, %dma_wait3A] : memref<4096x64xf32, #tpu.memory_space<hbm>> -> memref<128x64xf32, #tpu.memory_space<hbm>>
      %dma_wait3A_16 = arith.constant 0 : i32
      %dma_wait3A_17 = tpu.memref_slice %arg9[%mul3A_2, %dma_wait3A_16] : memref<4096x64xf32, #tpu.memory_space<hbm>> -> memref<128x64xf32, #tpu.memory_space<hbm>>
      tpu.wait_dma2 semaphore(%run_scoped3A : memref<!tpu.dma_semaphore, #tpu.memory_space<semaphore_mem>>) src(%arg21 : memref<128x64xf32, #tpu.memory_space<vmem>>) dst(%dma_wait3A_17 : memref<128x64xf32, #tpu.memory_space<hbm>>)
      tpu.yield
    }) : () -> ()
    "tpu.region"() ({
      %run_scoped3A = tpu.sem_alloc : memref<!tpu.dma_semaphore, #tpu.memory_space<semaphore_mem>>
      %dma_start3A = arith.constant 0 : i32
      %dma_start3A_12 = tpu.memref_slice %arg10[%mul3A_2, %dma_start3A] : memref<4096x64xf32, #tpu.memory_space<hbm>> -> memref<128x64xf32, #tpu.memory_space<hbm>>
      %dma_start3A_13 = arith.constant 0 : i32
      %dma_start3A_14 = tpu.memref_slice %arg10[%mul3A_2, %dma_start3A_13] : memref<4096x64xf32, #tpu.memory_space<hbm>> -> memref<128x64xf32, #tpu.memory_space<hbm>>
      tpu.enqueue_dma source(%arg22 : memref<128x64xf32, #tpu.memory_space<vmem>>) target(%dma_start3A_14 : memref<128x64xf32, #tpu.memory_space<hbm>>) target_semaphore(%run_scoped3A : memref<!tpu.dma_semaphore, #tpu.memory_space<semaphore_mem>>)
      %dma_wait3A = arith.constant 0 : i32
      %dma_wait3A_15 = tpu.memref_slice %arg10[%mul3A_2, %dma_wait3A] : memref<4096x64xf32, #tpu.memory_space<hbm>> -> memref<128x64xf32, #tpu.memory_space<hbm>>
      %dma_wait3A_16 = arith.constant 0 : i32
      %dma_wait3A_17 = tpu.memref_slice %arg10[%mul3A_2, %dma_wait3A_16] : memref<4096x64xf32, #tpu.memory_space<hbm>> -> memref<128x64xf32, #tpu.memory_space<hbm>>
      tpu.wait_dma2 semaphore(%run_scoped3A : memref<!tpu.dma_semaphore, #tpu.memory_space<semaphore_mem>>) src(%arg22 : memref<128x64xf32, #tpu.memory_space<vmem>>) dst(%dma_wait3A_17 : memref<128x64xf32, #tpu.memory_space<hbm>>)
      tpu.yield
    }) : () -> ()
    "tpu.region"() ({
      %run_scoped3A = tpu.sem_alloc : memref<!tpu.dma_semaphore, #tpu.memory_space<semaphore_mem>>
      %dma_start3A = arith.constant 0 : i32
      %dma_start3A_12 = tpu.memref_slice %arg11[%mul3A_2, %dma_start3A] : memref<4096x64xf32, #tpu.memory_space<hbm>> -> memref<128x64xf32, #tpu.memory_space<hbm>>
      %dma_start3A_13 = arith.constant 0 : i32
      %dma_start3A_14 = tpu.memref_slice %arg11[%mul3A_2, %dma_start3A_13] : memref<4096x64xf32, #tpu.memory_space<hbm>> -> memref<128x64xf32, #tpu.memory_space<hbm>>
      tpu.enqueue_dma source(%arg23 : memref<128x64xf32, #tpu.memory_space<vmem>>) target(%dma_start3A_14 : memref<128x64xf32, #tpu.memory_space<hbm>>) target_semaphore(%run_scoped3A : memref<!tpu.dma_semaphore, #tpu.memory_space<semaphore_mem>>)
      %dma_wait3A = arith.constant 0 : i32
      %dma_wait3A_15 = tpu.memref_slice %arg11[%mul3A_2, %dma_wait3A] : memref<4096x64xf32, #tpu.memory_space<hbm>> -> memref<128x64xf32, #tpu.memory_space<hbm>>
      %dma_wait3A_16 = arith.constant 0 : i32
      %dma_wait3A_17 = tpu.memref_slice %arg11[%mul3A_2, %dma_wait3A_16] : memref<4096x64xf32, #tpu.memory_space<hbm>> -> memref<128x64xf32, #tpu.memory_space<hbm>>
      tpu.wait_dma2 semaphore(%run_scoped3A : memref<!tpu.dma_semaphore, #tpu.memory_space<semaphore_mem>>) src(%arg23 : memref<128x64xf32, #tpu.memory_space<vmem>>) dst(%dma_wait3A_17 : memref<128x64xf32, #tpu.memory_space<hbm>>)
      tpu.yield
    }) : () -> ()
    return
  }
}

module attributes {stable_mosaic.version = 14 : i64} {
  func.func @_dang_kernel(%arg0: i32, %arg1: i32, %arg2: memref<256x3xf32, #tpu.memory_space<vmem>>, %arg3: memref<3x512xf32, #tpu.memory_space<vmem>>, %arg4: memref<256x512xf32, #tpu.memory_space<vmem>>) attributes {dimension_semantics = [#tpu.dimension_semantics<parallel>, #tpu.dimension_semantics<parallel>], iteration_bounds = array<i64: 16, 8>, scalar_prefetch = 0 : i64, scratch_operands = 0 : i64, tpu.core_type = #tpu.core_type<tc>, window_params = [{transform_indices = @transform_0, window_bounds = array<i64: 256, 3>}, {transform_indices = @transform_1, window_bounds = array<i64: 3, 512>}, {transform_indices = @transform_2, window_bounds = array<i64: 256, 512>}]} {
    %get3A = arith.constant 0 : index
    %get3A_0 = arith.constant 0 : index
    %get3A_1 = vector.load %arg2[%get3A, %get3A_0] : memref<256x3xf32, #tpu.memory_space<vmem>>, vector<256x1xf32>
    %get3A_2 = arith.constant 0 : index
    %get3A_3 = arith.constant 1 : index
    %get3A_4 = vector.load %arg2[%get3A_2, %get3A_3] : memref<256x3xf32, #tpu.memory_space<vmem>>, vector<256x1xf32>
    %get3A_5 = arith.constant 0 : index
    %get3A_6 = arith.constant 2 : index
    %get3A_7 = vector.load %arg2[%get3A_5, %get3A_6] : memref<256x3xf32, #tpu.memory_space<vmem>>, vector<256x1xf32>
    %get3A_8 = arith.constant 0 : index
    %get3A_9 = arith.constant 0 : index
    %get3A_10 = vector.load %arg3[%get3A_8, %get3A_9] : memref<3x512xf32, #tpu.memory_space<vmem>>, vector<1x512xf32>
    %get3A_11 = arith.constant 1 : index
    %get3A_12 = arith.constant 0 : index
    %get3A_13 = vector.load %arg3[%get3A_11, %get3A_12] : memref<3x512xf32, #tpu.memory_space<vmem>>, vector<1x512xf32>
    %get3A_14 = arith.constant 2 : index
    %get3A_15 = arith.constant 0 : index
    %get3A_16 = vector.load %arg3[%get3A_14, %get3A_15] : memref<3x512xf32, #tpu.memory_space<vmem>>, vector<1x512xf32>
    %sub3A = vector.broadcast %get3A_1 : vector<256x1xf32> to vector<256x512xf32>
    %sub3A_17 = vector.broadcast %get3A_10 : vector<1x512xf32> to vector<256x512xf32>
    %sub3A_18 = arith.subf %sub3A, %sub3A_17 : vector<256x512xf32>
    %sub3A_19 = vector.broadcast %get3A_4 : vector<256x1xf32> to vector<256x512xf32>
    %sub3A_20 = vector.broadcast %get3A_13 : vector<1x512xf32> to vector<256x512xf32>
    %sub3A_21 = arith.subf %sub3A_19, %sub3A_20 : vector<256x512xf32>
    %sub3A_22 = vector.broadcast %get3A_7 : vector<256x1xf32> to vector<256x512xf32>
    %sub3A_23 = vector.broadcast %get3A_16 : vector<1x512xf32> to vector<256x512xf32>
    %sub3A_24 = arith.subf %sub3A_22, %sub3A_23 : vector<256x512xf32>
    %mul3A = arith.mulf %sub3A_18, %sub3A_18 : vector<256x512xf32>
    %mul3A_25 = arith.mulf %sub3A_21, %sub3A_21 : vector<256x512xf32>
    %add3A = arith.addf %mul3A, %mul3A_25 : vector<256x512xf32>
    %mul3A_26 = arith.mulf %sub3A_24, %sub3A_24 : vector<256x512xf32>
    %add3A_27 = arith.addf %add3A, %mul3A_26 : vector<256x512xf32>
    %add3A_28 = arith.constant 9.99999996E-13 : f32
    %add3A_29 = vector.broadcast %add3A_28 : f32 to vector<256x512xf32>
    %add3A_30 = arith.addf %add3A_27, %add3A_29 : vector<256x512xf32>
    %le3A = arith.constant 16.0000019 : f32
    %le3A_31 = vector.broadcast %le3A : f32 to vector<256x512xf32>
    %le3A_32 = arith.cmpf ole, %add3A_30, %le3A_31 : vector<256x512xf32>
    %gt3A = arith.constant 0.302500039 : f32
    %gt3A_33 = vector.broadcast %gt3A : f32 to vector<256x512xf32>
    %gt3A_34 = arith.cmpf ogt, %add3A_30, %gt3A_33 : vector<256x512xf32>
    %and3A = arith.andi %le3A_32, %gt3A_34 : vector<256x512xi1>
    %jit3A = arith.constant 1.000000e+30 : f32
    %broadcast_in_dim3A = vector.broadcast %jit3A : f32 to vector<256x512xf32>
    %select_n3A = arith.select %and3A, %add3A_30, %broadcast_in_dim3A : vector<256x512xi1>, vector<256x512xf32>
    %swap3A = arith.constant 0 : index
    %swap3A_35 = arith.constant 0 : index
    %swap3A_36 = vector.load %arg4[%swap3A, %swap3A_35] : memref<256x512xf32, #tpu.memory_space<vmem>>, vector<256x512xf32>
    tpu.vector_store %arg4[%swap3A, %swap3A_35], %select_n3A {strides = array<i32>} : memref<256x512xf32, #tpu.memory_space<vmem>>, vector<256x512xf32>,
    return
  }
  func.func @transform_0(%arg0: i32, %arg1: i32) -> (i32, i32) {
    %c0_i32 = arith.constant 0 : i32
    %c0_i32_0 = arith.constant 0 : i32
    return %arg0, %c0_i32 : i32, i32
  }
  func.func @transform_1(%arg0: i32, %arg1: i32) -> (i32, i32) {
    %c0_i32 = arith.constant 0 : i32
    %c0_i32_0 = arith.constant 0 : i32
    return %c0_i32, %arg1 : i32, i32
  }
  func.func @transform_2(%arg0: i32, %arg1: i32) -> (i32, i32) {
    %c0_i32 = arith.constant 0 : i32
    return %arg0, %arg1 : i32, i32
  }
}

module attributes {stable_mosaic.version = 14 : i64} {
  func.func @_rad_kernel(%arg0: i32, %arg1: i32, %arg2: memref<256x3xf32, #tpu.memory_space<vmem>>, %arg3: memref<3x512xf32, #tpu.memory_space<vmem>>, %arg4: memref<1x512xf32, #tpu.memory_space<vmem>>, %arg5: memref<256x17xf32, #tpu.memory_space<vmem>>, %arg6: memref<256x17xf32, #tpu.memory_space<vmem>>) attributes {dimension_semantics = [#tpu.dimension_semantics<parallel>, #tpu.dimension_semantics<arbitrary>], iteration_bounds = array<i64: 16, 8>, scalar_prefetch = 0 : i64, scratch_operands = 0 : i64, tpu.core_type = #tpu.core_type<tc>, window_params = [{transform_indices = @transform_0, window_bounds = array<i64: 256, 3>}, {transform_indices = @transform_1, window_bounds = array<i64: 3, 512>}, {transform_indices = @transform_2, window_bounds = array<i64: 1, 512>}, {transform_indices = @transform_3, window_bounds = array<i64: 256, 17>}, {transform_indices = @transform_4, window_bounds = array<i64: 256, 17>}]} {
    %get3A = arith.constant 0 : index
    %get3A_0 = arith.constant 0 : index
    %get3A_1 = vector.load %arg2[%get3A, %get3A_0] : memref<256x3xf32, #tpu.memory_space<vmem>>, vector<256x1xf32>
    %get3A_2 = arith.constant 0 : index
    %get3A_3 = arith.constant 1 : index
    %get3A_4 = vector.load %arg2[%get3A_2, %get3A_3] : memref<256x3xf32, #tpu.memory_space<vmem>>, vector<256x1xf32>
    %get3A_5 = arith.constant 0 : index
    %get3A_6 = arith.constant 2 : index
    %get3A_7 = vector.load %arg2[%get3A_5, %get3A_6] : memref<256x3xf32, #tpu.memory_space<vmem>>, vector<256x1xf32>
    %get3A_8 = arith.constant 0 : index
    %get3A_9 = arith.constant 0 : index
    %get3A_10 = vector.load %arg3[%get3A_8, %get3A_9] : memref<3x512xf32, #tpu.memory_space<vmem>>, vector<1x512xf32>
    %get3A_11 = arith.constant 1 : index
    %get3A_12 = arith.constant 0 : index
    %get3A_13 = vector.load %arg3[%get3A_11, %get3A_12] : memref<3x512xf32, #tpu.memory_space<vmem>>, vector<1x512xf32>
    %get3A_14 = arith.constant 2 : index
    %get3A_15 = arith.constant 0 : index
    %get3A_16 = vector.load %arg3[%get3A_14, %get3A_15] : memref<3x512xf32, #tpu.memory_space<vmem>>, vector<1x512xf32>
    %sub3A = vector.broadcast %get3A_1 : vector<256x1xf32> to vector<256x512xf32>
    %sub3A_17 = vector.broadcast %get3A_10 : vector<1x512xf32> to vector<256x512xf32>
    %sub3A_18 = arith.subf %sub3A, %sub3A_17 : vector<256x512xf32>
    %sub3A_19 = vector.broadcast %get3A_4 : vector<256x1xf32> to vector<256x512xf32>
    %sub3A_20 = vector.broadcast %get3A_13 : vector<1x512xf32> to vector<256x512xf32>
    %sub3A_21 = arith.subf %sub3A_19, %sub3A_20 : vector<256x512xf32>
    %sub3A_22 = vector.broadcast %get3A_7 : vector<256x1xf32> to vector<256x512xf32>
    %sub3A_23 = vector.broadcast %get3A_16 : vector<1x512xf32> to vector<256x512xf32>
    %sub3A_24 = arith.subf %sub3A_22, %sub3A_23 : vector<256x512xf32>
    %mul3A = arith.mulf %sub3A_18, %sub3A_18 : vector<256x512xf32>
    %mul3A_25 = arith.mulf %sub3A_21, %sub3A_21 : vector<256x512xf32>
    %add3A = arith.addf %mul3A, %mul3A_25 : vector<256x512xf32>
    %mul3A_26 = arith.mulf %sub3A_24, %sub3A_24 : vector<256x512xf32>
    %add3A_27 = arith.addf %add3A, %mul3A_26 : vector<256x512xf32>
    %add3A_28 = arith.constant 9.99999996E-13 : f32
    %add3A_29 = vector.broadcast %add3A_28 : f32 to vector<256x512xf32>
    %add3A_30 = arith.addf %add3A_27, %add3A_29 : vector<256x512xf32>
    %sqrt3A = math.sqrt %add3A_30 : vector<256x512xf32>
    %le3A = arith.constant 6.000000e+00 : f32
    %le3A_31 = vector.broadcast %le3A : f32 to vector<256x512xf32>
    %le3A_32 = arith.cmpf ole, %sqrt3A, %le3A_31 : vector<256x512xf32>
    %gt3A = arith.constant 5.500000e-01 : f32
    %gt3A_33 = vector.broadcast %gt3A : f32 to vector<256x512xf32>
    %gt3A_34 = arith.cmpf ogt, %sqrt3A, %gt3A_33 : vector<256x512xf32>
    %and3A = arith.andi %le3A_32, %gt3A_34 : vector<256x512xi1>
    %mul3A_35 = arith.constant 0.52359879 : f32
    %mul3A_36 = vector.broadcast %mul3A_35 : f32 to vector<256x512xf32>
    %mul3A_37 = arith.mulf %mul3A_36, %sqrt3A : vector<256x512xf32>
    %cos3A = math.cos %mul3A_37 : vector<256x512xf32>
    %add3A_38 = arith.constant 1.000000e+00 : f32
    %add3A_39 = vector.broadcast %add3A_38 : f32 to vector<256x512xf32>
    %add3A_40 = arith.addf %cos3A, %add3A_39 : vector<256x512xf32>
    %mul3A_41 = arith.constant 5.000000e-01 : f32
    %mul3A_42 = vector.broadcast %mul3A_41 : f32 to vector<256x512xf32>
    %mul3A_43 = arith.mulf %mul3A_42, %add3A_40 : vector<256x512xf32>
    %jit3A = arith.constant 0.000000e+00 : f32
    %broadcast_in_dim3A = vector.broadcast %jit3A : f32 to vector<256x512xf32>
    %select_n3A = arith.select %and3A, %mul3A_43, %broadcast_in_dim3A : vector<256x512xi1>, vector<256x512xf32>
    %get3A_44 = arith.constant 0 : index
    %get3A_45 = arith.constant 0 : index
    %get3A_46 = vector.load %arg4[%get3A_44, %get3A_45] : memref<1x512xf32, #tpu.memory_space<vmem>>, vector<1x512xf32>
    %mul3A_47 = vector.broadcast %get3A_46 : vector<1x512xf32> to vector<256x512xf32>
    %mul3A_48 = arith.mulf %select_n3A, %mul3A_47 : vector<256x512xf32>
    %sub3A_49 = arith.constant 5.500000e-01 : f32
    %sub3A_50 = vector.broadcast %sub3A_49 : f32 to vector<256x512xf32>
    %sub3A_51 = arith.subf %sqrt3A, %sub3A_50 : vector<256x512xf32>
    %mul3A_52 = arith.constant 2.000000e+00 : f32
    %mul3A_53 = vector.broadcast %mul3A_52 : f32 to vector<256x512xf32>
    %mul3A_54 = arith.mulf %mul3A_53, %sub3A_51 : vector<256x512xf32>
    %div3A = arith.constant 5.450000e+00 : f32
    %div3A_55 = vector.broadcast %div3A : f32 to vector<256x512xf32>
    %div3A_56 = arith.divf %mul3A_54, %div3A_55 : vector<256x512xf32>
    %sub3A_57 = arith.constant 1.000000e+00 : f32
    %sub3A_58 = vector.broadcast %sub3A_57 : f32 to vector<256x512xf32>
    %sub3A_59 = arith.subf %div3A_56, %sub3A_58 : vector<256x512xf32>
    %jit3A_60 = arith.constant 0.000000e+00 : f32
    %broadcast_in_dim3A_61 = vector.broadcast %jit3A_60 : f32 to vector<256x512xf32>
    %select_n3A_62 = arith.select %and3A, %sub3A_59, %broadcast_in_dim3A_61 : vector<256x512xi1>, vector<256x512xf32>
    %reduce_sum3A = arith.constant dense<0.000000e+00> : vector<256xf32>
    %reduce_sum3A_63 = vector.multi_reduction <add>, %select_n3A, %reduce_sum3A [1] : vector<256x512xf32> to vector<256xf32>
    %broadcast_in_dim3A_64 = vector.shape_cast %reduce_sum3A_63 : vector<256xf32> to vector<256x1xf32>
    %mul3A_65 = arith.mulf %select_n3A, %select_n3A_62 : vector<256x512xf32>
    %reduce_sum3A_66 = arith.constant dense<0.000000e+00> : vector<256xf32>
    %reduce_sum3A_67 = vector.multi_reduction <add>, %mul3A_65, %reduce_sum3A_66 [1] : vector<256x512xf32> to vector<256xf32>
    %broadcast_in_dim3A_68 = vector.shape_cast %reduce_sum3A_67 : vector<256xf32> to vector<256x1xf32>
    %reduce_sum3A_69 = arith.constant dense<0.000000e+00> : vector<256xf32>
    %reduce_sum3A_70 = vector.multi_reduction <add>, %mul3A_48, %reduce_sum3A_69 [1] : vector<256x512xf32> to vector<256xf32>
    %broadcast_in_dim3A_71 = vector.shape_cast %reduce_sum3A_70 : vector<256xf32> to vector<256x1xf32>
    %mul3A_72 = arith.mulf %mul3A_48, %select_n3A_62 : vector<256x512xf32>
    %reduce_sum3A_73 = arith.constant dense<0.000000e+00> : vector<256xf32>
    %reduce_sum3A_74 = vector.multi_reduction <add>, %mul3A_72, %reduce_sum3A_73 [1] : vector<256x512xf32> to vector<256xf32>
    %broadcast_in_dim3A_75 = vector.shape_cast %reduce_sum3A_74 : vector<256xf32> to vector<256x1xf32>
    %broadcast_in_dim3A_76 = arith.constant 1.000000e+00 : f32
    %broadcast_in_dim3A_77 = vector.broadcast %broadcast_in_dim3A_76 : f32 to vector<256x512xf32>
    %mul3A_78 = arith.constant 2.000000e+00 : f32
    %mul3A_79 = vector.broadcast %mul3A_78 : f32 to vector<256x512xf32>
    %mul3A_80 = arith.mulf %mul3A_79, %select_n3A_62 : vector<256x512xf32>
    %mul3A_81 = arith.mulf %mul3A_80, %select_n3A_62 : vector<256x512xf32>
    %sub3A_82 = arith.subf %mul3A_81, %broadcast_in_dim3A_77 : vector<256x512xf32>
    %mul3A_83 = arith.mulf %select_n3A, %sub3A_82 : vector<256x512xf32>
    %reduce_sum3A_84 = arith.constant dense<0.000000e+00> : vector<256xf32>
    %reduce_sum3A_85 = vector.multi_reduction <add>, %mul3A_83, %reduce_sum3A_84 [1] : vector<256x512xf32> to vector<256xf32>
    %broadcast_in_dim3A_86 = vector.shape_cast %reduce_sum3A_85 : vector<256xf32> to vector<256x1xf32>
    %mul3A_87 = arith.mulf %mul3A_48, %sub3A_82 : vector<256x512xf32>
    %reduce_sum3A_88 = arith.constant dense<0.000000e+00> : vector<256xf32>
    %reduce_sum3A_89 = vector.multi_reduction <add>, %mul3A_87, %reduce_sum3A_88 [1] : vector<256x512xf32> to vector<256xf32>
    %broadcast_in_dim3A_90 = vector.shape_cast %reduce_sum3A_89 : vector<256xf32> to vector<256x1xf32>
    %mul3A_91 = arith.constant 2.000000e+00 : f32
    %mul3A_92 = vector.broadcast %mul3A_91 : f32 to vector<256x512xf32>
    %mul3A_93 = arith.mulf %mul3A_92, %select_n3A_62 : vector<256x512xf32>
    %mul3A_94 = arith.mulf %mul3A_93, %sub3A_82 : vector<256x512xf32>
    %sub3A_95 = arith.subf %mul3A_94, %select_n3A_62 : vector<256x512xf32>
    %mul3A_96 = arith.mulf %select_n3A, %sub3A_95 : vector<256x512xf32>
    %reduce_sum3A_97 = arith.constant dense<0.000000e+00> : vector<256xf32>
    %reduce_sum3A_98 = vector.multi_reduction <add>, %mul3A_96, %reduce_sum3A_97 [1] : vector<256x512xf32> to vector<256xf32>
    %broadcast_in_dim3A_99 = vector.shape_cast %reduce_sum3A_98 : vector<256xf32> to vector<256x1xf32>
    %mul3A_100 = arith.mulf %mul3A_48, %sub3A_95 : vector<256x512xf32>
    %reduce_sum3A_101 = arith.constant dense<0.000000e+00> : vector<256xf32>
    %reduce_sum3A_102 = vector.multi_reduction <add>, %mul3A_100, %reduce_sum3A_101 [1] : vector<256x512xf32> to vector<256xf32>
    %broadcast_in_dim3A_103 = vector.shape_cast %reduce_sum3A_102 : vector<256xf32> to vector<256x1xf32>
    %mul3A_104 = arith.constant 2.000000e+00 : f32
    %mul3A_105 = vector.broadcast %mul3A_104 : f32 to vector<256x512xf32>
    %mul3A_106 = arith.mulf %mul3A_105, %select_n3A_62 : vector<256x512xf32>
    %mul3A_107 = arith.mulf %mul3A_106, %sub3A_95 : vector<256x512xf32>
    %sub3A_108 = arith.subf %mul3A_107, %sub3A_82 : vector<256x512xf32>
    %mul3A_109 = arith.mulf %select_n3A, %sub3A_108 : vector<256x512xf32>
    %reduce_sum3A_110 = arith.constant dense<0.000000e+00> : vector<256xf32>
    %reduce_sum3A_111 = vector.multi_reduction <add>, %mul3A_109, %reduce_sum3A_110 [1] : vector<256x512xf32> to vector<256xf32>
    %broadcast_in_dim3A_112 = vector.shape_cast %reduce_sum3A_111 : vector<256xf32> to vector<256x1xf32>
    %mul3A_113 = arith.mulf %mul3A_48, %sub3A_108 : vector<256x512xf32>
    %reduce_sum3A_114 = arith.constant dense<0.000000e+00> : vector<256xf32>
    %reduce_sum3A_115 = vector.multi_reduction <add>, %mul3A_113, %reduce_sum3A_114 [1] : vector<256x512xf32> to vector<256xf32>
    %broadcast_in_dim3A_116 = vector.shape_cast %reduce_sum3A_115 : vector<256xf32> to vector<256x1xf32>
    %mul3A_117 = arith.constant 2.000000e+00 : f32
    %mul3A_118 = vector.broadcast %mul3A_117 : f32 to vector<256x512xf32>
    %mul3A_119 = arith.mulf %mul3A_118, %select_n3A_62 : vector<256x512xf32>
    %mul3A_120 = arith.mulf %mul3A_119, %sub3A_108 : vector<256x512xf32>
    %sub3A_121 = arith.subf %mul3A_120, %sub3A_95 : vector<256x512xf32>
    %mul3A_122 = arith.mulf %select_n3A, %sub3A_121 : vector<256x512xf32>
    %reduce_sum3A_123 = arith.constant dense<0.000000e+00> : vector<256xf32>
    %reduce_sum3A_124 = vector.multi_reduction <add>, %mul3A_122, %reduce_sum3A_123 [1] : vector<256x512xf32> to vector<256xf32>
    %broadcast_in_dim3A_125 = vector.shape_cast %reduce_sum3A_124 : vector<256xf32> to vector<256x1xf32>
    %mul3A_126 = arith.mulf %mul3A_48, %sub3A_121 : vector<256x512xf32>
    %reduce_sum3A_127 = arith.constant dense<0.000000e+00> : vector<256xf32>
    %reduce_sum3A_128 = vector.multi_reduction <add>, %mul3A_126, %reduce_sum3A_127 [1] : vector<256x512xf32> to vector<256xf32>
    %broadcast_in_dim3A_129 = vector.shape_cast %reduce_sum3A_128 : vector<256xf32> to vector<256x1xf32>
    %mul3A_130 = arith.constant 2.000000e+00 : f32
    %mul3A_131 = vector.broadcast %mul3A_130 : f32 to vector<256x512xf32>
    %mul3A_132 = arith.mulf %mul3A_131, %select_n3A_62 : vector<256x512xf32>
    %mul3A_133 = arith.mulf %mul3A_132, %sub3A_121 : vector<256x512xf32>
    %sub3A_134 = arith.subf %mul3A_133, %sub3A_108 : vector<256x512xf32>
    %mul3A_135 = arith.mulf %select_n3A, %sub3A_134 : vector<256x512xf32>
    %reduce_sum3A_136 = arith.constant dense<0.000000e+00> : vector<256xf32>
    %reduce_sum3A_137 = vector.multi_reduction <add>, %mul3A_135, %reduce_sum3A_136 [1] : vector<256x512xf32> to vector<256xf32>
    %broadcast_in_dim3A_138 = vector.shape_cast %reduce_sum3A_137 : vector<256xf32> to vector<256x1xf32>
    %mul3A_139 = arith.mulf %mul3A_48, %sub3A_134 : vector<256x512xf32>
    %reduce_sum3A_140 = arith.constant dense<0.000000e+00> : vector<256xf32>
    %reduce_sum3A_141 = vector.multi_reduction <add>, %mul3A_139, %reduce_sum3A_140 [1] : vector<256x512xf32> to vector<256xf32>
    %broadcast_in_dim3A_142 = vector.shape_cast %reduce_sum3A_141 : vector<256xf32> to vector<256x1xf32>
    %mul3A_143 = arith.constant 2.000000e+00 : f32
    %mul3A_144 = vector.broadcast %mul3A_143 : f32 to vector<256x512xf32>
    %mul3A_145 = arith.mulf %mul3A_144, %select_n3A_62 : vector<256x512xf32>
    %mul3A_146 = arith.mulf %mul3A_145, %sub3A_134 : vector<256x512xf32>
    %sub3A_147 = arith.subf %mul3A_146, %sub3A_121 : vector<256x512xf32>
    %mul3A_148 = arith.mulf %select_n3A, %sub3A_147 : vector<256x512xf32>
    %reduce_sum3A_149 = arith.constant dense<0.000000e+00> : vector<256xf32>
    %reduce_sum3A_150 = vector.multi_reduction <add>, %mul3A_148, %reduce_sum3A_149 [1] : vector<256x512xf32> to vector<256xf32>
    %broadcast_in_dim3A_151 = vector.shape_cast %reduce_sum3A_150 : vector<256xf32> to vector<256x1xf32>
    %mul3A_152 = arith.mulf %mul3A_48, %sub3A_147 : vector<256x512xf32>
    %reduce_sum3A_153 = arith.constant dense<0.000000e+00> : vector<256xf32>
    %reduce_sum3A_154 = vector.multi_reduction <add>, %mul3A_152, %reduce_sum3A_153 [1] : vector<256x512xf32> to vector<256xf32>
    %broadcast_in_dim3A_155 = vector.shape_cast %reduce_sum3A_154 : vector<256xf32> to vector<256x1xf32>
    %mul3A_156 = arith.constant 2.000000e+00 : f32
    %mul3A_157 = vector.broadcast %mul3A_156 : f32 to vector<256x512xf32>
    %mul3A_158 = arith.mulf %mul3A_157, %select_n3A_62 : vector<256x512xf32>
    %mul3A_159 = arith.mulf %mul3A_158, %sub3A_147 : vector<256x512xf32>
    %sub3A_160 = arith.subf %mul3A_159, %sub3A_134 : vector<256x512xf32>
    %mul3A_161 = arith.mulf %select_n3A, %sub3A_160 : vector<256x512xf32>
    %reduce_sum3A_162 = arith.constant dense<0.000000e+00> : vector<256xf32>
    %reduce_sum3A_163 = vector.multi_reduction <add>, %mul3A_161, %reduce_sum3A_162 [1] : vector<256x512xf32> to vector<256xf32>
    %broadcast_in_dim3A_164 = vector.shape_cast %reduce_sum3A_163 : vector<256xf32> to vector<256x1xf32>
    %mul3A_165 = arith.mulf %mul3A_48, %sub3A_160 : vector<256x512xf32>
    %reduce_sum3A_166 = arith.constant dense<0.000000e+00> : vector<256xf32>
    %reduce_sum3A_167 = vector.multi_reduction <add>, %mul3A_165, %reduce_sum3A_166 [1] : vector<256x512xf32> to vector<256xf32>
    %broadcast_in_dim3A_168 = vector.shape_cast %reduce_sum3A_167 : vector<256xf32> to vector<256x1xf32>
    %mul3A_169 = arith.constant 2.000000e+00 : f32
    %mul3A_170 = vector.broadcast %mul3A_169 : f32 to vector<256x512xf32>
    %mul3A_171 = arith.mulf %mul3A_170, %select_n3A_62 : vector<256x512xf32>
    %mul3A_172 = arith.mulf %mul3A_171, %sub3A_160 : vector<256x512xf32>
    %sub3A_173 = arith.subf %mul3A_172, %sub3A_147 : vector<256x512xf32>
    %mul3A_174 = arith.mulf %select_n3A, %sub3A_173 : vector<256x512xf32>
    %reduce_sum3A_175 = arith.constant dense<0.000000e+00> : vector<256xf32>
    %reduce_sum3A_176 = vector.multi_reduction <add>, %mul3A_174, %reduce_sum3A_175 [1] : vector<256x512xf32> to vector<256xf32>
    %broadcast_in_dim3A_177 = vector.shape_cast %reduce_sum3A_176 : vector<256xf32> to vector<256x1xf32>
    %mul3A_178 = arith.mulf %mul3A_48, %sub3A_173 : vector<256x512xf32>
    %reduce_sum3A_179 = arith.constant dense<0.000000e+00> : vector<256xf32>
    %reduce_sum3A_180 = vector.multi_reduction <add>, %mul3A_178, %reduce_sum3A_179 [1] : vector<256x512xf32> to vector<256xf32>
    %broadcast_in_dim3A_181 = vector.shape_cast %reduce_sum3A_180 : vector<256xf32> to vector<256x1xf32>
    %mul3A_182 = arith.constant 2.000000e+00 : f32
    %mul3A_183 = vector.broadcast %mul3A_182 : f32 to vector<256x512xf32>
    %mul3A_184 = arith.mulf %mul3A_183, %select_n3A_62 : vector<256x512xf32>
    %mul3A_185 = arith.mulf %mul3A_184, %sub3A_173 : vector<256x512xf32>
    %sub3A_186 = arith.subf %mul3A_185, %sub3A_160 : vector<256x512xf32>
    %mul3A_187 = arith.mulf %select_n3A, %sub3A_186 : vector<256x512xf32>
    %reduce_sum3A_188 = arith.constant dense<0.000000e+00> : vector<256xf32>
    %reduce_sum3A_189 = vector.multi_reduction <add>, %mul3A_187, %reduce_sum3A_188 [1] : vector<256x512xf32> to vector<256xf32>
    %broadcast_in_dim3A_190 = vector.shape_cast %reduce_sum3A_189 : vector<256xf32> to vector<256x1xf32>
    %mul3A_191 = arith.mulf %mul3A_48, %sub3A_186 : vector<256x512xf32>
    %reduce_sum3A_192 = arith.constant dense<0.000000e+00> : vector<256xf32>
    %reduce_sum3A_193 = vector.multi_reduction <add>, %mul3A_191, %reduce_sum3A_192 [1] : vector<256x512xf32> to vector<256xf32>
    %broadcast_in_dim3A_194 = vector.shape_cast %reduce_sum3A_193 : vector<256xf32> to vector<256x1xf32>
    %mul3A_195 = arith.constant 2.000000e+00 : f32
    %mul3A_196 = vector.broadcast %mul3A_195 : f32 to vector<256x512xf32>
    %mul3A_197 = arith.mulf %mul3A_196, %select_n3A_62 : vector<256x512xf32>
    %mul3A_198 = arith.mulf %mul3A_197, %sub3A_186 : vector<256x512xf32>
    %sub3A_199 = arith.subf %mul3A_198, %sub3A_173 : vector<256x512xf32>
    %mul3A_200 = arith.mulf %select_n3A, %sub3A_199 : vector<256x512xf32>
    %reduce_sum3A_201 = arith.constant dense<0.000000e+00> : vector<256xf32>
    %reduce_sum3A_202 = vector.multi_reduction <add>, %mul3A_200, %reduce_sum3A_201 [1] : vector<256x512xf32> to vector<256xf32>
    %broadcast_in_dim3A_203 = vector.shape_cast %reduce_sum3A_202 : vector<256xf32> to vector<256x1xf32>
    %mul3A_204 = arith.mulf %mul3A_48, %sub3A_199 : vector<256x512xf32>
    %reduce_sum3A_205 = arith.constant dense<0.000000e+00> : vector<256xf32>
    %reduce_sum3A_206 = vector.multi_reduction <add>, %mul3A_204, %reduce_sum3A_205 [1] : vector<256x512xf32> to vector<256xf32>
    %broadcast_in_dim3A_207 = vector.shape_cast %reduce_sum3A_206 : vector<256xf32> to vector<256x1xf32>
    %mul3A_208 = arith.constant 2.000000e+00 : f32
    %mul3A_209 = vector.broadcast %mul3A_208 : f32 to vector<256x512xf32>
    %mul3A_210 = arith.mulf %mul3A_209, %select_n3A_62 : vector<256x512xf32>
    %mul3A_211 = arith.mulf %mul3A_210, %sub3A_199 : vector<256x512xf32>
    %sub3A_212 = arith.subf %mul3A_211, %sub3A_186 : vector<256x512xf32>
    %mul3A_213 = arith.mulf %select_n3A, %sub3A_212 : vector<256x512xf32>
    %reduce_sum3A_214 = arith.constant dense<0.000000e+00> : vector<256xf32>
    %reduce_sum3A_215 = vector.multi_reduction <add>, %mul3A_213, %reduce_sum3A_214 [1] : vector<256x512xf32> to vector<256xf32>
    %broadcast_in_dim3A_216 = vector.shape_cast %reduce_sum3A_215 : vector<256xf32> to vector<256x1xf32>
    %mul3A_217 = arith.mulf %mul3A_48, %sub3A_212 : vector<256x512xf32>
    %reduce_sum3A_218 = arith.constant dense<0.000000e+00> : vector<256xf32>
    %reduce_sum3A_219 = vector.multi_reduction <add>, %mul3A_217, %reduce_sum3A_218 [1] : vector<256x512xf32> to vector<256xf32>
    %broadcast_in_dim3A_220 = vector.shape_cast %reduce_sum3A_219 : vector<256xf32> to vector<256x1xf32>
    %mul3A_221 = arith.constant 2.000000e+00 : f32
    %mul3A_222 = vector.broadcast %mul3A_221 : f32 to vector<256x512xf32>
    %mul3A_223 = arith.mulf %mul3A_222, %select_n3A_62 : vector<256x512xf32>
    %mul3A_224 = arith.mulf %mul3A_223, %sub3A_212 : vector<256x512xf32>
    %sub3A_225 = arith.subf %mul3A_224, %sub3A_199 : vector<256x512xf32>
    %mul3A_226 = arith.mulf %select_n3A, %sub3A_225 : vector<256x512xf32>
    %reduce_sum3A_227 = arith.constant dense<0.000000e+00> : vector<256xf32>
    %reduce_sum3A_228 = vector.multi_reduction <add>, %mul3A_226, %reduce_sum3A_227 [1] : vector<256x512xf32> to vector<256xf32>
    %broadcast_in_dim3A_229 = vector.shape_cast %reduce_sum3A_228 : vector<256xf32> to vector<256x1xf32>
    %mul3A_230 = arith.mulf %mul3A_48, %sub3A_225 : vector<256x512xf32>
    %reduce_sum3A_231 = arith.constant dense<0.000000e+00> : vector<256xf32>
    %reduce_sum3A_232 = vector.multi_reduction <add>, %mul3A_230, %reduce_sum3A_231 [1] : vector<256x512xf32> to vector<256xf32>
    %broadcast_in_dim3A_233 = vector.shape_cast %reduce_sum3A_232 : vector<256xf32> to vector<256x1xf32>
    %mul3A_234 = arith.constant 2.000000e+00 : f32
    %mul3A_235 = vector.broadcast %mul3A_234 : f32 to vector<256x512xf32>
    %mul3A_236 = arith.mulf %mul3A_235, %select_n3A_62 : vector<256x512xf32>
    %mul3A_237 = arith.mulf %mul3A_236, %sub3A_225 : vector<256x512xf32>
    %sub3A_238 = arith.subf %mul3A_237, %sub3A_212 : vector<256x512xf32>
    %mul3A_239 = arith.mulf %select_n3A, %sub3A_238 : vector<256x512xf32>
    %reduce_sum3A_240 = arith.constant dense<0.000000e+00> : vector<256xf32>
    %reduce_sum3A_241 = vector.multi_reduction <add>, %mul3A_239, %reduce_sum3A_240 [1] : vector<256x512xf32> to vector<256xf32>
    %broadcast_in_dim3A_242 = vector.shape_cast %reduce_sum3A_241 : vector<256xf32> to vector<256x1xf32>
    %mul3A_243 = arith.mulf %mul3A_48, %sub3A_238 : vector<256x512xf32>
    %reduce_sum3A_244 = arith.constant dense<0.000000e+00> : vector<256xf32>
    %reduce_sum3A_245 = vector.multi_reduction <add>, %mul3A_243, %reduce_sum3A_244 [1] : vector<256x512xf32> to vector<256xf32>
    %broadcast_in_dim3A_246 = vector.shape_cast %reduce_sum3A_245 : vector<256xf32> to vector<256x1xf32>
    %mul3A_247 = arith.constant 2.000000e+00 : f32
    %mul3A_248 = vector.broadcast %mul3A_247 : f32 to vector<256x512xf32>
    %mul3A_249 = arith.mulf %mul3A_248, %select_n3A_62 : vector<256x512xf32>
    %mul3A_250 = arith.mulf %mul3A_249, %sub3A_238 : vector<256x512xf32>
    %sub3A_251 = arith.subf %mul3A_250, %sub3A_225 : vector<256x512xf32>
    %mul3A_252 = arith.mulf %select_n3A, %sub3A_251 : vector<256x512xf32>
    %reduce_sum3A_253 = arith.constant dense<0.000000e+00> : vector<256xf32>
    %reduce_sum3A_254 = vector.multi_reduction <add>, %mul3A_252, %reduce_sum3A_253 [1] : vector<256x512xf32> to vector<256xf32>
    %broadcast_in_dim3A_255 = vector.shape_cast %reduce_sum3A_254 : vector<256xf32> to vector<256x1xf32>
    %mul3A_256 = arith.mulf %mul3A_48, %sub3A_251 : vector<256x512xf32>
    %reduce_sum3A_257 = arith.constant dense<0.000000e+00> : vector<256xf32>
    %reduce_sum3A_258 = vector.multi_reduction <add>, %mul3A_256, %reduce_sum3A_257 [1] : vector<256x512xf32> to vector<256xf32>
    %broadcast_in_dim3A_259 = vector.shape_cast %reduce_sum3A_258 : vector<256xf32> to vector<256x1xf32>
    %mul3A_260 = arith.constant 2.000000e+00 : f32
    %mul3A_261 = vector.broadcast %mul3A_260 : f32 to vector<256x512xf32>
    %mul3A_262 = arith.mulf %mul3A_261, %select_n3A_62 : vector<256x512xf32>
    %mul3A_263 = arith.mulf %mul3A_262, %sub3A_251 : vector<256x512xf32>
    %sub3A_264 = arith.subf %mul3A_263, %sub3A_238 : vector<256x512xf32>
    %mul3A_265 = arith.mulf %select_n3A, %sub3A_264 : vector<256x512xf32>
    %reduce_sum3A_266 = arith.constant dense<0.000000e+00> : vector<256xf32>
    %reduce_sum3A_267 = vector.multi_reduction <add>, %mul3A_265, %reduce_sum3A_266 [1] : vector<256x512xf32> to vector<256xf32>
    %broadcast_in_dim3A_268 = vector.shape_cast %reduce_sum3A_267 : vector<256xf32> to vector<256x1xf32>
    %mul3A_269 = arith.mulf %mul3A_48, %sub3A_264 : vector<256x512xf32>
    %reduce_sum3A_270 = arith.constant dense<0.000000e+00> : vector<256xf32>
    %reduce_sum3A_271 = vector.multi_reduction <add>, %mul3A_269, %reduce_sum3A_270 [1] : vector<256x512xf32> to vector<256xf32>
    %broadcast_in_dim3A_272 = vector.shape_cast %reduce_sum3A_271 : vector<256xf32> to vector<256x1xf32>
    %concatenate3A = tpu.concatenate %broadcast_in_dim3A_64, %broadcast_in_dim3A_68, %broadcast_in_dim3A_86, %broadcast_in_dim3A_99, %broadcast_in_dim3A_112, %broadcast_in_dim3A_125, %broadcast_in_dim3A_138, %broadcast_in_dim3A_151, %broadcast_in_dim3A_164, %broadcast_in_dim3A_177, %broadcast_in_dim3A_190, %broadcast_in_dim3A_203, %broadcast_in_dim3A_216, %broadcast_in_dim3A_229, %broadcast_in_dim3A_242, %broadcast_in_dim3A_255, %broadcast_in_dim3A_268 in 1 : vector<256x1xf32>, vector<256x1xf32>, vector<256x1xf32>, vector<256x1xf32>, vector<256x1xf32>, vector<256x1xf32>, vector<256x1xf32>, vector<256x1xf32>, vector<256x1xf32>, vector<256x1xf32>, vector<256x1xf32>, vector<256x1xf32>, vector<256x1xf32>, vector<256x1xf32>, vector<256x1xf32>, vector<256x1xf32>, vector<256x1xf32> -> vector<256x17xf32>
    %concatenate3A_273 = tpu.concatenate %broadcast_in_dim3A_71, %broadcast_in_dim3A_75, %broadcast_in_dim3A_90, %broadcast_in_dim3A_103, %broadcast_in_dim3A_116, %broadcast_in_dim3A_129, %broadcast_in_dim3A_142, %broadcast_in_dim3A_155, %broadcast_in_dim3A_168, %broadcast_in_dim3A_181, %broadcast_in_dim3A_194, %broadcast_in_dim3A_207, %broadcast_in_dim3A_220, %broadcast_in_dim3A_233, %broadcast_in_dim3A_246, %broadcast_in_dim3A_259, %broadcast_in_dim3A_272 in 1 : vector<256x1xf32>, vector<256x1xf32>, vector<256x1xf32>, vector<256x1xf32>, vector<256x1xf32>, vector<256x1xf32>, vector<256x1xf32>, vector<256x1xf32>, vector<256x1xf32>, vector<256x1xf32>, vector<256x1xf32>, vector<256x1xf32>, vector<256x1xf32>, vector<256x1xf32>, vector<256x1xf32>, vector<256x1xf32>, vector<256x1xf32> -> vector<256x17xf32>
    %eq3A = arith.constant 0 : i32
    %eq3A_274 = arith.cmpi eq, %arg1, %eq3A : i32
    %convert_element_type3A = arith.extui %eq3A_274 : i1 to i32
    %cond3A = arith.constant 0 : i32
    %cond3A_275 = arith.cmpi ne, %convert_element_type3A, %cond3A : i32
    scf.if %cond3A_275 {
      %swap3A = arith.constant 0 : index
      %swap3A_280 = arith.constant 0 : index
      %swap3A_281 = vector.load %arg5[%swap3A, %swap3A_280] : memref<256x17xf32, #tpu.memory_space<vmem>>, vector<256x17xf32>
      tpu.vector_store %arg5[%swap3A, %swap3A_280], %concatenate3A {strides = array<i32>} : memref<256x17xf32, #tpu.memory_space<vmem>>, vector<256x17xf32>,
      %swap3A_282 = arith.constant 0 : index
      %swap3A_283 = arith.constant 0 : index
      %swap3A_284 = vector.load %arg6[%swap3A_282, %swap3A_283] : memref<256x17xf32, #tpu.memory_space<vmem>>, vector<256x17xf32>
      tpu.vector_store %arg6[%swap3A_282, %swap3A_283], %concatenate3A_273 {strides = array<i32>} : memref<256x17xf32, #tpu.memory_space<vmem>>, vector<256x17xf32>,
    } else {
    }
    %ne3A = arith.constant 0 : i32
    %ne3A_276 = arith.cmpi ne, %arg1, %ne3A : i32
    %convert_element_type3A_277 = arith.extui %ne3A_276 : i1 to i32
    %cond3A_278 = arith.constant 0 : i32
    %cond3A_279 = arith.cmpi ne, %convert_element_type3A_277, %cond3A_278 : i32
    scf.if %cond3A_279 {
      %get3A_280 = arith.constant 0 : index
      %get3A_281 = arith.constant 0 : index
      %get3A_282 = vector.load %arg5[%get3A_280, %get3A_281] : memref<256x17xf32, #tpu.memory_space<vmem>>, vector<256x17xf32>
      %add3A_283 = arith.addf %get3A_282, %concatenate3A : vector<256x17xf32>
      %swap3A = arith.constant 0 : index
      %swap3A_284 = arith.constant 0 : index
      %swap3A_285 = vector.load %arg5[%swap3A, %swap3A_284] : memref<256x17xf32, #tpu.memory_space<vmem>>, vector<256x17xf32>
      tpu.vector_store %arg5[%swap3A, %swap3A_284], %add3A_283 {strides = array<i32>} : memref<256x17xf32, #tpu.memory_space<vmem>>, vector<256x17xf32>,
      %get3A_286 = arith.constant 0 : index
      %get3A_287 = arith.constant 0 : index
      %get3A_288 = vector.load %arg6[%get3A_286, %get3A_287] : memref<256x17xf32, #tpu.memory_space<vmem>>, vector<256x17xf32>
      %add3A_289 = arith.addf %get3A_288, %concatenate3A_273 : vector<256x17xf32>
      %swap3A_290 = arith.constant 0 : index
      %swap3A_291 = arith.constant 0 : index
      %swap3A_292 = vector.load %arg6[%swap3A_290, %swap3A_291] : memref<256x17xf32, #tpu.memory_space<vmem>>, vector<256x17xf32>
      tpu.vector_store %arg6[%swap3A_290, %swap3A_291], %add3A_289 {strides = array<i32>} : memref<256x17xf32, #tpu.memory_space<vmem>>, vector<256x17xf32>,
    } else {
    }
    return
  }
  func.func @transform_0(%arg0: i32, %arg1: i32) -> (i32, i32) {
    %c0_i32 = arith.constant 0 : i32
    %c0_i32_0 = arith.constant 0 : i32
    return %arg0, %c0_i32 : i32, i32
  }
  func.func @transform_1(%arg0: i32, %arg1: i32) -> (i32, i32) {
    %c0_i32 = arith.constant 0 : i32
    %c0_i32_0 = arith.constant 0 : i32
    return %c0_i32, %arg1 : i32, i32
  }
  func.func @transform_2(%arg0: i32, %arg1: i32) -> (i32, i32) {
    %c0_i32 = arith.constant 0 : i32
    %c0_i32_0 = arith.constant 0 : i32
    return %c0_i32, %arg1 : i32, i32
  }
  func.func @transform_3(%arg0: i32, %arg1: i32) -> (i32, i32) {
    %c0_i32 = arith.constant 0 : i32
    %c0_i32_0 = arith.constant 0 : i32
    return %arg0, %c0_i32 : i32, i32
  }
  func.func @transform_4(%arg0: i32, %arg1: i32) -> (i32, i32) {
    %c0_i32 = arith.constant 0 : i32
    %c0_i32_0 = arith.constant 0 : i32
    return %arg0, %c0_i32 : i32, i32
  }
}

module attributes {stable_mosaic.version = 14 : i64} {
  func.func @_ang_kernel(%arg0: i32, %arg1: memref<64x3xf32, #tpu.memory_space<vmem>>, %arg2: memref<64x64xf32, #tpu.memory_space<vmem>>, %arg3: memref<64x64xf32, #tpu.memory_space<vmem>>, %arg4: memref<64x64xf32, #tpu.memory_space<vmem>>, %arg5: memref<64x64xf32, #tpu.memory_space<vmem>>, %arg6: memref<64x64xf32, #tpu.memory_space<vmem>>, %arg7: memref<64x9xf32, #tpu.memory_space<vmem>>, %arg8: memref<64x9xf32, #tpu.memory_space<vmem>>) attributes {dimension_semantics = [#tpu.dimension_semantics<arbitrary>], iteration_bounds = array<i64: 64>, scalar_prefetch = 0 : i64, scratch_operands = 0 : i64, tpu.core_type = #tpu.core_type<tc>, window_params = [{transform_indices = @transform_0, window_bounds = array<i64: 64, 3>}, {transform_indices = @transform_1, window_bounds = array<i64: 64, 64>}, {transform_indices = @transform_2, window_bounds = array<i64: 64, 64>}, {transform_indices = @transform_3, window_bounds = array<i64: 64, 64>}, {transform_indices = @transform_4, window_bounds = array<i64: 64, 64>}, {transform_indices = @transform_5, window_bounds = array<i64: 64, 64>}, {transform_indices = @transform_6, window_bounds = array<i64: 64, 9>}, {transform_indices = @transform_7, window_bounds = array<i64: 64, 9>}]} {
    %get3A = arith.constant 0 : index
    %get3A_0 = arith.constant 0 : index
    %get3A_1 = vector.load %arg1[%get3A, %get3A_0] : memref<64x3xf32, #tpu.memory_space<vmem>>, vector<64x1xf32>
    %get3A_2 = arith.constant 0 : index
    %get3A_3 = arith.constant 1 : index
    %get3A_4 = vector.load %arg1[%get3A_2, %get3A_3] : memref<64x3xf32, #tpu.memory_space<vmem>>, vector<64x1xf32>
    %get3A_5 = arith.constant 0 : index
    %get3A_6 = arith.constant 2 : index
    %get3A_7 = vector.load %arg1[%get3A_5, %get3A_6] : memref<64x3xf32, #tpu.memory_space<vmem>>, vector<64x1xf32>
    %get3A_8 = arith.constant 0 : index
    %get3A_9 = arith.constant 0 : index
    %get3A_10 = vector.load %arg2[%get3A_8, %get3A_9] : memref<64x64xf32, #tpu.memory_space<vmem>>, vector<64x64xf32>
    %lt3A = arith.constant 1.000000e+20 : f32
    %lt3A_11 = vector.broadcast %lt3A : f32 to vector<64x64xf32>
    %lt3A_12 = arith.cmpf olt, %get3A_10, %lt3A_11 : vector<64x64xf32>
    %broadcast_in_dim3A = vector.shape_cast %get3A_10 : vector<64x64xf32> to vector<64x64x1xf32>
    %broadcast_in_dim3A_13 = vector.shape_cast %get3A_10 : vector<64x64xf32> to vector<64x1x64xf32>
    %iota3A = tpu.iota {dimensions = array<i32: 1>} : vector<1x64x64xi32>
    %iota3A_14 = tpu.iota {dimensions = array<i32: 2>} : vector<1x64x64xi32>
    %lt3A_15 = vector.broadcast %broadcast_in_dim3A_13 : vector<64x1x64xf32> to vector<64x64x64xf32>
    %lt3A_16 = vector.broadcast %broadcast_in_dim3A : vector<64x64x1xf32> to vector<64x64x64xf32>
    %lt3A_17 = arith.cmpf olt, %lt3A_15, %lt3A_16 : vector<64x64x64xf32>
    %eq3A = vector.broadcast %broadcast_in_dim3A_13 : vector<64x1x64xf32> to vector<64x64x64xf32>
    %eq3A_18 = vector.broadcast %broadcast_in_dim3A : vector<64x64x1xf32> to vector<64x64x64xf32>
    %eq3A_19 = arith.cmpf oeq, %eq3A, %eq3A_18 : vector<64x64x64xf32>
    %lt3A_20 = arith.cmpi slt, %iota3A_14, %iota3A : vector<1x64x64xi32>
    %and3A = vector.broadcast %lt3A_20 : vector<1x64x64xi1> to vector<64x64x64xi1>
    %and3A_21 = arith.andi %eq3A_19, %and3A : vector<64x64x64xi1>
    %or3A = arith.ori %lt3A_17, %and3A_21 : vector<64x64x64xi1>
    %broadcast_in_dim3A_22 = vector.shape_cast %lt3A_12 : vector<64x64xi1> to vector<64x1x64xi1>
    %and3A_23 = vector.broadcast %broadcast_in_dim3A_22 : vector<64x1x64xi1> to vector<64x64x64xi1>
    %and3A_24 = arith.andi %and3A_23, %or3A : vector<64x64x64xi1>
    %convert_element_type3A = arith.extui %and3A_24 : vector<64x64x64xi1> to vector<64x64x64xi32>
    %reduce_sum3A = arith.constant dense<0> : vector<64x64xi32>
    %reduce_sum3A_25 = vector.multi_reduction <add>, %convert_element_type3A, %reduce_sum3A [2] : vector<64x64x64xi32> to vector<64x64xi32>
    %lt3A_26 = arith.constant 48 : i32
    %lt3A_27 = vector.broadcast %lt3A_26 : i32 to vector<64x64xi32>
    %lt3A_28 = arith.cmpi slt, %reduce_sum3A_25, %lt3A_27 : vector<64x64xi32>
    %and3A_29 = arith.andi %lt3A_12, %lt3A_28 : vector<64x64xi1>
    %get3A_30 = arith.constant 0 : index
    %get3A_31 = arith.constant 0 : index
    %get3A_32 = vector.load %arg3[%get3A_30, %get3A_31] : memref<64x64xf32, #tpu.memory_space<vmem>>, vector<64x64xf32>
    %sub3A = vector.broadcast %get3A_1 : vector<64x1xf32> to vector<64x64xf32>
    %sub3A_33 = arith.subf %get3A_32, %sub3A : vector<64x64xf32>
    %get3A_34 = arith.constant 0 : index
    %get3A_35 = arith.constant 0 : index
    %get3A_36 = vector.load %arg4[%get3A_34, %get3A_35] : memref<64x64xf32, #tpu.memory_space<vmem>>, vector<64x64xf32>
    %sub3A_37 = vector.broadcast %get3A_4 : vector<64x1xf32> to vector<64x64xf32>
    %sub3A_38 = arith.subf %get3A_36, %sub3A_37 : vector<64x64xf32>
    %get3A_39 = arith.constant 0 : index
    %get3A_40 = arith.constant 0 : index
    %get3A_41 = vector.load %arg5[%get3A_39, %get3A_40] : memref<64x64xf32, #tpu.memory_space<vmem>>, vector<64x64xf32>
    %sub3A_42 = vector.broadcast %get3A_7 : vector<64x1xf32> to vector<64x64xf32>
    %sub3A_43 = arith.subf %get3A_41, %sub3A_42 : vector<64x64xf32>
    %mul3A = arith.mulf %sub3A_33, %sub3A_33 : vector<64x64xf32>
    %mul3A_44 = arith.mulf %sub3A_38, %sub3A_38 : vector<64x64xf32>
    %add3A = arith.addf %mul3A, %mul3A_44 : vector<64x64xf32>
    %mul3A_45 = arith.mulf %sub3A_43, %sub3A_43 : vector<64x64xf32>
    %add3A_46 = arith.addf %add3A, %mul3A_45 : vector<64x64xf32>
    %add3A_47 = arith.constant 9.99999996E-13 : f32
    %add3A_48 = vector.broadcast %add3A_47 : f32 to vector<64x64xf32>
    %add3A_49 = arith.addf %add3A_46, %add3A_48 : vector<64x64xf32>
    %sqrt3A = math.sqrt %add3A_49 : vector<64x64xf32>
    %jit3A = arith.constant 1.000000e+00 : f32
    %broadcast_in_dim3A_50 = vector.broadcast %jit3A : f32 to vector<64x64xf32>
    %select_n3A = arith.select %and3A_29, %sqrt3A, %broadcast_in_dim3A_50 : vector<64x64xi1>, vector<64x64xf32>
    %div3A = arith.constant 1.000000e+00 : f32
    %div3A_51 = vector.broadcast %div3A : f32 to vector<64x64xf32>
    %div3A_52 = arith.divf %div3A_51, %select_n3A : vector<64x64xf32>
    %mul3A_53 = arith.mulf %sub3A_33, %div3A_52 : vector<64x64xf32>
    %mul3A_54 = arith.mulf %sub3A_38, %div3A_52 : vector<64x64xf32>
    %mul3A_55 = arith.mulf %sub3A_43, %div3A_52 : vector<64x64xf32>
    %mul3A_56 = arith.constant 0.785398185 : f32
    %mul3A_57 = vector.broadcast %mul3A_56 : f32 to vector<64x64xf32>
    %mul3A_58 = arith.mulf %mul3A_57, %select_n3A : vector<64x64xf32>
    %cos3A = math.cos %mul3A_58 : vector<64x64xf32>
    %add3A_59 = arith.constant 1.000000e+00 : f32
    %add3A_60 = vector.broadcast %add3A_59 : f32 to vector<64x64xf32>
    %add3A_61 = arith.addf %cos3A, %add3A_60 : vector<64x64xf32>
    %mul3A_62 = arith.constant 5.000000e-01 : f32
    %mul3A_63 = vector.broadcast %mul3A_62 : f32 to vector<64x64xf32>
    %mul3A_64 = arith.mulf %mul3A_63, %add3A_61 : vector<64x64xf32>
    %jit3A_65 = arith.constant 0.000000e+00 : f32
    %broadcast_in_dim3A_66 = vector.broadcast %jit3A_65 : f32 to vector<64x64xf32>
    %select_n3A_67 = arith.select %and3A_29, %mul3A_64, %broadcast_in_dim3A_66 : vector<64x64xi1>, vector<64x64xf32>
    %get3A_68 = arith.constant 0 : index
    %get3A_69 = arith.constant 0 : index
    %get3A_70 = vector.load %arg6[%get3A_68, %get3A_69] : memref<64x64xf32, #tpu.memory_space<vmem>>, vector<64x64xf32>
    %mul3A_71 = arith.mulf %select_n3A_67, %get3A_70 : vector<64x64xf32>
    %jit3A_72 = arith.constant 0.000000e+00 : f32
    %broadcast_in_dim3A_73 = vector.broadcast %jit3A_72 : f32 to vector<64x64xf32>
    %select_n3A_74 = arith.select %and3A_29, %mul3A_53, %broadcast_in_dim3A_73 : vector<64x64xi1>, vector<64x64xf32>
    %jit3A_75 = arith.constant 0.000000e+00 : f32
    %broadcast_in_dim3A_76 = vector.broadcast %jit3A_75 : f32 to vector<64x64xf32>
    %select_n3A_77 = arith.select %and3A_29, %mul3A_54, %broadcast_in_dim3A_76 : vector<64x64xi1>, vector<64x64xf32>
    %jit3A_78 = arith.constant 0.000000e+00 : f32
    %broadcast_in_dim3A_79 = vector.broadcast %jit3A_78 : f32 to vector<64x64xf32>
    %select_n3A_80 = arith.select %and3A_29, %mul3A_55, %broadcast_in_dim3A_79 : vector<64x64xi1>, vector<64x64xf32>
    %reduce_sum3A_81 = arith.constant dense<0.000000e+00> : vector<64xf32>
    %reduce_sum3A_82 = vector.multi_reduction <add>, %select_n3A_67, %reduce_sum3A_81 [1] : vector<64x64xf32> to vector<64xf32>
    %broadcast_in_dim3A_83 = vector.shape_cast %reduce_sum3A_82 : vector<64xf32> to vector<64x1xf32>
    %reduce_sum3A_84 = arith.constant dense<0.000000e+00> : vector<64xf32>
    %reduce_sum3A_85 = vector.multi_reduction <add>, %mul3A_71, %reduce_sum3A_84 [1] : vector<64x64xf32> to vector<64xf32>
    %broadcast_in_dim3A_86 = vector.shape_cast %reduce_sum3A_85 : vector<64xf32> to vector<64x1xf32>
    %mul3A_87 = arith.mulf %broadcast_in_dim3A_83, %broadcast_in_dim3A_83 : vector<64x1xf32>
    %mul3A_88 = arith.constant 1.000000e+00 : f32
    %mul3A_89 = vector.broadcast %mul3A_88 : f32 to vector<64x1xf32>
    %mul3A_90 = arith.mulf %mul3A_89, %mul3A_87 : vector<64x1xf32>
    %mul3A_91 = arith.mulf %broadcast_in_dim3A_86, %broadcast_in_dim3A_86 : vector<64x1xf32>
    %mul3A_92 = arith.constant 1.000000e+00 : f32
    %mul3A_93 = vector.broadcast %mul3A_92 : f32 to vector<64x1xf32>
    %mul3A_94 = arith.mulf %mul3A_93, %mul3A_91 : vector<64x1xf32>
    %mul3A_95 = arith.mulf %select_n3A_67, %select_n3A_74 : vector<64x64xf32>
    %mul3A_96 = arith.mulf %mul3A_71, %select_n3A_74 : vector<64x64xf32>
    %reduce_sum3A_97 = arith.constant dense<0.000000e+00> : vector<64xf32>
    %reduce_sum3A_98 = vector.multi_reduction <add>, %mul3A_95, %reduce_sum3A_97 [1] : vector<64x64xf32> to vector<64xf32>
    %broadcast_in_dim3A_99 = vector.shape_cast %reduce_sum3A_98 : vector<64xf32> to vector<64x1xf32>
    %reduce_sum3A_100 = arith.constant dense<0.000000e+00> : vector<64xf32>
    %reduce_sum3A_101 = vector.multi_reduction <add>, %mul3A_96, %reduce_sum3A_100 [1] : vector<64x64xf32> to vector<64xf32>
    %broadcast_in_dim3A_102 = vector.shape_cast %reduce_sum3A_101 : vector<64xf32> to vector<64x1xf32>
    %mul3A_103 = arith.mulf %broadcast_in_dim3A_99, %broadcast_in_dim3A_99 : vector<64x1xf32>
    %mul3A_104 = arith.constant 1.000000e+00 : f32
    %mul3A_105 = vector.broadcast %mul3A_104 : f32 to vector<64x1xf32>
    %mul3A_106 = arith.mulf %mul3A_105, %mul3A_103 : vector<64x1xf32>
    %mul3A_107 = arith.mulf %broadcast_in_dim3A_102, %broadcast_in_dim3A_102 : vector<64x1xf32>
    %mul3A_108 = arith.constant 1.000000e+00 : f32
    %mul3A_109 = vector.broadcast %mul3A_108 : f32 to vector<64x1xf32>
    %mul3A_110 = arith.mulf %mul3A_109, %mul3A_107 : vector<64x1xf32>
    %mul3A_111 = arith.mulf %select_n3A_67, %select_n3A_77 : vector<64x64xf32>
    %mul3A_112 = arith.mulf %mul3A_71, %select_n3A_77 : vector<64x64xf32>
    %reduce_sum3A_113 = arith.constant dense<0.000000e+00> : vector<64xf32>
    %reduce_sum3A_114 = vector.multi_reduction <add>, %mul3A_111, %reduce_sum3A_113 [1] : vector<64x64xf32> to vector<64xf32>
    %broadcast_in_dim3A_115 = vector.shape_cast %reduce_sum3A_114 : vector<64xf32> to vector<64x1xf32>
    %reduce_sum3A_116 = arith.constant dense<0.000000e+00> : vector<64xf32>
    %reduce_sum3A_117 = vector.multi_reduction <add>, %mul3A_112, %reduce_sum3A_116 [1] : vector<64x64xf32> to vector<64xf32>
    %broadcast_in_dim3A_118 = vector.shape_cast %reduce_sum3A_117 : vector<64xf32> to vector<64x1xf32>
    %mul3A_119 = arith.mulf %broadcast_in_dim3A_115, %broadcast_in_dim3A_115 : vector<64x1xf32>
    %mul3A_120 = arith.constant 1.000000e+00 : f32
    %mul3A_121 = vector.broadcast %mul3A_120 : f32 to vector<64x1xf32>
    %mul3A_122 = arith.mulf %mul3A_121, %mul3A_119 : vector<64x1xf32>
    %mul3A_123 = arith.mulf %broadcast_in_dim3A_118, %broadcast_in_dim3A_118 : vector<64x1xf32>
    %mul3A_124 = arith.constant 1.000000e+00 : f32
    %mul3A_125 = vector.broadcast %mul3A_124 : f32 to vector<64x1xf32>
    %mul3A_126 = arith.mulf %mul3A_125, %mul3A_123 : vector<64x1xf32>
    %add3A_127 = arith.addf %mul3A_106, %mul3A_122 : vector<64x1xf32>
    %add3A_128 = arith.addf %mul3A_110, %mul3A_126 : vector<64x1xf32>
    %mul3A_129 = arith.mulf %select_n3A_67, %select_n3A_80 : vector<64x64xf32>
    %mul3A_130 = arith.mulf %mul3A_71, %select_n3A_80 : vector<64x64xf32>
    %reduce_sum3A_131 = arith.constant dense<0.000000e+00> : vector<64xf32>
    %reduce_sum3A_132 = vector.multi_reduction <add>, %mul3A_129, %reduce_sum3A_131 [1] : vector<64x64xf32> to vector<64xf32>
    %broadcast_in_dim3A_133 = vector.shape_cast %reduce_sum3A_132 : vector<64xf32> to vector<64x1xf32>
    %reduce_sum3A_134 = arith.constant dense<0.000000e+00> : vector<64xf32>
    %reduce_sum3A_135 = vector.multi_reduction <add>, %mul3A_130, %reduce_sum3A_134 [1] : vector<64x64xf32> to vector<64xf32>
    %broadcast_in_dim3A_136 = vector.shape_cast %reduce_sum3A_135 : vector<64xf32> to vector<64x1xf32>
    %mul3A_137 = arith.mulf %broadcast_in_dim3A_133, %broadcast_in_dim3A_133 : vector<64x1xf32>
    %mul3A_138 = arith.constant 1.000000e+00 : f32
    %mul3A_139 = vector.broadcast %mul3A_138 : f32 to vector<64x1xf32>
    %mul3A_140 = arith.mulf %mul3A_139, %mul3A_137 : vector<64x1xf32>
    %mul3A_141 = arith.mulf %broadcast_in_dim3A_136, %broadcast_in_dim3A_136 : vector<64x1xf32>
    %mul3A_142 = arith.constant 1.000000e+00 : f32
    %mul3A_143 = vector.broadcast %mul3A_142 : f32 to vector<64x1xf32>
    %mul3A_144 = arith.mulf %mul3A_143, %mul3A_141 : vector<64x1xf32>
    %add3A_145 = arith.addf %add3A_127, %mul3A_140 : vector<64x1xf32>
    %add3A_146 = arith.addf %add3A_128, %mul3A_144 : vector<64x1xf32>
    %mul3A_147 = arith.mulf %select_n3A_74, %select_n3A_74 : vector<64x64xf32>
    %mul3A_148 = arith.mulf %select_n3A_77, %select_n3A_74 : vector<64x64xf32>
    %mul3A_149 = arith.mulf %select_n3A_80, %select_n3A_74 : vector<64x64xf32>
    %mul3A_150 = arith.mulf %select_n3A_77, %select_n3A_77 : vector<64x64xf32>
    %mul3A_151 = arith.mulf %select_n3A_80, %select_n3A_77 : vector<64x64xf32>
    %mul3A_152 = arith.mulf %select_n3A_80, %select_n3A_80 : vector<64x64xf32>
    %mul3A_153 = arith.mulf %select_n3A_67, %mul3A_147 : vector<64x64xf32>
    %mul3A_154 = arith.mulf %mul3A_71, %mul3A_147 : vector<64x64xf32>
    %reduce_sum3A_155 = arith.constant dense<0.000000e+00> : vector<64xf32>
    %reduce_sum3A_156 = vector.multi_reduction <add>, %mul3A_153, %reduce_sum3A_155 [1] : vector<64x64xf32> to vector<64xf32>
    %broadcast_in_dim3A_157 = vector.shape_cast %reduce_sum3A_156 : vector<64xf32> to vector<64x1xf32>
    %reduce_sum3A_158 = arith.constant dense<0.000000e+00> : vector<64xf32>
    %reduce_sum3A_159 = vector.multi_reduction <add>, %mul3A_154, %reduce_sum3A_158 [1] : vector<64x64xf32> to vector<64xf32>
    %broadcast_in_dim3A_160 = vector.shape_cast %reduce_sum3A_159 : vector<64xf32> to vector<64x1xf32>
    %mul3A_161 = arith.mulf %broadcast_in_dim3A_157, %broadcast_in_dim3A_157 : vector<64x1xf32>
    %mul3A_162 = arith.constant 1.000000e+00 : f32
    %mul3A_163 = vector.broadcast %mul3A_162 : f32 to vector<64x1xf32>
    %mul3A_164 = arith.mulf %mul3A_163, %mul3A_161 : vector<64x1xf32>
    %mul3A_165 = arith.mulf %broadcast_in_dim3A_160, %broadcast_in_dim3A_160 : vector<64x1xf32>
    %mul3A_166 = arith.constant 1.000000e+00 : f32
    %mul3A_167 = vector.broadcast %mul3A_166 : f32 to vector<64x1xf32>
    %mul3A_168 = arith.mulf %mul3A_167, %mul3A_165 : vector<64x1xf32>
    %mul3A_169 = arith.mulf %select_n3A_67, %mul3A_148 : vector<64x64xf32>
    %mul3A_170 = arith.mulf %mul3A_71, %mul3A_148 : vector<64x64xf32>
    %reduce_sum3A_171 = arith.constant dense<0.000000e+00> : vector<64xf32>
    %reduce_sum3A_172 = vector.multi_reduction <add>, %mul3A_169, %reduce_sum3A_171 [1] : vector<64x64xf32> to vector<64xf32>
    %broadcast_in_dim3A_173 = vector.shape_cast %reduce_sum3A_172 : vector<64xf32> to vector<64x1xf32>
    %reduce_sum3A_174 = arith.constant dense<0.000000e+00> : vector<64xf32>
    %reduce_sum3A_175 = vector.multi_reduction <add>, %mul3A_170, %reduce_sum3A_174 [1] : vector<64x64xf32> to vector<64xf32>
    %broadcast_in_dim3A_176 = vector.shape_cast %reduce_sum3A_175 : vector<64xf32> to vector<64x1xf32>
    %mul3A_177 = arith.mulf %broadcast_in_dim3A_173, %broadcast_in_dim3A_173 : vector<64x1xf32>
    %mul3A_178 = arith.constant 2.000000e+00 : f32
    %mul3A_179 = vector.broadcast %mul3A_178 : f32 to vector<64x1xf32>
    %mul3A_180 = arith.mulf %mul3A_179, %mul3A_177 : vector<64x1xf32>
    %mul3A_181 = arith.mulf %broadcast_in_dim3A_176, %broadcast_in_dim3A_176 : vector<64x1xf32>
    %mul3A_182 = arith.constant 2.000000e+00 : f32
    %mul3A_183 = vector.broadcast %mul3A_182 : f32 to vector<64x1xf32>
    %mul3A_184 = arith.mulf %mul3A_183, %mul3A_181 : vector<64x1xf32>
    %add3A_185 = arith.addf %mul3A_164, %mul3A_180 : vector<64x1xf32>
    %add3A_186 = arith.addf %mul3A_168, %mul3A_184 : vector<64x1xf32>
    %mul3A_187 = arith.mulf %select_n3A_67, %mul3A_149 : vector<64x64xf32>
    %mul3A_188 = arith.mulf %mul3A_71, %mul3A_149 : vector<64x64xf32>
    %reduce_sum3A_189 = arith.constant dense<0.000000e+00> : vector<64xf32>
    %reduce_sum3A_190 = vector.multi_reduction <add>, %mul3A_187, %reduce_sum3A_189 [1] : vector<64x64xf32> to vector<64xf32>
    %broadcast_in_dim3A_191 = vector.shape_cast %reduce_sum3A_190 : vector<64xf32> to vector<64x1xf32>
    %reduce_sum3A_192 = arith.constant dense<0.000000e+00> : vector<64xf32>
    %reduce_sum3A_193 = vector.multi_reduction <add>, %mul3A_188, %reduce_sum3A_192 [1] : vector<64x64xf32> to vector<64xf32>
    %broadcast_in_dim3A_194 = vector.shape_cast %reduce_sum3A_193 : vector<64xf32> to vector<64x1xf32>
    %mul3A_195 = arith.mulf %broadcast_in_dim3A_191, %broadcast_in_dim3A_191 : vector<64x1xf32>
    %mul3A_196 = arith.constant 2.000000e+00 : f32
    %mul3A_197 = vector.broadcast %mul3A_196 : f32 to vector<64x1xf32>
    %mul3A_198 = arith.mulf %mul3A_197, %mul3A_195 : vector<64x1xf32>
    %mul3A_199 = arith.mulf %broadcast_in_dim3A_194, %broadcast_in_dim3A_194 : vector<64x1xf32>
    %mul3A_200 = arith.constant 2.000000e+00 : f32
    %mul3A_201 = vector.broadcast %mul3A_200 : f32 to vector<64x1xf32>
    %mul3A_202 = arith.mulf %mul3A_201, %mul3A_199 : vector<64x1xf32>
    %add3A_203 = arith.addf %add3A_185, %mul3A_198 : vector<64x1xf32>
    %add3A_204 = arith.addf %add3A_186, %mul3A_202 : vector<64x1xf32>
    %mul3A_205 = arith.mulf %select_n3A_67, %mul3A_150 : vector<64x64xf32>
    %mul3A_206 = arith.mulf %mul3A_71, %mul3A_150 : vector<64x64xf32>
    %reduce_sum3A_207 = arith.constant dense<0.000000e+00> : vector<64xf32>
    %reduce_sum3A_208 = vector.multi_reduction <add>, %mul3A_205, %reduce_sum3A_207 [1] : vector<64x64xf32> to vector<64xf32>
    %broadcast_in_dim3A_209 = vector.shape_cast %reduce_sum3A_208 : vector<64xf32> to vector<64x1xf32>
    %reduce_sum3A_210 = arith.constant dense<0.000000e+00> : vector<64xf32>
    %reduce_sum3A_211 = vector.multi_reduction <add>, %mul3A_206, %reduce_sum3A_210 [1] : vector<64x64xf32> to vector<64xf32>
    %broadcast_in_dim3A_212 = vector.shape_cast %reduce_sum3A_211 : vector<64xf32> to vector<64x1xf32>
    %mul3A_213 = arith.mulf %broadcast_in_dim3A_209, %broadcast_in_dim3A_209 : vector<64x1xf32>
    %mul3A_214 = arith.constant 1.000000e+00 : f32
    %mul3A_215 = vector.broadcast %mul3A_214 : f32 to vector<64x1xf32>
    %mul3A_216 = arith.mulf %mul3A_215, %mul3A_213 : vector<64x1xf32>
    %mul3A_217 = arith.mulf %broadcast_in_dim3A_212, %broadcast_in_dim3A_212 : vector<64x1xf32>
    %mul3A_218 = arith.constant 1.000000e+00 : f32
    %mul3A_219 = vector.broadcast %mul3A_218 : f32 to vector<64x1xf32>
    %mul3A_220 = arith.mulf %mul3A_219, %mul3A_217 : vector<64x1xf32>
    %add3A_221 = arith.addf %add3A_203, %mul3A_216 : vector<64x1xf32>
    %add3A_222 = arith.addf %add3A_204, %mul3A_220 : vector<64x1xf32>
    %mul3A_223 = arith.mulf %select_n3A_67, %mul3A_151 : vector<64x64xf32>
    %mul3A_224 = arith.mulf %mul3A_71, %mul3A_151 : vector<64x64xf32>
    %reduce_sum3A_225 = arith.constant dense<0.000000e+00> : vector<64xf32>
    %reduce_sum3A_226 = vector.multi_reduction <add>, %mul3A_223, %reduce_sum3A_225 [1] : vector<64x64xf32> to vector<64xf32>
    %broadcast_in_dim3A_227 = vector.shape_cast %reduce_sum3A_226 : vector<64xf32> to vector<64x1xf32>
    %reduce_sum3A_228 = arith.constant dense<0.000000e+00> : vector<64xf32>
    %reduce_sum3A_229 = vector.multi_reduction <add>, %mul3A_224, %reduce_sum3A_228 [1] : vector<64x64xf32> to vector<64xf32>
    %broadcast_in_dim3A_230 = vector.shape_cast %reduce_sum3A_229 : vector<64xf32> to vector<64x1xf32>
    %mul3A_231 = arith.mulf %broadcast_in_dim3A_227, %broadcast_in_dim3A_227 : vector<64x1xf32>
    %mul3A_232 = arith.constant 2.000000e+00 : f32
    %mul3A_233 = vector.broadcast %mul3A_232 : f32 to vector<64x1xf32>
    %mul3A_234 = arith.mulf %mul3A_233, %mul3A_231 : vector<64x1xf32>
    %mul3A_235 = arith.mulf %broadcast_in_dim3A_230, %broadcast_in_dim3A_230 : vector<64x1xf32>
    %mul3A_236 = arith.constant 2.000000e+00 : f32
    %mul3A_237 = vector.broadcast %mul3A_236 : f32 to vector<64x1xf32>
    %mul3A_238 = arith.mulf %mul3A_237, %mul3A_235 : vector<64x1xf32>
    %add3A_239 = arith.addf %add3A_221, %mul3A_234 : vector<64x1xf32>
    %add3A_240 = arith.addf %add3A_222, %mul3A_238 : vector<64x1xf32>
    %mul3A_241 = arith.mulf %select_n3A_67, %mul3A_152 : vector<64x64xf32>
    %mul3A_242 = arith.mulf %mul3A_71, %mul3A_152 : vector<64x64xf32>
    %reduce_sum3A_243 = arith.constant dense<0.000000e+00> : vector<64xf32>
    %reduce_sum3A_244 = vector.multi_reduction <add>, %mul3A_241, %reduce_sum3A_243 [1] : vector<64x64xf32> to vector<64xf32>
    %broadcast_in_dim3A_245 = vector.shape_cast %reduce_sum3A_244 : vector<64xf32> to vector<64x1xf32>
    %reduce_sum3A_246 = arith.constant dense<0.000000e+00> : vector<64xf32>
    %reduce_sum3A_247 = vector.multi_reduction <add>, %mul3A_242, %reduce_sum3A_246 [1] : vector<64x64xf32> to vector<64xf32>
    %broadcast_in_dim3A_248 = vector.shape_cast %reduce_sum3A_247 : vector<64xf32> to vector<64x1xf32>
    %mul3A_249 = arith.mulf %broadcast_in_dim3A_245, %broadcast_in_dim3A_245 : vector<64x1xf32>
    %mul3A_250 = arith.constant 1.000000e+00 : f32
    %mul3A_251 = vector.broadcast %mul3A_250 : f32 to vector<64x1xf32>
    %mul3A_252 = arith.mulf %mul3A_251, %mul3A_249 : vector<64x1xf32>
    %mul3A_253 = arith.mulf %broadcast_in_dim3A_248, %broadcast_in_dim3A_248 : vector<64x1xf32>
    %mul3A_254 = arith.constant 1.000000e+00 : f32
    %mul3A_255 = vector.broadcast %mul3A_254 : f32 to vector<64x1xf32>
    %mul3A_256 = arith.mulf %mul3A_255, %mul3A_253 : vector<64x1xf32>
    %add3A_257 = arith.addf %add3A_239, %mul3A_252 : vector<64x1xf32>
    %add3A_258 = arith.addf %add3A_240, %mul3A_256 : vector<64x1xf32>
    %mul3A_259 = arith.mulf %mul3A_147, %select_n3A_74 : vector<64x64xf32>
    %mul3A_260 = arith.mulf %mul3A_148, %select_n3A_74 : vector<64x64xf32>
    %mul3A_261 = arith.mulf %mul3A_149, %select_n3A_74 : vector<64x64xf32>
    %mul3A_262 = arith.mulf %mul3A_150, %select_n3A_74 : vector<64x64xf32>
    %mul3A_263 = arith.mulf %mul3A_151, %select_n3A_74 : vector<64x64xf32>
    %mul3A_264 = arith.mulf %mul3A_152, %select_n3A_74 : vector<64x64xf32>
    %mul3A_265 = arith.mulf %mul3A_150, %select_n3A_77 : vector<64x64xf32>
    %mul3A_266 = arith.mulf %mul3A_151, %select_n3A_77 : vector<64x64xf32>
    %mul3A_267 = arith.mulf %mul3A_152, %select_n3A_77 : vector<64x64xf32>
    %mul3A_268 = arith.mulf %mul3A_152, %select_n3A_80 : vector<64x64xf32>
    %mul3A_269 = arith.mulf %select_n3A_67, %mul3A_259 : vector<64x64xf32>
    %mul3A_270 = arith.mulf %mul3A_71, %mul3A_259 : vector<64x64xf32>
    %reduce_sum3A_271 = arith.constant dense<0.000000e+00> : vector<64xf32>
    %reduce_sum3A_272 = vector.multi_reduction <add>, %mul3A_269, %reduce_sum3A_271 [1] : vector<64x64xf32> to vector<64xf32>
    %broadcast_in_dim3A_273 = vector.shape_cast %reduce_sum3A_272 : vector<64xf32> to vector<64x1xf32>
    %reduce_sum3A_274 = arith.constant dense<0.000000e+00> : vector<64xf32>
    %reduce_sum3A_275 = vector.multi_reduction <add>, %mul3A_270, %reduce_sum3A_274 [1] : vector<64x64xf32> to vector<64xf32>
    %broadcast_in_dim3A_276 = vector.shape_cast %reduce_sum3A_275 : vector<64xf32> to vector<64x1xf32>
    %mul3A_277 = arith.mulf %broadcast_in_dim3A_273, %broadcast_in_dim3A_273 : vector<64x1xf32>
    %mul3A_278 = arith.constant 1.000000e+00 : f32
    %mul3A_279 = vector.broadcast %mul3A_278 : f32 to vector<64x1xf32>
    %mul3A_280 = arith.mulf %mul3A_279, %mul3A_277 : vector<64x1xf32>
    %mul3A_281 = arith.mulf %broadcast_in_dim3A_276, %broadcast_in_dim3A_276 : vector<64x1xf32>
    %mul3A_282 = arith.constant 1.000000e+00 : f32
    %mul3A_283 = vector.broadcast %mul3A_282 : f32 to vector<64x1xf32>
    %mul3A_284 = arith.mulf %mul3A_283, %mul3A_281 : vector<64x1xf32>
    %mul3A_285 = arith.mulf %select_n3A_67, %mul3A_260 : vector<64x64xf32>
    %mul3A_286 = arith.mulf %mul3A_71, %mul3A_260 : vector<64x64xf32>
    %reduce_sum3A_287 = arith.constant dense<0.000000e+00> : vector<64xf32>
    %reduce_sum3A_288 = vector.multi_reduction <add>, %mul3A_285, %reduce_sum3A_287 [1] : vector<64x64xf32> to vector<64xf32>
    %broadcast_in_dim3A_289 = vector.shape_cast %reduce_sum3A_288 : vector<64xf32> to vector<64x1xf32>
    %reduce_sum3A_290 = arith.constant dense<0.000000e+00> : vector<64xf32>
    %reduce_sum3A_291 = vector.multi_reduction <add>, %mul3A_286, %reduce_sum3A_290 [1] : vector<64x64xf32> to vector<64xf32>
    %broadcast_in_dim3A_292 = vector.shape_cast %reduce_sum3A_291 : vector<64xf32> to vector<64x1xf32>
    %mul3A_293 = arith.mulf %broadcast_in_dim3A_289, %broadcast_in_dim3A_289 : vector<64x1xf32>
    %mul3A_294 = arith.constant 3.000000e+00 : f32
    %mul3A_295 = vector.broadcast %mul3A_294 : f32 to vector<64x1xf32>
    %mul3A_296 = arith.mulf %mul3A_295, %mul3A_293 : vector<64x1xf32>
    %mul3A_297 = arith.mulf %broadcast_in_dim3A_292, %broadcast_in_dim3A_292 : vector<64x1xf32>
    %mul3A_298 = arith.constant 3.000000e+00 : f32
    %mul3A_299 = vector.broadcast %mul3A_298 : f32 to vector<64x1xf32>
    %mul3A_300 = arith.mulf %mul3A_299, %mul3A_297 : vector<64x1xf32>
    %add3A_301 = arith.addf %mul3A_280, %mul3A_296 : vector<64x1xf32>
    %add3A_302 = arith.addf %mul3A_284, %mul3A_300 : vector<64x1xf32>
    %mul3A_303 = arith.mulf %select_n3A_67, %mul3A_261 : vector<64x64xf32>
    %mul3A_304 = arith.mulf %mul3A_71, %mul3A_261 : vector<64x64xf32>
    %reduce_sum3A_305 = arith.constant dense<0.000000e+00> : vector<64xf32>
    %reduce_sum3A_306 = vector.multi_reduction <add>, %mul3A_303, %reduce_sum3A_305 [1] : vector<64x64xf32> to vector<64xf32>
    %broadcast_in_dim3A_307 = vector.shape_cast %reduce_sum3A_306 : vector<64xf32> to vector<64x1xf32>
    %reduce_sum3A_308 = arith.constant dense<0.000000e+00> : vector<64xf32>
    %reduce_sum3A_309 = vector.multi_reduction <add>, %mul3A_304, %reduce_sum3A_308 [1] : vector<64x64xf32> to vector<64xf32>
    %broadcast_in_dim3A_310 = vector.shape_cast %reduce_sum3A_309 : vector<64xf32> to vector<64x1xf32>
    %mul3A_311 = arith.mulf %broadcast_in_dim3A_307, %broadcast_in_dim3A_307 : vector<64x1xf32>
    %mul3A_312 = arith.constant 3.000000e+00 : f32
    %mul3A_313 = vector.broadcast %mul3A_312 : f32 to vector<64x1xf32>
    %mul3A_314 = arith.mulf %mul3A_313, %mul3A_311 : vector<64x1xf32>
    %mul3A_315 = arith.mulf %broadcast_in_dim3A_310, %broadcast_in_dim3A_310 : vector<64x1xf32>
    %mul3A_316 = arith.constant 3.000000e+00 : f32
    %mul3A_317 = vector.broadcast %mul3A_316 : f32 to vector<64x1xf32>
    %mul3A_318 = arith.mulf %mul3A_317, %mul3A_315 : vector<64x1xf32>
    %add3A_319 = arith.addf %add3A_301, %mul3A_314 : vector<64x1xf32>
    %add3A_320 = arith.addf %add3A_302, %mul3A_318 : vector<64x1xf32>
    %mul3A_321 = arith.mulf %select_n3A_67, %mul3A_262 : vector<64x64xf32>
    %mul3A_322 = arith.mulf %mul3A_71, %mul3A_262 : vector<64x64xf32>
    %reduce_sum3A_323 = arith.constant dense<0.000000e+00> : vector<64xf32>
    %reduce_sum3A_324 = vector.multi_reduction <add>, %mul3A_321, %reduce_sum3A_323 [1] : vector<64x64xf32> to vector<64xf32>
    %broadcast_in_dim3A_325 = vector.shape_cast %reduce_sum3A_324 : vector<64xf32> to vector<64x1xf32>
    %reduce_sum3A_326 = arith.constant dense<0.000000e+00> : vector<64xf32>
    %reduce_sum3A_327 = vector.multi_reduction <add>, %mul3A_322, %reduce_sum3A_326 [1] : vector<64x64xf32> to vector<64xf32>
    %broadcast_in_dim3A_328 = vector.shape_cast %reduce_sum3A_327 : vector<64xf32> to vector<64x1xf32>
    %mul3A_329 = arith.mulf %broadcast_in_dim3A_325, %broadcast_in_dim3A_325 : vector<64x1xf32>
    %mul3A_330 = arith.constant 3.000000e+00 : f32
    %mul3A_331 = vector.broadcast %mul3A_330 : f32 to vector<64x1xf32>
    %mul3A_332 = arith.mulf %mul3A_331, %mul3A_329 : vector<64x1xf32>
    %mul3A_333 = arith.mulf %broadcast_in_dim3A_328, %broadcast_in_dim3A_328 : vector<64x1xf32>
    %mul3A_334 = arith.constant 3.000000e+00 : f32
    %mul3A_335 = vector.broadcast %mul3A_334 : f32 to vector<64x1xf32>
    %mul3A_336 = arith.mulf %mul3A_335, %mul3A_333 : vector<64x1xf32>
    %add3A_337 = arith.addf %add3A_319, %mul3A_332 : vector<64x1xf32>
    %add3A_338 = arith.addf %add3A_320, %mul3A_336 : vector<64x1xf32>
    %mul3A_339 = arith.mulf %select_n3A_67, %mul3A_263 : vector<64x64xf32>
    %mul3A_340 = arith.mulf %mul3A_71, %mul3A_263 : vector<64x64xf32>
    %reduce_sum3A_341 = arith.constant dense<0.000000e+00> : vector<64xf32>
    %reduce_sum3A_342 = vector.multi_reduction <add>, %mul3A_339, %reduce_sum3A_341 [1] : vector<64x64xf32> to vector<64xf32>
    %broadcast_in_dim3A_343 = vector.shape_cast %reduce_sum3A_342 : vector<64xf32> to vector<64x1xf32>
    %reduce_sum3A_344 = arith.constant dense<0.000000e+00> : vector<64xf32>
    %reduce_sum3A_345 = vector.multi_reduction <add>, %mul3A_340, %reduce_sum3A_344 [1] : vector<64x64xf32> to vector<64xf32>
    %broadcast_in_dim3A_346 = vector.shape_cast %reduce_sum3A_345 : vector<64xf32> to vector<64x1xf32>
    %mul3A_347 = arith.mulf %broadcast_in_dim3A_343, %broadcast_in_dim3A_343 : vector<64x1xf32>
    %mul3A_348 = arith.constant 6.000000e+00 : f32
    %mul3A_349 = vector.broadcast %mul3A_348 : f32 to vector<64x1xf32>
    %mul3A_350 = arith.mulf %mul3A_349, %mul3A_347 : vector<64x1xf32>
    %mul3A_351 = arith.mulf %broadcast_in_dim3A_346, %broadcast_in_dim3A_346 : vector<64x1xf32>
    %mul3A_352 = arith.constant 6.000000e+00 : f32
    %mul3A_353 = vector.broadcast %mul3A_352 : f32 to vector<64x1xf32>
    %mul3A_354 = arith.mulf %mul3A_353, %mul3A_351 : vector<64x1xf32>
    %add3A_355 = arith.addf %add3A_337, %mul3A_350 : vector<64x1xf32>
    %add3A_356 = arith.addf %add3A_338, %mul3A_354 : vector<64x1xf32>
    %mul3A_357 = arith.mulf %select_n3A_67, %mul3A_264 : vector<64x64xf32>
    %mul3A_358 = arith.mulf %mul3A_71, %mul3A_264 : vector<64x64xf32>
    %reduce_sum3A_359 = arith.constant dense<0.000000e+00> : vector<64xf32>
    %reduce_sum3A_360 = vector.multi_reduction <add>, %mul3A_357, %reduce_sum3A_359 [1] : vector<64x64xf32> to vector<64xf32>
    %broadcast_in_dim3A_361 = vector.shape_cast %reduce_sum3A_360 : vector<64xf32> to vector<64x1xf32>
    %reduce_sum3A_362 = arith.constant dense<0.000000e+00> : vector<64xf32>
    %reduce_sum3A_363 = vector.multi_reduction <add>, %mul3A_358, %reduce_sum3A_362 [1] : vector<64x64xf32> to vector<64xf32>
    %broadcast_in_dim3A_364 = vector.shape_cast %reduce_sum3A_363 : vector<64xf32> to vector<64x1xf32>
    %mul3A_365 = arith.mulf %broadcast_in_dim3A_361, %broadcast_in_dim3A_361 : vector<64x1xf32>
    %mul3A_366 = arith.constant 3.000000e+00 : f32
    %mul3A_367 = vector.broadcast %mul3A_366 : f32 to vector<64x1xf32>
    %mul3A_368 = arith.mulf %mul3A_367, %mul3A_365 : vector<64x1xf32>
    %mul3A_369 = arith.mulf %broadcast_in_dim3A_364, %broadcast_in_dim3A_364 : vector<64x1xf32>
    %mul3A_370 = arith.constant 3.000000e+00 : f32
    %mul3A_371 = vector.broadcast %mul3A_370 : f32 to vector<64x1xf32>
    %mul3A_372 = arith.mulf %mul3A_371, %mul3A_369 : vector<64x1xf32>
    %add3A_373 = arith.addf %add3A_355, %mul3A_368 : vector<64x1xf32>
    %add3A_374 = arith.addf %add3A_356, %mul3A_372 : vector<64x1xf32>
    %mul3A_375 = arith.mulf %select_n3A_67, %mul3A_265 : vector<64x64xf32>
    %mul3A_376 = arith.mulf %mul3A_71, %mul3A_265 : vector<64x64xf32>
    %reduce_sum3A_377 = arith.constant dense<0.000000e+00> : vector<64xf32>
    %reduce_sum3A_378 = vector.multi_reduction <add>, %mul3A_375, %reduce_sum3A_377 [1] : vector<64x64xf32> to vector<64xf32>
    %broadcast_in_dim3A_379 = vector.shape_cast %reduce_sum3A_378 : vector<64xf32> to vector<64x1xf32>
    %reduce_sum3A_380 = arith.constant dense<0.000000e+00> : vector<64xf32>
    %reduce_sum3A_381 = vector.multi_reduction <add>, %mul3A_376, %reduce_sum3A_380 [1] : vector<64x64xf32> to vector<64xf32>
    %broadcast_in_dim3A_382 = vector.shape_cast %reduce_sum3A_381 : vector<64xf32> to vector<64x1xf32>
    %mul3A_383 = arith.mulf %broadcast_in_dim3A_379, %broadcast_in_dim3A_379 : vector<64x1xf32>
    %mul3A_384 = arith.constant 1.000000e+00 : f32
    %mul3A_385 = vector.broadcast %mul3A_384 : f32 to vector<64x1xf32>
    %mul3A_386 = arith.mulf %mul3A_385, %mul3A_383 : vector<64x1xf32>
    %mul3A_387 = arith.mulf %broadcast_in_dim3A_382, %broadcast_in_dim3A_382 : vector<64x1xf32>
    %mul3A_388 = arith.constant 1.000000e+00 : f32
    %mul3A_389 = vector.broadcast %mul3A_388 : f32 to vector<64x1xf32>
    %mul3A_390 = arith.mulf %mul3A_389, %mul3A_387 : vector<64x1xf32>
    %add3A_391 = arith.addf %add3A_373, %mul3A_386 : vector<64x1xf32>
    %add3A_392 = arith.addf %add3A_374, %mul3A_390 : vector<64x1xf32>
    %mul3A_393 = arith.mulf %select_n3A_67, %mul3A_266 : vector<64x64xf32>
    %mul3A_394 = arith.mulf %mul3A_71, %mul3A_266 : vector<64x64xf32>
    %reduce_sum3A_395 = arith.constant dense<0.000000e+00> : vector<64xf32>
    %reduce_sum3A_396 = vector.multi_reduction <add>, %mul3A_393, %reduce_sum3A_395 [1] : vector<64x64xf32> to vector<64xf32>
    %broadcast_in_dim3A_397 = vector.shape_cast %reduce_sum3A_396 : vector<64xf32> to vector<64x1xf32>
    %reduce_sum3A_398 = arith.constant dense<0.000000e+00> : vector<64xf32>
    %reduce_sum3A_399 = vector.multi_reduction <add>, %mul3A_394, %reduce_sum3A_398 [1] : vector<64x64xf32> to vector<64xf32>
    %broadcast_in_dim3A_400 = vector.shape_cast %reduce_sum3A_399 : vector<64xf32> to vector<64x1xf32>
    %mul3A_401 = arith.mulf %broadcast_in_dim3A_397, %broadcast_in_dim3A_397 : vector<64x1xf32>
    %mul3A_402 = arith.constant 3.000000e+00 : f32
    %mul3A_403 = vector.broadcast %mul3A_402 : f32 to vector<64x1xf32>
    %mul3A_404 = arith.mulf %mul3A_403, %mul3A_401 : vector<64x1xf32>
    %mul3A_405 = arith.mulf %broadcast_in_dim3A_400, %broadcast_in_dim3A_400 : vector<64x1xf32>
    %mul3A_406 = arith.constant 3.000000e+00 : f32
    %mul3A_407 = vector.broadcast %mul3A_406 : f32 to vector<64x1xf32>
    %mul3A_408 = arith.mulf %mul3A_407, %mul3A_405 : vector<64x1xf32>
    %add3A_409 = arith.addf %add3A_391, %mul3A_404 : vector<64x1xf32>
    %add3A_410 = arith.addf %add3A_392, %mul3A_408 : vector<64x1xf32>
    %mul3A_411 = arith.mulf %select_n3A_67, %mul3A_267 : vector<64x64xf32>
    %mul3A_412 = arith.mulf %mul3A_71, %mul3A_267 : vector<64x64xf32>
    %reduce_sum3A_413 = arith.constant dense<0.000000e+00> : vector<64xf32>
    %reduce_sum3A_414 = vector.multi_reduction <add>, %mul3A_411, %reduce_sum3A_413 [1] : vector<64x64xf32> to vector<64xf32>
    %broadcast_in_dim3A_415 = vector.shape_cast %reduce_sum3A_414 : vector<64xf32> to vector<64x1xf32>
    %reduce_sum3A_416 = arith.constant dense<0.000000e+00> : vector<64xf32>
    %reduce_sum3A_417 = vector.multi_reduction <add>, %mul3A_412, %reduce_sum3A_416 [1] : vector<64x64xf32> to vector<64xf32>
    %broadcast_in_dim3A_418 = vector.shape_cast %reduce_sum3A_417 : vector<64xf32> to vector<64x1xf32>
    %mul3A_419 = arith.mulf %broadcast_in_dim3A_415, %broadcast_in_dim3A_415 : vector<64x1xf32>
    %mul3A_420 = arith.constant 3.000000e+00 : f32
    %mul3A_421 = vector.broadcast %mul3A_420 : f32 to vector<64x1xf32>
    %mul3A_422 = arith.mulf %mul3A_421, %mul3A_419 : vector<64x1xf32>
    %mul3A_423 = arith.mulf %broadcast_in_dim3A_418, %broadcast_in_dim3A_418 : vector<64x1xf32>
    %mul3A_424 = arith.constant 3.000000e+00 : f32
    %mul3A_425 = vector.broadcast %mul3A_424 : f32 to vector<64x1xf32>
    %mul3A_426 = arith.mulf %mul3A_425, %mul3A_423 : vector<64x1xf32>
    %add3A_427 = arith.addf %add3A_409, %mul3A_422 : vector<64x1xf32>
    %add3A_428 = arith.addf %add3A_410, %mul3A_426 : vector<64x1xf32>
    %mul3A_429 = arith.mulf %select_n3A_67, %mul3A_268 : vector<64x64xf32>
    %mul3A_430 = arith.mulf %mul3A_71, %mul3A_268 : vector<64x64xf32>
    %reduce_sum3A_431 = arith.constant dense<0.000000e+00> : vector<64xf32>
    %reduce_sum3A_432 = vector.multi_reduction <add>, %mul3A_429, %reduce_sum3A_431 [1] : vector<64x64xf32> to vector<64xf32>
    %broadcast_in_dim3A_433 = vector.shape_cast %reduce_sum3A_432 : vector<64xf32> to vector<64x1xf32>
    %reduce_sum3A_434 = arith.constant dense<0.000000e+00> : vector<64xf32>
    %reduce_sum3A_435 = vector.multi_reduction <add>, %mul3A_430, %reduce_sum3A_434 [1] : vector<64x64xf32> to vector<64xf32>
    %broadcast_in_dim3A_436 = vector.shape_cast %reduce_sum3A_435 : vector<64xf32> to vector<64x1xf32>
    %mul3A_437 = arith.mulf %broadcast_in_dim3A_433, %broadcast_in_dim3A_433 : vector<64x1xf32>
    %mul3A_438 = arith.constant 1.000000e+00 : f32
    %mul3A_439 = vector.broadcast %mul3A_438 : f32 to vector<64x1xf32>
    %mul3A_440 = arith.mulf %mul3A_439, %mul3A_437 : vector<64x1xf32>
    %mul3A_441 = arith.mulf %broadcast_in_dim3A_436, %broadcast_in_dim3A_436 : vector<64x1xf32>
    %mul3A_442 = arith.constant 1.000000e+00 : f32
    %mul3A_443 = vector.broadcast %mul3A_442 : f32 to vector<64x1xf32>
    %mul3A_444 = arith.mulf %mul3A_443, %mul3A_441 : vector<64x1xf32>
    %add3A_445 = arith.addf %add3A_427, %mul3A_440 : vector<64x1xf32>
    %add3A_446 = arith.addf %add3A_428, %mul3A_444 : vector<64x1xf32>
    %mul3A_447 = arith.mulf %mul3A_259, %select_n3A_74 : vector<64x64xf32>
    %mul3A_448 = arith.mulf %mul3A_260, %select_n3A_74 : vector<64x64xf32>
    %mul3A_449 = arith.mulf %mul3A_261, %select_n3A_74 : vector<64x64xf32>
    %mul3A_450 = arith.mulf %mul3A_262, %select_n3A_74 : vector<64x64xf32>
    %mul3A_451 = arith.mulf %mul3A_263, %select_n3A_74 : vector<64x64xf32>
    %mul3A_452 = arith.mulf %mul3A_264, %select_n3A_74 : vector<64x64xf32>
    %mul3A_453 = arith.mulf %mul3A_265, %select_n3A_74 : vector<64x64xf32>
    %mul3A_454 = arith.mulf %mul3A_266, %select_n3A_74 : vector<64x64xf32>
    %mul3A_455 = arith.mulf %mul3A_267, %select_n3A_74 : vector<64x64xf32>
    %mul3A_456 = arith.mulf %mul3A_268, %select_n3A_74 : vector<64x64xf32>
    %mul3A_457 = arith.mulf %mul3A_265, %select_n3A_77 : vector<64x64xf32>
    %mul3A_458 = arith.mulf %mul3A_266, %select_n3A_77 : vector<64x64xf32>
    %mul3A_459 = arith.mulf %mul3A_267, %select_n3A_77 : vector<64x64xf32>
    %mul3A_460 = arith.mulf %mul3A_268, %select_n3A_77 : vector<64x64xf32>
    %mul3A_461 = arith.mulf %mul3A_268, %select_n3A_80 : vector<64x64xf32>
    %mul3A_462 = arith.mulf %select_n3A_67, %mul3A_447 : vector<64x64xf32>
    %mul3A_463 = arith.mulf %mul3A_71, %mul3A_447 : vector<64x64xf32>
    %reduce_sum3A_464 = arith.constant dense<0.000000e+00> : vector<64xf32>
    %reduce_sum3A_465 = vector.multi_reduction <add>, %mul3A_462, %reduce_sum3A_464 [1] : vector<64x64xf32> to vector<64xf32>
    %broadcast_in_dim3A_466 = vector.shape_cast %reduce_sum3A_465 : vector<64xf32> to vector<64x1xf32>
    %reduce_sum3A_467 = arith.constant dense<0.000000e+00> : vector<64xf32>
    %reduce_sum3A_468 = vector.multi_reduction <add>, %mul3A_463, %reduce_sum3A_467 [1] : vector<64x64xf32> to vector<64xf32>
    %broadcast_in_dim3A_469 = vector.shape_cast %reduce_sum3A_468 : vector<64xf32> to vector<64x1xf32>
    %mul3A_470 = arith.mulf %broadcast_in_dim3A_466, %broadcast_in_dim3A_466 : vector<64x1xf32>
    %mul3A_471 = arith.constant 1.000000e+00 : f32
    %mul3A_472 = vector.broadcast %mul3A_471 : f32 to vector<64x1xf32>
    %mul3A_473 = arith.mulf %mul3A_472, %mul3A_470 : vector<64x1xf32>
    %mul3A_474 = arith.mulf %broadcast_in_dim3A_469, %broadcast_in_dim3A_469 : vector<64x1xf32>
    %mul3A_475 = arith.constant 1.000000e+00 : f32
    %mul3A_476 = vector.broadcast %mul3A_475 : f32 to vector<64x1xf32>
    %mul3A_477 = arith.mulf %mul3A_476, %mul3A_474 : vector<64x1xf32>
    %mul3A_478 = arith.mulf %select_n3A_67, %mul3A_448 : vector<64x64xf32>
    %mul3A_479 = arith.mulf %mul3A_71, %mul3A_448 : vector<64x64xf32>
    %reduce_sum3A_480 = arith.constant dense<0.000000e+00> : vector<64xf32>
    %reduce_sum3A_481 = vector.multi_reduction <add>, %mul3A_478, %reduce_sum3A_480 [1] : vector<64x64xf32> to vector<64xf32>
    %broadcast_in_dim3A_482 = vector.shape_cast %reduce_sum3A_481 : vector<64xf32> to vector<64x1xf32>
    %reduce_sum3A_483 = arith.constant dense<0.000000e+00> : vector<64xf32>
    %reduce_sum3A_484 = vector.multi_reduction <add>, %mul3A_479, %reduce_sum3A_483 [1] : vector<64x64xf32> to vector<64xf32>
    %broadcast_in_dim3A_485 = vector.shape_cast %reduce_sum3A_484 : vector<64xf32> to vector<64x1xf32>
    %mul3A_486 = arith.mulf %broadcast_in_dim3A_482, %broadcast_in_dim3A_482 : vector<64x1xf32>
    %mul3A_487 = arith.constant 4.000000e+00 : f32
    %mul3A_488 = vector.broadcast %mul3A_487 : f32 to vector<64x1xf32>
    %mul3A_489 = arith.mulf %mul3A_488, %mul3A_486 : vector<64x1xf32>
    %mul3A_490 = arith.mulf %broadcast_in_dim3A_485, %broadcast_in_dim3A_485 : vector<64x1xf32>
    %mul3A_491 = arith.constant 4.000000e+00 : f32
    %mul3A_492 = vector.broadcast %mul3A_491 : f32 to vector<64x1xf32>
    %mul3A_493 = arith.mulf %mul3A_492, %mul3A_490 : vector<64x1xf32>
    %add3A_494 = arith.addf %mul3A_473, %mul3A_489 : vector<64x1xf32>
    %add3A_495 = arith.addf %mul3A_477, %mul3A_493 : vector<64x1xf32>
    %mul3A_496 = arith.mulf %select_n3A_67, %mul3A_449 : vector<64x64xf32>
    %mul3A_497 = arith.mulf %mul3A_71, %mul3A_449 : vector<64x64xf32>
    %reduce_sum3A_498 = arith.constant dense<0.000000e+00> : vector<64xf32>
    %reduce_sum3A_499 = vector.multi_reduction <add>, %mul3A_496, %reduce_sum3A_498 [1] : vector<64x64xf32> to vector<64xf32>
    %broadcast_in_dim3A_500 = vector.shape_cast %reduce_sum3A_499 : vector<64xf32> to vector<64x1xf32>
    %reduce_sum3A_501 = arith.constant dense<0.000000e+00> : vector<64xf32>
    %reduce_sum3A_502 = vector.multi_reduction <add>, %mul3A_497, %reduce_sum3A_501 [1] : vector<64x64xf32> to vector<64xf32>
    %broadcast_in_dim3A_503 = vector.shape_cast %reduce_sum3A_502 : vector<64xf32> to vector<64x1xf32>
    %mul3A_504 = arith.mulf %broadcast_in_dim3A_500, %broadcast_in_dim3A_500 : vector<64x1xf32>
    %mul3A_505 = arith.constant 4.000000e+00 : f32
    %mul3A_506 = vector.broadcast %mul3A_505 : f32 to vector<64x1xf32>
    %mul3A_507 = arith.mulf %mul3A_506, %mul3A_504 : vector<64x1xf32>
    %mul3A_508 = arith.mulf %broadcast_in_dim3A_503, %broadcast_in_dim3A_503 : vector<64x1xf32>
    %mul3A_509 = arith.constant 4.000000e+00 : f32
    %mul3A_510 = vector.broadcast %mul3A_509 : f32 to vector<64x1xf32>
    %mul3A_511 = arith.mulf %mul3A_510, %mul3A_508 : vector<64x1xf32>
    %add3A_512 = arith.addf %add3A_494, %mul3A_507 : vector<64x1xf32>
    %add3A_513 = arith.addf %add3A_495, %mul3A_511 : vector<64x1xf32>
    %mul3A_514 = arith.mulf %select_n3A_67, %mul3A_450 : vector<64x64xf32>
    %mul3A_515 = arith.mulf %mul3A_71, %mul3A_450 : vector<64x64xf32>
    %reduce_sum3A_516 = arith.constant dense<0.000000e+00> : vector<64xf32>
    %reduce_sum3A_517 = vector.multi_reduction <add>, %mul3A_514, %reduce_sum3A_516 [1] : vector<64x64xf32> to vector<64xf32>
    %broadcast_in_dim3A_518 = vector.shape_cast %reduce_sum3A_517 : vector<64xf32> to vector<64x1xf32>
    %reduce_sum3A_519 = arith.constant dense<0.000000e+00> : vector<64xf32>
    %reduce_sum3A_520 = vector.multi_reduction <add>, %mul3A_515, %reduce_sum3A_519 [1] : vector<64x64xf32> to vector<64xf32>
    %broadcast_in_dim3A_521 = vector.shape_cast %reduce_sum3A_520 : vector<64xf32> to vector<64x1xf32>
    %mul3A_522 = arith.mulf %broadcast_in_dim3A_518, %broadcast_in_dim3A_518 : vector<64x1xf32>
    %mul3A_523 = arith.constant 6.000000e+00 : f32
    %mul3A_524 = vector.broadcast %mul3A_523 : f32 to vector<64x1xf32>
    %mul3A_525 = arith.mulf %mul3A_524, %mul3A_522 : vector<64x1xf32>
    %mul3A_526 = arith.mulf %broadcast_in_dim3A_521, %broadcast_in_dim3A_521 : vector<64x1xf32>
    %mul3A_527 = arith.constant 6.000000e+00 : f32
    %mul3A_528 = vector.broadcast %mul3A_527 : f32 to vector<64x1xf32>
    %mul3A_529 = arith.mulf %mul3A_528, %mul3A_526 : vector<64x1xf32>
    %add3A_530 = arith.addf %add3A_512, %mul3A_525 : vector<64x1xf32>
    %add3A_531 = arith.addf %add3A_513, %mul3A_529 : vector<64x1xf32>
    %mul3A_532 = arith.mulf %select_n3A_67, %mul3A_451 : vector<64x64xf32>
    %mul3A_533 = arith.mulf %mul3A_71, %mul3A_451 : vector<64x64xf32>
    %reduce_sum3A_534 = arith.constant dense<0.000000e+00> : vector<64xf32>
    %reduce_sum3A_535 = vector.multi_reduction <add>, %mul3A_532, %reduce_sum3A_534 [1] : vector<64x64xf32> to vector<64xf32>
    %broadcast_in_dim3A_536 = vector.shape_cast %reduce_sum3A_535 : vector<64xf32> to vector<64x1xf32>
    %reduce_sum3A_537 = arith.constant dense<0.000000e+00> : vector<64xf32>
    %reduce_sum3A_538 = vector.multi_reduction <add>, %mul3A_533, %reduce_sum3A_537 [1] : vector<64x64xf32> to vector<64xf32>
    %broadcast_in_dim3A_539 = vector.shape_cast %reduce_sum3A_538 : vector<64xf32> to vector<64x1xf32>
    %mul3A_540 = arith.mulf %broadcast_in_dim3A_536, %broadcast_in_dim3A_536 : vector<64x1xf32>
    %mul3A_541 = arith.constant 1.200000e+01 : f32
    %mul3A_542 = vector.broadcast %mul3A_541 : f32 to vector<64x1xf32>
    %mul3A_543 = arith.mulf %mul3A_542, %mul3A_540 : vector<64x1xf32>
    %mul3A_544 = arith.mulf %broadcast_in_dim3A_539, %broadcast_in_dim3A_539 : vector<64x1xf32>
    %mul3A_545 = arith.constant 1.200000e+01 : f32
    %mul3A_546 = vector.broadcast %mul3A_545 : f32 to vector<64x1xf32>
    %mul3A_547 = arith.mulf %mul3A_546, %mul3A_544 : vector<64x1xf32>
    %add3A_548 = arith.addf %add3A_530, %mul3A_543 : vector<64x1xf32>
    %add3A_549 = arith.addf %add3A_531, %mul3A_547 : vector<64x1xf32>
    %mul3A_550 = arith.mulf %select_n3A_67, %mul3A_452 : vector<64x64xf32>
    %mul3A_551 = arith.mulf %mul3A_71, %mul3A_452 : vector<64x64xf32>
    %reduce_sum3A_552 = arith.constant dense<0.000000e+00> : vector<64xf32>
    %reduce_sum3A_553 = vector.multi_reduction <add>, %mul3A_550, %reduce_sum3A_552 [1] : vector<64x64xf32> to vector<64xf32>
    %broadcast_in_dim3A_554 = vector.shape_cast %reduce_sum3A_553 : vector<64xf32> to vector<64x1xf32>
    %reduce_sum3A_555 = arith.constant dense<0.000000e+00> : vector<64xf32>
    %reduce_sum3A_556 = vector.multi_reduction <add>, %mul3A_551, %reduce_sum3A_555 [1] : vector<64x64xf32> to vector<64xf32>
    %broadcast_in_dim3A_557 = vector.shape_cast %reduce_sum3A_556 : vector<64xf32> to vector<64x1xf32>
    %mul3A_558 = arith.mulf %broadcast_in_dim3A_554, %broadcast_in_dim3A_554 : vector<64x1xf32>
    %mul3A_559 = arith.constant 6.000000e+00 : f32
    %mul3A_560 = vector.broadcast %mul3A_559 : f32 to vector<64x1xf32>
    %mul3A_561 = arith.mulf %mul3A_560, %mul3A_558 : vector<64x1xf32>
    %mul3A_562 = arith.mulf %broadcast_in_dim3A_557, %broadcast_in_dim3A_557 : vector<64x1xf32>
    %mul3A_563 = arith.constant 6.000000e+00 : f32
    %mul3A_564 = vector.broadcast %mul3A_563 : f32 to vector<64x1xf32>
    %mul3A_565 = arith.mulf %mul3A_564, %mul3A_562 : vector<64x1xf32>
    %add3A_566 = arith.addf %add3A_548, %mul3A_561 : vector<64x1xf32>
    %add3A_567 = arith.addf %add3A_549, %mul3A_565 : vector<64x1xf32>
    %mul3A_568 = arith.mulf %select_n3A_67, %mul3A_453 : vector<64x64xf32>
    %mul3A_569 = arith.mulf %mul3A_71, %mul3A_453 : vector<64x64xf32>
    %reduce_sum3A_570 = arith.constant dense<0.000000e+00> : vector<64xf32>
    %reduce_sum3A_571 = vector.multi_reduction <add>, %mul3A_568, %reduce_sum3A_570 [1] : vector<64x64xf32> to vector<64xf32>
    %broadcast_in_dim3A_572 = vector.shape_cast %reduce_sum3A_571 : vector<64xf32> to vector<64x1xf32>
    %reduce_sum3A_573 = arith.constant dense<0.000000e+00> : vector<64xf32>
    %reduce_sum3A_574 = vector.multi_reduction <add>, %mul3A_569, %reduce_sum3A_573 [1] : vector<64x64xf32> to vector<64xf32>
    %broadcast_in_dim3A_575 = vector.shape_cast %reduce_sum3A_574 : vector<64xf32> to vector<64x1xf32>
    %mul3A_576 = arith.mulf %broadcast_in_dim3A_572, %broadcast_in_dim3A_572 : vector<64x1xf32>
    %mul3A_577 = arith.constant 4.000000e+00 : f32
    %mul3A_578 = vector.broadcast %mul3A_577 : f32 to vector<64x1xf32>
    %mul3A_579 = arith.mulf %mul3A_578, %mul3A_576 : vector<64x1xf32>
    %mul3A_580 = arith.mulf %broadcast_in_dim3A_575, %broadcast_in_dim3A_575 : vector<64x1xf32>
    %mul3A_581 = arith.constant 4.000000e+00 : f32
    %mul3A_582 = vector.broadcast %mul3A_581 : f32 to vector<64x1xf32>
    %mul3A_583 = arith.mulf %mul3A_582, %mul3A_580 : vector<64x1xf32>
    %add3A_584 = arith.addf %add3A_566, %mul3A_579 : vector<64x1xf32>
    %add3A_585 = arith.addf %add3A_567, %mul3A_583 : vector<64x1xf32>
    %mul3A_586 = arith.mulf %select_n3A_67, %mul3A_454 : vector<64x64xf32>
    %mul3A_587 = arith.mulf %mul3A_71, %mul3A_454 : vector<64x64xf32>
    %reduce_sum3A_588 = arith.constant dense<0.000000e+00> : vector<64xf32>
    %reduce_sum3A_589 = vector.multi_reduction <add>, %mul3A_586, %reduce_sum3A_588 [1] : vector<64x64xf32> to vector<64xf32>
    %broadcast_in_dim3A_590 = vector.shape_cast %reduce_sum3A_589 : vector<64xf32> to vector<64x1xf32>
    %reduce_sum3A_591 = arith.constant dense<0.000000e+00> : vector<64xf32>
    %reduce_sum3A_592 = vector.multi_reduction <add>, %mul3A_587, %reduce_sum3A_591 [1] : vector<64x64xf32> to vector<64xf32>
    %broadcast_in_dim3A_593 = vector.shape_cast %reduce_sum3A_592 : vector<64xf32> to vector<64x1xf32>
    %mul3A_594 = arith.mulf %broadcast_in_dim3A_590, %broadcast_in_dim3A_590 : vector<64x1xf32>
    %mul3A_595 = arith.constant 1.200000e+01 : f32
    %mul3A_596 = vector.broadcast %mul3A_595 : f32 to vector<64x1xf32>
    %mul3A_597 = arith.mulf %mul3A_596, %mul3A_594 : vector<64x1xf32>
    %mul3A_598 = arith.mulf %broadcast_in_dim3A_593, %broadcast_in_dim3A_593 : vector<64x1xf32>
    %mul3A_599 = arith.constant 1.200000e+01 : f32
    %mul3A_600 = vector.broadcast %mul3A_599 : f32 to vector<64x1xf32>
    %mul3A_601 = arith.mulf %mul3A_600, %mul3A_598 : vector<64x1xf32>
    %add3A_602 = arith.addf %add3A_584, %mul3A_597 : vector<64x1xf32>
    %add3A_603 = arith.addf %add3A_585, %mul3A_601 : vector<64x1xf32>
    %mul3A_604 = arith.mulf %select_n3A_67, %mul3A_455 : vector<64x64xf32>
    %mul3A_605 = arith.mulf %mul3A_71, %mul3A_455 : vector<64x64xf32>
    %reduce_sum3A_606 = arith.constant dense<0.000000e+00> : vector<64xf32>
    %reduce_sum3A_607 = vector.multi_reduction <add>, %mul3A_604, %reduce_sum3A_606 [1] : vector<64x64xf32> to vector<64xf32>
    %broadcast_in_dim3A_608 = vector.shape_cast %reduce_sum3A_607 : vector<64xf32> to vector<64x1xf32>
    %reduce_sum3A_609 = arith.constant dense<0.000000e+00> : vector<64xf32>
    %reduce_sum3A_610 = vector.multi_reduction <add>, %mul3A_605, %reduce_sum3A_609 [1] : vector<64x64xf32> to vector<64xf32>
    %broadcast_in_dim3A_611 = vector.shape_cast %reduce_sum3A_610 : vector<64xf32> to vector<64x1xf32>
    %mul3A_612 = arith.mulf %broadcast_in_dim3A_608, %broadcast_in_dim3A_608 : vector<64x1xf32>
    %mul3A_613 = arith.constant 1.200000e+01 : f32
    %mul3A_614 = vector.broadcast %mul3A_613 : f32 to vector<64x1xf32>
    %mul3A_615 = arith.mulf %mul3A_614, %mul3A_612 : vector<64x1xf32>
    %mul3A_616 = arith.mulf %broadcast_in_dim3A_611, %broadcast_in_dim3A_611 : vector<64x1xf32>
    %mul3A_617 = arith.constant 1.200000e+01 : f32
    %mul3A_618 = vector.broadcast %mul3A_617 : f32 to vector<64x1xf32>
    %mul3A_619 = arith.mulf %mul3A_618, %mul3A_616 : vector<64x1xf32>
    %add3A_620 = arith.addf %add3A_602, %mul3A_615 : vector<64x1xf32>
    %add3A_621 = arith.addf %add3A_603, %mul3A_619 : vector<64x1xf32>
    %mul3A_622 = arith.mulf %select_n3A_67, %mul3A_456 : vector<64x64xf32>
    %mul3A_623 = arith.mulf %mul3A_71, %mul3A_456 : vector<64x64xf32>
    %reduce_sum3A_624 = arith.constant dense<0.000000e+00> : vector<64xf32>
    %reduce_sum3A_625 = vector.multi_reduction <add>, %mul3A_622, %reduce_sum3A_624 [1] : vector<64x64xf32> to vector<64xf32>
    %broadcast_in_dim3A_626 = vector.shape_cast %reduce_sum3A_625 : vector<64xf32> to vector<64x1xf32>
    %reduce_sum3A_627 = arith.constant dense<0.000000e+00> : vector<64xf32>
    %reduce_sum3A_628 = vector.multi_reduction <add>, %mul3A_623, %reduce_sum3A_627 [1] : vector<64x64xf32> to vector<64xf32>
    %broadcast_in_dim3A_629 = vector.shape_cast %reduce_sum3A_628 : vector<64xf32> to vector<64x1xf32>
    %mul3A_630 = arith.mulf %broadcast_in_dim3A_626, %broadcast_in_dim3A_626 : vector<64x1xf32>
    %mul3A_631 = arith.constant 4.000000e+00 : f32
    %mul3A_632 = vector.broadcast %mul3A_631 : f32 to vector<64x1xf32>
    %mul3A_633 = arith.mulf %mul3A_632, %mul3A_630 : vector<64x1xf32>
    %mul3A_634 = arith.mulf %broadcast_in_dim3A_629, %broadcast_in_dim3A_629 : vector<64x1xf32>
    %mul3A_635 = arith.constant 4.000000e+00 : f32
    %mul3A_636 = vector.broadcast %mul3A_635 : f32 to vector<64x1xf32>
    %mul3A_637 = arith.mulf %mul3A_636, %mul3A_634 : vector<64x1xf32>
    %add3A_638 = arith.addf %add3A_620, %mul3A_633 : vector<64x1xf32>
    %add3A_639 = arith.addf %add3A_621, %mul3A_637 : vector<64x1xf32>
    %mul3A_640 = arith.mulf %select_n3A_67, %mul3A_457 : vector<64x64xf32>
    %mul3A_641 = arith.mulf %mul3A_71, %mul3A_457 : vector<64x64xf32>
    %reduce_sum3A_642 = arith.constant dense<0.000000e+00> : vector<64xf32>
    %reduce_sum3A_643 = vector.multi_reduction <add>, %mul3A_640, %reduce_sum3A_642 [1] : vector<64x64xf32> to vector<64xf32>
    %broadcast_in_dim3A_644 = vector.shape_cast %reduce_sum3A_643 : vector<64xf32> to vector<64x1xf32>
    %reduce_sum3A_645 = arith.constant dense<0.000000e+00> : vector<64xf32>
    %reduce_sum3A_646 = vector.multi_reduction <add>, %mul3A_641, %reduce_sum3A_645 [1] : vector<64x64xf32> to vector<64xf32>
    %broadcast_in_dim3A_647 = vector.shape_cast %reduce_sum3A_646 : vector<64xf32> to vector<64x1xf32>
    %mul3A_648 = arith.mulf %broadcast_in_dim3A_644, %broadcast_in_dim3A_644 : vector<64x1xf32>
    %mul3A_649 = arith.constant 1.000000e+00 : f32
    %mul3A_650 = vector.broadcast %mul3A_649 : f32 to vector<64x1xf32>
    %mul3A_651 = arith.mulf %mul3A_650, %mul3A_648 : vector<64x1xf32>
    %mul3A_652 = arith.mulf %broadcast_in_dim3A_647, %broadcast_in_dim3A_647 : vector<64x1xf32>
    %mul3A_653 = arith.constant 1.000000e+00 : f32
    %mul3A_654 = vector.broadcast %mul3A_653 : f32 to vector<64x1xf32>
    %mul3A_655 = arith.mulf %mul3A_654, %mul3A_652 : vector<64x1xf32>
    %add3A_656 = arith.addf %add3A_638, %mul3A_651 : vector<64x1xf32>
    %add3A_657 = arith.addf %add3A_639, %mul3A_655 : vector<64x1xf32>
    %mul3A_658 = arith.mulf %select_n3A_67, %mul3A_458 : vector<64x64xf32>
    %mul3A_659 = arith.mulf %mul3A_71, %mul3A_458 : vector<64x64xf32>
    %reduce_sum3A_660 = arith.constant dense<0.000000e+00> : vector<64xf32>
    %reduce_sum3A_661 = vector.multi_reduction <add>, %mul3A_658, %reduce_sum3A_660 [1] : vector<64x64xf32> to vector<64xf32>
    %broadcast_in_dim3A_662 = vector.shape_cast %reduce_sum3A_661 : vector<64xf32> to vector<64x1xf32>
    %reduce_sum3A_663 = arith.constant dense<0.000000e+00> : vector<64xf32>
    %reduce_sum3A_664 = vector.multi_reduction <add>, %mul3A_659, %reduce_sum3A_663 [1] : vector<64x64xf32> to vector<64xf32>
    %broadcast_in_dim3A_665 = vector.shape_cast %reduce_sum3A_664 : vector<64xf32> to vector<64x1xf32>
    %mul3A_666 = arith.mulf %broadcast_in_dim3A_662, %broadcast_in_dim3A_662 : vector<64x1xf32>
    %mul3A_667 = arith.constant 4.000000e+00 : f32
    %mul3A_668 = vector.broadcast %mul3A_667 : f32 to vector<64x1xf32>
    %mul3A_669 = arith.mulf %mul3A_668, %mul3A_666 : vector<64x1xf32>
    %mul3A_670 = arith.mulf %broadcast_in_dim3A_665, %broadcast_in_dim3A_665 : vector<64x1xf32>
    %mul3A_671 = arith.constant 4.000000e+00 : f32
    %mul3A_672 = vector.broadcast %mul3A_671 : f32 to vector<64x1xf32>
    %mul3A_673 = arith.mulf %mul3A_672, %mul3A_670 : vector<64x1xf32>
    %add3A_674 = arith.addf %add3A_656, %mul3A_669 : vector<64x1xf32>
    %add3A_675 = arith.addf %add3A_657, %mul3A_673 : vector<64x1xf32>
    %mul3A_676 = arith.mulf %select_n3A_67, %mul3A_459 : vector<64x64xf32>
    %mul3A_677 = arith.mulf %mul3A_71, %mul3A_459 : vector<64x64xf32>
    %reduce_sum3A_678 = arith.constant dense<0.000000e+00> : vector<64xf32>
    %reduce_sum3A_679 = vector.multi_reduction <add>, %mul3A_676, %reduce_sum3A_678 [1] : vector<64x64xf32> to vector<64xf32>
    %broadcast_in_dim3A_680 = vector.shape_cast %reduce_sum3A_679 : vector<64xf32> to vector<64x1xf32>
    %reduce_sum3A_681 = arith.constant dense<0.000000e+00> : vector<64xf32>
    %reduce_sum3A_682 = vector.multi_reduction <add>, %mul3A_677, %reduce_sum3A_681 [1] : vector<64x64xf32> to vector<64xf32>
    %broadcast_in_dim3A_683 = vector.shape_cast %reduce_sum3A_682 : vector<64xf32> to vector<64x1xf32>
    %mul3A_684 = arith.mulf %broadcast_in_dim3A_680, %broadcast_in_dim3A_680 : vector<64x1xf32>
    %mul3A_685 = arith.constant 6.000000e+00 : f32
    %mul3A_686 = vector.broadcast %mul3A_685 : f32 to vector<64x1xf32>
    %mul3A_687 = arith.mulf %mul3A_686, %mul3A_684 : vector<64x1xf32>
    %mul3A_688 = arith.mulf %broadcast_in_dim3A_683, %broadcast_in_dim3A_683 : vector<64x1xf32>
    %mul3A_689 = arith.constant 6.000000e+00 : f32
    %mul3A_690 = vector.broadcast %mul3A_689 : f32 to vector<64x1xf32>
    %mul3A_691 = arith.mulf %mul3A_690, %mul3A_688 : vector<64x1xf32>
    %add3A_692 = arith.addf %add3A_674, %mul3A_687 : vector<64x1xf32>
    %add3A_693 = arith.addf %add3A_675, %mul3A_691 : vector<64x1xf32>
    %mul3A_694 = arith.mulf %select_n3A_67, %mul3A_460 : vector<64x64xf32>
    %mul3A_695 = arith.mulf %mul3A_71, %mul3A_460 : vector<64x64xf32>
    %reduce_sum3A_696 = arith.constant dense<0.000000e+00> : vector<64xf32>
    %reduce_sum3A_697 = vector.multi_reduction <add>, %mul3A_694, %reduce_sum3A_696 [1] : vector<64x64xf32> to vector<64xf32>
    %broadcast_in_dim3A_698 = vector.shape_cast %reduce_sum3A_697 : vector<64xf32> to vector<64x1xf32>
    %reduce_sum3A_699 = arith.constant dense<0.000000e+00> : vector<64xf32>
    %reduce_sum3A_700 = vector.multi_reduction <add>, %mul3A_695, %reduce_sum3A_699 [1] : vector<64x64xf32> to vector<64xf32>
    %broadcast_in_dim3A_701 = vector.shape_cast %reduce_sum3A_700 : vector<64xf32> to vector<64x1xf32>
    %mul3A_702 = arith.mulf %broadcast_in_dim3A_698, %broadcast_in_dim3A_698 : vector<64x1xf32>
    %mul3A_703 = arith.constant 4.000000e+00 : f32
    %mul3A_704 = vector.broadcast %mul3A_703 : f32 to vector<64x1xf32>
    %mul3A_705 = arith.mulf %mul3A_704, %mul3A_702 : vector<64x1xf32>
    %mul3A_706 = arith.mulf %broadcast_in_dim3A_701, %broadcast_in_dim3A_701 : vector<64x1xf32>
    %mul3A_707 = arith.constant 4.000000e+00 : f32
    %mul3A_708 = vector.broadcast %mul3A_707 : f32 to vector<64x1xf32>
    %mul3A_709 = arith.mulf %mul3A_708, %mul3A_706 : vector<64x1xf32>
    %add3A_710 = arith.addf %add3A_692, %mul3A_705 : vector<64x1xf32>
    %add3A_711 = arith.addf %add3A_693, %mul3A_709 : vector<64x1xf32>
    %mul3A_712 = arith.mulf %select_n3A_67, %mul3A_461 : vector<64x64xf32>
    %mul3A_713 = arith.mulf %mul3A_71, %mul3A_461 : vector<64x64xf32>
    %reduce_sum3A_714 = arith.constant dense<0.000000e+00> : vector<64xf32>
    %reduce_sum3A_715 = vector.multi_reduction <add>, %mul3A_712, %reduce_sum3A_714 [1] : vector<64x64xf32> to vector<64xf32>
    %broadcast_in_dim3A_716 = vector.shape_cast %reduce_sum3A_715 : vector<64xf32> to vector<64x1xf32>
    %reduce_sum3A_717 = arith.constant dense<0.000000e+00> : vector<64xf32>
    %reduce_sum3A_718 = vector.multi_reduction <add>, %mul3A_713, %reduce_sum3A_717 [1] : vector<64x64xf32> to vector<64xf32>
    %broadcast_in_dim3A_719 = vector.shape_cast %reduce_sum3A_718 : vector<64xf32> to vector<64x1xf32>
    %mul3A_720 = arith.mulf %broadcast_in_dim3A_716, %broadcast_in_dim3A_716 : vector<64x1xf32>
    %mul3A_721 = arith.constant 1.000000e+00 : f32
    %mul3A_722 = vector.broadcast %mul3A_721 : f32 to vector<64x1xf32>
    %mul3A_723 = arith.mulf %mul3A_722, %mul3A_720 : vector<64x1xf32>
    %mul3A_724 = arith.mulf %broadcast_in_dim3A_719, %broadcast_in_dim3A_719 : vector<64x1xf32>
    %mul3A_725 = arith.constant 1.000000e+00 : f32
    %mul3A_726 = vector.broadcast %mul3A_725 : f32 to vector<64x1xf32>
    %mul3A_727 = arith.mulf %mul3A_726, %mul3A_724 : vector<64x1xf32>
    %add3A_728 = arith.addf %add3A_710, %mul3A_723 : vector<64x1xf32>
    %add3A_729 = arith.addf %add3A_711, %mul3A_727 : vector<64x1xf32>
    %mul3A_730 = arith.mulf %mul3A_447, %select_n3A_74 : vector<64x64xf32>
    %mul3A_731 = arith.mulf %mul3A_448, %select_n3A_74 : vector<64x64xf32>
    %mul3A_732 = arith.mulf %mul3A_449, %select_n3A_74 : vector<64x64xf32>
    %mul3A_733 = arith.mulf %mul3A_450, %select_n3A_74 : vector<64x64xf32>
    %mul3A_734 = arith.mulf %mul3A_451, %select_n3A_74 : vector<64x64xf32>
    %mul3A_735 = arith.mulf %mul3A_452, %select_n3A_74 : vector<64x64xf32>
    %mul3A_736 = arith.mulf %mul3A_453, %select_n3A_74 : vector<64x64xf32>
    %mul3A_737 = arith.mulf %mul3A_454, %select_n3A_74 : vector<64x64xf32>
    %mul3A_738 = arith.mulf %mul3A_455, %select_n3A_74 : vector<64x64xf32>
    %mul3A_739 = arith.mulf %mul3A_456, %select_n3A_74 : vector<64x64xf32>
    %mul3A_740 = arith.mulf %mul3A_457, %select_n3A_74 : vector<64x64xf32>
    %mul3A_741 = arith.mulf %mul3A_458, %select_n3A_74 : vector<64x64xf32>
    %mul3A_742 = arith.mulf %mul3A_459, %select_n3A_74 : vector<64x64xf32>
    %mul3A_743 = arith.mulf %mul3A_460, %select_n3A_74 : vector<64x64xf32>
    %mul3A_744 = arith.mulf %mul3A_461, %select_n3A_74 : vector<64x64xf32>
    %mul3A_745 = arith.mulf %mul3A_457, %select_n3A_77 : vector<64x64xf32>
    %mul3A_746 = arith.mulf %mul3A_458, %select_n3A_77 : vector<64x64xf32>
    %mul3A_747 = arith.mulf %mul3A_459, %select_n3A_77 : vector<64x64xf32>
    %mul3A_748 = arith.mulf %mul3A_460, %select_n3A_77 : vector<64x64xf32>
    %mul3A_749 = arith.mulf %mul3A_461, %select_n3A_77 : vector<64x64xf32>
    %mul3A_750 = arith.mulf %mul3A_461, %select_n3A_80 : vector<64x64xf32>
    %mul3A_751 = arith.mulf %select_n3A_67, %mul3A_730 : vector<64x64xf32>
    %mul3A_752 = arith.mulf %mul3A_71, %mul3A_730 : vector<64x64xf32>
    %reduce_sum3A_753 = arith.constant dense<0.000000e+00> : vector<64xf32>
    %reduce_sum3A_754 = vector.multi_reduction <add>, %mul3A_751, %reduce_sum3A_753 [1] : vector<64x64xf32> to vector<64xf32>
    %broadcast_in_dim3A_755 = vector.shape_cast %reduce_sum3A_754 : vector<64xf32> to vector<64x1xf32>
    %reduce_sum3A_756 = arith.constant dense<0.000000e+00> : vector<64xf32>
    %reduce_sum3A_757 = vector.multi_reduction <add>, %mul3A_752, %reduce_sum3A_756 [1] : vector<64x64xf32> to vector<64xf32>
    %broadcast_in_dim3A_758 = vector.shape_cast %reduce_sum3A_757 : vector<64xf32> to vector<64x1xf32>
    %mul3A_759 = arith.mulf %broadcast_in_dim3A_755, %broadcast_in_dim3A_755 : vector<64x1xf32>
    %mul3A_760 = arith.constant 1.000000e+00 : f32
    %mul3A_761 = vector.broadcast %mul3A_760 : f32 to vector<64x1xf32>
    %mul3A_762 = arith.mulf %mul3A_761, %mul3A_759 : vector<64x1xf32>
    %mul3A_763 = arith.mulf %broadcast_in_dim3A_758, %broadcast_in_dim3A_758 : vector<64x1xf32>
    %mul3A_764 = arith.constant 1.000000e+00 : f32
    %mul3A_765 = vector.broadcast %mul3A_764 : f32 to vector<64x1xf32>
    %mul3A_766 = arith.mulf %mul3A_765, %mul3A_763 : vector<64x1xf32>
    %mul3A_767 = arith.mulf %select_n3A_67, %mul3A_731 : vector<64x64xf32>
    %mul3A_768 = arith.mulf %mul3A_71, %mul3A_731 : vector<64x64xf32>
    %reduce_sum3A_769 = arith.constant dense<0.000000e+00> : vector<64xf32>
    %reduce_sum3A_770 = vector.multi_reduction <add>, %mul3A_767, %reduce_sum3A_769 [1] : vector<64x64xf32> to vector<64xf32>
    %broadcast_in_dim3A_771 = vector.shape_cast %reduce_sum3A_770 : vector<64xf32> to vector<64x1xf32>
    %reduce_sum3A_772 = arith.constant dense<0.000000e+00> : vector<64xf32>
    %reduce_sum3A_773 = vector.multi_reduction <add>, %mul3A_768, %reduce_sum3A_772 [1] : vector<64x64xf32> to vector<64xf32>
    %broadcast_in_dim3A_774 = vector.shape_cast %reduce_sum3A_773 : vector<64xf32> to vector<64x1xf32>
    %mul3A_775 = arith.mulf %broadcast_in_dim3A_771, %broadcast_in_dim3A_771 : vector<64x1xf32>
    %mul3A_776 = arith.constant 5.000000e+00 : f32
    %mul3A_777 = vector.broadcast %mul3A_776 : f32 to vector<64x1xf32>
    %mul3A_778 = arith.mulf %mul3A_777, %mul3A_775 : vector<64x1xf32>
    %mul3A_779 = arith.mulf %broadcast_in_dim3A_774, %broadcast_in_dim3A_774 : vector<64x1xf32>
    %mul3A_780 = arith.constant 5.000000e+00 : f32
    %mul3A_781 = vector.broadcast %mul3A_780 : f32 to vector<64x1xf32>
    %mul3A_782 = arith.mulf %mul3A_781, %mul3A_779 : vector<64x1xf32>
    %add3A_783 = arith.addf %mul3A_762, %mul3A_778 : vector<64x1xf32>
    %add3A_784 = arith.addf %mul3A_766, %mul3A_782 : vector<64x1xf32>
    %mul3A_785 = arith.mulf %select_n3A_67, %mul3A_732 : vector<64x64xf32>
    %mul3A_786 = arith.mulf %mul3A_71, %mul3A_732 : vector<64x64xf32>
    %reduce_sum3A_787 = arith.constant dense<0.000000e+00> : vector<64xf32>
    %reduce_sum3A_788 = vector.multi_reduction <add>, %mul3A_785, %reduce_sum3A_787 [1] : vector<64x64xf32> to vector<64xf32>
    %broadcast_in_dim3A_789 = vector.shape_cast %reduce_sum3A_788 : vector<64xf32> to vector<64x1xf32>
    %reduce_sum3A_790 = arith.constant dense<0.000000e+00> : vector<64xf32>
    %reduce_sum3A_791 = vector.multi_reduction <add>, %mul3A_786, %reduce_sum3A_790 [1] : vector<64x64xf32> to vector<64xf32>
    %broadcast_in_dim3A_792 = vector.shape_cast %reduce_sum3A_791 : vector<64xf32> to vector<64x1xf32>
    %mul3A_793 = arith.mulf %broadcast_in_dim3A_789, %broadcast_in_dim3A_789 : vector<64x1xf32>
    %mul3A_794 = arith.constant 5.000000e+00 : f32
    %mul3A_795 = vector.broadcast %mul3A_794 : f32 to vector<64x1xf32>
    %mul3A_796 = arith.mulf %mul3A_795, %mul3A_793 : vector<64x1xf32>
    %mul3A_797 = arith.mulf %broadcast_in_dim3A_792, %broadcast_in_dim3A_792 : vector<64x1xf32>
    %mul3A_798 = arith.constant 5.000000e+00 : f32
    %mul3A_799 = vector.broadcast %mul3A_798 : f32 to vector<64x1xf32>
    %mul3A_800 = arith.mulf %mul3A_799, %mul3A_797 : vector<64x1xf32>
    %add3A_801 = arith.addf %add3A_783, %mul3A_796 : vector<64x1xf32>
    %add3A_802 = arith.addf %add3A_784, %mul3A_800 : vector<64x1xf32>
    %mul3A_803 = arith.mulf %select_n3A_67, %mul3A_733 : vector<64x64xf32>
    %mul3A_804 = arith.mulf %mul3A_71, %mul3A_733 : vector<64x64xf32>
    %reduce_sum3A_805 = arith.constant dense<0.000000e+00> : vector<64xf32>
    %reduce_sum3A_806 = vector.multi_reduction <add>, %mul3A_803, %reduce_sum3A_805 [1] : vector<64x64xf32> to vector<64xf32>
    %broadcast_in_dim3A_807 = vector.shape_cast %reduce_sum3A_806 : vector<64xf32> to vector<64x1xf32>
    %reduce_sum3A_808 = arith.constant dense<0.000000e+00> : vector<64xf32>
    %reduce_sum3A_809 = vector.multi_reduction <add>, %mul3A_804, %reduce_sum3A_808 [1] : vector<64x64xf32> to vector<64xf32>
    %broadcast_in_dim3A_810 = vector.shape_cast %reduce_sum3A_809 : vector<64xf32> to vector<64x1xf32>
    %mul3A_811 = arith.mulf %broadcast_in_dim3A_807, %broadcast_in_dim3A_807 : vector<64x1xf32>
    %mul3A_812 = arith.constant 1.000000e+01 : f32
    %mul3A_813 = vector.broadcast %mul3A_812 : f32 to vector<64x1xf32>
    %mul3A_814 = arith.mulf %mul3A_813, %mul3A_811 : vector<64x1xf32>
    %mul3A_815 = arith.mulf %broadcast_in_dim3A_810, %broadcast_in_dim3A_810 : vector<64x1xf32>
    %mul3A_816 = arith.constant 1.000000e+01 : f32
    %mul3A_817 = vector.broadcast %mul3A_816 : f32 to vector<64x1xf32>
    %mul3A_818 = arith.mulf %mul3A_817, %mul3A_815 : vector<64x1xf32>
    %add3A_819 = arith.addf %add3A_801, %mul3A_814 : vector<64x1xf32>
    %add3A_820 = arith.addf %add3A_802, %mul3A_818 : vector<64x1xf32>
    %mul3A_821 = arith.mulf %select_n3A_67, %mul3A_734 : vector<64x64xf32>
    %mul3A_822 = arith.mulf %mul3A_71, %mul3A_734 : vector<64x64xf32>
    %reduce_sum3A_823 = arith.constant dense<0.000000e+00> : vector<64xf32>
    %reduce_sum3A_824 = vector.multi_reduction <add>, %mul3A_821, %reduce_sum3A_823 [1] : vector<64x64xf32> to vector<64xf32>
    %broadcast_in_dim3A_825 = vector.shape_cast %reduce_sum3A_824 : vector<64xf32> to vector<64x1xf32>
    %reduce_sum3A_826 = arith.constant dense<0.000000e+00> : vector<64xf32>
    %reduce_sum3A_827 = vector.multi_reduction <add>, %mul3A_822, %reduce_sum3A_826 [1] : vector<64x64xf32> to vector<64xf32>
    %broadcast_in_dim3A_828 = vector.shape_cast %reduce_sum3A_827 : vector<64xf32> to vector<64x1xf32>
    %mul3A_829 = arith.mulf %broadcast_in_dim3A_825, %broadcast_in_dim3A_825 : vector<64x1xf32>
    %mul3A_830 = arith.constant 2.000000e+01 : f32
    %mul3A_831 = vector.broadcast %mul3A_830 : f32 to vector<64x1xf32>
    %mul3A_832 = arith.mulf %mul3A_831, %mul3A_829 : vector<64x1xf32>
    %mul3A_833 = arith.mulf %broadcast_in_dim3A_828, %broadcast_in_dim3A_828 : vector<64x1xf32>
    %mul3A_834 = arith.constant 2.000000e+01 : f32
    %mul3A_835 = vector.broadcast %mul3A_834 : f32 to vector<64x1xf32>
    %mul3A_836 = arith.mulf %mul3A_835, %mul3A_833 : vector<64x1xf32>
    %add3A_837 = arith.addf %add3A_819, %mul3A_832 : vector<64x1xf32>
    %add3A_838 = arith.addf %add3A_820, %mul3A_836 : vector<64x1xf32>
    %mul3A_839 = arith.mulf %select_n3A_67, %mul3A_735 : vector<64x64xf32>
    %mul3A_840 = arith.mulf %mul3A_71, %mul3A_735 : vector<64x64xf32>
    %reduce_sum3A_841 = arith.constant dense<0.000000e+00> : vector<64xf32>
    %reduce_sum3A_842 = vector.multi_reduction <add>, %mul3A_839, %reduce_sum3A_841 [1] : vector<64x64xf32> to vector<64xf32>
    %broadcast_in_dim3A_843 = vector.shape_cast %reduce_sum3A_842 : vector<64xf32> to vector<64x1xf32>
    %reduce_sum3A_844 = arith.constant dense<0.000000e+00> : vector<64xf32>
    %reduce_sum3A_845 = vector.multi_reduction <add>, %mul3A_840, %reduce_sum3A_844 [1] : vector<64x64xf32> to vector<64xf32>
    %broadcast_in_dim3A_846 = vector.shape_cast %reduce_sum3A_845 : vector<64xf32> to vector<64x1xf32>
    %mul3A_847 = arith.mulf %broadcast_in_dim3A_843, %broadcast_in_dim3A_843 : vector<64x1xf32>
    %mul3A_848 = arith.constant 1.000000e+01 : f32
    %mul3A_849 = vector.broadcast %mul3A_848 : f32 to vector<64x1xf32>
    %mul3A_850 = arith.mulf %mul3A_849, %mul3A_847 : vector<64x1xf32>
    %mul3A_851 = arith.mulf %broadcast_in_dim3A_846, %broadcast_in_dim3A_846 : vector<64x1xf32>
    %mul3A_852 = arith.constant 1.000000e+01 : f32
    %mul3A_853 = vector.broadcast %mul3A_852 : f32 to vector<64x1xf32>
    %mul3A_854 = arith.mulf %mul3A_853, %mul3A_851 : vector<64x1xf32>
    %add3A_855 = arith.addf %add3A_837, %mul3A_850 : vector<64x1xf32>
    %add3A_856 = arith.addf %add3A_838, %mul3A_854 : vector<64x1xf32>
    %mul3A_857 = arith.mulf %select_n3A_67, %mul3A_736 : vector<64x64xf32>
    %mul3A_858 = arith.mulf %mul3A_71, %mul3A_736 : vector<64x64xf32>
    %reduce_sum3A_859 = arith.constant dense<0.000000e+00> : vector<64xf32>
    %reduce_sum3A_860 = vector.multi_reduction <add>, %mul3A_857, %reduce_sum3A_859 [1] : vector<64x64xf32> to vector<64xf32>
    %broadcast_in_dim3A_861 = vector.shape_cast %reduce_sum3A_860 : vector<64xf32> to vector<64x1xf32>
    %reduce_sum3A_862 = arith.constant dense<0.000000e+00> : vector<64xf32>
    %reduce_sum3A_863 = vector.multi_reduction <add>, %mul3A_858, %reduce_sum3A_862 [1] : vector<64x64xf32> to vector<64xf32>
    %broadcast_in_dim3A_864 = vector.shape_cast %reduce_sum3A_863 : vector<64xf32> to vector<64x1xf32>
    %mul3A_865 = arith.mulf %broadcast_in_dim3A_861, %broadcast_in_dim3A_861 : vector<64x1xf32>
    %mul3A_866 = arith.constant 1.000000e+01 : f32
    %mul3A_867 = vector.broadcast %mul3A_866 : f32 to vector<64x1xf32>
    %mul3A_868 = arith.mulf %mul3A_867, %mul3A_865 : vector<64x1xf32>
    %mul3A_869 = arith.mulf %broadcast_in_dim3A_864, %broadcast_in_dim3A_864 : vector<64x1xf32>
    %mul3A_870 = arith.constant 1.000000e+01 : f32
    %mul3A_871 = vector.broadcast %mul3A_870 : f32 to vector<64x1xf32>
    %mul3A_872 = arith.mulf %mul3A_871, %mul3A_869 : vector<64x1xf32>
    %add3A_873 = arith.addf %add3A_855, %mul3A_868 : vector<64x1xf32>
    %add3A_874 = arith.addf %add3A_856, %mul3A_872 : vector<64x1xf32>
    %mul3A_875 = arith.mulf %select_n3A_67, %mul3A_737 : vector<64x64xf32>
    %mul3A_876 = arith.mulf %mul3A_71, %mul3A_737 : vector<64x64xf32>
    %reduce_sum3A_877 = arith.constant dense<0.000000e+00> : vector<64xf32>
    %reduce_sum3A_878 = vector.multi_reduction <add>, %mul3A_875, %reduce_sum3A_877 [1] : vector<64x64xf32> to vector<64xf32>
    %broadcast_in_dim3A_879 = vector.shape_cast %reduce_sum3A_878 : vector<64xf32> to vector<64x1xf32>
    %reduce_sum3A_880 = arith.constant dense<0.000000e+00> : vector<64xf32>
    %reduce_sum3A_881 = vector.multi_reduction <add>, %mul3A_876, %reduce_sum3A_880 [1] : vector<64x64xf32> to vector<64xf32>
    %broadcast_in_dim3A_882 = vector.shape_cast %reduce_sum3A_881 : vector<64xf32> to vector<64x1xf32>
    %mul3A_883 = arith.mulf %broadcast_in_dim3A_879, %broadcast_in_dim3A_879 : vector<64x1xf32>
    %mul3A_884 = arith.constant 3.000000e+01 : f32
    %mul3A_885 = vector.broadcast %mul3A_884 : f32 to vector<64x1xf32>
    %mul3A_886 = arith.mulf %mul3A_885, %mul3A_883 : vector<64x1xf32>
    %mul3A_887 = arith.mulf %broadcast_in_dim3A_882, %broadcast_in_dim3A_882 : vector<64x1xf32>
    %mul3A_888 = arith.constant 3.000000e+01 : f32
    %mul3A_889 = vector.broadcast %mul3A_888 : f32 to vector<64x1xf32>
    %mul3A_890 = arith.mulf %mul3A_889, %mul3A_887 : vector<64x1xf32>
    %add3A_891 = arith.addf %add3A_873, %mul3A_886 : vector<64x1xf32>
    %add3A_892 = arith.addf %add3A_874, %mul3A_890 : vector<64x1xf32>
    %mul3A_893 = arith.mulf %select_n3A_67, %mul3A_738 : vector<64x64xf32>
    %mul3A_894 = arith.mulf %mul3A_71, %mul3A_738 : vector<64x64xf32>
    %reduce_sum3A_895 = arith.constant dense<0.000000e+00> : vector<64xf32>
    %reduce_sum3A_896 = vector.multi_reduction <add>, %mul3A_893, %reduce_sum3A_895 [1] : vector<64x64xf32> to vector<64xf32>
    %broadcast_in_dim3A_897 = vector.shape_cast %reduce_sum3A_896 : vector<64xf32> to vector<64x1xf32>
    %reduce_sum3A_898 = arith.constant dense<0.000000e+00> : vector<64xf32>
    %reduce_sum3A_899 = vector.multi_reduction <add>, %mul3A_894, %reduce_sum3A_898 [1] : vector<64x64xf32> to vector<64xf32>
    %broadcast_in_dim3A_900 = vector.shape_cast %reduce_sum3A_899 : vector<64xf32> to vector<64x1xf32>
    %mul3A_901 = arith.mulf %broadcast_in_dim3A_897, %broadcast_in_dim3A_897 : vector<64x1xf32>
    %mul3A_902 = arith.constant 3.000000e+01 : f32
    %mul3A_903 = vector.broadcast %mul3A_902 : f32 to vector<64x1xf32>
    %mul3A_904 = arith.mulf %mul3A_903, %mul3A_901 : vector<64x1xf32>
    %mul3A_905 = arith.mulf %broadcast_in_dim3A_900, %broadcast_in_dim3A_900 : vector<64x1xf32>
    %mul3A_906 = arith.constant 3.000000e+01 : f32
    %mul3A_907 = vector.broadcast %mul3A_906 : f32 to vector<64x1xf32>
    %mul3A_908 = arith.mulf %mul3A_907, %mul3A_905 : vector<64x1xf32>
    %add3A_909 = arith.addf %add3A_891, %mul3A_904 : vector<64x1xf32>
    %add3A_910 = arith.addf %add3A_892, %mul3A_908 : vector<64x1xf32>
    %mul3A_911 = arith.mulf %select_n3A_67, %mul3A_739 : vector<64x64xf32>
    %mul3A_912 = arith.mulf %mul3A_71, %mul3A_739 : vector<64x64xf32>
    %reduce_sum3A_913 = arith.constant dense<0.000000e+00> : vector<64xf32>
    %reduce_sum3A_914 = vector.multi_reduction <add>, %mul3A_911, %reduce_sum3A_913 [1] : vector<64x64xf32> to vector<64xf32>
    %broadcast_in_dim3A_915 = vector.shape_cast %reduce_sum3A_914 : vector<64xf32> to vector<64x1xf32>
    %reduce_sum3A_916 = arith.constant dense<0.000000e+00> : vector<64xf32>
    %reduce_sum3A_917 = vector.multi_reduction <add>, %mul3A_912, %reduce_sum3A_916 [1] : vector<64x64xf32> to vector<64xf32>
    %broadcast_in_dim3A_918 = vector.shape_cast %reduce_sum3A_917 : vector<64xf32> to vector<64x1xf32>
    %mul3A_919 = arith.mulf %broadcast_in_dim3A_915, %broadcast_in_dim3A_915 : vector<64x1xf32>
    %mul3A_920 = arith.constant 1.000000e+01 : f32
    %mul3A_921 = vector.broadcast %mul3A_920 : f32 to vector<64x1xf32>
    %mul3A_922 = arith.mulf %mul3A_921, %mul3A_919 : vector<64x1xf32>
    %mul3A_923 = arith.mulf %broadcast_in_dim3A_918, %broadcast_in_dim3A_918 : vector<64x1xf32>
    %mul3A_924 = arith.constant 1.000000e+01 : f32
    %mul3A_925 = vector.broadcast %mul3A_924 : f32 to vector<64x1xf32>
    %mul3A_926 = arith.mulf %mul3A_925, %mul3A_923 : vector<64x1xf32>
    %add3A_927 = arith.addf %add3A_909, %mul3A_922 : vector<64x1xf32>
    %add3A_928 = arith.addf %add3A_910, %mul3A_926 : vector<64x1xf32>
    %mul3A_929 = arith.mulf %select_n3A_67, %mul3A_740 : vector<64x64xf32>
    %mul3A_930 = arith.mulf %mul3A_71, %mul3A_740 : vector<64x64xf32>
    %reduce_sum3A_931 = arith.constant dense<0.000000e+00> : vector<64xf32>
    %reduce_sum3A_932 = vector.multi_reduction <add>, %mul3A_929, %reduce_sum3A_931 [1] : vector<64x64xf32> to vector<64xf32>
    %broadcast_in_dim3A_933 = vector.shape_cast %reduce_sum3A_932 : vector<64xf32> to vector<64x1xf32>
    %reduce_sum3A_934 = arith.constant dense<0.000000e+00> : vector<64xf32>
    %reduce_sum3A_935 = vector.multi_reduction <add>, %mul3A_930, %reduce_sum3A_934 [1] : vector<64x64xf32> to vector<64xf32>
    %broadcast_in_dim3A_936 = vector.shape_cast %reduce_sum3A_935 : vector<64xf32> to vector<64x1xf32>
    %mul3A_937 = arith.mulf %broadcast_in_dim3A_933, %broadcast_in_dim3A_933 : vector<64x1xf32>
    %mul3A_938 = arith.constant 5.000000e+00 : f32
    %mul3A_939 = vector.broadcast %mul3A_938 : f32 to vector<64x1xf32>
    %mul3A_940 = arith.mulf %mul3A_939, %mul3A_937 : vector<64x1xf32>
    %mul3A_941 = arith.mulf %broadcast_in_dim3A_936, %broadcast_in_dim3A_936 : vector<64x1xf32>
    %mul3A_942 = arith.constant 5.000000e+00 : f32
    %mul3A_943 = vector.broadcast %mul3A_942 : f32 to vector<64x1xf32>
    %mul3A_944 = arith.mulf %mul3A_943, %mul3A_941 : vector<64x1xf32>
    %add3A_945 = arith.addf %add3A_927, %mul3A_940 : vector<64x1xf32>
    %add3A_946 = arith.addf %add3A_928, %mul3A_944 : vector<64x1xf32>
    %mul3A_947 = arith.mulf %select_n3A_67, %mul3A_741 : vector<64x64xf32>
    %mul3A_948 = arith.mulf %mul3A_71, %mul3A_741 : vector<64x64xf32>
    %reduce_sum3A_949 = arith.constant dense<0.000000e+00> : vector<64xf32>
    %reduce_sum3A_950 = vector.multi_reduction <add>, %mul3A_947, %reduce_sum3A_949 [1] : vector<64x64xf32> to vector<64xf32>
    %broadcast_in_dim3A_951 = vector.shape_cast %reduce_sum3A_950 : vector<64xf32> to vector<64x1xf32>
    %reduce_sum3A_952 = arith.constant dense<0.000000e+00> : vector<64xf32>
    %reduce_sum3A_953 = vector.multi_reduction <add>, %mul3A_948, %reduce_sum3A_952 [1] : vector<64x64xf32> to vector<64xf32>
    %broadcast_in_dim3A_954 = vector.shape_cast %reduce_sum3A_953 : vector<64xf32> to vector<64x1xf32>
    %mul3A_955 = arith.mulf %broadcast_in_dim3A_951, %broadcast_in_dim3A_951 : vector<64x1xf32>
    %mul3A_956 = arith.constant 2.000000e+01 : f32
    %mul3A_957 = vector.broadcast %mul3A_956 : f32 to vector<64x1xf32>
    %mul3A_958 = arith.mulf %mul3A_957, %mul3A_955 : vector<64x1xf32>
    %mul3A_959 = arith.mulf %broadcast_in_dim3A_954, %broadcast_in_dim3A_954 : vector<64x1xf32>
    %mul3A_960 = arith.constant 2.000000e+01 : f32
    %mul3A_961 = vector.broadcast %mul3A_960 : f32 to vector<64x1xf32>
    %mul3A_962 = arith.mulf %mul3A_961, %mul3A_959 : vector<64x1xf32>
    %add3A_963 = arith.addf %add3A_945, %mul3A_958 : vector<64x1xf32>
    %add3A_964 = arith.addf %add3A_946, %mul3A_962 : vector<64x1xf32>
    %mul3A_965 = arith.mulf %select_n3A_67, %mul3A_742 : vector<64x64xf32>
    %mul3A_966 = arith.mulf %mul3A_71, %mul3A_742 : vector<64x64xf32>
    %reduce_sum3A_967 = arith.constant dense<0.000000e+00> : vector<64xf32>
    %reduce_sum3A_968 = vector.multi_reduction <add>, %mul3A_965, %reduce_sum3A_967 [1] : vector<64x64xf32> to vector<64xf32>
    %broadcast_in_dim3A_969 = vector.shape_cast %reduce_sum3A_968 : vector<64xf32> to vector<64x1xf32>
    %reduce_sum3A_970 = arith.constant dense<0.000000e+00> : vector<64xf32>
    %reduce_sum3A_971 = vector.multi_reduction <add>, %mul3A_966, %reduce_sum3A_970 [1] : vector<64x64xf32> to vector<64xf32>
    %broadcast_in_dim3A_972 = vector.shape_cast %reduce_sum3A_971 : vector<64xf32> to vector<64x1xf32>
    %mul3A_973 = arith.mulf %broadcast_in_dim3A_969, %broadcast_in_dim3A_969 : vector<64x1xf32>
    %mul3A_974 = arith.constant 3.000000e+01 : f32
    %mul3A_975 = vector.broadcast %mul3A_974 : f32 to vector<64x1xf32>
    %mul3A_976 = arith.mulf %mul3A_975, %mul3A_973 : vector<64x1xf32>
    %mul3A_977 = arith.mulf %broadcast_in_dim3A_972, %broadcast_in_dim3A_972 : vector<64x1xf32>
    %mul3A_978 = arith.constant 3.000000e+01 : f32
    %mul3A_979 = vector.broadcast %mul3A_978 : f32 to vector<64x1xf32>
    %mul3A_980 = arith.mulf %mul3A_979, %mul3A_977 : vector<64x1xf32>
    %add3A_981 = arith.addf %add3A_963, %mul3A_976 : vector<64x1xf32>
    %add3A_982 = arith.addf %add3A_964, %mul3A_980 : vector<64x1xf32>
    %mul3A_983 = arith.mulf %select_n3A_67, %mul3A_743 : vector<64x64xf32>
    %mul3A_984 = arith.mulf %mul3A_71, %mul3A_743 : vector<64x64xf32>
    %reduce_sum3A_985 = arith.constant dense<0.000000e+00> : vector<64xf32>
    %reduce_sum3A_986 = vector.multi_reduction <add>, %mul3A_983, %reduce_sum3A_985 [1] : vector<64x64xf32> to vector<64xf32>
    %broadcast_in_dim3A_987 = vector.shape_cast %reduce_sum3A_986 : vector<64xf32> to vector<64x1xf32>
    %reduce_sum3A_988 = arith.constant dense<0.000000e+00> : vector<64xf32>
    %reduce_sum3A_989 = vector.multi_reduction <add>, %mul3A_984, %reduce_sum3A_988 [1] : vector<64x64xf32> to vector<64xf32>
    %broadcast_in_dim3A_990 = vector.shape_cast %reduce_sum3A_989 : vector<64xf32> to vector<64x1xf32>
    %mul3A_991 = arith.mulf %broadcast_in_dim3A_987, %broadcast_in_dim3A_987 : vector<64x1xf32>
    %mul3A_992 = arith.constant 2.000000e+01 : f32
    %mul3A_993 = vector.broadcast %mul3A_992 : f32 to vector<64x1xf32>
    %mul3A_994 = arith.mulf %mul3A_993, %mul3A_991 : vector<64x1xf32>
    %mul3A_995 = arith.mulf %broadcast_in_dim3A_990, %broadcast_in_dim3A_990 : vector<64x1xf32>
    %mul3A_996 = arith.constant 2.000000e+01 : f32
    %mul3A_997 = vector.broadcast %mul3A_996 : f32 to vector<64x1xf32>
    %mul3A_998 = arith.mulf %mul3A_997, %mul3A_995 : vector<64x1xf32>
    %add3A_999 = arith.addf %add3A_981, %mul3A_994 : vector<64x1xf32>
    %add3A_1000 = arith.addf %add3A_982, %mul3A_998 : vector<64x1xf32>
    %mul3A_1001 = arith.mulf %select_n3A_67, %mul3A_744 : vector<64x64xf32>
    %mul3A_1002 = arith.mulf %mul3A_71, %mul3A_744 : vector<64x64xf32>
    %reduce_sum3A_1003 = arith.constant dense<0.000000e+00> : vector<64xf32>
    %reduce_sum3A_1004 = vector.multi_reduction <add>, %mul3A_1001, %reduce_sum3A_1003 [1] : vector<64x64xf32> to vector<64xf32>
    %broadcast_in_dim3A_1005 = vector.shape_cast %reduce_sum3A_1004 : vector<64xf32> to vector<64x1xf32>
    %reduce_sum3A_1006 = arith.constant dense<0.000000e+00> : vector<64xf32>
    %reduce_sum3A_1007 = vector.multi_reduction <add>, %mul3A_1002, %reduce_sum3A_1006 [1] : vector<64x64xf32> to vector<64xf32>
    %broadcast_in_dim3A_1008 = vector.shape_cast %reduce_sum3A_1007 : vector<64xf32> to vector<64x1xf32>
    %mul3A_1009 = arith.mulf %broadcast_in_dim3A_1005, %broadcast_in_dim3A_1005 : vector<64x1xf32>
    %mul3A_1010 = arith.constant 5.000000e+00 : f32
    %mul3A_1011 = vector.broadcast %mul3A_1010 : f32 to vector<64x1xf32>
    %mul3A_1012 = arith.mulf %mul3A_1011, %mul3A_1009 : vector<64x1xf32>
    %mul3A_1013 = arith.mulf %broadcast_in_dim3A_1008, %broadcast_in_dim3A_1008 : vector<64x1xf32>
    %mul3A_1014 = arith.constant 5.000000e+00 : f32
    %mul3A_1015 = vector.broadcast %mul3A_1014 : f32 to vector<64x1xf32>
    %mul3A_1016 = arith.mulf %mul3A_1015, %mul3A_1013 : vector<64x1xf32>
    %add3A_1017 = arith.addf %add3A_999, %mul3A_1012 : vector<64x1xf32>
    %add3A_1018 = arith.addf %add3A_1000, %mul3A_1016 : vector<64x1xf32>
    %mul3A_1019 = arith.mulf %select_n3A_67, %mul3A_745 : vector<64x64xf32>
    %mul3A_1020 = arith.mulf %mul3A_71, %mul3A_745 : vector<64x64xf32>
    %reduce_sum3A_1021 = arith.constant dense<0.000000e+00> : vector<64xf32>
    %reduce_sum3A_1022 = vector.multi_reduction <add>, %mul3A_1019, %reduce_sum3A_1021 [1] : vector<64x64xf32> to vector<64xf32>
    %broadcast_in_dim3A_1023 = vector.shape_cast %reduce_sum3A_1022 : vector<64xf32> to vector<64x1xf32>
    %reduce_sum3A_1024 = arith.constant dense<0.000000e+00> : vector<64xf32>
    %reduce_sum3A_1025 = vector.multi_reduction <add>, %mul3A_1020, %reduce_sum3A_1024 [1] : vector<64x64xf32> to vector<64xf32>
    %broadcast_in_dim3A_1026 = vector.shape_cast %reduce_sum3A_1025 : vector<64xf32> to vector<64x1xf32>
    %mul3A_1027 = arith.mulf %broadcast_in_dim3A_1023, %broadcast_in_dim3A_1023 : vector<64x1xf32>
    %mul3A_1028 = arith.constant 1.000000e+00 : f32
    %mul3A_1029 = vector.broadcast %mul3A_1028 : f32 to vector<64x1xf32>
    %mul3A_1030 = arith.mulf %mul3A_1029, %mul3A_1027 : vector<64x1xf32>
    %mul3A_1031 = arith.mulf %broadcast_in_dim3A_1026, %broadcast_in_dim3A_1026 : vector<64x1xf32>
    %mul3A_1032 = arith.constant 1.000000e+00 : f32
    %mul3A_1033 = vector.broadcast %mul3A_1032 : f32 to vector<64x1xf32>
    %mul3A_1034 = arith.mulf %mul3A_1033, %mul3A_1031 : vector<64x1xf32>
    %add3A_1035 = arith.addf %add3A_1017, %mul3A_1030 : vector<64x1xf32>
    %add3A_1036 = arith.addf %add3A_1018, %mul3A_1034 : vector<64x1xf32>
    %mul3A_1037 = arith.mulf %select_n3A_67, %mul3A_746 : vector<64x64xf32>
    %mul3A_1038 = arith.mulf %mul3A_71, %mul3A_746 : vector<64x64xf32>
    %reduce_sum3A_1039 = arith.constant dense<0.000000e+00> : vector<64xf32>
    %reduce_sum3A_1040 = vector.multi_reduction <add>, %mul3A_1037, %reduce_sum3A_1039 [1] : vector<64x64xf32> to vector<64xf32>
    %broadcast_in_dim3A_1041 = vector.shape_cast %reduce_sum3A_1040 : vector<64xf32> to vector<64x1xf32>
    %reduce_sum3A_1042 = arith.constant dense<0.000000e+00> : vector<64xf32>
    %reduce_sum3A_1043 = vector.multi_reduction <add>, %mul3A_1038, %reduce_sum3A_1042 [1] : vector<64x64xf32> to vector<64xf32>
    %broadcast_in_dim3A_1044 = vector.shape_cast %reduce_sum3A_1043 : vector<64xf32> to vector<64x1xf32>
    %mul3A_1045 = arith.mulf %broadcast_in_dim3A_1041, %broadcast_in_dim3A_1041 : vector<64x1xf32>
    %mul3A_1046 = arith.constant 5.000000e+00 : f32
    %mul3A_1047 = vector.broadcast %mul3A_1046 : f32 to vector<64x1xf32>
    %mul3A_1048 = arith.mulf %mul3A_1047, %mul3A_1045 : vector<64x1xf32>
    %mul3A_1049 = arith.mulf %broadcast_in_dim3A_1044, %broadcast_in_dim3A_1044 : vector<64x1xf32>
    %mul3A_1050 = arith.constant 5.000000e+00 : f32
    %mul3A_1051 = vector.broadcast %mul3A_1050 : f32 to vector<64x1xf32>
    %mul3A_1052 = arith.mulf %mul3A_1051, %mul3A_1049 : vector<64x1xf32>
    %add3A_1053 = arith.addf %add3A_1035, %mul3A_1048 : vector<64x1xf32>
    %add3A_1054 = arith.addf %add3A_1036, %mul3A_1052 : vector<64x1xf32>
    %mul3A_1055 = arith.mulf %select_n3A_67, %mul3A_747 : vector<64x64xf32>
    %mul3A_1056 = arith.mulf %mul3A_71, %mul3A_747 : vector<64x64xf32>
    %reduce_sum3A_1057 = arith.constant dense<0.000000e+00> : vector<64xf32>
    %reduce_sum3A_1058 = vector.multi_reduction <add>, %mul3A_1055, %reduce_sum3A_1057 [1] : vector<64x64xf32> to vector<64xf32>
    %broadcast_in_dim3A_1059 = vector.shape_cast %reduce_sum3A_1058 : vector<64xf32> to vector<64x1xf32>
    %reduce_sum3A_1060 = arith.constant dense<0.000000e+00> : vector<64xf32>
    %reduce_sum3A_1061 = vector.multi_reduction <add>, %mul3A_1056, %reduce_sum3A_1060 [1] : vector<64x64xf32> to vector<64xf32>
    %broadcast_in_dim3A_1062 = vector.shape_cast %reduce_sum3A_1061 : vector<64xf32> to vector<64x1xf32>
    %mul3A_1063 = arith.mulf %broadcast_in_dim3A_1059, %broadcast_in_dim3A_1059 : vector<64x1xf32>
    %mul3A_1064 = arith.constant 1.000000e+01 : f32
    %mul3A_1065 = vector.broadcast %mul3A_1064 : f32 to vector<64x1xf32>
    %mul3A_1066 = arith.mulf %mul3A_1065, %mul3A_1063 : vector<64x1xf32>
    %mul3A_1067 = arith.mulf %broadcast_in_dim3A_1062, %broadcast_in_dim3A_1062 : vector<64x1xf32>
    %mul3A_1068 = arith.constant 1.000000e+01 : f32
    %mul3A_1069 = vector.broadcast %mul3A_1068 : f32 to vector<64x1xf32>
    %mul3A_1070 = arith.mulf %mul3A_1069, %mul3A_1067 : vector<64x1xf32>
    %add3A_1071 = arith.addf %add3A_1053, %mul3A_1066 : vector<64x1xf32>
    %add3A_1072 = arith.addf %add3A_1054, %mul3A_1070 : vector<64x1xf32>
    %mul3A_1073 = arith.mulf %select_n3A_67, %mul3A_748 : vector<64x64xf32>
    %mul3A_1074 = arith.mulf %mul3A_71, %mul3A_748 : vector<64x64xf32>
    %reduce_sum3A_1075 = arith.constant dense<0.000000e+00> : vector<64xf32>
    %reduce_sum3A_1076 = vector.multi_reduction <add>, %mul3A_1073, %reduce_sum3A_1075 [1] : vector<64x64xf32> to vector<64xf32>
    %broadcast_in_dim3A_1077 = vector.shape_cast %reduce_sum3A_1076 : vector<64xf32> to vector<64x1xf32>
    %reduce_sum3A_1078 = arith.constant dense<0.000000e+00> : vector<64xf32>
    %reduce_sum3A_1079 = vector.multi_reduction <add>, %mul3A_1074, %reduce_sum3A_1078 [1] : vector<64x64xf32> to vector<64xf32>
    %broadcast_in_dim3A_1080 = vector.shape_cast %reduce_sum3A_1079 : vector<64xf32> to vector<64x1xf32>
    %mul3A_1081 = arith.mulf %broadcast_in_dim3A_1077, %broadcast_in_dim3A_1077 : vector<64x1xf32>
    %mul3A_1082 = arith.constant 1.000000e+01 : f32
    %mul3A_1083 = vector.broadcast %mul3A_1082 : f32 to vector<64x1xf32>
    %mul3A_1084 = arith.mulf %mul3A_1083, %mul3A_1081 : vector<64x1xf32>
    %mul3A_1085 = arith.mulf %broadcast_in_dim3A_1080, %broadcast_in_dim3A_1080 : vector<64x1xf32>
    %mul3A_1086 = arith.constant 1.000000e+01 : f32
    %mul3A_1087 = vector.broadcast %mul3A_1086 : f32 to vector<64x1xf32>
    %mul3A_1088 = arith.mulf %mul3A_1087, %mul3A_1085 : vector<64x1xf32>
    %add3A_1089 = arith.addf %add3A_1071, %mul3A_1084 : vector<64x1xf32>
    %add3A_1090 = arith.addf %add3A_1072, %mul3A_1088 : vector<64x1xf32>
    %mul3A_1091 = arith.mulf %select_n3A_67, %mul3A_749 : vector<64x64xf32>
    %mul3A_1092 = arith.mulf %mul3A_71, %mul3A_749 : vector<64x64xf32>
    %reduce_sum3A_1093 = arith.constant dense<0.000000e+00> : vector<64xf32>
    %reduce_sum3A_1094 = vector.multi_reduction <add>, %mul3A_1091, %reduce_sum3A_1093 [1] : vector<64x64xf32> to vector<64xf32>
    %broadcast_in_dim3A_1095 = vector.shape_cast %reduce_sum3A_1094 : vector<64xf32> to vector<64x1xf32>
    %reduce_sum3A_1096 = arith.constant dense<0.000000e+00> : vector<64xf32>
    %reduce_sum3A_1097 = vector.multi_reduction <add>, %mul3A_1092, %reduce_sum3A_1096 [1] : vector<64x64xf32> to vector<64xf32>
    %broadcast_in_dim3A_1098 = vector.shape_cast %reduce_sum3A_1097 : vector<64xf32> to vector<64x1xf32>
    %mul3A_1099 = arith.mulf %broadcast_in_dim3A_1095, %broadcast_in_dim3A_1095 : vector<64x1xf32>
    %mul3A_1100 = arith.constant 5.000000e+00 : f32
    %mul3A_1101 = vector.broadcast %mul3A_1100 : f32 to vector<64x1xf32>
    %mul3A_1102 = arith.mulf %mul3A_1101, %mul3A_1099 : vector<64x1xf32>
    %mul3A_1103 = arith.mulf %broadcast_in_dim3A_1098, %broadcast_in_dim3A_1098 : vector<64x1xf32>
    %mul3A_1104 = arith.constant 5.000000e+00 : f32
    %mul3A_1105 = vector.broadcast %mul3A_1104 : f32 to vector<64x1xf32>
    %mul3A_1106 = arith.mulf %mul3A_1105, %mul3A_1103 : vector<64x1xf32>
    %add3A_1107 = arith.addf %add3A_1089, %mul3A_1102 : vector<64x1xf32>
    %add3A_1108 = arith.addf %add3A_1090, %mul3A_1106 : vector<64x1xf32>
    %mul3A_1109 = arith.mulf %select_n3A_67, %mul3A_750 : vector<64x64xf32>
    %mul3A_1110 = arith.mulf %mul3A_71, %mul3A_750 : vector<64x64xf32>
    %reduce_sum3A_1111 = arith.constant dense<0.000000e+00> : vector<64xf32>
    %reduce_sum3A_1112 = vector.multi_reduction <add>, %mul3A_1109, %reduce_sum3A_1111 [1] : vector<64x64xf32> to vector<64xf32>
    %broadcast_in_dim3A_1113 = vector.shape_cast %reduce_sum3A_1112 : vector<64xf32> to vector<64x1xf32>
    %reduce_sum3A_1114 = arith.constant dense<0.000000e+00> : vector<64xf32>
    %reduce_sum3A_1115 = vector.multi_reduction <add>, %mul3A_1110, %reduce_sum3A_1114 [1] : vector<64x64xf32> to vector<64xf32>
    %broadcast_in_dim3A_1116 = vector.shape_cast %reduce_sum3A_1115 : vector<64xf32> to vector<64x1xf32>
    %mul3A_1117 = arith.mulf %broadcast_in_dim3A_1113, %broadcast_in_dim3A_1113 : vector<64x1xf32>
    %mul3A_1118 = arith.constant 1.000000e+00 : f32
    %mul3A_1119 = vector.broadcast %mul3A_1118 : f32 to vector<64x1xf32>
    %mul3A_1120 = arith.mulf %mul3A_1119, %mul3A_1117 : vector<64x1xf32>
    %mul3A_1121 = arith.mulf %broadcast_in_dim3A_1116, %broadcast_in_dim3A_1116 : vector<64x1xf32>
    %mul3A_1122 = arith.constant 1.000000e+00 : f32
    %mul3A_1123 = vector.broadcast %mul3A_1122 : f32 to vector<64x1xf32>
    %mul3A_1124 = arith.mulf %mul3A_1123, %mul3A_1121 : vector<64x1xf32>
    %add3A_1125 = arith.addf %add3A_1107, %mul3A_1120 : vector<64x1xf32>
    %add3A_1126 = arith.addf %add3A_1108, %mul3A_1124 : vector<64x1xf32>
    %mul3A_1127 = arith.mulf %mul3A_730, %select_n3A_74 : vector<64x64xf32>
    %mul3A_1128 = arith.mulf %mul3A_731, %select_n3A_74 : vector<64x64xf32>
    %mul3A_1129 = arith.mulf %mul3A_732, %select_n3A_74 : vector<64x64xf32>
    %mul3A_1130 = arith.mulf %mul3A_733, %select_n3A_74 : vector<64x64xf32>
    %mul3A_1131 = arith.mulf %mul3A_734, %select_n3A_74 : vector<64x64xf32>
    %mul3A_1132 = arith.mulf %mul3A_735, %select_n3A_74 : vector<64x64xf32>
    %mul3A_1133 = arith.mulf %mul3A_736, %select_n3A_74 : vector<64x64xf32>
    %mul3A_1134 = arith.mulf %mul3A_737, %select_n3A_74 : vector<64x64xf32>
    %mul3A_1135 = arith.mulf %mul3A_738, %select_n3A_74 : vector<64x64xf32>
    %mul3A_1136 = arith.mulf %mul3A_739, %select_n3A_74 : vector<64x64xf32>
    %mul3A_1137 = arith.mulf %mul3A_740, %select_n3A_74 : vector<64x64xf32>
    %mul3A_1138 = arith.mulf %mul3A_741, %select_n3A_74 : vector<64x64xf32>
    %mul3A_1139 = arith.mulf %mul3A_742, %select_n3A_74 : vector<64x64xf32>
    %mul3A_1140 = arith.mulf %mul3A_743, %select_n3A_74 : vector<64x64xf32>
    %mul3A_1141 = arith.mulf %mul3A_744, %select_n3A_74 : vector<64x64xf32>
    %mul3A_1142 = arith.mulf %mul3A_745, %select_n3A_74 : vector<64x64xf32>
    %mul3A_1143 = arith.mulf %mul3A_746, %select_n3A_74 : vector<64x64xf32>
    %mul3A_1144 = arith.mulf %mul3A_747, %select_n3A_74 : vector<64x64xf32>
    %mul3A_1145 = arith.mulf %mul3A_748, %select_n3A_74 : vector<64x64xf32>
    %mul3A_1146 = arith.mulf %mul3A_749, %select_n3A_74 : vector<64x64xf32>
    %mul3A_1147 = arith.mulf %mul3A_750, %select_n3A_74 : vector<64x64xf32>
    %mul3A_1148 = arith.mulf %mul3A_745, %select_n3A_77 : vector<64x64xf32>
    %mul3A_1149 = arith.mulf %mul3A_746, %select_n3A_77 : vector<64x64xf32>
    %mul3A_1150 = arith.mulf %mul3A_747, %select_n3A_77 : vector<64x64xf32>
    %mul3A_1151 = arith.mulf %mul3A_748, %select_n3A_77 : vector<64x64xf32>
    %mul3A_1152 = arith.mulf %mul3A_749, %select_n3A_77 : vector<64x64xf32>
    %mul3A_1153 = arith.mulf %mul3A_750, %select_n3A_77 : vector<64x64xf32>
    %mul3A_1154 = arith.mulf %mul3A_750, %select_n3A_80 : vector<64x64xf32>
    %mul3A_1155 = arith.mulf %select_n3A_67, %mul3A_1127 : vector<64x64xf32>
    %mul3A_1156 = arith.mulf %mul3A_71, %mul3A_1127 : vector<64x64xf32>
    %reduce_sum3A_1157 = arith.constant dense<0.000000e+00> : vector<64xf32>
    %reduce_sum3A_1158 = vector.multi_reduction <add>, %mul3A_1155, %reduce_sum3A_1157 [1] : vector<64x64xf32> to vector<64xf32>
    %broadcast_in_dim3A_1159 = vector.shape_cast %reduce_sum3A_1158 : vector<64xf32> to vector<64x1xf32>
    %reduce_sum3A_1160 = arith.constant dense<0.000000e+00> : vector<64xf32>
    %reduce_sum3A_1161 = vector.multi_reduction <add>, %mul3A_1156, %reduce_sum3A_1160 [1] : vector<64x64xf32> to vector<64xf32>
    %broadcast_in_dim3A_1162 = vector.shape_cast %reduce_sum3A_1161 : vector<64xf32> to vector<64x1xf32>
    %mul3A_1163 = arith.mulf %broadcast_in_dim3A_1159, %broadcast_in_dim3A_1159 : vector<64x1xf32>
    %mul3A_1164 = arith.constant 1.000000e+00 : f32
    %mul3A_1165 = vector.broadcast %mul3A_1164 : f32 to vector<64x1xf32>
    %mul3A_1166 = arith.mulf %mul3A_1165, %mul3A_1163 : vector<64x1xf32>
    %mul3A_1167 = arith.mulf %broadcast_in_dim3A_1162, %broadcast_in_dim3A_1162 : vector<64x1xf32>
    %mul3A_1168 = arith.constant 1.000000e+00 : f32
    %mul3A_1169 = vector.broadcast %mul3A_1168 : f32 to vector<64x1xf32>
    %mul3A_1170 = arith.mulf %mul3A_1169, %mul3A_1167 : vector<64x1xf32>
    %mul3A_1171 = arith.mulf %select_n3A_67, %mul3A_1128 : vector<64x64xf32>
    %mul3A_1172 = arith.mulf %mul3A_71, %mul3A_1128 : vector<64x64xf32>
    %reduce_sum3A_1173 = arith.constant dense<0.000000e+00> : vector<64xf32>
    %reduce_sum3A_1174 = vector.multi_reduction <add>, %mul3A_1171, %reduce_sum3A_1173 [1] : vector<64x64xf32> to vector<64xf32>
    %broadcast_in_dim3A_1175 = vector.shape_cast %reduce_sum3A_1174 : vector<64xf32> to vector<64x1xf32>
    %reduce_sum3A_1176 = arith.constant dense<0.000000e+00> : vector<64xf32>
    %reduce_sum3A_1177 = vector.multi_reduction <add>, %mul3A_1172, %reduce_sum3A_1176 [1] : vector<64x64xf32> to vector<64xf32>
    %broadcast_in_dim3A_1178 = vector.shape_cast %reduce_sum3A_1177 : vector<64xf32> to vector<64x1xf32>
    %mul3A_1179 = arith.mulf %broadcast_in_dim3A_1175, %broadcast_in_dim3A_1175 : vector<64x1xf32>
    %mul3A_1180 = arith.constant 6.000000e+00 : f32
    %mul3A_1181 = vector.broadcast %mul3A_1180 : f32 to vector<64x1xf32>
    %mul3A_1182 = arith.mulf %mul3A_1181, %mul3A_1179 : vector<64x1xf32>
    %mul3A_1183 = arith.mulf %broadcast_in_dim3A_1178, %broadcast_in_dim3A_1178 : vector<64x1xf32>
    %mul3A_1184 = arith.constant 6.000000e+00 : f32
    %mul3A_1185 = vector.broadcast %mul3A_1184 : f32 to vector<64x1xf32>
    %mul3A_1186 = arith.mulf %mul3A_1185, %mul3A_1183 : vector<64x1xf32>
    %add3A_1187 = arith.addf %mul3A_1166, %mul3A_1182 : vector<64x1xf32>
    %add3A_1188 = arith.addf %mul3A_1170, %mul3A_1186 : vector<64x1xf32>
    %mul3A_1189 = arith.mulf %select_n3A_67, %mul3A_1129 : vector<64x64xf32>
    %mul3A_1190 = arith.mulf %mul3A_71, %mul3A_1129 : vector<64x64xf32>
    %reduce_sum3A_1191 = arith.constant dense<0.000000e+00> : vector<64xf32>
    %reduce_sum3A_1192 = vector.multi_reduction <add>, %mul3A_1189, %reduce_sum3A_1191 [1] : vector<64x64xf32> to vector<64xf32>
    %broadcast_in_dim3A_1193 = vector.shape_cast %reduce_sum3A_1192 : vector<64xf32> to vector<64x1xf32>
    %reduce_sum3A_1194 = arith.constant dense<0.000000e+00> : vector<64xf32>
    %reduce_sum3A_1195 = vector.multi_reduction <add>, %mul3A_1190, %reduce_sum3A_1194 [1] : vector<64x64xf32> to vector<64xf32>
    %broadcast_in_dim3A_1196 = vector.shape_cast %reduce_sum3A_1195 : vector<64xf32> to vector<64x1xf32>
    %mul3A_1197 = arith.mulf %broadcast_in_dim3A_1193, %broadcast_in_dim3A_1193 : vector<64x1xf32>
    %mul3A_1198 = arith.constant 6.000000e+00 : f32
    %mul3A_1199 = vector.broadcast %mul3A_1198 : f32 to vector<64x1xf32>
    %mul3A_1200 = arith.mulf %mul3A_1199, %mul3A_1197 : vector<64x1xf32>
    %mul3A_1201 = arith.mulf %broadcast_in_dim3A_1196, %broadcast_in_dim3A_1196 : vector<64x1xf32>
    %mul3A_1202 = arith.constant 6.000000e+00 : f32
    %mul3A_1203 = vector.broadcast %mul3A_1202 : f32 to vector<64x1xf32>
    %mul3A_1204 = arith.mulf %mul3A_1203, %mul3A_1201 : vector<64x1xf32>
    %add3A_1205 = arith.addf %add3A_1187, %mul3A_1200 : vector<64x1xf32>
    %add3A_1206 = arith.addf %add3A_1188, %mul3A_1204 : vector<64x1xf32>
    %mul3A_1207 = arith.mulf %select_n3A_67, %mul3A_1130 : vector<64x64xf32>
    %mul3A_1208 = arith.mulf %mul3A_71, %mul3A_1130 : vector<64x64xf32>
    %reduce_sum3A_1209 = arith.constant dense<0.000000e+00> : vector<64xf32>
    %reduce_sum3A_1210 = vector.multi_reduction <add>, %mul3A_1207, %reduce_sum3A_1209 [1] : vector<64x64xf32> to vector<64xf32>
    %broadcast_in_dim3A_1211 = vector.shape_cast %reduce_sum3A_1210 : vector<64xf32> to vector<64x1xf32>
    %reduce_sum3A_1212 = arith.constant dense<0.000000e+00> : vector<64xf32>
    %reduce_sum3A_1213 = vector.multi_reduction <add>, %mul3A_1208, %reduce_sum3A_1212 [1] : vector<64x64xf32> to vector<64xf32>
    %broadcast_in_dim3A_1214 = vector.shape_cast %reduce_sum3A_1213 : vector<64xf32> to vector<64x1xf32>
    %mul3A_1215 = arith.mulf %broadcast_in_dim3A_1211, %broadcast_in_dim3A_1211 : vector<64x1xf32>
    %mul3A_1216 = arith.constant 1.500000e+01 : f32
    %mul3A_1217 = vector.broadcast %mul3A_1216 : f32 to vector<64x1xf32>
    %mul3A_1218 = arith.mulf %mul3A_1217, %mul3A_1215 : vector<64x1xf32>
    %mul3A_1219 = arith.mulf %broadcast_in_dim3A_1214, %broadcast_in_dim3A_1214 : vector<64x1xf32>
    %mul3A_1220 = arith.constant 1.500000e+01 : f32
    %mul3A_1221 = vector.broadcast %mul3A_1220 : f32 to vector<64x1xf32>
    %mul3A_1222 = arith.mulf %mul3A_1221, %mul3A_1219 : vector<64x1xf32>
    %add3A_1223 = arith.addf %add3A_1205, %mul3A_1218 : vector<64x1xf32>
    %add3A_1224 = arith.addf %add3A_1206, %mul3A_1222 : vector<64x1xf32>
    %mul3A_1225 = arith.mulf %select_n3A_67, %mul3A_1131 : vector<64x64xf32>
    %mul3A_1226 = arith.mulf %mul3A_71, %mul3A_1131 : vector<64x64xf32>
    %reduce_sum3A_1227 = arith.constant dense<0.000000e+00> : vector<64xf32>
    %reduce_sum3A_1228 = vector.multi_reduction <add>, %mul3A_1225, %reduce_sum3A_1227 [1] : vector<64x64xf32> to vector<64xf32>
    %broadcast_in_dim3A_1229 = vector.shape_cast %reduce_sum3A_1228 : vector<64xf32> to vector<64x1xf32>
    %reduce_sum3A_1230 = arith.constant dense<0.000000e+00> : vector<64xf32>
    %reduce_sum3A_1231 = vector.multi_reduction <add>, %mul3A_1226, %reduce_sum3A_1230 [1] : vector<64x64xf32> to vector<64xf32>
    %broadcast_in_dim3A_1232 = vector.shape_cast %reduce_sum3A_1231 : vector<64xf32> to vector<64x1xf32>
    %mul3A_1233 = arith.mulf %broadcast_in_dim3A_1229, %broadcast_in_dim3A_1229 : vector<64x1xf32>
    %mul3A_1234 = arith.constant 3.000000e+01 : f32
    %mul3A_1235 = vector.broadcast %mul3A_1234 : f32 to vector<64x1xf32>
    %mul3A_1236 = arith.mulf %mul3A_1235, %mul3A_1233 : vector<64x1xf32>
    %mul3A_1237 = arith.mulf %broadcast_in_dim3A_1232, %broadcast_in_dim3A_1232 : vector<64x1xf32>
    %mul3A_1238 = arith.constant 3.000000e+01 : f32
    %mul3A_1239 = vector.broadcast %mul3A_1238 : f32 to vector<64x1xf32>
    %mul3A_1240 = arith.mulf %mul3A_1239, %mul3A_1237 : vector<64x1xf32>
    %add3A_1241 = arith.addf %add3A_1223, %mul3A_1236 : vector<64x1xf32>
    %add3A_1242 = arith.addf %add3A_1224, %mul3A_1240 : vector<64x1xf32>
    %mul3A_1243 = arith.mulf %select_n3A_67, %mul3A_1132 : vector<64x64xf32>
    %mul3A_1244 = arith.mulf %mul3A_71, %mul3A_1132 : vector<64x64xf32>
    %reduce_sum3A_1245 = arith.constant dense<0.000000e+00> : vector<64xf32>
    %reduce_sum3A_1246 = vector.multi_reduction <add>, %mul3A_1243, %reduce_sum3A_1245 [1] : vector<64x64xf32> to vector<64xf32>
    %broadcast_in_dim3A_1247 = vector.shape_cast %reduce_sum3A_1246 : vector<64xf32> to vector<64x1xf32>
    %reduce_sum3A_1248 = arith.constant dense<0.000000e+00> : vector<64xf32>
    %reduce_sum3A_1249 = vector.multi_reduction <add>, %mul3A_1244, %reduce_sum3A_1248 [1] : vector<64x64xf32> to vector<64xf32>
    %broadcast_in_dim3A_1250 = vector.shape_cast %reduce_sum3A_1249 : vector<64xf32> to vector<64x1xf32>
    %mul3A_1251 = arith.mulf %broadcast_in_dim3A_1247, %broadcast_in_dim3A_1247 : vector<64x1xf32>
    %mul3A_1252 = arith.constant 1.500000e+01 : f32
    %mul3A_1253 = vector.broadcast %mul3A_1252 : f32 to vector<64x1xf32>
    %mul3A_1254 = arith.mulf %mul3A_1253, %mul3A_1251 : vector<64x1xf32>
    %mul3A_1255 = arith.mulf %broadcast_in_dim3A_1250, %broadcast_in_dim3A_1250 : vector<64x1xf32>
    %mul3A_1256 = arith.constant 1.500000e+01 : f32
    %mul3A_1257 = vector.broadcast %mul3A_1256 : f32 to vector<64x1xf32>
    %mul3A_1258 = arith.mulf %mul3A_1257, %mul3A_1255 : vector<64x1xf32>
    %add3A_1259 = arith.addf %add3A_1241, %mul3A_1254 : vector<64x1xf32>
    %add3A_1260 = arith.addf %add3A_1242, %mul3A_1258 : vector<64x1xf32>
    %mul3A_1261 = arith.mulf %select_n3A_67, %mul3A_1133 : vector<64x64xf32>
    %mul3A_1262 = arith.mulf %mul3A_71, %mul3A_1133 : vector<64x64xf32>
    %reduce_sum3A_1263 = arith.constant dense<0.000000e+00> : vector<64xf32>
    %reduce_sum3A_1264 = vector.multi_reduction <add>, %mul3A_1261, %reduce_sum3A_1263 [1] : vector<64x64xf32> to vector<64xf32>
    %broadcast_in_dim3A_1265 = vector.shape_cast %reduce_sum3A_1264 : vector<64xf32> to vector<64x1xf32>
    %reduce_sum3A_1266 = arith.constant dense<0.000000e+00> : vector<64xf32>
    %reduce_sum3A_1267 = vector.multi_reduction <add>, %mul3A_1262, %reduce_sum3A_1266 [1] : vector<64x64xf32> to vector<64xf32>
    %broadcast_in_dim3A_1268 = vector.shape_cast %reduce_sum3A_1267 : vector<64xf32> to vector<64x1xf32>
    %mul3A_1269 = arith.mulf %broadcast_in_dim3A_1265, %broadcast_in_dim3A_1265 : vector<64x1xf32>
    %mul3A_1270 = arith.constant 2.000000e+01 : f32
    %mul3A_1271 = vector.broadcast %mul3A_1270 : f32 to vector<64x1xf32>
    %mul3A_1272 = arith.mulf %mul3A_1271, %mul3A_1269 : vector<64x1xf32>
    %mul3A_1273 = arith.mulf %broadcast_in_dim3A_1268, %broadcast_in_dim3A_1268 : vector<64x1xf32>
    %mul3A_1274 = arith.constant 2.000000e+01 : f32
    %mul3A_1275 = vector.broadcast %mul3A_1274 : f32 to vector<64x1xf32>
    %mul3A_1276 = arith.mulf %mul3A_1275, %mul3A_1273 : vector<64x1xf32>
    %add3A_1277 = arith.addf %add3A_1259, %mul3A_1272 : vector<64x1xf32>
    %add3A_1278 = arith.addf %add3A_1260, %mul3A_1276 : vector<64x1xf32>
    %mul3A_1279 = arith.mulf %select_n3A_67, %mul3A_1134 : vector<64x64xf32>
    %mul3A_1280 = arith.mulf %mul3A_71, %mul3A_1134 : vector<64x64xf32>
    %reduce_sum3A_1281 = arith.constant dense<0.000000e+00> : vector<64xf32>
    %reduce_sum3A_1282 = vector.multi_reduction <add>, %mul3A_1279, %reduce_sum3A_1281 [1] : vector<64x64xf32> to vector<64xf32>
    %broadcast_in_dim3A_1283 = vector.shape_cast %reduce_sum3A_1282 : vector<64xf32> to vector<64x1xf32>
    %reduce_sum3A_1284 = arith.constant dense<0.000000e+00> : vector<64xf32>
    %reduce_sum3A_1285 = vector.multi_reduction <add>, %mul3A_1280, %reduce_sum3A_1284 [1] : vector<64x64xf32> to vector<64xf32>
    %broadcast_in_dim3A_1286 = vector.shape_cast %reduce_sum3A_1285 : vector<64xf32> to vector<64x1xf32>
    %mul3A_1287 = arith.mulf %broadcast_in_dim3A_1283, %broadcast_in_dim3A_1283 : vector<64x1xf32>
    %mul3A_1288 = arith.constant 6.000000e+01 : f32
    %mul3A_1289 = vector.broadcast %mul3A_1288 : f32 to vector<64x1xf32>
    %mul3A_1290 = arith.mulf %mul3A_1289, %mul3A_1287 : vector<64x1xf32>
    %mul3A_1291 = arith.mulf %broadcast_in_dim3A_1286, %broadcast_in_dim3A_1286 : vector<64x1xf32>
    %mul3A_1292 = arith.constant 6.000000e+01 : f32
    %mul3A_1293 = vector.broadcast %mul3A_1292 : f32 to vector<64x1xf32>
    %mul3A_1294 = arith.mulf %mul3A_1293, %mul3A_1291 : vector<64x1xf32>
    %add3A_1295 = arith.addf %add3A_1277, %mul3A_1290 : vector<64x1xf32>
    %add3A_1296 = arith.addf %add3A_1278, %mul3A_1294 : vector<64x1xf32>
    %mul3A_1297 = arith.mulf %select_n3A_67, %mul3A_1135 : vector<64x64xf32>
    %mul3A_1298 = arith.mulf %mul3A_71, %mul3A_1135 : vector<64x64xf32>
    %reduce_sum3A_1299 = arith.constant dense<0.000000e+00> : vector<64xf32>
    %reduce_sum3A_1300 = vector.multi_reduction <add>, %mul3A_1297, %reduce_sum3A_1299 [1] : vector<64x64xf32> to vector<64xf32>
    %broadcast_in_dim3A_1301 = vector.shape_cast %reduce_sum3A_1300 : vector<64xf32> to vector<64x1xf32>
    %reduce_sum3A_1302 = arith.constant dense<0.000000e+00> : vector<64xf32>
    %reduce_sum3A_1303 = vector.multi_reduction <add>, %mul3A_1298, %reduce_sum3A_1302 [1] : vector<64x64xf32> to vector<64xf32>
    %broadcast_in_dim3A_1304 = vector.shape_cast %reduce_sum3A_1303 : vector<64xf32> to vector<64x1xf32>
    %mul3A_1305 = arith.mulf %broadcast_in_dim3A_1301, %broadcast_in_dim3A_1301 : vector<64x1xf32>
    %mul3A_1306 = arith.constant 6.000000e+01 : f32
    %mul3A_1307 = vector.broadcast %mul3A_1306 : f32 to vector<64x1xf32>
    %mul3A_1308 = arith.mulf %mul3A_1307, %mul3A_1305 : vector<64x1xf32>
    %mul3A_1309 = arith.mulf %broadcast_in_dim3A_1304, %broadcast_in_dim3A_1304 : vector<64x1xf32>
    %mul3A_1310 = arith.constant 6.000000e+01 : f32
    %mul3A_1311 = vector.broadcast %mul3A_1310 : f32 to vector<64x1xf32>
    %mul3A_1312 = arith.mulf %mul3A_1311, %mul3A_1309 : vector<64x1xf32>
    %add3A_1313 = arith.addf %add3A_1295, %mul3A_1308 : vector<64x1xf32>
    %add3A_1314 = arith.addf %add3A_1296, %mul3A_1312 : vector<64x1xf32>
    %mul3A_1315 = arith.mulf %select_n3A_67, %mul3A_1136 : vector<64x64xf32>
    %mul3A_1316 = arith.mulf %mul3A_71, %mul3A_1136 : vector<64x64xf32>
    %reduce_sum3A_1317 = arith.constant dense<0.000000e+00> : vector<64xf32>
    %reduce_sum3A_1318 = vector.multi_reduction <add>, %mul3A_1315, %reduce_sum3A_1317 [1] : vector<64x64xf32> to vector<64xf32>
    %broadcast_in_dim3A_1319 = vector.shape_cast %reduce_sum3A_1318 : vector<64xf32> to vector<64x1xf32>
    %reduce_sum3A_1320 = arith.constant dense<0.000000e+00> : vector<64xf32>
    %reduce_sum3A_1321 = vector.multi_reduction <add>, %mul3A_1316, %reduce_sum3A_1320 [1] : vector<64x64xf32> to vector<64xf32>
    %broadcast_in_dim3A_1322 = vector.shape_cast %reduce_sum3A_1321 : vector<64xf32> to vector<64x1xf32>
    %mul3A_1323 = arith.mulf %broadcast_in_dim3A_1319, %broadcast_in_dim3A_1319 : vector<64x1xf32>
    %mul3A_1324 = arith.constant 2.000000e+01 : f32
    %mul3A_1325 = vector.broadcast %mul3A_1324 : f32 to vector<64x1xf32>
    %mul3A_1326 = arith.mulf %mul3A_1325, %mul3A_1323 : vector<64x1xf32>
    %mul3A_1327 = arith.mulf %broadcast_in_dim3A_1322, %broadcast_in_dim3A_1322 : vector<64x1xf32>
    %mul3A_1328 = arith.constant 2.000000e+01 : f32
    %mul3A_1329 = vector.broadcast %mul3A_1328 : f32 to vector<64x1xf32>
    %mul3A_1330 = arith.mulf %mul3A_1329, %mul3A_1327 : vector<64x1xf32>
    %add3A_1331 = arith.addf %add3A_1313, %mul3A_1326 : vector<64x1xf32>
    %add3A_1332 = arith.addf %add3A_1314, %mul3A_1330 : vector<64x1xf32>
    %mul3A_1333 = arith.mulf %select_n3A_67, %mul3A_1137 : vector<64x64xf32>
    %mul3A_1334 = arith.mulf %mul3A_71, %mul3A_1137 : vector<64x64xf32>
    %reduce_sum3A_1335 = arith.constant dense<0.000000e+00> : vector<64xf32>
    %reduce_sum3A_1336 = vector.multi_reduction <add>, %mul3A_1333, %reduce_sum3A_1335 [1] : vector<64x64xf32> to vector<64xf32>
    %broadcast_in_dim3A_1337 = vector.shape_cast %reduce_sum3A_1336 : vector<64xf32> to vector<64x1xf32>
    %reduce_sum3A_1338 = arith.constant dense<0.000000e+00> : vector<64xf32>
    %reduce_sum3A_1339 = vector.multi_reduction <add>, %mul3A_1334, %reduce_sum3A_1338 [1] : vector<64x64xf32> to vector<64xf32>
    %broadcast_in_dim3A_1340 = vector.shape_cast %reduce_sum3A_1339 : vector<64xf32> to vector<64x1xf32>
    %mul3A_1341 = arith.mulf %broadcast_in_dim3A_1337, %broadcast_in_dim3A_1337 : vector<64x1xf32>
    %mul3A_1342 = arith.constant 1.500000e+01 : f32
    %mul3A_1343 = vector.broadcast %mul3A_1342 : f32 to vector<64x1xf32>
    %mul3A_1344 = arith.mulf %mul3A_1343, %mul3A_1341 : vector<64x1xf32>
    %mul3A_1345 = arith.mulf %broadcast_in_dim3A_1340, %broadcast_in_dim3A_1340 : vector<64x1xf32>
    %mul3A_1346 = arith.constant 1.500000e+01 : f32
    %mul3A_1347 = vector.broadcast %mul3A_1346 : f32 to vector<64x1xf32>
    %mul3A_1348 = arith.mulf %mul3A_1347, %mul3A_1345 : vector<64x1xf32>
    %add3A_1349 = arith.addf %add3A_1331, %mul3A_1344 : vector<64x1xf32>
    %add3A_1350 = arith.addf %add3A_1332, %mul3A_1348 : vector<64x1xf32>
    %mul3A_1351 = arith.mulf %select_n3A_67, %mul3A_1138 : vector<64x64xf32>
    %mul3A_1352 = arith.mulf %mul3A_71, %mul3A_1138 : vector<64x64xf32>
    %reduce_sum3A_1353 = arith.constant dense<0.000000e+00> : vector<64xf32>
    %reduce_sum3A_1354 = vector.multi_reduction <add>, %mul3A_1351, %reduce_sum3A_1353 [1] : vector<64x64xf32> to vector<64xf32>
    %broadcast_in_dim3A_1355 = vector.shape_cast %reduce_sum3A_1354 : vector<64xf32> to vector<64x1xf32>
    %reduce_sum3A_1356 = arith.constant dense<0.000000e+00> : vector<64xf32>
    %reduce_sum3A_1357 = vector.multi_reduction <add>, %mul3A_1352, %reduce_sum3A_1356 [1] : vector<64x64xf32> to vector<64xf32>
    %broadcast_in_dim3A_1358 = vector.shape_cast %reduce_sum3A_1357 : vector<64xf32> to vector<64x1xf32>
    %mul3A_1359 = arith.mulf %broadcast_in_dim3A_1355, %broadcast_in_dim3A_1355 : vector<64x1xf32>
    %mul3A_1360 = arith.constant 6.000000e+01 : f32
    %mul3A_1361 = vector.broadcast %mul3A_1360 : f32 to vector<64x1xf32>
    %mul3A_1362 = arith.mulf %mul3A_1361, %mul3A_1359 : vector<64x1xf32>
    %mul3A_1363 = arith.mulf %broadcast_in_dim3A_1358, %broadcast_in_dim3A_1358 : vector<64x1xf32>
    %mul3A_1364 = arith.constant 6.000000e+01 : f32
    %mul3A_1365 = vector.broadcast %mul3A_1364 : f32 to vector<64x1xf32>
    %mul3A_1366 = arith.mulf %mul3A_1365, %mul3A_1363 : vector<64x1xf32>
    %add3A_1367 = arith.addf %add3A_1349, %mul3A_1362 : vector<64x1xf32>
    %add3A_1368 = arith.addf %add3A_1350, %mul3A_1366 : vector<64x1xf32>
    %mul3A_1369 = arith.mulf %select_n3A_67, %mul3A_1139 : vector<64x64xf32>
    %mul3A_1370 = arith.mulf %mul3A_71, %mul3A_1139 : vector<64x64xf32>
    %reduce_sum3A_1371 = arith.constant dense<0.000000e+00> : vector<64xf32>
    %reduce_sum3A_1372 = vector.multi_reduction <add>, %mul3A_1369, %reduce_sum3A_1371 [1] : vector<64x64xf32> to vector<64xf32>
    %broadcast_in_dim3A_1373 = vector.shape_cast %reduce_sum3A_1372 : vector<64xf32> to vector<64x1xf32>
    %reduce_sum3A_1374 = arith.constant dense<0.000000e+00> : vector<64xf32>
    %reduce_sum3A_1375 = vector.multi_reduction <add>, %mul3A_1370, %reduce_sum3A_1374 [1] : vector<64x64xf32> to vector<64xf32>
    %broadcast_in_dim3A_1376 = vector.shape_cast %reduce_sum3A_1375 : vector<64xf32> to vector<64x1xf32>
    %mul3A_1377 = arith.mulf %broadcast_in_dim3A_1373, %broadcast_in_dim3A_1373 : vector<64x1xf32>
    %mul3A_1378 = arith.constant 9.000000e+01 : f32
    %mul3A_1379 = vector.broadcast %mul3A_1378 : f32 to vector<64x1xf32>
    %mul3A_1380 = arith.mulf %mul3A_1379, %mul3A_1377 : vector<64x1xf32>
    %mul3A_1381 = arith.mulf %broadcast_in_dim3A_1376, %broadcast_in_dim3A_1376 : vector<64x1xf32>
    %mul3A_1382 = arith.constant 9.000000e+01 : f32
    %mul3A_1383 = vector.broadcast %mul3A_1382 : f32 to vector<64x1xf32>
    %mul3A_1384 = arith.mulf %mul3A_1383, %mul3A_1381 : vector<64x1xf32>
    %add3A_1385 = arith.addf %add3A_1367, %mul3A_1380 : vector<64x1xf32>
    %add3A_1386 = arith.addf %add3A_1368, %mul3A_1384 : vector<64x1xf32>
    %mul3A_1387 = arith.mulf %select_n3A_67, %mul3A_1140 : vector<64x64xf32>
    %mul3A_1388 = arith.mulf %mul3A_71, %mul3A_1140 : vector<64x64xf32>
    %reduce_sum3A_1389 = arith.constant dense<0.000000e+00> : vector<64xf32>
    %reduce_sum3A_1390 = vector.multi_reduction <add>, %mul3A_1387, %reduce_sum3A_1389 [1] : vector<64x64xf32> to vector<64xf32>
    %broadcast_in_dim3A_1391 = vector.shape_cast %reduce_sum3A_1390 : vector<64xf32> to vector<64x1xf32>
    %reduce_sum3A_1392 = arith.constant dense<0.000000e+00> : vector<64xf32>
    %reduce_sum3A_1393 = vector.multi_reduction <add>, %mul3A_1388, %reduce_sum3A_1392 [1] : vector<64x64xf32> to vector<64xf32>
    %broadcast_in_dim3A_1394 = vector.shape_cast %reduce_sum3A_1393 : vector<64xf32> to vector<64x1xf32>
    %mul3A_1395 = arith.mulf %broadcast_in_dim3A_1391, %broadcast_in_dim3A_1391 : vector<64x1xf32>
    %mul3A_1396 = arith.constant 6.000000e+01 : f32
    %mul3A_1397 = vector.broadcast %mul3A_1396 : f32 to vector<64x1xf32>
    %mul3A_1398 = arith.mulf %mul3A_1397, %mul3A_1395 : vector<64x1xf32>
    %mul3A_1399 = arith.mulf %broadcast_in_dim3A_1394, %broadcast_in_dim3A_1394 : vector<64x1xf32>
    %mul3A_1400 = arith.constant 6.000000e+01 : f32
    %mul3A_1401 = vector.broadcast %mul3A_1400 : f32 to vector<64x1xf32>
    %mul3A_1402 = arith.mulf %mul3A_1401, %mul3A_1399 : vector<64x1xf32>
    %add3A_1403 = arith.addf %add3A_1385, %mul3A_1398 : vector<64x1xf32>
    %add3A_1404 = arith.addf %add3A_1386, %mul3A_1402 : vector<64x1xf32>
    %mul3A_1405 = arith.mulf %select_n3A_67, %mul3A_1141 : vector<64x64xf32>
    %mul3A_1406 = arith.mulf %mul3A_71, %mul3A_1141 : vector<64x64xf32>
    %reduce_sum3A_1407 = arith.constant dense<0.000000e+00> : vector<64xf32>
    %reduce_sum3A_1408 = vector.multi_reduction <add>, %mul3A_1405, %reduce_sum3A_1407 [1] : vector<64x64xf32> to vector<64xf32>
    %broadcast_in_dim3A_1409 = vector.shape_cast %reduce_sum3A_1408 : vector<64xf32> to vector<64x1xf32>
    %reduce_sum3A_1410 = arith.constant dense<0.000000e+00> : vector<64xf32>
    %reduce_sum3A_1411 = vector.multi_reduction <add>, %mul3A_1406, %reduce_sum3A_1410 [1] : vector<64x64xf32> to vector<64xf32>
    %broadcast_in_dim3A_1412 = vector.shape_cast %reduce_sum3A_1411 : vector<64xf32> to vector<64x1xf32>
    %mul3A_1413 = arith.mulf %broadcast_in_dim3A_1409, %broadcast_in_dim3A_1409 : vector<64x1xf32>
    %mul3A_1414 = arith.constant 1.500000e+01 : f32
    %mul3A_1415 = vector.broadcast %mul3A_1414 : f32 to vector<64x1xf32>
    %mul3A_1416 = arith.mulf %mul3A_1415, %mul3A_1413 : vector<64x1xf32>
    %mul3A_1417 = arith.mulf %broadcast_in_dim3A_1412, %broadcast_in_dim3A_1412 : vector<64x1xf32>
    %mul3A_1418 = arith.constant 1.500000e+01 : f32
    %mul3A_1419 = vector.broadcast %mul3A_1418 : f32 to vector<64x1xf32>
    %mul3A_1420 = arith.mulf %mul3A_1419, %mul3A_1417 : vector<64x1xf32>
    %add3A_1421 = arith.addf %add3A_1403, %mul3A_1416 : vector<64x1xf32>
    %add3A_1422 = arith.addf %add3A_1404, %mul3A_1420 : vector<64x1xf32>
    %mul3A_1423 = arith.mulf %select_n3A_67, %mul3A_1142 : vector<64x64xf32>
    %mul3A_1424 = arith.mulf %mul3A_71, %mul3A_1142 : vector<64x64xf32>
    %reduce_sum3A_1425 = arith.constant dense<0.000000e+00> : vector<64xf32>
    %reduce_sum3A_1426 = vector.multi_reduction <add>, %mul3A_1423, %reduce_sum3A_1425 [1] : vector<64x64xf32> to vector<64xf32>
    %broadcast_in_dim3A_1427 = vector.shape_cast %reduce_sum3A_1426 : vector<64xf32> to vector<64x1xf32>
    %reduce_sum3A_1428 = arith.constant dense<0.000000e+00> : vector<64xf32>
    %reduce_sum3A_1429 = vector.multi_reduction <add>, %mul3A_1424, %reduce_sum3A_1428 [1] : vector<64x64xf32> to vector<64xf32>
    %broadcast_in_dim3A_1430 = vector.shape_cast %reduce_sum3A_1429 : vector<64xf32> to vector<64x1xf32>
    %mul3A_1431 = arith.mulf %broadcast_in_dim3A_1427, %broadcast_in_dim3A_1427 : vector<64x1xf32>
    %mul3A_1432 = arith.constant 6.000000e+00 : f32
    %mul3A_1433 = vector.broadcast %mul3A_1432 : f32 to vector<64x1xf32>
    %mul3A_1434 = arith.mulf %mul3A_1433, %mul3A_1431 : vector<64x1xf32>
    %mul3A_1435 = arith.mulf %broadcast_in_dim3A_1430, %broadcast_in_dim3A_1430 : vector<64x1xf32>
    %mul3A_1436 = arith.constant 6.000000e+00 : f32
    %mul3A_1437 = vector.broadcast %mul3A_1436 : f32 to vector<64x1xf32>
    %mul3A_1438 = arith.mulf %mul3A_1437, %mul3A_1435 : vector<64x1xf32>
    %add3A_1439 = arith.addf %add3A_1421, %mul3A_1434 : vector<64x1xf32>
    %add3A_1440 = arith.addf %add3A_1422, %mul3A_1438 : vector<64x1xf32>
    %mul3A_1441 = arith.mulf %select_n3A_67, %mul3A_1143 : vector<64x64xf32>
    %mul3A_1442 = arith.mulf %mul3A_71, %mul3A_1143 : vector<64x64xf32>
    %reduce_sum3A_1443 = arith.constant dense<0.000000e+00> : vector<64xf32>
    %reduce_sum3A_1444 = vector.multi_reduction <add>, %mul3A_1441, %reduce_sum3A_1443 [1] : vector<64x64xf32> to vector<64xf32>
    %broadcast_in_dim3A_1445 = vector.shape_cast %reduce_sum3A_1444 : vector<64xf32> to vector<64x1xf32>
    %reduce_sum3A_1446 = arith.constant dense<0.000000e+00> : vector<64xf32>
    %reduce_sum3A_1447 = vector.multi_reduction <add>, %mul3A_1442, %reduce_sum3A_1446 [1] : vector<64x64xf32> to vector<64xf32>
    %broadcast_in_dim3A_1448 = vector.shape_cast %reduce_sum3A_1447 : vector<64xf32> to vector<64x1xf32>
    %mul3A_1449 = arith.mulf %broadcast_in_dim3A_1445, %broadcast_in_dim3A_1445 : vector<64x1xf32>
    %mul3A_1450 = arith.constant 3.000000e+01 : f32
    %mul3A_1451 = vector.broadcast %mul3A_1450 : f32 to vector<64x1xf32>
    %mul3A_1452 = arith.mulf %mul3A_1451, %mul3A_1449 : vector<64x1xf32>
    %mul3A_1453 = arith.mulf %broadcast_in_dim3A_1448, %broadcast_in_dim3A_1448 : vector<64x1xf32>
    %mul3A_1454 = arith.constant 3.000000e+01 : f32
    %mul3A_1455 = vector.broadcast %mul3A_1454 : f32 to vector<64x1xf32>
    %mul3A_1456 = arith.mulf %mul3A_1455, %mul3A_1453 : vector<64x1xf32>
    %add3A_1457 = arith.addf %add3A_1439, %mul3A_1452 : vector<64x1xf32>
    %add3A_1458 = arith.addf %add3A_1440, %mul3A_1456 : vector<64x1xf32>
    %mul3A_1459 = arith.mulf %select_n3A_67, %mul3A_1144 : vector<64x64xf32>
    %mul3A_1460 = arith.mulf %mul3A_71, %mul3A_1144 : vector<64x64xf32>
    %reduce_sum3A_1461 = arith.constant dense<0.000000e+00> : vector<64xf32>
    %reduce_sum3A_1462 = vector.multi_reduction <add>, %mul3A_1459, %reduce_sum3A_1461 [1] : vector<64x64xf32> to vector<64xf32>
    %broadcast_in_dim3A_1463 = vector.shape_cast %reduce_sum3A_1462 : vector<64xf32> to vector<64x1xf32>
    %reduce_sum3A_1464 = arith.constant dense<0.000000e+00> : vector<64xf32>
    %reduce_sum3A_1465 = vector.multi_reduction <add>, %mul3A_1460, %reduce_sum3A_1464 [1] : vector<64x64xf32> to vector<64xf32>
    %broadcast_in_dim3A_1466 = vector.shape_cast %reduce_sum3A_1465 : vector<64xf32> to vector<64x1xf32>
    %mul3A_1467 = arith.mulf %broadcast_in_dim3A_1463, %broadcast_in_dim3A_1463 : vector<64x1xf32>
    %mul3A_1468 = arith.constant 6.000000e+01 : f32
    %mul3A_1469 = vector.broadcast %mul3A_1468 : f32 to vector<64x1xf32>
    %mul3A_1470 = arith.mulf %mul3A_1469, %mul3A_1467 : vector<64x1xf32>
    %mul3A_1471 = arith.mulf %broadcast_in_dim3A_1466, %broadcast_in_dim3A_1466 : vector<64x1xf32>
    %mul3A_1472 = arith.constant 6.000000e+01 : f32
    %mul3A_1473 = vector.broadcast %mul3A_1472 : f32 to vector<64x1xf32>
    %mul3A_1474 = arith.mulf %mul3A_1473, %mul3A_1471 : vector<64x1xf32>
    %add3A_1475 = arith.addf %add3A_1457, %mul3A_1470 : vector<64x1xf32>
    %add3A_1476 = arith.addf %add3A_1458, %mul3A_1474 : vector<64x1xf32>
    %mul3A_1477 = arith.mulf %select_n3A_67, %mul3A_1145 : vector<64x64xf32>
    %mul3A_1478 = arith.mulf %mul3A_71, %mul3A_1145 : vector<64x64xf32>
    %reduce_sum3A_1479 = arith.constant dense<0.000000e+00> : vector<64xf32>
    %reduce_sum3A_1480 = vector.multi_reduction <add>, %mul3A_1477, %reduce_sum3A_1479 [1] : vector<64x64xf32> to vector<64xf32>
    %broadcast_in_dim3A_1481 = vector.shape_cast %reduce_sum3A_1480 : vector<64xf32> to vector<64x1xf32>
    %reduce_sum3A_1482 = arith.constant dense<0.000000e+00> : vector<64xf32>
    %reduce_sum3A_1483 = vector.multi_reduction <add>, %mul3A_1478, %reduce_sum3A_1482 [1] : vector<64x64xf32> to vector<64xf32>
    %broadcast_in_dim3A_1484 = vector.shape_cast %reduce_sum3A_1483 : vector<64xf32> to vector<64x1xf32>
    %mul3A_1485 = arith.mulf %broadcast_in_dim3A_1481, %broadcast_in_dim3A_1481 : vector<64x1xf32>
    %mul3A_1486 = arith.constant 6.000000e+01 : f32
    %mul3A_1487 = vector.broadcast %mul3A_1486 : f32 to vector<64x1xf32>
    %mul3A_1488 = arith.mulf %mul3A_1487, %mul3A_1485 : vector<64x1xf32>
    %mul3A_1489 = arith.mulf %broadcast_in_dim3A_1484, %broadcast_in_dim3A_1484 : vector<64x1xf32>
    %mul3A_1490 = arith.constant 6.000000e+01 : f32
    %mul3A_1491 = vector.broadcast %mul3A_1490 : f32 to vector<64x1xf32>
    %mul3A_1492 = arith.mulf %mul3A_1491, %mul3A_1489 : vector<64x1xf32>
    %add3A_1493 = arith.addf %add3A_1475, %mul3A_1488 : vector<64x1xf32>
    %add3A_1494 = arith.addf %add3A_1476, %mul3A_1492 : vector<64x1xf32>
    %mul3A_1495 = arith.mulf %select_n3A_67, %mul3A_1146 : vector<64x64xf32>
    %mul3A_1496 = arith.mulf %mul3A_71, %mul3A_1146 : vector<64x64xf32>
    %reduce_sum3A_1497 = arith.constant dense<0.000000e+00> : vector<64xf32>
    %reduce_sum3A_1498 = vector.multi_reduction <add>, %mul3A_1495, %reduce_sum3A_1497 [1] : vector<64x64xf32> to vector<64xf32>
    %broadcast_in_dim3A_1499 = vector.shape_cast %reduce_sum3A_1498 : vector<64xf32> to vector<64x1xf32>
    %reduce_sum3A_1500 = arith.constant dense<0.000000e+00> : vector<64xf32>
    %reduce_sum3A_1501 = vector.multi_reduction <add>, %mul3A_1496, %reduce_sum3A_1500 [1] : vector<64x64xf32> to vector<64xf32>
    %broadcast_in_dim3A_1502 = vector.shape_cast %reduce_sum3A_1501 : vector<64xf32> to vector<64x1xf32>
    %mul3A_1503 = arith.mulf %broadcast_in_dim3A_1499, %broadcast_in_dim3A_1499 : vector<64x1xf32>
    %mul3A_1504 = arith.constant 3.000000e+01 : f32
    %mul3A_1505 = vector.broadcast %mul3A_1504 : f32 to vector<64x1xf32>
    %mul3A_1506 = arith.mulf %mul3A_1505, %mul3A_1503 : vector<64x1xf32>
    %mul3A_1507 = arith.mulf %broadcast_in_dim3A_1502, %broadcast_in_dim3A_1502 : vector<64x1xf32>
    %mul3A_1508 = arith.constant 3.000000e+01 : f32
    %mul3A_1509 = vector.broadcast %mul3A_1508 : f32 to vector<64x1xf32>
    %mul3A_1510 = arith.mulf %mul3A_1509, %mul3A_1507 : vector<64x1xf32>
    %add3A_1511 = arith.addf %add3A_1493, %mul3A_1506 : vector<64x1xf32>
    %add3A_1512 = arith.addf %add3A_1494, %mul3A_1510 : vector<64x1xf32>
    %mul3A_1513 = arith.mulf %select_n3A_67, %mul3A_1147 : vector<64x64xf32>
    %mul3A_1514 = arith.mulf %mul3A_71, %mul3A_1147 : vector<64x64xf32>
    %reduce_sum3A_1515 = arith.constant dense<0.000000e+00> : vector<64xf32>
    %reduce_sum3A_1516 = vector.multi_reduction <add>, %mul3A_1513, %reduce_sum3A_1515 [1] : vector<64x64xf32> to vector<64xf32>
    %broadcast_in_dim3A_1517 = vector.shape_cast %reduce_sum3A_1516 : vector<64xf32> to vector<64x1xf32>
    %reduce_sum3A_1518 = arith.constant dense<0.000000e+00> : vector<64xf32>
    %reduce_sum3A_1519 = vector.multi_reduction <add>, %mul3A_1514, %reduce_sum3A_1518 [1] : vector<64x64xf32> to vector<64xf32>
    %broadcast_in_dim3A_1520 = vector.shape_cast %reduce_sum3A_1519 : vector<64xf32> to vector<64x1xf32>
    %mul3A_1521 = arith.mulf %broadcast_in_dim3A_1517, %broadcast_in_dim3A_1517 : vector<64x1xf32>
    %mul3A_1522 = arith.constant 6.000000e+00 : f32
    %mul3A_1523 = vector.broadcast %mul3A_1522 : f32 to vector<64x1xf32>
    %mul3A_1524 = arith.mulf %mul3A_1523, %mul3A_1521 : vector<64x1xf32>
    %mul3A_1525 = arith.mulf %broadcast_in_dim3A_1520, %broadcast_in_dim3A_1520 : vector<64x1xf32>
    %mul3A_1526 = arith.constant 6.000000e+00 : f32
    %mul3A_1527 = vector.broadcast %mul3A_1526 : f32 to vector<64x1xf32>
    %mul3A_1528 = arith.mulf %mul3A_1527, %mul3A_1525 : vector<64x1xf32>
    %add3A_1529 = arith.addf %add3A_1511, %mul3A_1524 : vector<64x1xf32>
    %add3A_1530 = arith.addf %add3A_1512, %mul3A_1528 : vector<64x1xf32>
    %mul3A_1531 = arith.mulf %select_n3A_67, %mul3A_1148 : vector<64x64xf32>
    %mul3A_1532 = arith.mulf %mul3A_71, %mul3A_1148 : vector<64x64xf32>
    %reduce_sum3A_1533 = arith.constant dense<0.000000e+00> : vector<64xf32>
    %reduce_sum3A_1534 = vector.multi_reduction <add>, %mul3A_1531, %reduce_sum3A_1533 [1] : vector<64x64xf32> to vector<64xf32>
    %broadcast_in_dim3A_1535 = vector.shape_cast %reduce_sum3A_1534 : vector<64xf32> to vector<64x1xf32>
    %reduce_sum3A_1536 = arith.constant dense<0.000000e+00> : vector<64xf32>
    %reduce_sum3A_1537 = vector.multi_reduction <add>, %mul3A_1532, %reduce_sum3A_1536 [1] : vector<64x64xf32> to vector<64xf32>
    %broadcast_in_dim3A_1538 = vector.shape_cast %reduce_sum3A_1537 : vector<64xf32> to vector<64x1xf32>
    %mul3A_1539 = arith.mulf %broadcast_in_dim3A_1535, %broadcast_in_dim3A_1535 : vector<64x1xf32>
    %mul3A_1540 = arith.constant 1.000000e+00 : f32
    %mul3A_1541 = vector.broadcast %mul3A_1540 : f32 to vector<64x1xf32>
    %mul3A_1542 = arith.mulf %mul3A_1541, %mul3A_1539 : vector<64x1xf32>
    %mul3A_1543 = arith.mulf %broadcast_in_dim3A_1538, %broadcast_in_dim3A_1538 : vector<64x1xf32>
    %mul3A_1544 = arith.constant 1.000000e+00 : f32
    %mul3A_1545 = vector.broadcast %mul3A_1544 : f32 to vector<64x1xf32>
    %mul3A_1546 = arith.mulf %mul3A_1545, %mul3A_1543 : vector<64x1xf32>
    %add3A_1547 = arith.addf %add3A_1529, %mul3A_1542 : vector<64x1xf32>
    %add3A_1548 = arith.addf %add3A_1530, %mul3A_1546 : vector<64x1xf32>
    %mul3A_1549 = arith.mulf %select_n3A_67, %mul3A_1149 : vector<64x64xf32>
    %mul3A_1550 = arith.mulf %mul3A_71, %mul3A_1149 : vector<64x64xf32>
    %reduce_sum3A_1551 = arith.constant dense<0.000000e+00> : vector<64xf32>
    %reduce_sum3A_1552 = vector.multi_reduction <add>, %mul3A_1549, %reduce_sum3A_1551 [1] : vector<64x64xf32> to vector<64xf32>
    %broadcast_in_dim3A_1553 = vector.shape_cast %reduce_sum3A_1552 : vector<64xf32> to vector<64x1xf32>
    %reduce_sum3A_1554 = arith.constant dense<0.000000e+00> : vector<64xf32>
    %reduce_sum3A_1555 = vector.multi_reduction <add>, %mul3A_1550, %reduce_sum3A_1554 [1] : vector<64x64xf32> to vector<64xf32>
    %broadcast_in_dim3A_1556 = vector.shape_cast %reduce_sum3A_1555 : vector<64xf32> to vector<64x1xf32>
    %mul3A_1557 = arith.mulf %broadcast_in_dim3A_1553, %broadcast_in_dim3A_1553 : vector<64x1xf32>
    %mul3A_1558 = arith.constant 6.000000e+00 : f32
    %mul3A_1559 = vector.broadcast %mul3A_1558 : f32 to vector<64x1xf32>
    %mul3A_1560 = arith.mulf %mul3A_1559, %mul3A_1557 : vector<64x1xf32>
    %mul3A_1561 = arith.mulf %broadcast_in_dim3A_1556, %broadcast_in_dim3A_1556 : vector<64x1xf32>
    %mul3A_1562 = arith.constant 6.000000e+00 : f32
    %mul3A_1563 = vector.broadcast %mul3A_1562 : f32 to vector<64x1xf32>
    %mul3A_1564 = arith.mulf %mul3A_1563, %mul3A_1561 : vector<64x1xf32>
    %add3A_1565 = arith.addf %add3A_1547, %mul3A_1560 : vector<64x1xf32>
    %add3A_1566 = arith.addf %add3A_1548, %mul3A_1564 : vector<64x1xf32>
    %mul3A_1567 = arith.mulf %select_n3A_67, %mul3A_1150 : vector<64x64xf32>
    %mul3A_1568 = arith.mulf %mul3A_71, %mul3A_1150 : vector<64x64xf32>
    %reduce_sum3A_1569 = arith.constant dense<0.000000e+00> : vector<64xf32>
    %reduce_sum3A_1570 = vector.multi_reduction <add>, %mul3A_1567, %reduce_sum3A_1569 [1] : vector<64x64xf32> to vector<64xf32>
    %broadcast_in_dim3A_1571 = vector.shape_cast %reduce_sum3A_1570 : vector<64xf32> to vector<64x1xf32>
    %reduce_sum3A_1572 = arith.constant dense<0.000000e+00> : vector<64xf32>
    %reduce_sum3A_1573 = vector.multi_reduction <add>, %mul3A_1568, %reduce_sum3A_1572 [1] : vector<64x64xf32> to vector<64xf32>
    %broadcast_in_dim3A_1574 = vector.shape_cast %reduce_sum3A_1573 : vector<64xf32> to vector<64x1xf32>
    %mul3A_1575 = arith.mulf %broadcast_in_dim3A_1571, %broadcast_in_dim3A_1571 : vector<64x1xf32>
    %mul3A_1576 = arith.constant 1.500000e+01 : f32
    %mul3A_1577 = vector.broadcast %mul3A_1576 : f32 to vector<64x1xf32>
    %mul3A_1578 = arith.mulf %mul3A_1577, %mul3A_1575 : vector<64x1xf32>
    %mul3A_1579 = arith.mulf %broadcast_in_dim3A_1574, %broadcast_in_dim3A_1574 : vector<64x1xf32>
    %mul3A_1580 = arith.constant 1.500000e+01 : f32
    %mul3A_1581 = vector.broadcast %mul3A_1580 : f32 to vector<64x1xf32>
    %mul3A_1582 = arith.mulf %mul3A_1581, %mul3A_1579 : vector<64x1xf32>
    %add3A_1583 = arith.addf %add3A_1565, %mul3A_1578 : vector<64x1xf32>
    %add3A_1584 = arith.addf %add3A_1566, %mul3A_1582 : vector<64x1xf32>
    %mul3A_1585 = arith.mulf %select_n3A_67, %mul3A_1151 : vector<64x64xf32>
    %mul3A_1586 = arith.mulf %mul3A_71, %mul3A_1151 : vector<64x64xf32>
    %reduce_sum3A_1587 = arith.constant dense<0.000000e+00> : vector<64xf32>
    %reduce_sum3A_1588 = vector.multi_reduction <add>, %mul3A_1585, %reduce_sum3A_1587 [1] : vector<64x64xf32> to vector<64xf32>
    %broadcast_in_dim3A_1589 = vector.shape_cast %reduce_sum3A_1588 : vector<64xf32> to vector<64x1xf32>
    %reduce_sum3A_1590 = arith.constant dense<0.000000e+00> : vector<64xf32>
    %reduce_sum3A_1591 = vector.multi_reduction <add>, %mul3A_1586, %reduce_sum3A_1590 [1] : vector<64x64xf32> to vector<64xf32>
    %broadcast_in_dim3A_1592 = vector.shape_cast %reduce_sum3A_1591 : vector<64xf32> to vector<64x1xf32>
    %mul3A_1593 = arith.mulf %broadcast_in_dim3A_1589, %broadcast_in_dim3A_1589 : vector<64x1xf32>
    %mul3A_1594 = arith.constant 2.000000e+01 : f32
    %mul3A_1595 = vector.broadcast %mul3A_1594 : f32 to vector<64x1xf32>
    %mul3A_1596 = arith.mulf %mul3A_1595, %mul3A_1593 : vector<64x1xf32>
    %mul3A_1597 = arith.mulf %broadcast_in_dim3A_1592, %broadcast_in_dim3A_1592 : vector<64x1xf32>
    %mul3A_1598 = arith.constant 2.000000e+01 : f32
    %mul3A_1599 = vector.broadcast %mul3A_1598 : f32 to vector<64x1xf32>
    %mul3A_1600 = arith.mulf %mul3A_1599, %mul3A_1597 : vector<64x1xf32>
    %add3A_1601 = arith.addf %add3A_1583, %mul3A_1596 : vector<64x1xf32>
    %add3A_1602 = arith.addf %add3A_1584, %mul3A_1600 : vector<64x1xf32>
    %mul3A_1603 = arith.mulf %select_n3A_67, %mul3A_1152 : vector<64x64xf32>
    %mul3A_1604 = arith.mulf %mul3A_71, %mul3A_1152 : vector<64x64xf32>
    %reduce_sum3A_1605 = arith.constant dense<0.000000e+00> : vector<64xf32>
    %reduce_sum3A_1606 = vector.multi_reduction <add>, %mul3A_1603, %reduce_sum3A_1605 [1] : vector<64x64xf32> to vector<64xf32>
    %broadcast_in_dim3A_1607 = vector.shape_cast %reduce_sum3A_1606 : vector<64xf32> to vector<64x1xf32>
    %reduce_sum3A_1608 = arith.constant dense<0.000000e+00> : vector<64xf32>
    %reduce_sum3A_1609 = vector.multi_reduction <add>, %mul3A_1604, %reduce_sum3A_1608 [1] : vector<64x64xf32> to vector<64xf32>
    %broadcast_in_dim3A_1610 = vector.shape_cast %reduce_sum3A_1609 : vector<64xf32> to vector<64x1xf32>
    %mul3A_1611 = arith.mulf %broadcast_in_dim3A_1607, %broadcast_in_dim3A_1607 : vector<64x1xf32>
    %mul3A_1612 = arith.constant 1.500000e+01 : f32
    %mul3A_1613 = vector.broadcast %mul3A_1612 : f32 to vector<64x1xf32>
    %mul3A_1614 = arith.mulf %mul3A_1613, %mul3A_1611 : vector<64x1xf32>
    %mul3A_1615 = arith.mulf %broadcast_in_dim3A_1610, %broadcast_in_dim3A_1610 : vector<64x1xf32>
    %mul3A_1616 = arith.constant 1.500000e+01 : f32
    %mul3A_1617 = vector.broadcast %mul3A_1616 : f32 to vector<64x1xf32>
    %mul3A_1618 = arith.mulf %mul3A_1617, %mul3A_1615 : vector<64x1xf32>
    %add3A_1619 = arith.addf %add3A_1601, %mul3A_1614 : vector<64x1xf32>
    %add3A_1620 = arith.addf %add3A_1602, %mul3A_1618 : vector<64x1xf32>
    %mul3A_1621 = arith.mulf %select_n3A_67, %mul3A_1153 : vector<64x64xf32>
    %mul3A_1622 = arith.mulf %mul3A_71, %mul3A_1153 : vector<64x64xf32>
    %reduce_sum3A_1623 = arith.constant dense<0.000000e+00> : vector<64xf32>
    %reduce_sum3A_1624 = vector.multi_reduction <add>, %mul3A_1621, %reduce_sum3A_1623 [1] : vector<64x64xf32> to vector<64xf32>
    %broadcast_in_dim3A_1625 = vector.shape_cast %reduce_sum3A_1624 : vector<64xf32> to vector<64x1xf32>
    %reduce_sum3A_1626 = arith.constant dense<0.000000e+00> : vector<64xf32>
    %reduce_sum3A_1627 = vector.multi_reduction <add>, %mul3A_1622, %reduce_sum3A_1626 [1] : vector<64x64xf32> to vector<64xf32>
    %broadcast_in_dim3A_1628 = vector.shape_cast %reduce_sum3A_1627 : vector<64xf32> to vector<64x1xf32>
    %mul3A_1629 = arith.mulf %broadcast_in_dim3A_1625, %broadcast_in_dim3A_1625 : vector<64x1xf32>
    %mul3A_1630 = arith.constant 6.000000e+00 : f32
    %mul3A_1631 = vector.broadcast %mul3A_1630 : f32 to vector<64x1xf32>
    %mul3A_1632 = arith.mulf %mul3A_1631, %mul3A_1629 : vector<64x1xf32>
    %mul3A_1633 = arith.mulf %broadcast_in_dim3A_1628, %broadcast_in_dim3A_1628 : vector<64x1xf32>
    %mul3A_1634 = arith.constant 6.000000e+00 : f32
    %mul3A_1635 = vector.broadcast %mul3A_1634 : f32 to vector<64x1xf32>
    %mul3A_1636 = arith.mulf %mul3A_1635, %mul3A_1633 : vector<64x1xf32>
    %add3A_1637 = arith.addf %add3A_1619, %mul3A_1632 : vector<64x1xf32>
    %add3A_1638 = arith.addf %add3A_1620, %mul3A_1636 : vector<64x1xf32>
    %mul3A_1639 = arith.mulf %select_n3A_67, %mul3A_1154 : vector<64x64xf32>
    %mul3A_1640 = arith.mulf %mul3A_71, %mul3A_1154 : vector<64x64xf32>
    %reduce_sum3A_1641 = arith.constant dense<0.000000e+00> : vector<64xf32>
    %reduce_sum3A_1642 = vector.multi_reduction <add>, %mul3A_1639, %reduce_sum3A_1641 [1] : vector<64x64xf32> to vector<64xf32>
    %broadcast_in_dim3A_1643 = vector.shape_cast %reduce_sum3A_1642 : vector<64xf32> to vector<64x1xf32>
    %reduce_sum3A_1644 = arith.constant dense<0.000000e+00> : vector<64xf32>
    %reduce_sum3A_1645 = vector.multi_reduction <add>, %mul3A_1640, %reduce_sum3A_1644 [1] : vector<64x64xf32> to vector<64xf32>
    %broadcast_in_dim3A_1646 = vector.shape_cast %reduce_sum3A_1645 : vector<64xf32> to vector<64x1xf32>
    %mul3A_1647 = arith.mulf %broadcast_in_dim3A_1643, %broadcast_in_dim3A_1643 : vector<64x1xf32>
    %mul3A_1648 = arith.constant 1.000000e+00 : f32
    %mul3A_1649 = vector.broadcast %mul3A_1648 : f32 to vector<64x1xf32>
    %mul3A_1650 = arith.mulf %mul3A_1649, %mul3A_1647 : vector<64x1xf32>
    %mul3A_1651 = arith.mulf %broadcast_in_dim3A_1646, %broadcast_in_dim3A_1646 : vector<64x1xf32>
    %mul3A_1652 = arith.constant 1.000000e+00 : f32
    %mul3A_1653 = vector.broadcast %mul3A_1652 : f32 to vector<64x1xf32>
    %mul3A_1654 = arith.mulf %mul3A_1653, %mul3A_1651 : vector<64x1xf32>
    %add3A_1655 = arith.addf %add3A_1637, %mul3A_1650 : vector<64x1xf32>
    %add3A_1656 = arith.addf %add3A_1638, %mul3A_1654 : vector<64x1xf32>
    %mul3A_1657 = arith.mulf %mul3A_1127, %select_n3A_74 : vector<64x64xf32>
    %mul3A_1658 = arith.mulf %mul3A_1128, %select_n3A_74 : vector<64x64xf32>
    %mul3A_1659 = arith.mulf %mul3A_1129, %select_n3A_74 : vector<64x64xf32>
    %mul3A_1660 = arith.mulf %mul3A_1130, %select_n3A_74 : vector<64x64xf32>
    %mul3A_1661 = arith.mulf %mul3A_1131, %select_n3A_74 : vector<64x64xf32>
    %mul3A_1662 = arith.mulf %mul3A_1132, %select_n3A_74 : vector<64x64xf32>
    %mul3A_1663 = arith.mulf %mul3A_1133, %select_n3A_74 : vector<64x64xf32>
    %mul3A_1664 = arith.mulf %mul3A_1134, %select_n3A_74 : vector<64x64xf32>
    %mul3A_1665 = arith.mulf %mul3A_1135, %select_n3A_74 : vector<64x64xf32>
    %mul3A_1666 = arith.mulf %mul3A_1136, %select_n3A_74 : vector<64x64xf32>
    %mul3A_1667 = arith.mulf %mul3A_1137, %select_n3A_74 : vector<64x64xf32>
    %mul3A_1668 = arith.mulf %mul3A_1138, %select_n3A_74 : vector<64x64xf32>
    %mul3A_1669 = arith.mulf %mul3A_1139, %select_n3A_74 : vector<64x64xf32>
    %mul3A_1670 = arith.mulf %mul3A_1140, %select_n3A_74 : vector<64x64xf32>
    %mul3A_1671 = arith.mulf %mul3A_1141, %select_n3A_74 : vector<64x64xf32>
    %mul3A_1672 = arith.mulf %mul3A_1142, %select_n3A_74 : vector<64x64xf32>
    %mul3A_1673 = arith.mulf %mul3A_1143, %select_n3A_74 : vector<64x64xf32>
    %mul3A_1674 = arith.mulf %mul3A_1144, %select_n3A_74 : vector<64x64xf32>
    %mul3A_1675 = arith.mulf %mul3A_1145, %select_n3A_74 : vector<64x64xf32>
    %mul3A_1676 = arith.mulf %mul3A_1146, %select_n3A_74 : vector<64x64xf32>
    %mul3A_1677 = arith.mulf %mul3A_1147, %select_n3A_74 : vector<64x64xf32>
    %mul3A_1678 = arith.mulf %mul3A_1148, %select_n3A_74 : vector<64x64xf32>
    %mul3A_1679 = arith.mulf %mul3A_1149, %select_n3A_74 : vector<64x64xf32>
    %mul3A_1680 = arith.mulf %mul3A_1150, %select_n3A_74 : vector<64x64xf32>
    %mul3A_1681 = arith.mulf %mul3A_1151, %select_n3A_74 : vector<64x64xf32>
    %mul3A_1682 = arith.mulf %mul3A_1152, %select_n3A_74 : vector<64x64xf32>
    %mul3A_1683 = arith.mulf %mul3A_1153, %select_n3A_74 : vector<64x64xf32>
    %mul3A_1684 = arith.mulf %mul3A_1154, %select_n3A_74 : vector<64x64xf32>
    %mul3A_1685 = arith.mulf %mul3A_1148, %select_n3A_77 : vector<64x64xf32>
    %mul3A_1686 = arith.mulf %mul3A_1149, %select_n3A_77 : vector<64x64xf32>
    %mul3A_1687 = arith.mulf %mul3A_1150, %select_n3A_77 : vector<64x64xf32>
    %mul3A_1688 = arith.mulf %mul3A_1151, %select_n3A_77 : vector<64x64xf32>
    %mul3A_1689 = arith.mulf %mul3A_1152, %select_n3A_77 : vector<64x64xf32>
    %mul3A_1690 = arith.mulf %mul3A_1153, %select_n3A_77 : vector<64x64xf32>
    %mul3A_1691 = arith.mulf %mul3A_1154, %select_n3A_77 : vector<64x64xf32>
    %mul3A_1692 = arith.mulf %mul3A_1154, %select_n3A_80 : vector<64x64xf32>
    %mul3A_1693 = arith.mulf %select_n3A_67, %mul3A_1657 : vector<64x64xf32>
    %mul3A_1694 = arith.mulf %mul3A_71, %mul3A_1657 : vector<64x64xf32>
    %reduce_sum3A_1695 = arith.constant dense<0.000000e+00> : vector<64xf32>
    %reduce_sum3A_1696 = vector.multi_reduction <add>, %mul3A_1693, %reduce_sum3A_1695 [1] : vector<64x64xf32> to vector<64xf32>
    %broadcast_in_dim3A_1697 = vector.shape_cast %reduce_sum3A_1696 : vector<64xf32> to vector<64x1xf32>
    %reduce_sum3A_1698 = arith.constant dense<0.000000e+00> : vector<64xf32>
    %reduce_sum3A_1699 = vector.multi_reduction <add>, %mul3A_1694, %reduce_sum3A_1698 [1] : vector<64x64xf32> to vector<64xf32>
    %broadcast_in_dim3A_1700 = vector.shape_cast %reduce_sum3A_1699 : vector<64xf32> to vector<64x1xf32>
    %mul3A_1701 = arith.mulf %broadcast_in_dim3A_1697, %broadcast_in_dim3A_1697 : vector<64x1xf32>
    %mul3A_1702 = arith.constant 1.000000e+00 : f32
    %mul3A_1703 = vector.broadcast %mul3A_1702 : f32 to vector<64x1xf32>
    %mul3A_1704 = arith.mulf %mul3A_1703, %mul3A_1701 : vector<64x1xf32>
    %mul3A_1705 = arith.mulf %broadcast_in_dim3A_1700, %broadcast_in_dim3A_1700 : vector<64x1xf32>
    %mul3A_1706 = arith.constant 1.000000e+00 : f32
    %mul3A_1707 = vector.broadcast %mul3A_1706 : f32 to vector<64x1xf32>
    %mul3A_1708 = arith.mulf %mul3A_1707, %mul3A_1705 : vector<64x1xf32>
    %mul3A_1709 = arith.mulf %select_n3A_67, %mul3A_1658 : vector<64x64xf32>
    %mul3A_1710 = arith.mulf %mul3A_71, %mul3A_1658 : vector<64x64xf32>
    %reduce_sum3A_1711 = arith.constant dense<0.000000e+00> : vector<64xf32>
    %reduce_sum3A_1712 = vector.multi_reduction <add>, %mul3A_1709, %reduce_sum3A_1711 [1] : vector<64x64xf32> to vector<64xf32>
    %broadcast_in_dim3A_1713 = vector.shape_cast %reduce_sum3A_1712 : vector<64xf32> to vector<64x1xf32>
    %reduce_sum3A_1714 = arith.constant dense<0.000000e+00> : vector<64xf32>
    %reduce_sum3A_1715 = vector.multi_reduction <add>, %mul3A_1710, %reduce_sum3A_1714 [1] : vector<64x64xf32> to vector<64xf32>
    %broadcast_in_dim3A_1716 = vector.shape_cast %reduce_sum3A_1715 : vector<64xf32> to vector<64x1xf32>
    %mul3A_1717 = arith.mulf %broadcast_in_dim3A_1713, %broadcast_in_dim3A_1713 : vector<64x1xf32>
    %mul3A_1718 = arith.constant 7.000000e+00 : f32
    %mul3A_1719 = vector.broadcast %mul3A_1718 : f32 to vector<64x1xf32>
    %mul3A_1720 = arith.mulf %mul3A_1719, %mul3A_1717 : vector<64x1xf32>
    %mul3A_1721 = arith.mulf %broadcast_in_dim3A_1716, %broadcast_in_dim3A_1716 : vector<64x1xf32>
    %mul3A_1722 = arith.constant 7.000000e+00 : f32
    %mul3A_1723 = vector.broadcast %mul3A_1722 : f32 to vector<64x1xf32>
    %mul3A_1724 = arith.mulf %mul3A_1723, %mul3A_1721 : vector<64x1xf32>
    %add3A_1725 = arith.addf %mul3A_1704, %mul3A_1720 : vector<64x1xf32>
    %add3A_1726 = arith.addf %mul3A_1708, %mul3A_1724 : vector<64x1xf32>
    %mul3A_1727 = arith.mulf %select_n3A_67, %mul3A_1659 : vector<64x64xf32>
    %mul3A_1728 = arith.mulf %mul3A_71, %mul3A_1659 : vector<64x64xf32>
    %reduce_sum3A_1729 = arith.constant dense<0.000000e+00> : vector<64xf32>
    %reduce_sum3A_1730 = vector.multi_reduction <add>, %mul3A_1727, %reduce_sum3A_1729 [1] : vector<64x64xf32> to vector<64xf32>
    %broadcast_in_dim3A_1731 = vector.shape_cast %reduce_sum3A_1730 : vector<64xf32> to vector<64x1xf32>
    %reduce_sum3A_1732 = arith.constant dense<0.000000e+00> : vector<64xf32>
    %reduce_sum3A_1733 = vector.multi_reduction <add>, %mul3A_1728, %reduce_sum3A_1732 [1] : vector<64x64xf32> to vector<64xf32>
    %broadcast_in_dim3A_1734 = vector.shape_cast %reduce_sum3A_1733 : vector<64xf32> to vector<64x1xf32>
    %mul3A_1735 = arith.mulf %broadcast_in_dim3A_1731, %broadcast_in_dim3A_1731 : vector<64x1xf32>
    %mul3A_1736 = arith.constant 7.000000e+00 : f32
    %mul3A_1737 = vector.broadcast %mul3A_1736 : f32 to vector<64x1xf32>
    %mul3A_1738 = arith.mulf %mul3A_1737, %mul3A_1735 : vector<64x1xf32>
    %mul3A_1739 = arith.mulf %broadcast_in_dim3A_1734, %broadcast_in_dim3A_1734 : vector<64x1xf32>
    %mul3A_1740 = arith.constant 7.000000e+00 : f32
    %mul3A_1741 = vector.broadcast %mul3A_1740 : f32 to vector<64x1xf32>
    %mul3A_1742 = arith.mulf %mul3A_1741, %mul3A_1739 : vector<64x1xf32>
    %add3A_1743 = arith.addf %add3A_1725, %mul3A_1738 : vector<64x1xf32>
    %add3A_1744 = arith.addf %add3A_1726, %mul3A_1742 : vector<64x1xf32>
    %mul3A_1745 = arith.mulf %select_n3A_67, %mul3A_1660 : vector<64x64xf32>
    %mul3A_1746 = arith.mulf %mul3A_71, %mul3A_1660 : vector<64x64xf32>
    %reduce_sum3A_1747 = arith.constant dense<0.000000e+00> : vector<64xf32>
    %reduce_sum3A_1748 = vector.multi_reduction <add>, %mul3A_1745, %reduce_sum3A_1747 [1] : vector<64x64xf32> to vector<64xf32>
    %broadcast_in_dim3A_1749 = vector.shape_cast %reduce_sum3A_1748 : vector<64xf32> to vector<64x1xf32>
    %reduce_sum3A_1750 = arith.constant dense<0.000000e+00> : vector<64xf32>
    %reduce_sum3A_1751 = vector.multi_reduction <add>, %mul3A_1746, %reduce_sum3A_1750 [1] : vector<64x64xf32> to vector<64xf32>
    %broadcast_in_dim3A_1752 = vector.shape_cast %reduce_sum3A_1751 : vector<64xf32> to vector<64x1xf32>
    %mul3A_1753 = arith.mulf %broadcast_in_dim3A_1749, %broadcast_in_dim3A_1749 : vector<64x1xf32>
    %mul3A_1754 = arith.constant 2.100000e+01 : f32
    %mul3A_1755 = vector.broadcast %mul3A_1754 : f32 to vector<64x1xf32>
    %mul3A_1756 = arith.mulf %mul3A_1755, %mul3A_1753 : vector<64x1xf32>
    %mul3A_1757 = arith.mulf %broadcast_in_dim3A_1752, %broadcast_in_dim3A_1752 : vector<64x1xf32>
    %mul3A_1758 = arith.constant 2.100000e+01 : f32
    %mul3A_1759 = vector.broadcast %mul3A_1758 : f32 to vector<64x1xf32>
    %mul3A_1760 = arith.mulf %mul3A_1759, %mul3A_1757 : vector<64x1xf32>
    %add3A_1761 = arith.addf %add3A_1743, %mul3A_1756 : vector<64x1xf32>
    %add3A_1762 = arith.addf %add3A_1744, %mul3A_1760 : vector<64x1xf32>
    %mul3A_1763 = arith.mulf %select_n3A_67, %mul3A_1661 : vector<64x64xf32>
    %mul3A_1764 = arith.mulf %mul3A_71, %mul3A_1661 : vector<64x64xf32>
    %reduce_sum3A_1765 = arith.constant dense<0.000000e+00> : vector<64xf32>
    %reduce_sum3A_1766 = vector.multi_reduction <add>, %mul3A_1763, %reduce_sum3A_1765 [1] : vector<64x64xf32> to vector<64xf32>
    %broadcast_in_dim3A_1767 = vector.shape_cast %reduce_sum3A_1766 : vector<64xf32> to vector<64x1xf32>
    %reduce_sum3A_1768 = arith.constant dense<0.000000e+00> : vector<64xf32>
    %reduce_sum3A_1769 = vector.multi_reduction <add>, %mul3A_1764, %reduce_sum3A_1768 [1] : vector<64x64xf32> to vector<64xf32>
    %broadcast_in_dim3A_1770 = vector.shape_cast %reduce_sum3A_1769 : vector<64xf32> to vector<64x1xf32>
    %mul3A_1771 = arith.mulf %broadcast_in_dim3A_1767, %broadcast_in_dim3A_1767 : vector<64x1xf32>
    %mul3A_1772 = arith.constant 4.200000e+01 : f32
    %mul3A_1773 = vector.broadcast %mul3A_1772 : f32 to vector<64x1xf32>
    %mul3A_1774 = arith.mulf %mul3A_1773, %mul3A_1771 : vector<64x1xf32>
    %mul3A_1775 = arith.mulf %broadcast_in_dim3A_1770, %broadcast_in_dim3A_1770 : vector<64x1xf32>
    %mul3A_1776 = arith.constant 4.200000e+01 : f32
    %mul3A_1777 = vector.broadcast %mul3A_1776 : f32 to vector<64x1xf32>
    %mul3A_1778 = arith.mulf %mul3A_1777, %mul3A_1775 : vector<64x1xf32>
    %add3A_1779 = arith.addf %add3A_1761, %mul3A_1774 : vector<64x1xf32>
    %add3A_1780 = arith.addf %add3A_1762, %mul3A_1778 : vector<64x1xf32>
    %mul3A_1781 = arith.mulf %select_n3A_67, %mul3A_1662 : vector<64x64xf32>
    %mul3A_1782 = arith.mulf %mul3A_71, %mul3A_1662 : vector<64x64xf32>
    %reduce_sum3A_1783 = arith.constant dense<0.000000e+00> : vector<64xf32>
    %reduce_sum3A_1784 = vector.multi_reduction <add>, %mul3A_1781, %reduce_sum3A_1783 [1] : vector<64x64xf32> to vector<64xf32>
    %broadcast_in_dim3A_1785 = vector.shape_cast %reduce_sum3A_1784 : vector<64xf32> to vector<64x1xf32>
    %reduce_sum3A_1786 = arith.constant dense<0.000000e+00> : vector<64xf32>
    %reduce_sum3A_1787 = vector.multi_reduction <add>, %mul3A_1782, %reduce_sum3A_1786 [1] : vector<64x64xf32> to vector<64xf32>
    %broadcast_in_dim3A_1788 = vector.shape_cast %reduce_sum3A_1787 : vector<64xf32> to vector<64x1xf32>
    %mul3A_1789 = arith.mulf %broadcast_in_dim3A_1785, %broadcast_in_dim3A_1785 : vector<64x1xf32>
    %mul3A_1790 = arith.constant 2.100000e+01 : f32
    %mul3A_1791 = vector.broadcast %mul3A_1790 : f32 to vector<64x1xf32>
    %mul3A_1792 = arith.mulf %mul3A_1791, %mul3A_1789 : vector<64x1xf32>
    %mul3A_1793 = arith.mulf %broadcast_in_dim3A_1788, %broadcast_in_dim3A_1788 : vector<64x1xf32>
    %mul3A_1794 = arith.constant 2.100000e+01 : f32
    %mul3A_1795 = vector.broadcast %mul3A_1794 : f32 to vector<64x1xf32>
    %mul3A_1796 = arith.mulf %mul3A_1795, %mul3A_1793 : vector<64x1xf32>
    %add3A_1797 = arith.addf %add3A_1779, %mul3A_1792 : vector<64x1xf32>
    %add3A_1798 = arith.addf %add3A_1780, %mul3A_1796 : vector<64x1xf32>
    %mul3A_1799 = arith.mulf %select_n3A_67, %mul3A_1663 : vector<64x64xf32>
    %mul3A_1800 = arith.mulf %mul3A_71, %mul3A_1663 : vector<64x64xf32>
    %reduce_sum3A_1801 = arith.constant dense<0.000000e+00> : vector<64xf32>
    %reduce_sum3A_1802 = vector.multi_reduction <add>, %mul3A_1799, %reduce_sum3A_1801 [1] : vector<64x64xf32> to vector<64xf32>
    %broadcast_in_dim3A_1803 = vector.shape_cast %reduce_sum3A_1802 : vector<64xf32> to vector<64x1xf32>
    %reduce_sum3A_1804 = arith.constant dense<0.000000e+00> : vector<64xf32>
    %reduce_sum3A_1805 = vector.multi_reduction <add>, %mul3A_1800, %reduce_sum3A_1804 [1] : vector<64x64xf32> to vector<64xf32>
    %broadcast_in_dim3A_1806 = vector.shape_cast %reduce_sum3A_1805 : vector<64xf32> to vector<64x1xf32>
    %mul3A_1807 = arith.mulf %broadcast_in_dim3A_1803, %broadcast_in_dim3A_1803 : vector<64x1xf32>
    %mul3A_1808 = arith.constant 3.500000e+01 : f32
    %mul3A_1809 = vector.broadcast %mul3A_1808 : f32 to vector<64x1xf32>
    %mul3A_1810 = arith.mulf %mul3A_1809, %mul3A_1807 : vector<64x1xf32>
    %mul3A_1811 = arith.mulf %broadcast_in_dim3A_1806, %broadcast_in_dim3A_1806 : vector<64x1xf32>
    %mul3A_1812 = arith.constant 3.500000e+01 : f32
    %mul3A_1813 = vector.broadcast %mul3A_1812 : f32 to vector<64x1xf32>
    %mul3A_1814 = arith.mulf %mul3A_1813, %mul3A_1811 : vector<64x1xf32>
    %add3A_1815 = arith.addf %add3A_1797, %mul3A_1810 : vector<64x1xf32>
    %add3A_1816 = arith.addf %add3A_1798, %mul3A_1814 : vector<64x1xf32>
    %mul3A_1817 = arith.mulf %select_n3A_67, %mul3A_1664 : vector<64x64xf32>
    %mul3A_1818 = arith.mulf %mul3A_71, %mul3A_1664 : vector<64x64xf32>
    %reduce_sum3A_1819 = arith.constant dense<0.000000e+00> : vector<64xf32>
    %reduce_sum3A_1820 = vector.multi_reduction <add>, %mul3A_1817, %reduce_sum3A_1819 [1] : vector<64x64xf32> to vector<64xf32>
    %broadcast_in_dim3A_1821 = vector.shape_cast %reduce_sum3A_1820 : vector<64xf32> to vector<64x1xf32>
    %reduce_sum3A_1822 = arith.constant dense<0.000000e+00> : vector<64xf32>
    %reduce_sum3A_1823 = vector.multi_reduction <add>, %mul3A_1818, %reduce_sum3A_1822 [1] : vector<64x64xf32> to vector<64xf32>
    %broadcast_in_dim3A_1824 = vector.shape_cast %reduce_sum3A_1823 : vector<64xf32> to vector<64x1xf32>
    %mul3A_1825 = arith.mulf %broadcast_in_dim3A_1821, %broadcast_in_dim3A_1821 : vector<64x1xf32>
    %mul3A_1826 = arith.constant 1.050000e+02 : f32
    %mul3A_1827 = vector.broadcast %mul3A_1826 : f32 to vector<64x1xf32>
    %mul3A_1828 = arith.mulf %mul3A_1827, %mul3A_1825 : vector<64x1xf32>
    %mul3A_1829 = arith.mulf %broadcast_in_dim3A_1824, %broadcast_in_dim3A_1824 : vector<64x1xf32>
    %mul3A_1830 = arith.constant 1.050000e+02 : f32
    %mul3A_1831 = vector.broadcast %mul3A_1830 : f32 to vector<64x1xf32>
    %mul3A_1832 = arith.mulf %mul3A_1831, %mul3A_1829 : vector<64x1xf32>
    %add3A_1833 = arith.addf %add3A_1815, %mul3A_1828 : vector<64x1xf32>
    %add3A_1834 = arith.addf %add3A_1816, %mul3A_1832 : vector<64x1xf32>
    %mul3A_1835 = arith.mulf %select_n3A_67, %mul3A_1665 : vector<64x64xf32>
    %mul3A_1836 = arith.mulf %mul3A_71, %mul3A_1665 : vector<64x64xf32>
    %reduce_sum3A_1837 = arith.constant dense<0.000000e+00> : vector<64xf32>
    %reduce_sum3A_1838 = vector.multi_reduction <add>, %mul3A_1835, %reduce_sum3A_1837 [1] : vector<64x64xf32> to vector<64xf32>
    %broadcast_in_dim3A_1839 = vector.shape_cast %reduce_sum3A_1838 : vector<64xf32> to vector<64x1xf32>
    %reduce_sum3A_1840 = arith.constant dense<0.000000e+00> : vector<64xf32>
    %reduce_sum3A_1841 = vector.multi_reduction <add>, %mul3A_1836, %reduce_sum3A_1840 [1] : vector<64x64xf32> to vector<64xf32>
    %broadcast_in_dim3A_1842 = vector.shape_cast %reduce_sum3A_1841 : vector<64xf32> to vector<64x1xf32>
    %mul3A_1843 = arith.mulf %broadcast_in_dim3A_1839, %broadcast_in_dim3A_1839 : vector<64x1xf32>
    %mul3A_1844 = arith.constant 1.050000e+02 : f32
    %mul3A_1845 = vector.broadcast %mul3A_1844 : f32 to vector<64x1xf32>
    %mul3A_1846 = arith.mulf %mul3A_1845, %mul3A_1843 : vector<64x1xf32>
    %mul3A_1847 = arith.mulf %broadcast_in_dim3A_1842, %broadcast_in_dim3A_1842 : vector<64x1xf32>
    %mul3A_1848 = arith.constant 1.050000e+02 : f32
    %mul3A_1849 = vector.broadcast %mul3A_1848 : f32 to vector<64x1xf32>
    %mul3A_1850 = arith.mulf %mul3A_1849, %mul3A_1847 : vector<64x1xf32>
    %add3A_1851 = arith.addf %add3A_1833, %mul3A_1846 : vector<64x1xf32>
    %add3A_1852 = arith.addf %add3A_1834, %mul3A_1850 : vector<64x1xf32>
    %mul3A_1853 = arith.mulf %select_n3A_67, %mul3A_1666 : vector<64x64xf32>
    %mul3A_1854 = arith.mulf %mul3A_71, %mul3A_1666 : vector<64x64xf32>
    %reduce_sum3A_1855 = arith.constant dense<0.000000e+00> : vector<64xf32>
    %reduce_sum3A_1856 = vector.multi_reduction <add>, %mul3A_1853, %reduce_sum3A_1855 [1] : vector<64x64xf32> to vector<64xf32>
    %broadcast_in_dim3A_1857 = vector.shape_cast %reduce_sum3A_1856 : vector<64xf32> to vector<64x1xf32>
    %reduce_sum3A_1858 = arith.constant dense<0.000000e+00> : vector<64xf32>
    %reduce_sum3A_1859 = vector.multi_reduction <add>, %mul3A_1854, %reduce_sum3A_1858 [1] : vector<64x64xf32> to vector<64xf32>
    %broadcast_in_dim3A_1860 = vector.shape_cast %reduce_sum3A_1859 : vector<64xf32> to vector<64x1xf32>
    %mul3A_1861 = arith.mulf %broadcast_in_dim3A_1857, %broadcast_in_dim3A_1857 : vector<64x1xf32>
    %mul3A_1862 = arith.constant 3.500000e+01 : f32
    %mul3A_1863 = vector.broadcast %mul3A_1862 : f32 to vector<64x1xf32>
    %mul3A_1864 = arith.mulf %mul3A_1863, %mul3A_1861 : vector<64x1xf32>
    %mul3A_1865 = arith.mulf %broadcast_in_dim3A_1860, %broadcast_in_dim3A_1860 : vector<64x1xf32>
    %mul3A_1866 = arith.constant 3.500000e+01 : f32
    %mul3A_1867 = vector.broadcast %mul3A_1866 : f32 to vector<64x1xf32>
    %mul3A_1868 = arith.mulf %mul3A_1867, %mul3A_1865 : vector<64x1xf32>
    %add3A_1869 = arith.addf %add3A_1851, %mul3A_1864 : vector<64x1xf32>
    %add3A_1870 = arith.addf %add3A_1852, %mul3A_1868 : vector<64x1xf32>
    %mul3A_1871 = arith.mulf %select_n3A_67, %mul3A_1667 : vector<64x64xf32>
    %mul3A_1872 = arith.mulf %mul3A_71, %mul3A_1667 : vector<64x64xf32>
    %reduce_sum3A_1873 = arith.constant dense<0.000000e+00> : vector<64xf32>
    %reduce_sum3A_1874 = vector.multi_reduction <add>, %mul3A_1871, %reduce_sum3A_1873 [1] : vector<64x64xf32> to vector<64xf32>
    %broadcast_in_dim3A_1875 = vector.shape_cast %reduce_sum3A_1874 : vector<64xf32> to vector<64x1xf32>
    %reduce_sum3A_1876 = arith.constant dense<0.000000e+00> : vector<64xf32>
    %reduce_sum3A_1877 = vector.multi_reduction <add>, %mul3A_1872, %reduce_sum3A_1876 [1] : vector<64x64xf32> to vector<64xf32>
    %broadcast_in_dim3A_1878 = vector.shape_cast %reduce_sum3A_1877 : vector<64xf32> to vector<64x1xf32>
    %mul3A_1879 = arith.mulf %broadcast_in_dim3A_1875, %broadcast_in_dim3A_1875 : vector<64x1xf32>
    %mul3A_1880 = arith.constant 3.500000e+01 : f32
    %mul3A_1881 = vector.broadcast %mul3A_1880 : f32 to vector<64x1xf32>
    %mul3A_1882 = arith.mulf %mul3A_1881, %mul3A_1879 : vector<64x1xf32>
    %mul3A_1883 = arith.mulf %broadcast_in_dim3A_1878, %broadcast_in_dim3A_1878 : vector<64x1xf32>
    %mul3A_1884 = arith.constant 3.500000e+01 : f32
    %mul3A_1885 = vector.broadcast %mul3A_1884 : f32 to vector<64x1xf32>
    %mul3A_1886 = arith.mulf %mul3A_1885, %mul3A_1883 : vector<64x1xf32>
    %add3A_1887 = arith.addf %add3A_1869, %mul3A_1882 : vector<64x1xf32>
    %add3A_1888 = arith.addf %add3A_1870, %mul3A_1886 : vector<64x1xf32>
    %mul3A_1889 = arith.mulf %select_n3A_67, %mul3A_1668 : vector<64x64xf32>
    %mul3A_1890 = arith.mulf %mul3A_71, %mul3A_1668 : vector<64x64xf32>
    %reduce_sum3A_1891 = arith.constant dense<0.000000e+00> : vector<64xf32>
    %reduce_sum3A_1892 = vector.multi_reduction <add>, %mul3A_1889, %reduce_sum3A_1891 [1] : vector<64x64xf32> to vector<64xf32>
    %broadcast_in_dim3A_1893 = vector.shape_cast %reduce_sum3A_1892 : vector<64xf32> to vector<64x1xf32>
    %reduce_sum3A_1894 = arith.constant dense<0.000000e+00> : vector<64xf32>
    %reduce_sum3A_1895 = vector.multi_reduction <add>, %mul3A_1890, %reduce_sum3A_1894 [1] : vector<64x64xf32> to vector<64xf32>
    %broadcast_in_dim3A_1896 = vector.shape_cast %reduce_sum3A_1895 : vector<64xf32> to vector<64x1xf32>
    %mul3A_1897 = arith.mulf %broadcast_in_dim3A_1893, %broadcast_in_dim3A_1893 : vector<64x1xf32>
    %mul3A_1898 = arith.constant 1.400000e+02 : f32
    %mul3A_1899 = vector.broadcast %mul3A_1898 : f32 to vector<64x1xf32>
    %mul3A_1900 = arith.mulf %mul3A_1899, %mul3A_1897 : vector<64x1xf32>
    %mul3A_1901 = arith.mulf %broadcast_in_dim3A_1896, %broadcast_in_dim3A_1896 : vector<64x1xf32>
    %mul3A_1902 = arith.constant 1.400000e+02 : f32
    %mul3A_1903 = vector.broadcast %mul3A_1902 : f32 to vector<64x1xf32>
    %mul3A_1904 = arith.mulf %mul3A_1903, %mul3A_1901 : vector<64x1xf32>
    %add3A_1905 = arith.addf %add3A_1887, %mul3A_1900 : vector<64x1xf32>
    %add3A_1906 = arith.addf %add3A_1888, %mul3A_1904 : vector<64x1xf32>
    %mul3A_1907 = arith.mulf %select_n3A_67, %mul3A_1669 : vector<64x64xf32>
    %mul3A_1908 = arith.mulf %mul3A_71, %mul3A_1669 : vector<64x64xf32>
    %reduce_sum3A_1909 = arith.constant dense<0.000000e+00> : vector<64xf32>
    %reduce_sum3A_1910 = vector.multi_reduction <add>, %mul3A_1907, %reduce_sum3A_1909 [1] : vector<64x64xf32> to vector<64xf32>
    %broadcast_in_dim3A_1911 = vector.shape_cast %reduce_sum3A_1910 : vector<64xf32> to vector<64x1xf32>
    %reduce_sum3A_1912 = arith.constant dense<0.000000e+00> : vector<64xf32>
    %reduce_sum3A_1913 = vector.multi_reduction <add>, %mul3A_1908, %reduce_sum3A_1912 [1] : vector<64x64xf32> to vector<64xf32>
    %broadcast_in_dim3A_1914 = vector.shape_cast %reduce_sum3A_1913 : vector<64xf32> to vector<64x1xf32>
    %mul3A_1915 = arith.mulf %broadcast_in_dim3A_1911, %broadcast_in_dim3A_1911 : vector<64x1xf32>
    %mul3A_1916 = arith.constant 2.100000e+02 : f32
    %mul3A_1917 = vector.broadcast %mul3A_1916 : f32 to vector<64x1xf32>
    %mul3A_1918 = arith.mulf %mul3A_1917, %mul3A_1915 : vector<64x1xf32>
    %mul3A_1919 = arith.mulf %broadcast_in_dim3A_1914, %broadcast_in_dim3A_1914 : vector<64x1xf32>
    %mul3A_1920 = arith.constant 2.100000e+02 : f32
    %mul3A_1921 = vector.broadcast %mul3A_1920 : f32 to vector<64x1xf32>
    %mul3A_1922 = arith.mulf %mul3A_1921, %mul3A_1919 : vector<64x1xf32>
    %add3A_1923 = arith.addf %add3A_1905, %mul3A_1918 : vector<64x1xf32>
    %add3A_1924 = arith.addf %add3A_1906, %mul3A_1922 : vector<64x1xf32>
    %mul3A_1925 = arith.mulf %select_n3A_67, %mul3A_1670 : vector<64x64xf32>
    %mul3A_1926 = arith.mulf %mul3A_71, %mul3A_1670 : vector<64x64xf32>
    %reduce_sum3A_1927 = arith.constant dense<0.000000e+00> : vector<64xf32>
    %reduce_sum3A_1928 = vector.multi_reduction <add>, %mul3A_1925, %reduce_sum3A_1927 [1] : vector<64x64xf32> to vector<64xf32>
    %broadcast_in_dim3A_1929 = vector.shape_cast %reduce_sum3A_1928 : vector<64xf32> to vector<64x1xf32>
    %reduce_sum3A_1930 = arith.constant dense<0.000000e+00> : vector<64xf32>
    %reduce_sum3A_1931 = vector.multi_reduction <add>, %mul3A_1926, %reduce_sum3A_1930 [1] : vector<64x64xf32> to vector<64xf32>
    %broadcast_in_dim3A_1932 = vector.shape_cast %reduce_sum3A_1931 : vector<64xf32> to vector<64x1xf32>
    %mul3A_1933 = arith.mulf %broadcast_in_dim3A_1929, %broadcast_in_dim3A_1929 : vector<64x1xf32>
    %mul3A_1934 = arith.constant 1.400000e+02 : f32
    %mul3A_1935 = vector.broadcast %mul3A_1934 : f32 to vector<64x1xf32>
    %mul3A_1936 = arith.mulf %mul3A_1935, %mul3A_1933 : vector<64x1xf32>
    %mul3A_1937 = arith.mulf %broadcast_in_dim3A_1932, %broadcast_in_dim3A_1932 : vector<64x1xf32>
    %mul3A_1938 = arith.constant 1.400000e+02 : f32
    %mul3A_1939 = vector.broadcast %mul3A_1938 : f32 to vector<64x1xf32>
    %mul3A_1940 = arith.mulf %mul3A_1939, %mul3A_1937 : vector<64x1xf32>
    %add3A_1941 = arith.addf %add3A_1923, %mul3A_1936 : vector<64x1xf32>
    %add3A_1942 = arith.addf %add3A_1924, %mul3A_1940 : vector<64x1xf32>
    %mul3A_1943 = arith.mulf %select_n3A_67, %mul3A_1671 : vector<64x64xf32>
    %mul3A_1944 = arith.mulf %mul3A_71, %mul3A_1671 : vector<64x64xf32>
    %reduce_sum3A_1945 = arith.constant dense<0.000000e+00> : vector<64xf32>
    %reduce_sum3A_1946 = vector.multi_reduction <add>, %mul3A_1943, %reduce_sum3A_1945 [1] : vector<64x64xf32> to vector<64xf32>
    %broadcast_in_dim3A_1947 = vector.shape_cast %reduce_sum3A_1946 : vector<64xf32> to vector<64x1xf32>
    %reduce_sum3A_1948 = arith.constant dense<0.000000e+00> : vector<64xf32>
    %reduce_sum3A_1949 = vector.multi_reduction <add>, %mul3A_1944, %reduce_sum3A_1948 [1] : vector<64x64xf32> to vector<64xf32>
    %broadcast_in_dim3A_1950 = vector.shape_cast %reduce_sum3A_1949 : vector<64xf32> to vector<64x1xf32>
    %mul3A_1951 = arith.mulf %broadcast_in_dim3A_1947, %broadcast_in_dim3A_1947 : vector<64x1xf32>
    %mul3A_1952 = arith.constant 3.500000e+01 : f32
    %mul3A_1953 = vector.broadcast %mul3A_1952 : f32 to vector<64x1xf32>
    %mul3A_1954 = arith.mulf %mul3A_1953, %mul3A_1951 : vector<64x1xf32>
    %mul3A_1955 = arith.mulf %broadcast_in_dim3A_1950, %broadcast_in_dim3A_1950 : vector<64x1xf32>
    %mul3A_1956 = arith.constant 3.500000e+01 : f32
    %mul3A_1957 = vector.broadcast %mul3A_1956 : f32 to vector<64x1xf32>
    %mul3A_1958 = arith.mulf %mul3A_1957, %mul3A_1955 : vector<64x1xf32>
    %add3A_1959 = arith.addf %add3A_1941, %mul3A_1954 : vector<64x1xf32>
    %add3A_1960 = arith.addf %add3A_1942, %mul3A_1958 : vector<64x1xf32>
    %mul3A_1961 = arith.mulf %select_n3A_67, %mul3A_1672 : vector<64x64xf32>
    %mul3A_1962 = arith.mulf %mul3A_71, %mul3A_1672 : vector<64x64xf32>
    %reduce_sum3A_1963 = arith.constant dense<0.000000e+00> : vector<64xf32>
    %reduce_sum3A_1964 = vector.multi_reduction <add>, %mul3A_1961, %reduce_sum3A_1963 [1] : vector<64x64xf32> to vector<64xf32>
    %broadcast_in_dim3A_1965 = vector.shape_cast %reduce_sum3A_1964 : vector<64xf32> to vector<64x1xf32>
    %reduce_sum3A_1966 = arith.constant dense<0.000000e+00> : vector<64xf32>
    %reduce_sum3A_1967 = vector.multi_reduction <add>, %mul3A_1962, %reduce_sum3A_1966 [1] : vector<64x64xf32> to vector<64xf32>
    %broadcast_in_dim3A_1968 = vector.shape_cast %reduce_sum3A_1967 : vector<64xf32> to vector<64x1xf32>
    %mul3A_1969 = arith.mulf %broadcast_in_dim3A_1965, %broadcast_in_dim3A_1965 : vector<64x1xf32>
    %mul3A_1970 = arith.constant 2.100000e+01 : f32
    %mul3A_1971 = vector.broadcast %mul3A_1970 : f32 to vector<64x1xf32>
    %mul3A_1972 = arith.mulf %mul3A_1971, %mul3A_1969 : vector<64x1xf32>
    %mul3A_1973 = arith.mulf %broadcast_in_dim3A_1968, %broadcast_in_dim3A_1968 : vector<64x1xf32>
    %mul3A_1974 = arith.constant 2.100000e+01 : f32
    %mul3A_1975 = vector.broadcast %mul3A_1974 : f32 to vector<64x1xf32>
    %mul3A_1976 = arith.mulf %mul3A_1975, %mul3A_1973 : vector<64x1xf32>
    %add3A_1977 = arith.addf %add3A_1959, %mul3A_1972 : vector<64x1xf32>
    %add3A_1978 = arith.addf %add3A_1960, %mul3A_1976 : vector<64x1xf32>
    %mul3A_1979 = arith.mulf %select_n3A_67, %mul3A_1673 : vector<64x64xf32>
    %mul3A_1980 = arith.mulf %mul3A_71, %mul3A_1673 : vector<64x64xf32>
    %reduce_sum3A_1981 = arith.constant dense<0.000000e+00> : vector<64xf32>
    %reduce_sum3A_1982 = vector.multi_reduction <add>, %mul3A_1979, %reduce_sum3A_1981 [1] : vector<64x64xf32> to vector<64xf32>
    %broadcast_in_dim3A_1983 = vector.shape_cast %reduce_sum3A_1982 : vector<64xf32> to vector<64x1xf32>
    %reduce_sum3A_1984 = arith.constant dense<0.000000e+00> : vector<64xf32>
    %reduce_sum3A_1985 = vector.multi_reduction <add>, %mul3A_1980, %reduce_sum3A_1984 [1] : vector<64x64xf32> to vector<64xf32>
    %broadcast_in_dim3A_1986 = vector.shape_cast %reduce_sum3A_1985 : vector<64xf32> to vector<64x1xf32>
    %mul3A_1987 = arith.mulf %broadcast_in_dim3A_1983, %broadcast_in_dim3A_1983 : vector<64x1xf32>
    %mul3A_1988 = arith.constant 1.050000e+02 : f32
    %mul3A_1989 = vector.broadcast %mul3A_1988 : f32 to vector<64x1xf32>
    %mul3A_1990 = arith.mulf %mul3A_1989, %mul3A_1987 : vector<64x1xf32>
    %mul3A_1991 = arith.mulf %broadcast_in_dim3A_1986, %broadcast_in_dim3A_1986 : vector<64x1xf32>
    %mul3A_1992 = arith.constant 1.050000e+02 : f32
    %mul3A_1993 = vector.broadcast %mul3A_1992 : f32 to vector<64x1xf32>
    %mul3A_1994 = arith.mulf %mul3A_1993, %mul3A_1991 : vector<64x1xf32>
    %add3A_1995 = arith.addf %add3A_1977, %mul3A_1990 : vector<64x1xf32>
    %add3A_1996 = arith.addf %add3A_1978, %mul3A_1994 : vector<64x1xf32>
    %mul3A_1997 = arith.mulf %select_n3A_67, %mul3A_1674 : vector<64x64xf32>
    %mul3A_1998 = arith.mulf %mul3A_71, %mul3A_1674 : vector<64x64xf32>
    %reduce_sum3A_1999 = arith.constant dense<0.000000e+00> : vector<64xf32>
    %reduce_sum3A_2000 = vector.multi_reduction <add>, %mul3A_1997, %reduce_sum3A_1999 [1] : vector<64x64xf32> to vector<64xf32>
    %broadcast_in_dim3A_2001 = vector.shape_cast %reduce_sum3A_2000 : vector<64xf32> to vector<64x1xf32>
    %reduce_sum3A_2002 = arith.constant dense<0.000000e+00> : vector<64xf32>
    %reduce_sum3A_2003 = vector.multi_reduction <add>, %mul3A_1998, %reduce_sum3A_2002 [1] : vector<64x64xf32> to vector<64xf32>
    %broadcast_in_dim3A_2004 = vector.shape_cast %reduce_sum3A_2003 : vector<64xf32> to vector<64x1xf32>
    %mul3A_2005 = arith.mulf %broadcast_in_dim3A_2001, %broadcast_in_dim3A_2001 : vector<64x1xf32>
    %mul3A_2006 = arith.constant 2.100000e+02 : f32
    %mul3A_2007 = vector.broadcast %mul3A_2006 : f32 to vector<64x1xf32>
    %mul3A_2008 = arith.mulf %mul3A_2007, %mul3A_2005 : vector<64x1xf32>
    %mul3A_2009 = arith.mulf %broadcast_in_dim3A_2004, %broadcast_in_dim3A_2004 : vector<64x1xf32>
    %mul3A_2010 = arith.constant 2.100000e+02 : f32
    %mul3A_2011 = vector.broadcast %mul3A_2010 : f32 to vector<64x1xf32>
    %mul3A_2012 = arith.mulf %mul3A_2011, %mul3A_2009 : vector<64x1xf32>
    %add3A_2013 = arith.addf %add3A_1995, %mul3A_2008 : vector<64x1xf32>
    %add3A_2014 = arith.addf %add3A_1996, %mul3A_2012 : vector<64x1xf32>
    %mul3A_2015 = arith.mulf %select_n3A_67, %mul3A_1675 : vector<64x64xf32>
    %mul3A_2016 = arith.mulf %mul3A_71, %mul3A_1675 : vector<64x64xf32>
    %reduce_sum3A_2017 = arith.constant dense<0.000000e+00> : vector<64xf32>
    %reduce_sum3A_2018 = vector.multi_reduction <add>, %mul3A_2015, %reduce_sum3A_2017 [1] : vector<64x64xf32> to vector<64xf32>
    %broadcast_in_dim3A_2019 = vector.shape_cast %reduce_sum3A_2018 : vector<64xf32> to vector<64x1xf32>
    %reduce_sum3A_2020 = arith.constant dense<0.000000e+00> : vector<64xf32>
    %reduce_sum3A_2021 = vector.multi_reduction <add>, %mul3A_2016, %reduce_sum3A_2020 [1] : vector<64x64xf32> to vector<64xf32>
    %broadcast_in_dim3A_2022 = vector.shape_cast %reduce_sum3A_2021 : vector<64xf32> to vector<64x1xf32>
    %mul3A_2023 = arith.mulf %broadcast_in_dim3A_2019, %broadcast_in_dim3A_2019 : vector<64x1xf32>
    %mul3A_2024 = arith.constant 2.100000e+02 : f32
    %mul3A_2025 = vector.broadcast %mul3A_2024 : f32 to vector<64x1xf32>
    %mul3A_2026 = arith.mulf %mul3A_2025, %mul3A_2023 : vector<64x1xf32>
    %mul3A_2027 = arith.mulf %broadcast_in_dim3A_2022, %broadcast_in_dim3A_2022 : vector<64x1xf32>
    %mul3A_2028 = arith.constant 2.100000e+02 : f32
    %mul3A_2029 = vector.broadcast %mul3A_2028 : f32 to vector<64x1xf32>
    %mul3A_2030 = arith.mulf %mul3A_2029, %mul3A_2027 : vector<64x1xf32>
    %add3A_2031 = arith.addf %add3A_2013, %mul3A_2026 : vector<64x1xf32>
    %add3A_2032 = arith.addf %add3A_2014, %mul3A_2030 : vector<64x1xf32>
    %mul3A_2033 = arith.mulf %select_n3A_67, %mul3A_1676 : vector<64x64xf32>
    %mul3A_2034 = arith.mulf %mul3A_71, %mul3A_1676 : vector<64x64xf32>
    %reduce_sum3A_2035 = arith.constant dense<0.000000e+00> : vector<64xf32>
    %reduce_sum3A_2036 = vector.multi_reduction <add>, %mul3A_2033, %reduce_sum3A_2035 [1] : vector<64x64xf32> to vector<64xf32>
    %broadcast_in_dim3A_2037 = vector.shape_cast %reduce_sum3A_2036 : vector<64xf32> to vector<64x1xf32>
    %reduce_sum3A_2038 = arith.constant dense<0.000000e+00> : vector<64xf32>
    %reduce_sum3A_2039 = vector.multi_reduction <add>, %mul3A_2034, %reduce_sum3A_2038 [1] : vector<64x64xf32> to vector<64xf32>
    %broadcast_in_dim3A_2040 = vector.shape_cast %reduce_sum3A_2039 : vector<64xf32> to vector<64x1xf32>
    %mul3A_2041 = arith.mulf %broadcast_in_dim3A_2037, %broadcast_in_dim3A_2037 : vector<64x1xf32>
    %mul3A_2042 = arith.constant 1.050000e+02 : f32
    %mul3A_2043 = vector.broadcast %mul3A_2042 : f32 to vector<64x1xf32>
    %mul3A_2044 = arith.mulf %mul3A_2043, %mul3A_2041 : vector<64x1xf32>
    %mul3A_2045 = arith.mulf %broadcast_in_dim3A_2040, %broadcast_in_dim3A_2040 : vector<64x1xf32>
    %mul3A_2046 = arith.constant 1.050000e+02 : f32
    %mul3A_2047 = vector.broadcast %mul3A_2046 : f32 to vector<64x1xf32>
    %mul3A_2048 = arith.mulf %mul3A_2047, %mul3A_2045 : vector<64x1xf32>
    %add3A_2049 = arith.addf %add3A_2031, %mul3A_2044 : vector<64x1xf32>
    %add3A_2050 = arith.addf %add3A_2032, %mul3A_2048 : vector<64x1xf32>
    %mul3A_2051 = arith.mulf %select_n3A_67, %mul3A_1677 : vector<64x64xf32>
    %mul3A_2052 = arith.mulf %mul3A_71, %mul3A_1677 : vector<64x64xf32>
    %reduce_sum3A_2053 = arith.constant dense<0.000000e+00> : vector<64xf32>
    %reduce_sum3A_2054 = vector.multi_reduction <add>, %mul3A_2051, %reduce_sum3A_2053 [1] : vector<64x64xf32> to vector<64xf32>
    %broadcast_in_dim3A_2055 = vector.shape_cast %reduce_sum3A_2054 : vector<64xf32> to vector<64x1xf32>
    %reduce_sum3A_2056 = arith.constant dense<0.000000e+00> : vector<64xf32>
    %reduce_sum3A_2057 = vector.multi_reduction <add>, %mul3A_2052, %reduce_sum3A_2056 [1] : vector<64x64xf32> to vector<64xf32>
    %broadcast_in_dim3A_2058 = vector.shape_cast %reduce_sum3A_2057 : vector<64xf32> to vector<64x1xf32>
    %mul3A_2059 = arith.mulf %broadcast_in_dim3A_2055, %broadcast_in_dim3A_2055 : vector<64x1xf32>
    %mul3A_2060 = arith.constant 2.100000e+01 : f32
    %mul3A_2061 = vector.broadcast %mul3A_2060 : f32 to vector<64x1xf32>
    %mul3A_2062 = arith.mulf %mul3A_2061, %mul3A_2059 : vector<64x1xf32>
    %mul3A_2063 = arith.mulf %broadcast_in_dim3A_2058, %broadcast_in_dim3A_2058 : vector<64x1xf32>
    %mul3A_2064 = arith.constant 2.100000e+01 : f32
    %mul3A_2065 = vector.broadcast %mul3A_2064 : f32 to vector<64x1xf32>
    %mul3A_2066 = arith.mulf %mul3A_2065, %mul3A_2063 : vector<64x1xf32>
    %add3A_2067 = arith.addf %add3A_2049, %mul3A_2062 : vector<64x1xf32>
    %add3A_2068 = arith.addf %add3A_2050, %mul3A_2066 : vector<64x1xf32>
    %mul3A_2069 = arith.mulf %select_n3A_67, %mul3A_1678 : vector<64x64xf32>
    %mul3A_2070 = arith.mulf %mul3A_71, %mul3A_1678 : vector<64x64xf32>
    %reduce_sum3A_2071 = arith.constant dense<0.000000e+00> : vector<64xf32>
    %reduce_sum3A_2072 = vector.multi_reduction <add>, %mul3A_2069, %reduce_sum3A_2071 [1] : vector<64x64xf32> to vector<64xf32>
    %broadcast_in_dim3A_2073 = vector.shape_cast %reduce_sum3A_2072 : vector<64xf32> to vector<64x1xf32>
    %reduce_sum3A_2074 = arith.constant dense<0.000000e+00> : vector<64xf32>
    %reduce_sum3A_2075 = vector.multi_reduction <add>, %mul3A_2070, %reduce_sum3A_2074 [1] : vector<64x64xf32> to vector<64xf32>
    %broadcast_in_dim3A_2076 = vector.shape_cast %reduce_sum3A_2075 : vector<64xf32> to vector<64x1xf32>
    %mul3A_2077 = arith.mulf %broadcast_in_dim3A_2073, %broadcast_in_dim3A_2073 : vector<64x1xf32>
    %mul3A_2078 = arith.constant 7.000000e+00 : f32
    %mul3A_2079 = vector.broadcast %mul3A_2078 : f32 to vector<64x1xf32>
    %mul3A_2080 = arith.mulf %mul3A_2079, %mul3A_2077 : vector<64x1xf32>
    %mul3A_2081 = arith.mulf %broadcast_in_dim3A_2076, %broadcast_in_dim3A_2076 : vector<64x1xf32>
    %mul3A_2082 = arith.constant 7.000000e+00 : f32
    %mul3A_2083 = vector.broadcast %mul3A_2082 : f32 to vector<64x1xf32>
    %mul3A_2084 = arith.mulf %mul3A_2083, %mul3A_2081 : vector<64x1xf32>
    %add3A_2085 = arith.addf %add3A_2067, %mul3A_2080 : vector<64x1xf32>
    %add3A_2086 = arith.addf %add3A_2068, %mul3A_2084 : vector<64x1xf32>
    %mul3A_2087 = arith.mulf %select_n3A_67, %mul3A_1679 : vector<64x64xf32>
    %mul3A_2088 = arith.mulf %mul3A_71, %mul3A_1679 : vector<64x64xf32>
    %reduce_sum3A_2089 = arith.constant dense<0.000000e+00> : vector<64xf32>
    %reduce_sum3A_2090 = vector.multi_reduction <add>, %mul3A_2087, %reduce_sum3A_2089 [1] : vector<64x64xf32> to vector<64xf32>
    %broadcast_in_dim3A_2091 = vector.shape_cast %reduce_sum3A_2090 : vector<64xf32> to vector<64x1xf32>
    %reduce_sum3A_2092 = arith.constant dense<0.000000e+00> : vector<64xf32>
    %reduce_sum3A_2093 = vector.multi_reduction <add>, %mul3A_2088, %reduce_sum3A_2092 [1] : vector<64x64xf32> to vector<64xf32>
    %broadcast_in_dim3A_2094 = vector.shape_cast %reduce_sum3A_2093 : vector<64xf32> to vector<64x1xf32>
    %mul3A_2095 = arith.mulf %broadcast_in_dim3A_2091, %broadcast_in_dim3A_2091 : vector<64x1xf32>
    %mul3A_2096 = arith.constant 4.200000e+01 : f32
    %mul3A_2097 = vector.broadcast %mul3A_2096 : f32 to vector<64x1xf32>
    %mul3A_2098 = arith.mulf %mul3A_2097, %mul3A_2095 : vector<64x1xf32>
    %mul3A_2099 = arith.mulf %broadcast_in_dim3A_2094, %broadcast_in_dim3A_2094 : vector<64x1xf32>
    %mul3A_2100 = arith.constant 4.200000e+01 : f32
    %mul3A_2101 = vector.broadcast %mul3A_2100 : f32 to vector<64x1xf32>
    %mul3A_2102 = arith.mulf %mul3A_2101, %mul3A_2099 : vector<64x1xf32>
    %add3A_2103 = arith.addf %add3A_2085, %mul3A_2098 : vector<64x1xf32>
    %add3A_2104 = arith.addf %add3A_2086, %mul3A_2102 : vector<64x1xf32>
    %mul3A_2105 = arith.mulf %select_n3A_67, %mul3A_1680 : vector<64x64xf32>
    %mul3A_2106 = arith.mulf %mul3A_71, %mul3A_1680 : vector<64x64xf32>
    %reduce_sum3A_2107 = arith.constant dense<0.000000e+00> : vector<64xf32>
    %reduce_sum3A_2108 = vector.multi_reduction <add>, %mul3A_2105, %reduce_sum3A_2107 [1] : vector<64x64xf32> to vector<64xf32>
    %broadcast_in_dim3A_2109 = vector.shape_cast %reduce_sum3A_2108 : vector<64xf32> to vector<64x1xf32>
    %reduce_sum3A_2110 = arith.constant dense<0.000000e+00> : vector<64xf32>
    %reduce_sum3A_2111 = vector.multi_reduction <add>, %mul3A_2106, %reduce_sum3A_2110 [1] : vector<64x64xf32> to vector<64xf32>
    %broadcast_in_dim3A_2112 = vector.shape_cast %reduce_sum3A_2111 : vector<64xf32> to vector<64x1xf32>
    %mul3A_2113 = arith.mulf %broadcast_in_dim3A_2109, %broadcast_in_dim3A_2109 : vector<64x1xf32>
    %mul3A_2114 = arith.constant 1.050000e+02 : f32
    %mul3A_2115 = vector.broadcast %mul3A_2114 : f32 to vector<64x1xf32>
    %mul3A_2116 = arith.mulf %mul3A_2115, %mul3A_2113 : vector<64x1xf32>
    %mul3A_2117 = arith.mulf %broadcast_in_dim3A_2112, %broadcast_in_dim3A_2112 : vector<64x1xf32>
    %mul3A_2118 = arith.constant 1.050000e+02 : f32
    %mul3A_2119 = vector.broadcast %mul3A_2118 : f32 to vector<64x1xf32>
    %mul3A_2120 = arith.mulf %mul3A_2119, %mul3A_2117 : vector<64x1xf32>
    %add3A_2121 = arith.addf %add3A_2103, %mul3A_2116 : vector<64x1xf32>
    %add3A_2122 = arith.addf %add3A_2104, %mul3A_2120 : vector<64x1xf32>
    %mul3A_2123 = arith.mulf %select_n3A_67, %mul3A_1681 : vector<64x64xf32>
    %mul3A_2124 = arith.mulf %mul3A_71, %mul3A_1681 : vector<64x64xf32>
    %reduce_sum3A_2125 = arith.constant dense<0.000000e+00> : vector<64xf32>
    %reduce_sum3A_2126 = vector.multi_reduction <add>, %mul3A_2123, %reduce_sum3A_2125 [1] : vector<64x64xf32> to vector<64xf32>
    %broadcast_in_dim3A_2127 = vector.shape_cast %reduce_sum3A_2126 : vector<64xf32> to vector<64x1xf32>
    %reduce_sum3A_2128 = arith.constant dense<0.000000e+00> : vector<64xf32>
    %reduce_sum3A_2129 = vector.multi_reduction <add>, %mul3A_2124, %reduce_sum3A_2128 [1] : vector<64x64xf32> to vector<64xf32>
    %broadcast_in_dim3A_2130 = vector.shape_cast %reduce_sum3A_2129 : vector<64xf32> to vector<64x1xf32>
    %mul3A_2131 = arith.mulf %broadcast_in_dim3A_2127, %broadcast_in_dim3A_2127 : vector<64x1xf32>
    %mul3A_2132 = arith.constant 1.400000e+02 : f32
    %mul3A_2133 = vector.broadcast %mul3A_2132 : f32 to vector<64x1xf32>
    %mul3A_2134 = arith.mulf %mul3A_2133, %mul3A_2131 : vector<64x1xf32>
    %mul3A_2135 = arith.mulf %broadcast_in_dim3A_2130, %broadcast_in_dim3A_2130 : vector<64x1xf32>
    %mul3A_2136 = arith.constant 1.400000e+02 : f32
    %mul3A_2137 = vector.broadcast %mul3A_2136 : f32 to vector<64x1xf32>
    %mul3A_2138 = arith.mulf %mul3A_2137, %mul3A_2135 : vector<64x1xf32>
    %add3A_2139 = arith.addf %add3A_2121, %mul3A_2134 : vector<64x1xf32>
    %add3A_2140 = arith.addf %add3A_2122, %mul3A_2138 : vector<64x1xf32>
    %mul3A_2141 = arith.mulf %select_n3A_67, %mul3A_1682 : vector<64x64xf32>
    %mul3A_2142 = arith.mulf %mul3A_71, %mul3A_1682 : vector<64x64xf32>
    %reduce_sum3A_2143 = arith.constant dense<0.000000e+00> : vector<64xf32>
    %reduce_sum3A_2144 = vector.multi_reduction <add>, %mul3A_2141, %reduce_sum3A_2143 [1] : vector<64x64xf32> to vector<64xf32>
    %broadcast_in_dim3A_2145 = vector.shape_cast %reduce_sum3A_2144 : vector<64xf32> to vector<64x1xf32>
    %reduce_sum3A_2146 = arith.constant dense<0.000000e+00> : vector<64xf32>
    %reduce_sum3A_2147 = vector.multi_reduction <add>, %mul3A_2142, %reduce_sum3A_2146 [1] : vector<64x64xf32> to vector<64xf32>
    %broadcast_in_dim3A_2148 = vector.shape_cast %reduce_sum3A_2147 : vector<64xf32> to vector<64x1xf32>
    %mul3A_2149 = arith.mulf %broadcast_in_dim3A_2145, %broadcast_in_dim3A_2145 : vector<64x1xf32>
    %mul3A_2150 = arith.constant 1.050000e+02 : f32
    %mul3A_2151 = vector.broadcast %mul3A_2150 : f32 to vector<64x1xf32>
    %mul3A_2152 = arith.mulf %mul3A_2151, %mul3A_2149 : vector<64x1xf32>
    %mul3A_2153 = arith.mulf %broadcast_in_dim3A_2148, %broadcast_in_dim3A_2148 : vector<64x1xf32>
    %mul3A_2154 = arith.constant 1.050000e+02 : f32
    %mul3A_2155 = vector.broadcast %mul3A_2154 : f32 to vector<64x1xf32>
    %mul3A_2156 = arith.mulf %mul3A_2155, %mul3A_2153 : vector<64x1xf32>
    %add3A_2157 = arith.addf %add3A_2139, %mul3A_2152 : vector<64x1xf32>
    %add3A_2158 = arith.addf %add3A_2140, %mul3A_2156 : vector<64x1xf32>
    %mul3A_2159 = arith.mulf %select_n3A_67, %mul3A_1683 : vector<64x64xf32>
    %mul3A_2160 = arith.mulf %mul3A_71, %mul3A_1683 : vector<64x64xf32>
    %reduce_sum3A_2161 = arith.constant dense<0.000000e+00> : vector<64xf32>
    %reduce_sum3A_2162 = vector.multi_reduction <add>, %mul3A_2159, %reduce_sum3A_2161 [1] : vector<64x64xf32> to vector<64xf32>
    %broadcast_in_dim3A_2163 = vector.shape_cast %reduce_sum3A_2162 : vector<64xf32> to vector<64x1xf32>
    %reduce_sum3A_2164 = arith.constant dense<0.000000e+00> : vector<64xf32>
    %reduce_sum3A_2165 = vector.multi_reduction <add>, %mul3A_2160, %reduce_sum3A_2164 [1] : vector<64x64xf32> to vector<64xf32>
    %broadcast_in_dim3A_2166 = vector.shape_cast %reduce_sum3A_2165 : vector<64xf32> to vector<64x1xf32>
    %mul3A_2167 = arith.mulf %broadcast_in_dim3A_2163, %broadcast_in_dim3A_2163 : vector<64x1xf32>
    %mul3A_2168 = arith.constant 4.200000e+01 : f32
    %mul3A_2169 = vector.broadcast %mul3A_2168 : f32 to vector<64x1xf32>
    %mul3A_2170 = arith.mulf %mul3A_2169, %mul3A_2167 : vector<64x1xf32>
    %mul3A_2171 = arith.mulf %broadcast_in_dim3A_2166, %broadcast_in_dim3A_2166 : vector<64x1xf32>
    %mul3A_2172 = arith.constant 4.200000e+01 : f32
    %mul3A_2173 = vector.broadcast %mul3A_2172 : f32 to vector<64x1xf32>
    %mul3A_2174 = arith.mulf %mul3A_2173, %mul3A_2171 : vector<64x1xf32>
    %add3A_2175 = arith.addf %add3A_2157, %mul3A_2170 : vector<64x1xf32>
    %add3A_2176 = arith.addf %add3A_2158, %mul3A_2174 : vector<64x1xf32>
    %mul3A_2177 = arith.mulf %select_n3A_67, %mul3A_1684 : vector<64x64xf32>
    %mul3A_2178 = arith.mulf %mul3A_71, %mul3A_1684 : vector<64x64xf32>
    %reduce_sum3A_2179 = arith.constant dense<0.000000e+00> : vector<64xf32>
    %reduce_sum3A_2180 = vector.multi_reduction <add>, %mul3A_2177, %reduce_sum3A_2179 [1] : vector<64x64xf32> to vector<64xf32>
    %broadcast_in_dim3A_2181 = vector.shape_cast %reduce_sum3A_2180 : vector<64xf32> to vector<64x1xf32>
    %reduce_sum3A_2182 = arith.constant dense<0.000000e+00> : vector<64xf32>
    %reduce_sum3A_2183 = vector.multi_reduction <add>, %mul3A_2178, %reduce_sum3A_2182 [1] : vector<64x64xf32> to vector<64xf32>
    %broadcast_in_dim3A_2184 = vector.shape_cast %reduce_sum3A_2183 : vector<64xf32> to vector<64x1xf32>
    %mul3A_2185 = arith.mulf %broadcast_in_dim3A_2181, %broadcast_in_dim3A_2181 : vector<64x1xf32>
    %mul3A_2186 = arith.constant 7.000000e+00 : f32
    %mul3A_2187 = vector.broadcast %mul3A_2186 : f32 to vector<64x1xf32>
    %mul3A_2188 = arith.mulf %mul3A_2187, %mul3A_2185 : vector<64x1xf32>
    %mul3A_2189 = arith.mulf %broadcast_in_dim3A_2184, %broadcast_in_dim3A_2184 : vector<64x1xf32>
    %mul3A_2190 = arith.constant 7.000000e+00 : f32
    %mul3A_2191 = vector.broadcast %mul3A_2190 : f32 to vector<64x1xf32>
    %mul3A_2192 = arith.mulf %mul3A_2191, %mul3A_2189 : vector<64x1xf32>
    %add3A_2193 = arith.addf %add3A_2175, %mul3A_2188 : vector<64x1xf32>
    %add3A_2194 = arith.addf %add3A_2176, %mul3A_2192 : vector<64x1xf32>
    %mul3A_2195 = arith.mulf %select_n3A_67, %mul3A_1685 : vector<64x64xf32>
    %mul3A_2196 = arith.mulf %mul3A_71, %mul3A_1685 : vector<64x64xf32>
    %reduce_sum3A_2197 = arith.constant dense<0.000000e+00> : vector<64xf32>
    %reduce_sum3A_2198 = vector.multi_reduction <add>, %mul3A_2195, %reduce_sum3A_2197 [1] : vector<64x64xf32> to vector<64xf32>
    %broadcast_in_dim3A_2199 = vector.shape_cast %reduce_sum3A_2198 : vector<64xf32> to vector<64x1xf32>
    %reduce_sum3A_2200 = arith.constant dense<0.000000e+00> : vector<64xf32>
    %reduce_sum3A_2201 = vector.multi_reduction <add>, %mul3A_2196, %reduce_sum3A_2200 [1] : vector<64x64xf32> to vector<64xf32>
    %broadcast_in_dim3A_2202 = vector.shape_cast %reduce_sum3A_2201 : vector<64xf32> to vector<64x1xf32>
    %mul3A_2203 = arith.mulf %broadcast_in_dim3A_2199, %broadcast_in_dim3A_2199 : vector<64x1xf32>
    %mul3A_2204 = arith.constant 1.000000e+00 : f32
    %mul3A_2205 = vector.broadcast %mul3A_2204 : f32 to vector<64x1xf32>
    %mul3A_2206 = arith.mulf %mul3A_2205, %mul3A_2203 : vector<64x1xf32>
    %mul3A_2207 = arith.mulf %broadcast_in_dim3A_2202, %broadcast_in_dim3A_2202 : vector<64x1xf32>
    %mul3A_2208 = arith.constant 1.000000e+00 : f32
    %mul3A_2209 = vector.broadcast %mul3A_2208 : f32 to vector<64x1xf32>
    %mul3A_2210 = arith.mulf %mul3A_2209, %mul3A_2207 : vector<64x1xf32>
    %add3A_2211 = arith.addf %add3A_2193, %mul3A_2206 : vector<64x1xf32>
    %add3A_2212 = arith.addf %add3A_2194, %mul3A_2210 : vector<64x1xf32>
    %mul3A_2213 = arith.mulf %select_n3A_67, %mul3A_1686 : vector<64x64xf32>
    %mul3A_2214 = arith.mulf %mul3A_71, %mul3A_1686 : vector<64x64xf32>
    %reduce_sum3A_2215 = arith.constant dense<0.000000e+00> : vector<64xf32>
    %reduce_sum3A_2216 = vector.multi_reduction <add>, %mul3A_2213, %reduce_sum3A_2215 [1] : vector<64x64xf32> to vector<64xf32>
    %broadcast_in_dim3A_2217 = vector.shape_cast %reduce_sum3A_2216 : vector<64xf32> to vector<64x1xf32>
    %reduce_sum3A_2218 = arith.constant dense<0.000000e+00> : vector<64xf32>
    %reduce_sum3A_2219 = vector.multi_reduction <add>, %mul3A_2214, %reduce_sum3A_2218 [1] : vector<64x64xf32> to vector<64xf32>
    %broadcast_in_dim3A_2220 = vector.shape_cast %reduce_sum3A_2219 : vector<64xf32> to vector<64x1xf32>
    %mul3A_2221 = arith.mulf %broadcast_in_dim3A_2217, %broadcast_in_dim3A_2217 : vector<64x1xf32>
    %mul3A_2222 = arith.constant 7.000000e+00 : f32
    %mul3A_2223 = vector.broadcast %mul3A_2222 : f32 to vector<64x1xf32>
    %mul3A_2224 = arith.mulf %mul3A_2223, %mul3A_2221 : vector<64x1xf32>
    %mul3A_2225 = arith.mulf %broadcast_in_dim3A_2220, %broadcast_in_dim3A_2220 : vector<64x1xf32>
    %mul3A_2226 = arith.constant 7.000000e+00 : f32
    %mul3A_2227 = vector.broadcast %mul3A_2226 : f32 to vector<64x1xf32>
    %mul3A_2228 = arith.mulf %mul3A_2227, %mul3A_2225 : vector<64x1xf32>
    %add3A_2229 = arith.addf %add3A_2211, %mul3A_2224 : vector<64x1xf32>
    %add3A_2230 = arith.addf %add3A_2212, %mul3A_2228 : vector<64x1xf32>
    %mul3A_2231 = arith.mulf %select_n3A_67, %mul3A_1687 : vector<64x64xf32>
    %mul3A_2232 = arith.mulf %mul3A_71, %mul3A_1687 : vector<64x64xf32>
    %reduce_sum3A_2233 = arith.constant dense<0.000000e+00> : vector<64xf32>
    %reduce_sum3A_2234 = vector.multi_reduction <add>, %mul3A_2231, %reduce_sum3A_2233 [1] : vector<64x64xf32> to vector<64xf32>
    %broadcast_in_dim3A_2235 = vector.shape_cast %reduce_sum3A_2234 : vector<64xf32> to vector<64x1xf32>
    %reduce_sum3A_2236 = arith.constant dense<0.000000e+00> : vector<64xf32>
    %reduce_sum3A_2237 = vector.multi_reduction <add>, %mul3A_2232, %reduce_sum3A_2236 [1] : vector<64x64xf32> to vector<64xf32>
    %broadcast_in_dim3A_2238 = vector.shape_cast %reduce_sum3A_2237 : vector<64xf32> to vector<64x1xf32>
    %mul3A_2239 = arith.mulf %broadcast_in_dim3A_2235, %broadcast_in_dim3A_2235 : vector<64x1xf32>
    %mul3A_2240 = arith.constant 2.100000e+01 : f32
    %mul3A_2241 = vector.broadcast %mul3A_2240 : f32 to vector<64x1xf32>
    %mul3A_2242 = arith.mulf %mul3A_2241, %mul3A_2239 : vector<64x1xf32>
    %mul3A_2243 = arith.mulf %broadcast_in_dim3A_2238, %broadcast_in_dim3A_2238 : vector<64x1xf32>
    %mul3A_2244 = arith.constant 2.100000e+01 : f32
    %mul3A_2245 = vector.broadcast %mul3A_2244 : f32 to vector<64x1xf32>
    %mul3A_2246 = arith.mulf %mul3A_2245, %mul3A_2243 : vector<64x1xf32>
    %add3A_2247 = arith.addf %add3A_2229, %mul3A_2242 : vector<64x1xf32>
    %add3A_2248 = arith.addf %add3A_2230, %mul3A_2246 : vector<64x1xf32>
    %mul3A_2249 = arith.mulf %select_n3A_67, %mul3A_1688 : vector<64x64xf32>
    %mul3A_2250 = arith.mulf %mul3A_71, %mul3A_1688 : vector<64x64xf32>
    %reduce_sum3A_2251 = arith.constant dense<0.000000e+00> : vector<64xf32>
    %reduce_sum3A_2252 = vector.multi_reduction <add>, %mul3A_2249, %reduce_sum3A_2251 [1] : vector<64x64xf32> to vector<64xf32>
    %broadcast_in_dim3A_2253 = vector.shape_cast %reduce_sum3A_2252 : vector<64xf32> to vector<64x1xf32>
    %reduce_sum3A_2254 = arith.constant dense<0.000000e+00> : vector<64xf32>
    %reduce_sum3A_2255 = vector.multi_reduction <add>, %mul3A_2250, %reduce_sum3A_2254 [1] : vector<64x64xf32> to vector<64xf32>
    %broadcast_in_dim3A_2256 = vector.shape_cast %reduce_sum3A_2255 : vector<64xf32> to vector<64x1xf32>
    %mul3A_2257 = arith.mulf %broadcast_in_dim3A_2253, %broadcast_in_dim3A_2253 : vector<64x1xf32>
    %mul3A_2258 = arith.constant 3.500000e+01 : f32
    %mul3A_2259 = vector.broadcast %mul3A_2258 : f32 to vector<64x1xf32>
    %mul3A_2260 = arith.mulf %mul3A_2259, %mul3A_2257 : vector<64x1xf32>
    %mul3A_2261 = arith.mulf %broadcast_in_dim3A_2256, %broadcast_in_dim3A_2256 : vector<64x1xf32>
    %mul3A_2262 = arith.constant 3.500000e+01 : f32
    %mul3A_2263 = vector.broadcast %mul3A_2262 : f32 to vector<64x1xf32>
    %mul3A_2264 = arith.mulf %mul3A_2263, %mul3A_2261 : vector<64x1xf32>
    %add3A_2265 = arith.addf %add3A_2247, %mul3A_2260 : vector<64x1xf32>
    %add3A_2266 = arith.addf %add3A_2248, %mul3A_2264 : vector<64x1xf32>
    %mul3A_2267 = arith.mulf %select_n3A_67, %mul3A_1689 : vector<64x64xf32>
    %mul3A_2268 = arith.mulf %mul3A_71, %mul3A_1689 : vector<64x64xf32>
    %reduce_sum3A_2269 = arith.constant dense<0.000000e+00> : vector<64xf32>
    %reduce_sum3A_2270 = vector.multi_reduction <add>, %mul3A_2267, %reduce_sum3A_2269 [1] : vector<64x64xf32> to vector<64xf32>
    %broadcast_in_dim3A_2271 = vector.shape_cast %reduce_sum3A_2270 : vector<64xf32> to vector<64x1xf32>
    %reduce_sum3A_2272 = arith.constant dense<0.000000e+00> : vector<64xf32>
    %reduce_sum3A_2273 = vector.multi_reduction <add>, %mul3A_2268, %reduce_sum3A_2272 [1] : vector<64x64xf32> to vector<64xf32>
    %broadcast_in_dim3A_2274 = vector.shape_cast %reduce_sum3A_2273 : vector<64xf32> to vector<64x1xf32>
    %mul3A_2275 = arith.mulf %broadcast_in_dim3A_2271, %broadcast_in_dim3A_2271 : vector<64x1xf32>
    %mul3A_2276 = arith.constant 3.500000e+01 : f32
    %mul3A_2277 = vector.broadcast %mul3A_2276 : f32 to vector<64x1xf32>
    %mul3A_2278 = arith.mulf %mul3A_2277, %mul3A_2275 : vector<64x1xf32>
    %mul3A_2279 = arith.mulf %broadcast_in_dim3A_2274, %broadcast_in_dim3A_2274 : vector<64x1xf32>
    %mul3A_2280 = arith.constant 3.500000e+01 : f32
    %mul3A_2281 = vector.broadcast %mul3A_2280 : f32 to vector<64x1xf32>
    %mul3A_2282 = arith.mulf %mul3A_2281, %mul3A_2279 : vector<64x1xf32>
    %add3A_2283 = arith.addf %add3A_2265, %mul3A_2278 : vector<64x1xf32>
    %add3A_2284 = arith.addf %add3A_2266, %mul3A_2282 : vector<64x1xf32>
    %mul3A_2285 = arith.mulf %select_n3A_67, %mul3A_1690 : vector<64x64xf32>
    %mul3A_2286 = arith.mulf %mul3A_71, %mul3A_1690 : vector<64x64xf32>
    %reduce_sum3A_2287 = arith.constant dense<0.000000e+00> : vector<64xf32>
    %reduce_sum3A_2288 = vector.multi_reduction <add>, %mul3A_2285, %reduce_sum3A_2287 [1] : vector<64x64xf32> to vector<64xf32>
    %broadcast_in_dim3A_2289 = vector.shape_cast %reduce_sum3A_2288 : vector<64xf32> to vector<64x1xf32>
    %reduce_sum3A_2290 = arith.constant dense<0.000000e+00> : vector<64xf32>
    %reduce_sum3A_2291 = vector.multi_reduction <add>, %mul3A_2286, %reduce_sum3A_2290 [1] : vector<64x64xf32> to vector<64xf32>
    %broadcast_in_dim3A_2292 = vector.shape_cast %reduce_sum3A_2291 : vector<64xf32> to vector<64x1xf32>
    %mul3A_2293 = arith.mulf %broadcast_in_dim3A_2289, %broadcast_in_dim3A_2289 : vector<64x1xf32>
    %mul3A_2294 = arith.constant 2.100000e+01 : f32
    %mul3A_2295 = vector.broadcast %mul3A_2294 : f32 to vector<64x1xf32>
    %mul3A_2296 = arith.mulf %mul3A_2295, %mul3A_2293 : vector<64x1xf32>
    %mul3A_2297 = arith.mulf %broadcast_in_dim3A_2292, %broadcast_in_dim3A_2292 : vector<64x1xf32>
    %mul3A_2298 = arith.constant 2.100000e+01 : f32
    %mul3A_2299 = vector.broadcast %mul3A_2298 : f32 to vector<64x1xf32>
    %mul3A_2300 = arith.mulf %mul3A_2299, %mul3A_2297 : vector<64x1xf32>
    %add3A_2301 = arith.addf %add3A_2283, %mul3A_2296 : vector<64x1xf32>
    %add3A_2302 = arith.addf %add3A_2284, %mul3A_2300 : vector<64x1xf32>
    %mul3A_2303 = arith.mulf %select_n3A_67, %mul3A_1691 : vector<64x64xf32>
    %mul3A_2304 = arith.mulf %mul3A_71, %mul3A_1691 : vector<64x64xf32>
    %reduce_sum3A_2305 = arith.constant dense<0.000000e+00> : vector<64xf32>
    %reduce_sum3A_2306 = vector.multi_reduction <add>, %mul3A_2303, %reduce_sum3A_2305 [1] : vector<64x64xf32> to vector<64xf32>
    %broadcast_in_dim3A_2307 = vector.shape_cast %reduce_sum3A_2306 : vector<64xf32> to vector<64x1xf32>
    %reduce_sum3A_2308 = arith.constant dense<0.000000e+00> : vector<64xf32>
    %reduce_sum3A_2309 = vector.multi_reduction <add>, %mul3A_2304, %reduce_sum3A_2308 [1] : vector<64x64xf32> to vector<64xf32>
    %broadcast_in_dim3A_2310 = vector.shape_cast %reduce_sum3A_2309 : vector<64xf32> to vector<64x1xf32>
    %mul3A_2311 = arith.mulf %broadcast_in_dim3A_2307, %broadcast_in_dim3A_2307 : vector<64x1xf32>
    %mul3A_2312 = arith.constant 7.000000e+00 : f32
    %mul3A_2313 = vector.broadcast %mul3A_2312 : f32 to vector<64x1xf32>
    %mul3A_2314 = arith.mulf %mul3A_2313, %mul3A_2311 : vector<64x1xf32>
    %mul3A_2315 = arith.mulf %broadcast_in_dim3A_2310, %broadcast_in_dim3A_2310 : vector<64x1xf32>
    %mul3A_2316 = arith.constant 7.000000e+00 : f32
    %mul3A_2317 = vector.broadcast %mul3A_2316 : f32 to vector<64x1xf32>
    %mul3A_2318 = arith.mulf %mul3A_2317, %mul3A_2315 : vector<64x1xf32>
    %add3A_2319 = arith.addf %add3A_2301, %mul3A_2314 : vector<64x1xf32>
    %add3A_2320 = arith.addf %add3A_2302, %mul3A_2318 : vector<64x1xf32>
    %mul3A_2321 = arith.mulf %select_n3A_67, %mul3A_1692 : vector<64x64xf32>
    %mul3A_2322 = arith.mulf %mul3A_71, %mul3A_1692 : vector<64x64xf32>
    %reduce_sum3A_2323 = arith.constant dense<0.000000e+00> : vector<64xf32>
    %reduce_sum3A_2324 = vector.multi_reduction <add>, %mul3A_2321, %reduce_sum3A_2323 [1] : vector<64x64xf32> to vector<64xf32>
    %broadcast_in_dim3A_2325 = vector.shape_cast %reduce_sum3A_2324 : vector<64xf32> to vector<64x1xf32>
    %reduce_sum3A_2326 = arith.constant dense<0.000000e+00> : vector<64xf32>
    %reduce_sum3A_2327 = vector.multi_reduction <add>, %mul3A_2322, %reduce_sum3A_2326 [1] : vector<64x64xf32> to vector<64xf32>
    %broadcast_in_dim3A_2328 = vector.shape_cast %reduce_sum3A_2327 : vector<64xf32> to vector<64x1xf32>
    %mul3A_2329 = arith.mulf %broadcast_in_dim3A_2325, %broadcast_in_dim3A_2325 : vector<64x1xf32>
    %mul3A_2330 = arith.constant 1.000000e+00 : f32
    %mul3A_2331 = vector.broadcast %mul3A_2330 : f32 to vector<64x1xf32>
    %mul3A_2332 = arith.mulf %mul3A_2331, %mul3A_2329 : vector<64x1xf32>
    %mul3A_2333 = arith.mulf %broadcast_in_dim3A_2328, %broadcast_in_dim3A_2328 : vector<64x1xf32>
    %mul3A_2334 = arith.constant 1.000000e+00 : f32
    %mul3A_2335 = vector.broadcast %mul3A_2334 : f32 to vector<64x1xf32>
    %mul3A_2336 = arith.mulf %mul3A_2335, %mul3A_2333 : vector<64x1xf32>
    %add3A_2337 = arith.addf %add3A_2319, %mul3A_2332 : vector<64x1xf32>
    %add3A_2338 = arith.addf %add3A_2320, %mul3A_2336 : vector<64x1xf32>
    %mul3A_2339 = arith.mulf %mul3A_1657, %select_n3A_74 : vector<64x64xf32>
    %mul3A_2340 = arith.mulf %mul3A_1658, %select_n3A_74 : vector<64x64xf32>
    %mul3A_2341 = arith.mulf %mul3A_1659, %select_n3A_74 : vector<64x64xf32>
    %mul3A_2342 = arith.mulf %mul3A_1660, %select_n3A_74 : vector<64x64xf32>
    %mul3A_2343 = arith.mulf %mul3A_1661, %select_n3A_74 : vector<64x64xf32>
    %mul3A_2344 = arith.mulf %mul3A_1662, %select_n3A_74 : vector<64x64xf32>
    %mul3A_2345 = arith.mulf %mul3A_1663, %select_n3A_74 : vector<64x64xf32>
    %mul3A_2346 = arith.mulf %mul3A_1664, %select_n3A_74 : vector<64x64xf32>
    %mul3A_2347 = arith.mulf %mul3A_1665, %select_n3A_74 : vector<64x64xf32>
    %mul3A_2348 = arith.mulf %mul3A_1666, %select_n3A_74 : vector<64x64xf32>
    %mul3A_2349 = arith.mulf %mul3A_1667, %select_n3A_74 : vector<64x64xf32>
    %mul3A_2350 = arith.mulf %mul3A_1668, %select_n3A_74 : vector<64x64xf32>
    %mul3A_2351 = arith.mulf %mul3A_1669, %select_n3A_74 : vector<64x64xf32>
    %mul3A_2352 = arith.mulf %mul3A_1670, %select_n3A_74 : vector<64x64xf32>
    %mul3A_2353 = arith.mulf %mul3A_1671, %select_n3A_74 : vector<64x64xf32>
    %mul3A_2354 = arith.mulf %mul3A_1672, %select_n3A_74 : vector<64x64xf32>
    %mul3A_2355 = arith.mulf %mul3A_1673, %select_n3A_74 : vector<64x64xf32>
    %mul3A_2356 = arith.mulf %mul3A_1674, %select_n3A_74 : vector<64x64xf32>
    %mul3A_2357 = arith.mulf %mul3A_1675, %select_n3A_74 : vector<64x64xf32>
    %mul3A_2358 = arith.mulf %mul3A_1676, %select_n3A_74 : vector<64x64xf32>
    %mul3A_2359 = arith.mulf %mul3A_1677, %select_n3A_74 : vector<64x64xf32>
    %mul3A_2360 = arith.mulf %mul3A_1678, %select_n3A_74 : vector<64x64xf32>
    %mul3A_2361 = arith.mulf %mul3A_1679, %select_n3A_74 : vector<64x64xf32>
    %mul3A_2362 = arith.mulf %mul3A_1680, %select_n3A_74 : vector<64x64xf32>
    %mul3A_2363 = arith.mulf %mul3A_1681, %select_n3A_74 : vector<64x64xf32>
    %mul3A_2364 = arith.mulf %mul3A_1682, %select_n3A_74 : vector<64x64xf32>
    %mul3A_2365 = arith.mulf %mul3A_1683, %select_n3A_74 : vector<64x64xf32>
    %mul3A_2366 = arith.mulf %mul3A_1684, %select_n3A_74 : vector<64x64xf32>
    %mul3A_2367 = arith.mulf %mul3A_1685, %select_n3A_74 : vector<64x64xf32>
    %mul3A_2368 = arith.mulf %mul3A_1686, %select_n3A_74 : vector<64x64xf32>
    %mul3A_2369 = arith.mulf %mul3A_1687, %select_n3A_74 : vector<64x64xf32>
    %mul3A_2370 = arith.mulf %mul3A_1688, %select_n3A_74 : vector<64x64xf32>
    %mul3A_2371 = arith.mulf %mul3A_1689, %select_n3A_74 : vector<64x64xf32>
    %mul3A_2372 = arith.mulf %mul3A_1690, %select_n3A_74 : vector<64x64xf32>
    %mul3A_2373 = arith.mulf %mul3A_1691, %select_n3A_74 : vector<64x64xf32>
    %mul3A_2374 = arith.mulf %mul3A_1692, %select_n3A_74 : vector<64x64xf32>
    %mul3A_2375 = arith.mulf %mul3A_1685, %select_n3A_77 : vector<64x64xf32>
    %mul3A_2376 = arith.mulf %mul3A_1686, %select_n3A_77 : vector<64x64xf32>
    %mul3A_2377 = arith.mulf %mul3A_1687, %select_n3A_77 : vector<64x64xf32>
    %mul3A_2378 = arith.mulf %mul3A_1688, %select_n3A_77 : vector<64x64xf32>
    %mul3A_2379 = arith.mulf %mul3A_1689, %select_n3A_77 : vector<64x64xf32>
    %mul3A_2380 = arith.mulf %mul3A_1690, %select_n3A_77 : vector<64x64xf32>
    %mul3A_2381 = arith.mulf %mul3A_1691, %select_n3A_77 : vector<64x64xf32>
    %mul3A_2382 = arith.mulf %mul3A_1692, %select_n3A_77 : vector<64x64xf32>
    %mul3A_2383 = arith.mulf %mul3A_1692, %select_n3A_80 : vector<64x64xf32>
    %mul3A_2384 = arith.mulf %select_n3A_67, %mul3A_2339 : vector<64x64xf32>
    %mul3A_2385 = arith.mulf %mul3A_71, %mul3A_2339 : vector<64x64xf32>
    %reduce_sum3A_2386 = arith.constant dense<0.000000e+00> : vector<64xf32>
    %reduce_sum3A_2387 = vector.multi_reduction <add>, %mul3A_2384, %reduce_sum3A_2386 [1] : vector<64x64xf32> to vector<64xf32>
    %broadcast_in_dim3A_2388 = vector.shape_cast %reduce_sum3A_2387 : vector<64xf32> to vector<64x1xf32>
    %reduce_sum3A_2389 = arith.constant dense<0.000000e+00> : vector<64xf32>
    %reduce_sum3A_2390 = vector.multi_reduction <add>, %mul3A_2385, %reduce_sum3A_2389 [1] : vector<64x64xf32> to vector<64xf32>
    %broadcast_in_dim3A_2391 = vector.shape_cast %reduce_sum3A_2390 : vector<64xf32> to vector<64x1xf32>
    %mul3A_2392 = arith.mulf %broadcast_in_dim3A_2388, %broadcast_in_dim3A_2388 : vector<64x1xf32>
    %mul3A_2393 = arith.constant 1.000000e+00 : f32
    %mul3A_2394 = vector.broadcast %mul3A_2393 : f32 to vector<64x1xf32>
    %mul3A_2395 = arith.mulf %mul3A_2394, %mul3A_2392 : vector<64x1xf32>
    %mul3A_2396 = arith.mulf %broadcast_in_dim3A_2391, %broadcast_in_dim3A_2391 : vector<64x1xf32>
    %mul3A_2397 = arith.constant 1.000000e+00 : f32
    %mul3A_2398 = vector.broadcast %mul3A_2397 : f32 to vector<64x1xf32>
    %mul3A_2399 = arith.mulf %mul3A_2398, %mul3A_2396 : vector<64x1xf32>
    %mul3A_2400 = arith.mulf %select_n3A_67, %mul3A_2340 : vector<64x64xf32>
    %mul3A_2401 = arith.mulf %mul3A_71, %mul3A_2340 : vector<64x64xf32>
    %reduce_sum3A_2402 = arith.constant dense<0.000000e+00> : vector<64xf32>
    %reduce_sum3A_2403 = vector.multi_reduction <add>, %mul3A_2400, %reduce_sum3A_2402 [1] : vector<64x64xf32> to vector<64xf32>
    %broadcast_in_dim3A_2404 = vector.shape_cast %reduce_sum3A_2403 : vector<64xf32> to vector<64x1xf32>
    %reduce_sum3A_2405 = arith.constant dense<0.000000e+00> : vector<64xf32>
    %reduce_sum3A_2406 = vector.multi_reduction <add>, %mul3A_2401, %reduce_sum3A_2405 [1] : vector<64x64xf32> to vector<64xf32>
    %broadcast_in_dim3A_2407 = vector.shape_cast %reduce_sum3A_2406 : vector<64xf32> to vector<64x1xf32>
    %mul3A_2408 = arith.mulf %broadcast_in_dim3A_2404, %broadcast_in_dim3A_2404 : vector<64x1xf32>
    %mul3A_2409 = arith.constant 8.000000e+00 : f32
    %mul3A_2410 = vector.broadcast %mul3A_2409 : f32 to vector<64x1xf32>
    %mul3A_2411 = arith.mulf %mul3A_2410, %mul3A_2408 : vector<64x1xf32>
    %mul3A_2412 = arith.mulf %broadcast_in_dim3A_2407, %broadcast_in_dim3A_2407 : vector<64x1xf32>
    %mul3A_2413 = arith.constant 8.000000e+00 : f32
    %mul3A_2414 = vector.broadcast %mul3A_2413 : f32 to vector<64x1xf32>
    %mul3A_2415 = arith.mulf %mul3A_2414, %mul3A_2412 : vector<64x1xf32>
    %add3A_2416 = arith.addf %mul3A_2395, %mul3A_2411 : vector<64x1xf32>
    %add3A_2417 = arith.addf %mul3A_2399, %mul3A_2415 : vector<64x1xf32>
    %mul3A_2418 = arith.mulf %select_n3A_67, %mul3A_2341 : vector<64x64xf32>
    %mul3A_2419 = arith.mulf %mul3A_71, %mul3A_2341 : vector<64x64xf32>
    %reduce_sum3A_2420 = arith.constant dense<0.000000e+00> : vector<64xf32>
    %reduce_sum3A_2421 = vector.multi_reduction <add>, %mul3A_2418, %reduce_sum3A_2420 [1] : vector<64x64xf32> to vector<64xf32>
    %broadcast_in_dim3A_2422 = vector.shape_cast %reduce_sum3A_2421 : vector<64xf32> to vector<64x1xf32>
    %reduce_sum3A_2423 = arith.constant dense<0.000000e+00> : vector<64xf32>
    %reduce_sum3A_2424 = vector.multi_reduction <add>, %mul3A_2419, %reduce_sum3A_2423 [1] : vector<64x64xf32> to vector<64xf32>
    %broadcast_in_dim3A_2425 = vector.shape_cast %reduce_sum3A_2424 : vector<64xf32> to vector<64x1xf32>
    %mul3A_2426 = arith.mulf %broadcast_in_dim3A_2422, %broadcast_in_dim3A_2422 : vector<64x1xf32>
    %mul3A_2427 = arith.constant 8.000000e+00 : f32
    %mul3A_2428 = vector.broadcast %mul3A_2427 : f32 to vector<64x1xf32>
    %mul3A_2429 = arith.mulf %mul3A_2428, %mul3A_2426 : vector<64x1xf32>
    %mul3A_2430 = arith.mulf %broadcast_in_dim3A_2425, %broadcast_in_dim3A_2425 : vector<64x1xf32>
    %mul3A_2431 = arith.constant 8.000000e+00 : f32
    %mul3A_2432 = vector.broadcast %mul3A_2431 : f32 to vector<64x1xf32>
    %mul3A_2433 = arith.mulf %mul3A_2432, %mul3A_2430 : vector<64x1xf32>
    %add3A_2434 = arith.addf %add3A_2416, %mul3A_2429 : vector<64x1xf32>
    %add3A_2435 = arith.addf %add3A_2417, %mul3A_2433 : vector<64x1xf32>
    %mul3A_2436 = arith.mulf %select_n3A_67, %mul3A_2342 : vector<64x64xf32>
    %mul3A_2437 = arith.mulf %mul3A_71, %mul3A_2342 : vector<64x64xf32>
    %reduce_sum3A_2438 = arith.constant dense<0.000000e+00> : vector<64xf32>
    %reduce_sum3A_2439 = vector.multi_reduction <add>, %mul3A_2436, %reduce_sum3A_2438 [1] : vector<64x64xf32> to vector<64xf32>
    %broadcast_in_dim3A_2440 = vector.shape_cast %reduce_sum3A_2439 : vector<64xf32> to vector<64x1xf32>
    %reduce_sum3A_2441 = arith.constant dense<0.000000e+00> : vector<64xf32>
    %reduce_sum3A_2442 = vector.multi_reduction <add>, %mul3A_2437, %reduce_sum3A_2441 [1] : vector<64x64xf32> to vector<64xf32>
    %broadcast_in_dim3A_2443 = vector.shape_cast %reduce_sum3A_2442 : vector<64xf32> to vector<64x1xf32>
    %mul3A_2444 = arith.mulf %broadcast_in_dim3A_2440, %broadcast_in_dim3A_2440 : vector<64x1xf32>
    %mul3A_2445 = arith.constant 2.800000e+01 : f32
    %mul3A_2446 = vector.broadcast %mul3A_2445 : f32 to vector<64x1xf32>
    %mul3A_2447 = arith.mulf %mul3A_2446, %mul3A_2444 : vector<64x1xf32>
    %mul3A_2448 = arith.mulf %broadcast_in_dim3A_2443, %broadcast_in_dim3A_2443 : vector<64x1xf32>
    %mul3A_2449 = arith.constant 2.800000e+01 : f32
    %mul3A_2450 = vector.broadcast %mul3A_2449 : f32 to vector<64x1xf32>
    %mul3A_2451 = arith.mulf %mul3A_2450, %mul3A_2448 : vector<64x1xf32>
    %add3A_2452 = arith.addf %add3A_2434, %mul3A_2447 : vector<64x1xf32>
    %add3A_2453 = arith.addf %add3A_2435, %mul3A_2451 : vector<64x1xf32>
    %mul3A_2454 = arith.mulf %select_n3A_67, %mul3A_2343 : vector<64x64xf32>
    %mul3A_2455 = arith.mulf %mul3A_71, %mul3A_2343 : vector<64x64xf32>
    %reduce_sum3A_2456 = arith.constant dense<0.000000e+00> : vector<64xf32>
    %reduce_sum3A_2457 = vector.multi_reduction <add>, %mul3A_2454, %reduce_sum3A_2456 [1] : vector<64x64xf32> to vector<64xf32>
    %broadcast_in_dim3A_2458 = vector.shape_cast %reduce_sum3A_2457 : vector<64xf32> to vector<64x1xf32>
    %reduce_sum3A_2459 = arith.constant dense<0.000000e+00> : vector<64xf32>
    %reduce_sum3A_2460 = vector.multi_reduction <add>, %mul3A_2455, %reduce_sum3A_2459 [1] : vector<64x64xf32> to vector<64xf32>
    %broadcast_in_dim3A_2461 = vector.shape_cast %reduce_sum3A_2460 : vector<64xf32> to vector<64x1xf32>
    %mul3A_2462 = arith.mulf %broadcast_in_dim3A_2458, %broadcast_in_dim3A_2458 : vector<64x1xf32>
    %mul3A_2463 = arith.constant 5.600000e+01 : f32
    %mul3A_2464 = vector.broadcast %mul3A_2463 : f32 to vector<64x1xf32>
    %mul3A_2465 = arith.mulf %mul3A_2464, %mul3A_2462 : vector<64x1xf32>
    %mul3A_2466 = arith.mulf %broadcast_in_dim3A_2461, %broadcast_in_dim3A_2461 : vector<64x1xf32>
    %mul3A_2467 = arith.constant 5.600000e+01 : f32
    %mul3A_2468 = vector.broadcast %mul3A_2467 : f32 to vector<64x1xf32>
    %mul3A_2469 = arith.mulf %mul3A_2468, %mul3A_2466 : vector<64x1xf32>
    %add3A_2470 = arith.addf %add3A_2452, %mul3A_2465 : vector<64x1xf32>
    %add3A_2471 = arith.addf %add3A_2453, %mul3A_2469 : vector<64x1xf32>
    %mul3A_2472 = arith.mulf %select_n3A_67, %mul3A_2344 : vector<64x64xf32>
    %mul3A_2473 = arith.mulf %mul3A_71, %mul3A_2344 : vector<64x64xf32>
    %reduce_sum3A_2474 = arith.constant dense<0.000000e+00> : vector<64xf32>
    %reduce_sum3A_2475 = vector.multi_reduction <add>, %mul3A_2472, %reduce_sum3A_2474 [1] : vector<64x64xf32> to vector<64xf32>
    %broadcast_in_dim3A_2476 = vector.shape_cast %reduce_sum3A_2475 : vector<64xf32> to vector<64x1xf32>
    %reduce_sum3A_2477 = arith.constant dense<0.000000e+00> : vector<64xf32>
    %reduce_sum3A_2478 = vector.multi_reduction <add>, %mul3A_2473, %reduce_sum3A_2477 [1] : vector<64x64xf32> to vector<64xf32>
    %broadcast_in_dim3A_2479 = vector.shape_cast %reduce_sum3A_2478 : vector<64xf32> to vector<64x1xf32>
    %mul3A_2480 = arith.mulf %broadcast_in_dim3A_2476, %broadcast_in_dim3A_2476 : vector<64x1xf32>
    %mul3A_2481 = arith.constant 2.800000e+01 : f32
    %mul3A_2482 = vector.broadcast %mul3A_2481 : f32 to vector<64x1xf32>
    %mul3A_2483 = arith.mulf %mul3A_2482, %mul3A_2480 : vector<64x1xf32>
    %mul3A_2484 = arith.mulf %broadcast_in_dim3A_2479, %broadcast_in_dim3A_2479 : vector<64x1xf32>
    %mul3A_2485 = arith.constant 2.800000e+01 : f32
    %mul3A_2486 = vector.broadcast %mul3A_2485 : f32 to vector<64x1xf32>
    %mul3A_2487 = arith.mulf %mul3A_2486, %mul3A_2484 : vector<64x1xf32>
    %add3A_2488 = arith.addf %add3A_2470, %mul3A_2483 : vector<64x1xf32>
    %add3A_2489 = arith.addf %add3A_2471, %mul3A_2487 : vector<64x1xf32>
    %mul3A_2490 = arith.mulf %select_n3A_67, %mul3A_2345 : vector<64x64xf32>
    %mul3A_2491 = arith.mulf %mul3A_71, %mul3A_2345 : vector<64x64xf32>
    %reduce_sum3A_2492 = arith.constant dense<0.000000e+00> : vector<64xf32>
    %reduce_sum3A_2493 = vector.multi_reduction <add>, %mul3A_2490, %reduce_sum3A_2492 [1] : vector<64x64xf32> to vector<64xf32>
    %broadcast_in_dim3A_2494 = vector.shape_cast %reduce_sum3A_2493 : vector<64xf32> to vector<64x1xf32>
    %reduce_sum3A_2495 = arith.constant dense<0.000000e+00> : vector<64xf32>
    %reduce_sum3A_2496 = vector.multi_reduction <add>, %mul3A_2491, %reduce_sum3A_2495 [1] : vector<64x64xf32> to vector<64xf32>
    %broadcast_in_dim3A_2497 = vector.shape_cast %reduce_sum3A_2496 : vector<64xf32> to vector<64x1xf32>
    %mul3A_2498 = arith.mulf %broadcast_in_dim3A_2494, %broadcast_in_dim3A_2494 : vector<64x1xf32>
    %mul3A_2499 = arith.constant 5.600000e+01 : f32
    %mul3A_2500 = vector.broadcast %mul3A_2499 : f32 to vector<64x1xf32>
    %mul3A_2501 = arith.mulf %mul3A_2500, %mul3A_2498 : vector<64x1xf32>
    %mul3A_2502 = arith.mulf %broadcast_in_dim3A_2497, %broadcast_in_dim3A_2497 : vector<64x1xf32>
    %mul3A_2503 = arith.constant 5.600000e+01 : f32
    %mul3A_2504 = vector.broadcast %mul3A_2503 : f32 to vector<64x1xf32>
    %mul3A_2505 = arith.mulf %mul3A_2504, %mul3A_2502 : vector<64x1xf32>
    %add3A_2506 = arith.addf %add3A_2488, %mul3A_2501 : vector<64x1xf32>
    %add3A_2507 = arith.addf %add3A_2489, %mul3A_2505 : vector<64x1xf32>
    %mul3A_2508 = arith.mulf %select_n3A_67, %mul3A_2346 : vector<64x64xf32>
    %mul3A_2509 = arith.mulf %mul3A_71, %mul3A_2346 : vector<64x64xf32>
    %reduce_sum3A_2510 = arith.constant dense<0.000000e+00> : vector<64xf32>
    %reduce_sum3A_2511 = vector.multi_reduction <add>, %mul3A_2508, %reduce_sum3A_2510 [1] : vector<64x64xf32> to vector<64xf32>
    %broadcast_in_dim3A_2512 = vector.shape_cast %reduce_sum3A_2511 : vector<64xf32> to vector<64x1xf32>
    %reduce_sum3A_2513 = arith.constant dense<0.000000e+00> : vector<64xf32>
    %reduce_sum3A_2514 = vector.multi_reduction <add>, %mul3A_2509, %reduce_sum3A_2513 [1] : vector<64x64xf32> to vector<64xf32>
    %broadcast_in_dim3A_2515 = vector.shape_cast %reduce_sum3A_2514 : vector<64xf32> to vector<64x1xf32>
    %mul3A_2516 = arith.mulf %broadcast_in_dim3A_2512, %broadcast_in_dim3A_2512 : vector<64x1xf32>
    %mul3A_2517 = arith.constant 1.680000e+02 : f32
    %mul3A_2518 = vector.broadcast %mul3A_2517 : f32 to vector<64x1xf32>
    %mul3A_2519 = arith.mulf %mul3A_2518, %mul3A_2516 : vector<64x1xf32>
    %mul3A_2520 = arith.mulf %broadcast_in_dim3A_2515, %broadcast_in_dim3A_2515 : vector<64x1xf32>
    %mul3A_2521 = arith.constant 1.680000e+02 : f32
    %mul3A_2522 = vector.broadcast %mul3A_2521 : f32 to vector<64x1xf32>
    %mul3A_2523 = arith.mulf %mul3A_2522, %mul3A_2520 : vector<64x1xf32>
    %add3A_2524 = arith.addf %add3A_2506, %mul3A_2519 : vector<64x1xf32>
    %add3A_2525 = arith.addf %add3A_2507, %mul3A_2523 : vector<64x1xf32>
    %mul3A_2526 = arith.mulf %select_n3A_67, %mul3A_2347 : vector<64x64xf32>
    %mul3A_2527 = arith.mulf %mul3A_71, %mul3A_2347 : vector<64x64xf32>
    %reduce_sum3A_2528 = arith.constant dense<0.000000e+00> : vector<64xf32>
    %reduce_sum3A_2529 = vector.multi_reduction <add>, %mul3A_2526, %reduce_sum3A_2528 [1] : vector<64x64xf32> to vector<64xf32>
    %broadcast_in_dim3A_2530 = vector.shape_cast %reduce_sum3A_2529 : vector<64xf32> to vector<64x1xf32>
    %reduce_sum3A_2531 = arith.constant dense<0.000000e+00> : vector<64xf32>
    %reduce_sum3A_2532 = vector.multi_reduction <add>, %mul3A_2527, %reduce_sum3A_2531 [1] : vector<64x64xf32> to vector<64xf32>
    %broadcast_in_dim3A_2533 = vector.shape_cast %reduce_sum3A_2532 : vector<64xf32> to vector<64x1xf32>
    %mul3A_2534 = arith.mulf %broadcast_in_dim3A_2530, %broadcast_in_dim3A_2530 : vector<64x1xf32>
    %mul3A_2535 = arith.constant 1.680000e+02 : f32
    %mul3A_2536 = vector.broadcast %mul3A_2535 : f32 to vector<64x1xf32>
    %mul3A_2537 = arith.mulf %mul3A_2536, %mul3A_2534 : vector<64x1xf32>
    %mul3A_2538 = arith.mulf %broadcast_in_dim3A_2533, %broadcast_in_dim3A_2533 : vector<64x1xf32>
    %mul3A_2539 = arith.constant 1.680000e+02 : f32
    %mul3A_2540 = vector.broadcast %mul3A_2539 : f32 to vector<64x1xf32>
    %mul3A_2541 = arith.mulf %mul3A_2540, %mul3A_2538 : vector<64x1xf32>
    %add3A_2542 = arith.addf %add3A_2524, %mul3A_2537 : vector<64x1xf32>
    %add3A_2543 = arith.addf %add3A_2525, %mul3A_2541 : vector<64x1xf32>
    %mul3A_2544 = arith.mulf %select_n3A_67, %mul3A_2348 : vector<64x64xf32>
    %mul3A_2545 = arith.mulf %mul3A_71, %mul3A_2348 : vector<64x64xf32>
    %reduce_sum3A_2546 = arith.constant dense<0.000000e+00> : vector<64xf32>
    %reduce_sum3A_2547 = vector.multi_reduction <add>, %mul3A_2544, %reduce_sum3A_2546 [1] : vector<64x64xf32> to vector<64xf32>
    %broadcast_in_dim3A_2548 = vector.shape_cast %reduce_sum3A_2547 : vector<64xf32> to vector<64x1xf32>
    %reduce_sum3A_2549 = arith.constant dense<0.000000e+00> : vector<64xf32>
    %reduce_sum3A_2550 = vector.multi_reduction <add>, %mul3A_2545, %reduce_sum3A_2549 [1] : vector<64x64xf32> to vector<64xf32>
    %broadcast_in_dim3A_2551 = vector.shape_cast %reduce_sum3A_2550 : vector<64xf32> to vector<64x1xf32>
    %mul3A_2552 = arith.mulf %broadcast_in_dim3A_2548, %broadcast_in_dim3A_2548 : vector<64x1xf32>
    %mul3A_2553 = arith.constant 5.600000e+01 : f32
    %mul3A_2554 = vector.broadcast %mul3A_2553 : f32 to vector<64x1xf32>
    %mul3A_2555 = arith.mulf %mul3A_2554, %mul3A_2552 : vector<64x1xf32>
    %mul3A_2556 = arith.mulf %broadcast_in_dim3A_2551, %broadcast_in_dim3A_2551 : vector<64x1xf32>
    %mul3A_2557 = arith.constant 5.600000e+01 : f32
    %mul3A_2558 = vector.broadcast %mul3A_2557 : f32 to vector<64x1xf32>
    %mul3A_2559 = arith.mulf %mul3A_2558, %mul3A_2556 : vector<64x1xf32>
    %add3A_2560 = arith.addf %add3A_2542, %mul3A_2555 : vector<64x1xf32>
    %add3A_2561 = arith.addf %add3A_2543, %mul3A_2559 : vector<64x1xf32>
    %mul3A_2562 = arith.mulf %select_n3A_67, %mul3A_2349 : vector<64x64xf32>
    %mul3A_2563 = arith.mulf %mul3A_71, %mul3A_2349 : vector<64x64xf32>
    %reduce_sum3A_2564 = arith.constant dense<0.000000e+00> : vector<64xf32>
    %reduce_sum3A_2565 = vector.multi_reduction <add>, %mul3A_2562, %reduce_sum3A_2564 [1] : vector<64x64xf32> to vector<64xf32>
    %broadcast_in_dim3A_2566 = vector.shape_cast %reduce_sum3A_2565 : vector<64xf32> to vector<64x1xf32>
    %reduce_sum3A_2567 = arith.constant dense<0.000000e+00> : vector<64xf32>
    %reduce_sum3A_2568 = vector.multi_reduction <add>, %mul3A_2563, %reduce_sum3A_2567 [1] : vector<64x64xf32> to vector<64xf32>
    %broadcast_in_dim3A_2569 = vector.shape_cast %reduce_sum3A_2568 : vector<64xf32> to vector<64x1xf32>
    %mul3A_2570 = arith.mulf %broadcast_in_dim3A_2566, %broadcast_in_dim3A_2566 : vector<64x1xf32>
    %mul3A_2571 = arith.constant 7.000000e+01 : f32
    %mul3A_2572 = vector.broadcast %mul3A_2571 : f32 to vector<64x1xf32>
    %mul3A_2573 = arith.mulf %mul3A_2572, %mul3A_2570 : vector<64x1xf32>
    %mul3A_2574 = arith.mulf %broadcast_in_dim3A_2569, %broadcast_in_dim3A_2569 : vector<64x1xf32>
    %mul3A_2575 = arith.constant 7.000000e+01 : f32
    %mul3A_2576 = vector.broadcast %mul3A_2575 : f32 to vector<64x1xf32>
    %mul3A_2577 = arith.mulf %mul3A_2576, %mul3A_2574 : vector<64x1xf32>
    %add3A_2578 = arith.addf %add3A_2560, %mul3A_2573 : vector<64x1xf32>
    %add3A_2579 = arith.addf %add3A_2561, %mul3A_2577 : vector<64x1xf32>
    %mul3A_2580 = arith.mulf %select_n3A_67, %mul3A_2350 : vector<64x64xf32>
    %mul3A_2581 = arith.mulf %mul3A_71, %mul3A_2350 : vector<64x64xf32>
    %reduce_sum3A_2582 = arith.constant dense<0.000000e+00> : vector<64xf32>
    %reduce_sum3A_2583 = vector.multi_reduction <add>, %mul3A_2580, %reduce_sum3A_2582 [1] : vector<64x64xf32> to vector<64xf32>
    %broadcast_in_dim3A_2584 = vector.shape_cast %reduce_sum3A_2583 : vector<64xf32> to vector<64x1xf32>
    %reduce_sum3A_2585 = arith.constant dense<0.000000e+00> : vector<64xf32>
    %reduce_sum3A_2586 = vector.multi_reduction <add>, %mul3A_2581, %reduce_sum3A_2585 [1] : vector<64x64xf32> to vector<64xf32>
    %broadcast_in_dim3A_2587 = vector.shape_cast %reduce_sum3A_2586 : vector<64xf32> to vector<64x1xf32>
    %mul3A_2588 = arith.mulf %broadcast_in_dim3A_2584, %broadcast_in_dim3A_2584 : vector<64x1xf32>
    %mul3A_2589 = arith.constant 2.800000e+02 : f32
    %mul3A_2590 = vector.broadcast %mul3A_2589 : f32 to vector<64x1xf32>
    %mul3A_2591 = arith.mulf %mul3A_2590, %mul3A_2588 : vector<64x1xf32>
    %mul3A_2592 = arith.mulf %broadcast_in_dim3A_2587, %broadcast_in_dim3A_2587 : vector<64x1xf32>
    %mul3A_2593 = arith.constant 2.800000e+02 : f32
    %mul3A_2594 = vector.broadcast %mul3A_2593 : f32 to vector<64x1xf32>
    %mul3A_2595 = arith.mulf %mul3A_2594, %mul3A_2592 : vector<64x1xf32>
    %add3A_2596 = arith.addf %add3A_2578, %mul3A_2591 : vector<64x1xf32>
    %add3A_2597 = arith.addf %add3A_2579, %mul3A_2595 : vector<64x1xf32>
    %mul3A_2598 = arith.mulf %select_n3A_67, %mul3A_2351 : vector<64x64xf32>
    %mul3A_2599 = arith.mulf %mul3A_71, %mul3A_2351 : vector<64x64xf32>
    %reduce_sum3A_2600 = arith.constant dense<0.000000e+00> : vector<64xf32>
    %reduce_sum3A_2601 = vector.multi_reduction <add>, %mul3A_2598, %reduce_sum3A_2600 [1] : vector<64x64xf32> to vector<64xf32>
    %broadcast_in_dim3A_2602 = vector.shape_cast %reduce_sum3A_2601 : vector<64xf32> to vector<64x1xf32>
    %reduce_sum3A_2603 = arith.constant dense<0.000000e+00> : vector<64xf32>
    %reduce_sum3A_2604 = vector.multi_reduction <add>, %mul3A_2599, %reduce_sum3A_2603 [1] : vector<64x64xf32> to vector<64xf32>
    %broadcast_in_dim3A_2605 = vector.shape_cast %reduce_sum3A_2604 : vector<64xf32> to vector<64x1xf32>
    %mul3A_2606 = arith.mulf %broadcast_in_dim3A_2602, %broadcast_in_dim3A_2602 : vector<64x1xf32>
    %mul3A_2607 = arith.constant 4.200000e+02 : f32
    %mul3A_2608 = vector.broadcast %mul3A_2607 : f32 to vector<64x1xf32>
    %mul3A_2609 = arith.mulf %mul3A_2608, %mul3A_2606 : vector<64x1xf32>
    %mul3A_2610 = arith.mulf %broadcast_in_dim3A_2605, %broadcast_in_dim3A_2605 : vector<64x1xf32>
    %mul3A_2611 = arith.constant 4.200000e+02 : f32
    %mul3A_2612 = vector.broadcast %mul3A_2611 : f32 to vector<64x1xf32>
    %mul3A_2613 = arith.mulf %mul3A_2612, %mul3A_2610 : vector<64x1xf32>
    %add3A_2614 = arith.addf %add3A_2596, %mul3A_2609 : vector<64x1xf32>
    %add3A_2615 = arith.addf %add3A_2597, %mul3A_2613 : vector<64x1xf32>
    %mul3A_2616 = arith.mulf %select_n3A_67, %mul3A_2352 : vector<64x64xf32>
    %mul3A_2617 = arith.mulf %mul3A_71, %mul3A_2352 : vector<64x64xf32>
    %reduce_sum3A_2618 = arith.constant dense<0.000000e+00> : vector<64xf32>
    %reduce_sum3A_2619 = vector.multi_reduction <add>, %mul3A_2616, %reduce_sum3A_2618 [1] : vector<64x64xf32> to vector<64xf32>
    %broadcast_in_dim3A_2620 = vector.shape_cast %reduce_sum3A_2619 : vector<64xf32> to vector<64x1xf32>
    %reduce_sum3A_2621 = arith.constant dense<0.000000e+00> : vector<64xf32>
    %reduce_sum3A_2622 = vector.multi_reduction <add>, %mul3A_2617, %reduce_sum3A_2621 [1] : vector<64x64xf32> to vector<64xf32>
    %broadcast_in_dim3A_2623 = vector.shape_cast %reduce_sum3A_2622 : vector<64xf32> to vector<64x1xf32>
    %mul3A_2624 = arith.mulf %broadcast_in_dim3A_2620, %broadcast_in_dim3A_2620 : vector<64x1xf32>
    %mul3A_2625 = arith.constant 2.800000e+02 : f32
    %mul3A_2626 = vector.broadcast %mul3A_2625 : f32 to vector<64x1xf32>
    %mul3A_2627 = arith.mulf %mul3A_2626, %mul3A_2624 : vector<64x1xf32>
    %mul3A_2628 = arith.mulf %broadcast_in_dim3A_2623, %broadcast_in_dim3A_2623 : vector<64x1xf32>
    %mul3A_2629 = arith.constant 2.800000e+02 : f32
    %mul3A_2630 = vector.broadcast %mul3A_2629 : f32 to vector<64x1xf32>
    %mul3A_2631 = arith.mulf %mul3A_2630, %mul3A_2628 : vector<64x1xf32>
    %add3A_2632 = arith.addf %add3A_2614, %mul3A_2627 : vector<64x1xf32>
    %add3A_2633 = arith.addf %add3A_2615, %mul3A_2631 : vector<64x1xf32>
    %mul3A_2634 = arith.mulf %select_n3A_67, %mul3A_2353 : vector<64x64xf32>
    %mul3A_2635 = arith.mulf %mul3A_71, %mul3A_2353 : vector<64x64xf32>
    %reduce_sum3A_2636 = arith.constant dense<0.000000e+00> : vector<64xf32>
    %reduce_sum3A_2637 = vector.multi_reduction <add>, %mul3A_2634, %reduce_sum3A_2636 [1] : vector<64x64xf32> to vector<64xf32>
    %broadcast_in_dim3A_2638 = vector.shape_cast %reduce_sum3A_2637 : vector<64xf32> to vector<64x1xf32>
    %reduce_sum3A_2639 = arith.constant dense<0.000000e+00> : vector<64xf32>
    %reduce_sum3A_2640 = vector.multi_reduction <add>, %mul3A_2635, %reduce_sum3A_2639 [1] : vector<64x64xf32> to vector<64xf32>
    %broadcast_in_dim3A_2641 = vector.shape_cast %reduce_sum3A_2640 : vector<64xf32> to vector<64x1xf32>
    %mul3A_2642 = arith.mulf %broadcast_in_dim3A_2638, %broadcast_in_dim3A_2638 : vector<64x1xf32>
    %mul3A_2643 = arith.constant 7.000000e+01 : f32
    %mul3A_2644 = vector.broadcast %mul3A_2643 : f32 to vector<64x1xf32>
    %mul3A_2645 = arith.mulf %mul3A_2644, %mul3A_2642 : vector<64x1xf32>
    %mul3A_2646 = arith.mulf %broadcast_in_dim3A_2641, %broadcast_in_dim3A_2641 : vector<64x1xf32>
    %mul3A_2647 = arith.constant 7.000000e+01 : f32
    %mul3A_2648 = vector.broadcast %mul3A_2647 : f32 to vector<64x1xf32>
    %mul3A_2649 = arith.mulf %mul3A_2648, %mul3A_2646 : vector<64x1xf32>
    %add3A_2650 = arith.addf %add3A_2632, %mul3A_2645 : vector<64x1xf32>
    %add3A_2651 = arith.addf %add3A_2633, %mul3A_2649 : vector<64x1xf32>
    %mul3A_2652 = arith.mulf %select_n3A_67, %mul3A_2354 : vector<64x64xf32>
    %mul3A_2653 = arith.mulf %mul3A_71, %mul3A_2354 : vector<64x64xf32>
    %reduce_sum3A_2654 = arith.constant dense<0.000000e+00> : vector<64xf32>
    %reduce_sum3A_2655 = vector.multi_reduction <add>, %mul3A_2652, %reduce_sum3A_2654 [1] : vector<64x64xf32> to vector<64xf32>
    %broadcast_in_dim3A_2656 = vector.shape_cast %reduce_sum3A_2655 : vector<64xf32> to vector<64x1xf32>
    %reduce_sum3A_2657 = arith.constant dense<0.000000e+00> : vector<64xf32>
    %reduce_sum3A_2658 = vector.multi_reduction <add>, %mul3A_2653, %reduce_sum3A_2657 [1] : vector<64x64xf32> to vector<64xf32>
    %broadcast_in_dim3A_2659 = vector.shape_cast %reduce_sum3A_2658 : vector<64xf32> to vector<64x1xf32>
    %mul3A_2660 = arith.mulf %broadcast_in_dim3A_2656, %broadcast_in_dim3A_2656 : vector<64x1xf32>
    %mul3A_2661 = arith.constant 5.600000e+01 : f32
    %mul3A_2662 = vector.broadcast %mul3A_2661 : f32 to vector<64x1xf32>
    %mul3A_2663 = arith.mulf %mul3A_2662, %mul3A_2660 : vector<64x1xf32>
    %mul3A_2664 = arith.mulf %broadcast_in_dim3A_2659, %broadcast_in_dim3A_2659 : vector<64x1xf32>
    %mul3A_2665 = arith.constant 5.600000e+01 : f32
    %mul3A_2666 = vector.broadcast %mul3A_2665 : f32 to vector<64x1xf32>
    %mul3A_2667 = arith.mulf %mul3A_2666, %mul3A_2664 : vector<64x1xf32>
    %add3A_2668 = arith.addf %add3A_2650, %mul3A_2663 : vector<64x1xf32>
    %add3A_2669 = arith.addf %add3A_2651, %mul3A_2667 : vector<64x1xf32>
    %mul3A_2670 = arith.mulf %select_n3A_67, %mul3A_2355 : vector<64x64xf32>
    %mul3A_2671 = arith.mulf %mul3A_71, %mul3A_2355 : vector<64x64xf32>
    %reduce_sum3A_2672 = arith.constant dense<0.000000e+00> : vector<64xf32>
    %reduce_sum3A_2673 = vector.multi_reduction <add>, %mul3A_2670, %reduce_sum3A_2672 [1] : vector<64x64xf32> to vector<64xf32>
    %broadcast_in_dim3A_2674 = vector.shape_cast %reduce_sum3A_2673 : vector<64xf32> to vector<64x1xf32>
    %reduce_sum3A_2675 = arith.constant dense<0.000000e+00> : vector<64xf32>
    %reduce_sum3A_2676 = vector.multi_reduction <add>, %mul3A_2671, %reduce_sum3A_2675 [1] : vector<64x64xf32> to vector<64xf32>
    %broadcast_in_dim3A_2677 = vector.shape_cast %reduce_sum3A_2676 : vector<64xf32> to vector<64x1xf32>
    %mul3A_2678 = arith.mulf %broadcast_in_dim3A_2674, %broadcast_in_dim3A_2674 : vector<64x1xf32>
    %mul3A_2679 = arith.constant 2.800000e+02 : f32
    %mul3A_2680 = vector.broadcast %mul3A_2679 : f32 to vector<64x1xf32>
    %mul3A_2681 = arith.mulf %mul3A_2680, %mul3A_2678 : vector<64x1xf32>
    %mul3A_2682 = arith.mulf %broadcast_in_dim3A_2677, %broadcast_in_dim3A_2677 : vector<64x1xf32>
    %mul3A_2683 = arith.constant 2.800000e+02 : f32
    %mul3A_2684 = vector.broadcast %mul3A_2683 : f32 to vector<64x1xf32>
    %mul3A_2685 = arith.mulf %mul3A_2684, %mul3A_2682 : vector<64x1xf32>
    %add3A_2686 = arith.addf %add3A_2668, %mul3A_2681 : vector<64x1xf32>
    %add3A_2687 = arith.addf %add3A_2669, %mul3A_2685 : vector<64x1xf32>
    %mul3A_2688 = arith.mulf %select_n3A_67, %mul3A_2356 : vector<64x64xf32>
    %mul3A_2689 = arith.mulf %mul3A_71, %mul3A_2356 : vector<64x64xf32>
    %reduce_sum3A_2690 = arith.constant dense<0.000000e+00> : vector<64xf32>
    %reduce_sum3A_2691 = vector.multi_reduction <add>, %mul3A_2688, %reduce_sum3A_2690 [1] : vector<64x64xf32> to vector<64xf32>
    %broadcast_in_dim3A_2692 = vector.shape_cast %reduce_sum3A_2691 : vector<64xf32> to vector<64x1xf32>
    %reduce_sum3A_2693 = arith.constant dense<0.000000e+00> : vector<64xf32>
    %reduce_sum3A_2694 = vector.multi_reduction <add>, %mul3A_2689, %reduce_sum3A_2693 [1] : vector<64x64xf32> to vector<64xf32>
    %broadcast_in_dim3A_2695 = vector.shape_cast %reduce_sum3A_2694 : vector<64xf32> to vector<64x1xf32>
    %mul3A_2696 = arith.mulf %broadcast_in_dim3A_2692, %broadcast_in_dim3A_2692 : vector<64x1xf32>
    %mul3A_2697 = arith.constant 5.600000e+02 : f32
    %mul3A_2698 = vector.broadcast %mul3A_2697 : f32 to vector<64x1xf32>
    %mul3A_2699 = arith.mulf %mul3A_2698, %mul3A_2696 : vector<64x1xf32>
    %mul3A_2700 = arith.mulf %broadcast_in_dim3A_2695, %broadcast_in_dim3A_2695 : vector<64x1xf32>
    %mul3A_2701 = arith.constant 5.600000e+02 : f32
    %mul3A_2702 = vector.broadcast %mul3A_2701 : f32 to vector<64x1xf32>
    %mul3A_2703 = arith.mulf %mul3A_2702, %mul3A_2700 : vector<64x1xf32>
    %add3A_2704 = arith.addf %add3A_2686, %mul3A_2699 : vector<64x1xf32>
    %add3A_2705 = arith.addf %add3A_2687, %mul3A_2703 : vector<64x1xf32>
    %mul3A_2706 = arith.mulf %select_n3A_67, %mul3A_2357 : vector<64x64xf32>
    %mul3A_2707 = arith.mulf %mul3A_71, %mul3A_2357 : vector<64x64xf32>
    %reduce_sum3A_2708 = arith.constant dense<0.000000e+00> : vector<64xf32>
    %reduce_sum3A_2709 = vector.multi_reduction <add>, %mul3A_2706, %reduce_sum3A_2708 [1] : vector<64x64xf32> to vector<64xf32>
    %broadcast_in_dim3A_2710 = vector.shape_cast %reduce_sum3A_2709 : vector<64xf32> to vector<64x1xf32>
    %reduce_sum3A_2711 = arith.constant dense<0.000000e+00> : vector<64xf32>
    %reduce_sum3A_2712 = vector.multi_reduction <add>, %mul3A_2707, %reduce_sum3A_2711 [1] : vector<64x64xf32> to vector<64xf32>
    %broadcast_in_dim3A_2713 = vector.shape_cast %reduce_sum3A_2712 : vector<64xf32> to vector<64x1xf32>
    %mul3A_2714 = arith.mulf %broadcast_in_dim3A_2710, %broadcast_in_dim3A_2710 : vector<64x1xf32>
    %mul3A_2715 = arith.constant 5.600000e+02 : f32
    %mul3A_2716 = vector.broadcast %mul3A_2715 : f32 to vector<64x1xf32>
    %mul3A_2717 = arith.mulf %mul3A_2716, %mul3A_2714 : vector<64x1xf32>
    %mul3A_2718 = arith.mulf %broadcast_in_dim3A_2713, %broadcast_in_dim3A_2713 : vector<64x1xf32>
    %mul3A_2719 = arith.constant 5.600000e+02 : f32
    %mul3A_2720 = vector.broadcast %mul3A_2719 : f32 to vector<64x1xf32>
    %mul3A_2721 = arith.mulf %mul3A_2720, %mul3A_2718 : vector<64x1xf32>
    %add3A_2722 = arith.addf %add3A_2704, %mul3A_2717 : vector<64x1xf32>
    %add3A_2723 = arith.addf %add3A_2705, %mul3A_2721 : vector<64x1xf32>
    %mul3A_2724 = arith.mulf %select_n3A_67, %mul3A_2358 : vector<64x64xf32>
    %mul3A_2725 = arith.mulf %mul3A_71, %mul3A_2358 : vector<64x64xf32>
    %reduce_sum3A_2726 = arith.constant dense<0.000000e+00> : vector<64xf32>
    %reduce_sum3A_2727 = vector.multi_reduction <add>, %mul3A_2724, %reduce_sum3A_2726 [1] : vector<64x64xf32> to vector<64xf32>
    %broadcast_in_dim3A_2728 = vector.shape_cast %reduce_sum3A_2727 : vector<64xf32> to vector<64x1xf32>
    %reduce_sum3A_2729 = arith.constant dense<0.000000e+00> : vector<64xf32>
    %reduce_sum3A_2730 = vector.multi_reduction <add>, %mul3A_2725, %reduce_sum3A_2729 [1] : vector<64x64xf32> to vector<64xf32>
    %broadcast_in_dim3A_2731 = vector.shape_cast %reduce_sum3A_2730 : vector<64xf32> to vector<64x1xf32>
    %mul3A_2732 = arith.mulf %broadcast_in_dim3A_2728, %broadcast_in_dim3A_2728 : vector<64x1xf32>
    %mul3A_2733 = arith.constant 2.800000e+02 : f32
    %mul3A_2734 = vector.broadcast %mul3A_2733 : f32 to vector<64x1xf32>
    %mul3A_2735 = arith.mulf %mul3A_2734, %mul3A_2732 : vector<64x1xf32>
    %mul3A_2736 = arith.mulf %broadcast_in_dim3A_2731, %broadcast_in_dim3A_2731 : vector<64x1xf32>
    %mul3A_2737 = arith.constant 2.800000e+02 : f32
    %mul3A_2738 = vector.broadcast %mul3A_2737 : f32 to vector<64x1xf32>
    %mul3A_2739 = arith.mulf %mul3A_2738, %mul3A_2736 : vector<64x1xf32>
    %add3A_2740 = arith.addf %add3A_2722, %mul3A_2735 : vector<64x1xf32>
    %add3A_2741 = arith.addf %add3A_2723, %mul3A_2739 : vector<64x1xf32>
    %mul3A_2742 = arith.mulf %select_n3A_67, %mul3A_2359 : vector<64x64xf32>
    %mul3A_2743 = arith.mulf %mul3A_71, %mul3A_2359 : vector<64x64xf32>
    %reduce_sum3A_2744 = arith.constant dense<0.000000e+00> : vector<64xf32>
    %reduce_sum3A_2745 = vector.multi_reduction <add>, %mul3A_2742, %reduce_sum3A_2744 [1] : vector<64x64xf32> to vector<64xf32>
    %broadcast_in_dim3A_2746 = vector.shape_cast %reduce_sum3A_2745 : vector<64xf32> to vector<64x1xf32>
    %reduce_sum3A_2747 = arith.constant dense<0.000000e+00> : vector<64xf32>
    %reduce_sum3A_2748 = vector.multi_reduction <add>, %mul3A_2743, %reduce_sum3A_2747 [1] : vector<64x64xf32> to vector<64xf32>
    %broadcast_in_dim3A_2749 = vector.shape_cast %reduce_sum3A_2748 : vector<64xf32> to vector<64x1xf32>
    %mul3A_2750 = arith.mulf %broadcast_in_dim3A_2746, %broadcast_in_dim3A_2746 : vector<64x1xf32>
    %mul3A_2751 = arith.constant 5.600000e+01 : f32
    %mul3A_2752 = vector.broadcast %mul3A_2751 : f32 to vector<64x1xf32>
    %mul3A_2753 = arith.mulf %mul3A_2752, %mul3A_2750 : vector<64x1xf32>
    %mul3A_2754 = arith.mulf %broadcast_in_dim3A_2749, %broadcast_in_dim3A_2749 : vector<64x1xf32>
    %mul3A_2755 = arith.constant 5.600000e+01 : f32
    %mul3A_2756 = vector.broadcast %mul3A_2755 : f32 to vector<64x1xf32>
    %mul3A_2757 = arith.mulf %mul3A_2756, %mul3A_2754 : vector<64x1xf32>
    %add3A_2758 = arith.addf %add3A_2740, %mul3A_2753 : vector<64x1xf32>
    %add3A_2759 = arith.addf %add3A_2741, %mul3A_2757 : vector<64x1xf32>
    %mul3A_2760 = arith.mulf %select_n3A_67, %mul3A_2360 : vector<64x64xf32>
    %mul3A_2761 = arith.mulf %mul3A_71, %mul3A_2360 : vector<64x64xf32>
    %reduce_sum3A_2762 = arith.constant dense<0.000000e+00> : vector<64xf32>
    %reduce_sum3A_2763 = vector.multi_reduction <add>, %mul3A_2760, %reduce_sum3A_2762 [1] : vector<64x64xf32> to vector<64xf32>
    %broadcast_in_dim3A_2764 = vector.shape_cast %reduce_sum3A_2763 : vector<64xf32> to vector<64x1xf32>
    %reduce_sum3A_2765 = arith.constant dense<0.000000e+00> : vector<64xf32>
    %reduce_sum3A_2766 = vector.multi_reduction <add>, %mul3A_2761, %reduce_sum3A_2765 [1] : vector<64x64xf32> to vector<64xf32>
    %broadcast_in_dim3A_2767 = vector.shape_cast %reduce_sum3A_2766 : vector<64xf32> to vector<64x1xf32>
    %mul3A_2768 = arith.mulf %broadcast_in_dim3A_2764, %broadcast_in_dim3A_2764 : vector<64x1xf32>
    %mul3A_2769 = arith.constant 2.800000e+01 : f32
    %mul3A_2770 = vector.broadcast %mul3A_2769 : f32 to vector<64x1xf32>
    %mul3A_2771 = arith.mulf %mul3A_2770, %mul3A_2768 : vector<64x1xf32>
    %mul3A_2772 = arith.mulf %broadcast_in_dim3A_2767, %broadcast_in_dim3A_2767 : vector<64x1xf32>
    %mul3A_2773 = arith.constant 2.800000e+01 : f32
    %mul3A_2774 = vector.broadcast %mul3A_2773 : f32 to vector<64x1xf32>
    %mul3A_2775 = arith.mulf %mul3A_2774, %mul3A_2772 : vector<64x1xf32>
    %add3A_2776 = arith.addf %add3A_2758, %mul3A_2771 : vector<64x1xf32>
    %add3A_2777 = arith.addf %add3A_2759, %mul3A_2775 : vector<64x1xf32>
    %mul3A_2778 = arith.mulf %select_n3A_67, %mul3A_2361 : vector<64x64xf32>
    %mul3A_2779 = arith.mulf %mul3A_71, %mul3A_2361 : vector<64x64xf32>
    %reduce_sum3A_2780 = arith.constant dense<0.000000e+00> : vector<64xf32>
    %reduce_sum3A_2781 = vector.multi_reduction <add>, %mul3A_2778, %reduce_sum3A_2780 [1] : vector<64x64xf32> to vector<64xf32>
    %broadcast_in_dim3A_2782 = vector.shape_cast %reduce_sum3A_2781 : vector<64xf32> to vector<64x1xf32>
    %reduce_sum3A_2783 = arith.constant dense<0.000000e+00> : vector<64xf32>
    %reduce_sum3A_2784 = vector.multi_reduction <add>, %mul3A_2779, %reduce_sum3A_2783 [1] : vector<64x64xf32> to vector<64xf32>
    %broadcast_in_dim3A_2785 = vector.shape_cast %reduce_sum3A_2784 : vector<64xf32> to vector<64x1xf32>
    %mul3A_2786 = arith.mulf %broadcast_in_dim3A_2782, %broadcast_in_dim3A_2782 : vector<64x1xf32>
    %mul3A_2787 = arith.constant 1.680000e+02 : f32
    %mul3A_2788 = vector.broadcast %mul3A_2787 : f32 to vector<64x1xf32>
    %mul3A_2789 = arith.mulf %mul3A_2788, %mul3A_2786 : vector<64x1xf32>
    %mul3A_2790 = arith.mulf %broadcast_in_dim3A_2785, %broadcast_in_dim3A_2785 : vector<64x1xf32>
    %mul3A_2791 = arith.constant 1.680000e+02 : f32
    %mul3A_2792 = vector.broadcast %mul3A_2791 : f32 to vector<64x1xf32>
    %mul3A_2793 = arith.mulf %mul3A_2792, %mul3A_2790 : vector<64x1xf32>
    %add3A_2794 = arith.addf %add3A_2776, %mul3A_2789 : vector<64x1xf32>
    %add3A_2795 = arith.addf %add3A_2777, %mul3A_2793 : vector<64x1xf32>
    %mul3A_2796 = arith.mulf %select_n3A_67, %mul3A_2362 : vector<64x64xf32>
    %mul3A_2797 = arith.mulf %mul3A_71, %mul3A_2362 : vector<64x64xf32>
    %reduce_sum3A_2798 = arith.constant dense<0.000000e+00> : vector<64xf32>
    %reduce_sum3A_2799 = vector.multi_reduction <add>, %mul3A_2796, %reduce_sum3A_2798 [1] : vector<64x64xf32> to vector<64xf32>
    %broadcast_in_dim3A_2800 = vector.shape_cast %reduce_sum3A_2799 : vector<64xf32> to vector<64x1xf32>
    %reduce_sum3A_2801 = arith.constant dense<0.000000e+00> : vector<64xf32>
    %reduce_sum3A_2802 = vector.multi_reduction <add>, %mul3A_2797, %reduce_sum3A_2801 [1] : vector<64x64xf32> to vector<64xf32>
    %broadcast_in_dim3A_2803 = vector.shape_cast %reduce_sum3A_2802 : vector<64xf32> to vector<64x1xf32>
    %mul3A_2804 = arith.mulf %broadcast_in_dim3A_2800, %broadcast_in_dim3A_2800 : vector<64x1xf32>
    %mul3A_2805 = arith.constant 4.200000e+02 : f32
    %mul3A_2806 = vector.broadcast %mul3A_2805 : f32 to vector<64x1xf32>
    %mul3A_2807 = arith.mulf %mul3A_2806, %mul3A_2804 : vector<64x1xf32>
    %mul3A_2808 = arith.mulf %broadcast_in_dim3A_2803, %broadcast_in_dim3A_2803 : vector<64x1xf32>
    %mul3A_2809 = arith.constant 4.200000e+02 : f32
    %mul3A_2810 = vector.broadcast %mul3A_2809 : f32 to vector<64x1xf32>
    %mul3A_2811 = arith.mulf %mul3A_2810, %mul3A_2808 : vector<64x1xf32>
    %add3A_2812 = arith.addf %add3A_2794, %mul3A_2807 : vector<64x1xf32>
    %add3A_2813 = arith.addf %add3A_2795, %mul3A_2811 : vector<64x1xf32>
    %mul3A_2814 = arith.mulf %select_n3A_67, %mul3A_2363 : vector<64x64xf32>
    %mul3A_2815 = arith.mulf %mul3A_71, %mul3A_2363 : vector<64x64xf32>
    %reduce_sum3A_2816 = arith.constant dense<0.000000e+00> : vector<64xf32>
    %reduce_sum3A_2817 = vector.multi_reduction <add>, %mul3A_2814, %reduce_sum3A_2816 [1] : vector<64x64xf32> to vector<64xf32>
    %broadcast_in_dim3A_2818 = vector.shape_cast %reduce_sum3A_2817 : vector<64xf32> to vector<64x1xf32>
    %reduce_sum3A_2819 = arith.constant dense<0.000000e+00> : vector<64xf32>
    %reduce_sum3A_2820 = vector.multi_reduction <add>, %mul3A_2815, %reduce_sum3A_2819 [1] : vector<64x64xf32> to vector<64xf32>
    %broadcast_in_dim3A_2821 = vector.shape_cast %reduce_sum3A_2820 : vector<64xf32> to vector<64x1xf32>
    %mul3A_2822 = arith.mulf %broadcast_in_dim3A_2818, %broadcast_in_dim3A_2818 : vector<64x1xf32>
    %mul3A_2823 = arith.constant 5.600000e+02 : f32
    %mul3A_2824 = vector.broadcast %mul3A_2823 : f32 to vector<64x1xf32>
    %mul3A_2825 = arith.mulf %mul3A_2824, %mul3A_2822 : vector<64x1xf32>
    %mul3A_2826 = arith.mulf %broadcast_in_dim3A_2821, %broadcast_in_dim3A_2821 : vector<64x1xf32>
    %mul3A_2827 = arith.constant 5.600000e+02 : f32
    %mul3A_2828 = vector.broadcast %mul3A_2827 : f32 to vector<64x1xf32>
    %mul3A_2829 = arith.mulf %mul3A_2828, %mul3A_2826 : vector<64x1xf32>
    %add3A_2830 = arith.addf %add3A_2812, %mul3A_2825 : vector<64x1xf32>
    %add3A_2831 = arith.addf %add3A_2813, %mul3A_2829 : vector<64x1xf32>
    %mul3A_2832 = arith.mulf %select_n3A_67, %mul3A_2364 : vector<64x64xf32>
    %mul3A_2833 = arith.mulf %mul3A_71, %mul3A_2364 : vector<64x64xf32>
    %reduce_sum3A_2834 = arith.constant dense<0.000000e+00> : vector<64xf32>
    %reduce_sum3A_2835 = vector.multi_reduction <add>, %mul3A_2832, %reduce_sum3A_2834 [1] : vector<64x64xf32> to vector<64xf32>
    %broadcast_in_dim3A_2836 = vector.shape_cast %reduce_sum3A_2835 : vector<64xf32> to vector<64x1xf32>
    %reduce_sum3A_2837 = arith.constant dense<0.000000e+00> : vector<64xf32>
    %reduce_sum3A_2838 = vector.multi_reduction <add>, %mul3A_2833, %reduce_sum3A_2837 [1] : vector<64x64xf32> to vector<64xf32>
    %broadcast_in_dim3A_2839 = vector.shape_cast %reduce_sum3A_2838 : vector<64xf32> to vector<64x1xf32>
    %mul3A_2840 = arith.mulf %broadcast_in_dim3A_2836, %broadcast_in_dim3A_2836 : vector<64x1xf32>
    %mul3A_2841 = arith.constant 4.200000e+02 : f32
    %mul3A_2842 = vector.broadcast %mul3A_2841 : f32 to vector<64x1xf32>
    %mul3A_2843 = arith.mulf %mul3A_2842, %mul3A_2840 : vector<64x1xf32>
    %mul3A_2844 = arith.mulf %broadcast_in_dim3A_2839, %broadcast_in_dim3A_2839 : vector<64x1xf32>
    %mul3A_2845 = arith.constant 4.200000e+02 : f32
    %mul3A_2846 = vector.broadcast %mul3A_2845 : f32 to vector<64x1xf32>
    %mul3A_2847 = arith.mulf %mul3A_2846, %mul3A_2844 : vector<64x1xf32>
    %add3A_2848 = arith.addf %add3A_2830, %mul3A_2843 : vector<64x1xf32>
    %add3A_2849 = arith.addf %add3A_2831, %mul3A_2847 : vector<64x1xf32>
    %mul3A_2850 = arith.mulf %select_n3A_67, %mul3A_2365 : vector<64x64xf32>
    %mul3A_2851 = arith.mulf %mul3A_71, %mul3A_2365 : vector<64x64xf32>
    %reduce_sum3A_2852 = arith.constant dense<0.000000e+00> : vector<64xf32>
    %reduce_sum3A_2853 = vector.multi_reduction <add>, %mul3A_2850, %reduce_sum3A_2852 [1] : vector<64x64xf32> to vector<64xf32>
    %broadcast_in_dim3A_2854 = vector.shape_cast %reduce_sum3A_2853 : vector<64xf32> to vector<64x1xf32>
    %reduce_sum3A_2855 = arith.constant dense<0.000000e+00> : vector<64xf32>
    %reduce_sum3A_2856 = vector.multi_reduction <add>, %mul3A_2851, %reduce_sum3A_2855 [1] : vector<64x64xf32> to vector<64xf32>
    %broadcast_in_dim3A_2857 = vector.shape_cast %reduce_sum3A_2856 : vector<64xf32> to vector<64x1xf32>
    %mul3A_2858 = arith.mulf %broadcast_in_dim3A_2854, %broadcast_in_dim3A_2854 : vector<64x1xf32>
    %mul3A_2859 = arith.constant 1.680000e+02 : f32
    %mul3A_2860 = vector.broadcast %mul3A_2859 : f32 to vector<64x1xf32>
    %mul3A_2861 = arith.mulf %mul3A_2860, %mul3A_2858 : vector<64x1xf32>
    %mul3A_2862 = arith.mulf %broadcast_in_dim3A_2857, %broadcast_in_dim3A_2857 : vector<64x1xf32>
    %mul3A_2863 = arith.constant 1.680000e+02 : f32
    %mul3A_2864 = vector.broadcast %mul3A_2863 : f32 to vector<64x1xf32>
    %mul3A_2865 = arith.mulf %mul3A_2864, %mul3A_2862 : vector<64x1xf32>
    %add3A_2866 = arith.addf %add3A_2848, %mul3A_2861 : vector<64x1xf32>
    %add3A_2867 = arith.addf %add3A_2849, %mul3A_2865 : vector<64x1xf32>
    %mul3A_2868 = arith.mulf %select_n3A_67, %mul3A_2366 : vector<64x64xf32>
    %mul3A_2869 = arith.mulf %mul3A_71, %mul3A_2366 : vector<64x64xf32>
    %reduce_sum3A_2870 = arith.constant dense<0.000000e+00> : vector<64xf32>
    %reduce_sum3A_2871 = vector.multi_reduction <add>, %mul3A_2868, %reduce_sum3A_2870 [1] : vector<64x64xf32> to vector<64xf32>
    %broadcast_in_dim3A_2872 = vector.shape_cast %reduce_sum3A_2871 : vector<64xf32> to vector<64x1xf32>
    %reduce_sum3A_2873 = arith.constant dense<0.000000e+00> : vector<64xf32>
    %reduce_sum3A_2874 = vector.multi_reduction <add>, %mul3A_2869, %reduce_sum3A_2873 [1] : vector<64x64xf32> to vector<64xf32>
    %broadcast_in_dim3A_2875 = vector.shape_cast %reduce_sum3A_2874 : vector<64xf32> to vector<64x1xf32>
    %mul3A_2876 = arith.mulf %broadcast_in_dim3A_2872, %broadcast_in_dim3A_2872 : vector<64x1xf32>
    %mul3A_2877 = arith.constant 2.800000e+01 : f32
    %mul3A_2878 = vector.broadcast %mul3A_2877 : f32 to vector<64x1xf32>
    %mul3A_2879 = arith.mulf %mul3A_2878, %mul3A_2876 : vector<64x1xf32>
    %mul3A_2880 = arith.mulf %broadcast_in_dim3A_2875, %broadcast_in_dim3A_2875 : vector<64x1xf32>
    %mul3A_2881 = arith.constant 2.800000e+01 : f32
    %mul3A_2882 = vector.broadcast %mul3A_2881 : f32 to vector<64x1xf32>
    %mul3A_2883 = arith.mulf %mul3A_2882, %mul3A_2880 : vector<64x1xf32>
    %add3A_2884 = arith.addf %add3A_2866, %mul3A_2879 : vector<64x1xf32>
    %add3A_2885 = arith.addf %add3A_2867, %mul3A_2883 : vector<64x1xf32>
    %mul3A_2886 = arith.mulf %select_n3A_67, %mul3A_2367 : vector<64x64xf32>
    %mul3A_2887 = arith.mulf %mul3A_71, %mul3A_2367 : vector<64x64xf32>
    %reduce_sum3A_2888 = arith.constant dense<0.000000e+00> : vector<64xf32>
    %reduce_sum3A_2889 = vector.multi_reduction <add>, %mul3A_2886, %reduce_sum3A_2888 [1] : vector<64x64xf32> to vector<64xf32>
    %broadcast_in_dim3A_2890 = vector.shape_cast %reduce_sum3A_2889 : vector<64xf32> to vector<64x1xf32>
    %reduce_sum3A_2891 = arith.constant dense<0.000000e+00> : vector<64xf32>
    %reduce_sum3A_2892 = vector.multi_reduction <add>, %mul3A_2887, %reduce_sum3A_2891 [1] : vector<64x64xf32> to vector<64xf32>
    %broadcast_in_dim3A_2893 = vector.shape_cast %reduce_sum3A_2892 : vector<64xf32> to vector<64x1xf32>
    %mul3A_2894 = arith.mulf %broadcast_in_dim3A_2890, %broadcast_in_dim3A_2890 : vector<64x1xf32>
    %mul3A_2895 = arith.constant 8.000000e+00 : f32
    %mul3A_2896 = vector.broadcast %mul3A_2895 : f32 to vector<64x1xf32>
    %mul3A_2897 = arith.mulf %mul3A_2896, %mul3A_2894 : vector<64x1xf32>
    %mul3A_2898 = arith.mulf %broadcast_in_dim3A_2893, %broadcast_in_dim3A_2893 : vector<64x1xf32>
    %mul3A_2899 = arith.constant 8.000000e+00 : f32
    %mul3A_2900 = vector.broadcast %mul3A_2899 : f32 to vector<64x1xf32>
    %mul3A_2901 = arith.mulf %mul3A_2900, %mul3A_2898 : vector<64x1xf32>
    %add3A_2902 = arith.addf %add3A_2884, %mul3A_2897 : vector<64x1xf32>
    %add3A_2903 = arith.addf %add3A_2885, %mul3A_2901 : vector<64x1xf32>
    %mul3A_2904 = arith.mulf %select_n3A_67, %mul3A_2368 : vector<64x64xf32>
    %mul3A_2905 = arith.mulf %mul3A_71, %mul3A_2368 : vector<64x64xf32>
    %reduce_sum3A_2906 = arith.constant dense<0.000000e+00> : vector<64xf32>
    %reduce_sum3A_2907 = vector.multi_reduction <add>, %mul3A_2904, %reduce_sum3A_2906 [1] : vector<64x64xf32> to vector<64xf32>
    %broadcast_in_dim3A_2908 = vector.shape_cast %reduce_sum3A_2907 : vector<64xf32> to vector<64x1xf32>
    %reduce_sum3A_2909 = arith.constant dense<0.000000e+00> : vector<64xf32>
    %reduce_sum3A_2910 = vector.multi_reduction <add>, %mul3A_2905, %reduce_sum3A_2909 [1] : vector<64x64xf32> to vector<64xf32>
    %broadcast_in_dim3A_2911 = vector.shape_cast %reduce_sum3A_2910 : vector<64xf32> to vector<64x1xf32>
    %mul3A_2912 = arith.mulf %broadcast_in_dim3A_2908, %broadcast_in_dim3A_2908 : vector<64x1xf32>
    %mul3A_2913 = arith.constant 5.600000e+01 : f32
    %mul3A_2914 = vector.broadcast %mul3A_2913 : f32 to vector<64x1xf32>
    %mul3A_2915 = arith.mulf %mul3A_2914, %mul3A_2912 : vector<64x1xf32>
    %mul3A_2916 = arith.mulf %broadcast_in_dim3A_2911, %broadcast_in_dim3A_2911 : vector<64x1xf32>
    %mul3A_2917 = arith.constant 5.600000e+01 : f32
    %mul3A_2918 = vector.broadcast %mul3A_2917 : f32 to vector<64x1xf32>
    %mul3A_2919 = arith.mulf %mul3A_2918, %mul3A_2916 : vector<64x1xf32>
    %add3A_2920 = arith.addf %add3A_2902, %mul3A_2915 : vector<64x1xf32>
    %add3A_2921 = arith.addf %add3A_2903, %mul3A_2919 : vector<64x1xf32>
    %mul3A_2922 = arith.mulf %select_n3A_67, %mul3A_2369 : vector<64x64xf32>
    %mul3A_2923 = arith.mulf %mul3A_71, %mul3A_2369 : vector<64x64xf32>
    %reduce_sum3A_2924 = arith.constant dense<0.000000e+00> : vector<64xf32>
    %reduce_sum3A_2925 = vector.multi_reduction <add>, %mul3A_2922, %reduce_sum3A_2924 [1] : vector<64x64xf32> to vector<64xf32>
    %broadcast_in_dim3A_2926 = vector.shape_cast %reduce_sum3A_2925 : vector<64xf32> to vector<64x1xf32>
    %reduce_sum3A_2927 = arith.constant dense<0.000000e+00> : vector<64xf32>
    %reduce_sum3A_2928 = vector.multi_reduction <add>, %mul3A_2923, %reduce_sum3A_2927 [1] : vector<64x64xf32> to vector<64xf32>
    %broadcast_in_dim3A_2929 = vector.shape_cast %reduce_sum3A_2928 : vector<64xf32> to vector<64x1xf32>
    %mul3A_2930 = arith.mulf %broadcast_in_dim3A_2926, %broadcast_in_dim3A_2926 : vector<64x1xf32>
    %mul3A_2931 = arith.constant 1.680000e+02 : f32
    %mul3A_2932 = vector.broadcast %mul3A_2931 : f32 to vector<64x1xf32>
    %mul3A_2933 = arith.mulf %mul3A_2932, %mul3A_2930 : vector<64x1xf32>
    %mul3A_2934 = arith.mulf %broadcast_in_dim3A_2929, %broadcast_in_dim3A_2929 : vector<64x1xf32>
    %mul3A_2935 = arith.constant 1.680000e+02 : f32
    %mul3A_2936 = vector.broadcast %mul3A_2935 : f32 to vector<64x1xf32>
    %mul3A_2937 = arith.mulf %mul3A_2936, %mul3A_2934 : vector<64x1xf32>
    %add3A_2938 = arith.addf %add3A_2920, %mul3A_2933 : vector<64x1xf32>
    %add3A_2939 = arith.addf %add3A_2921, %mul3A_2937 : vector<64x1xf32>
    %mul3A_2940 = arith.mulf %select_n3A_67, %mul3A_2370 : vector<64x64xf32>
    %mul3A_2941 = arith.mulf %mul3A_71, %mul3A_2370 : vector<64x64xf32>
    %reduce_sum3A_2942 = arith.constant dense<0.000000e+00> : vector<64xf32>
    %reduce_sum3A_2943 = vector.multi_reduction <add>, %mul3A_2940, %reduce_sum3A_2942 [1] : vector<64x64xf32> to vector<64xf32>
    %broadcast_in_dim3A_2944 = vector.shape_cast %reduce_sum3A_2943 : vector<64xf32> to vector<64x1xf32>
    %reduce_sum3A_2945 = arith.constant dense<0.000000e+00> : vector<64xf32>
    %reduce_sum3A_2946 = vector.multi_reduction <add>, %mul3A_2941, %reduce_sum3A_2945 [1] : vector<64x64xf32> to vector<64xf32>
    %broadcast_in_dim3A_2947 = vector.shape_cast %reduce_sum3A_2946 : vector<64xf32> to vector<64x1xf32>
    %mul3A_2948 = arith.mulf %broadcast_in_dim3A_2944, %broadcast_in_dim3A_2944 : vector<64x1xf32>
    %mul3A_2949 = arith.constant 2.800000e+02 : f32
    %mul3A_2950 = vector.broadcast %mul3A_2949 : f32 to vector<64x1xf32>
    %mul3A_2951 = arith.mulf %mul3A_2950, %mul3A_2948 : vector<64x1xf32>
    %mul3A_2952 = arith.mulf %broadcast_in_dim3A_2947, %broadcast_in_dim3A_2947 : vector<64x1xf32>
    %mul3A_2953 = arith.constant 2.800000e+02 : f32
    %mul3A_2954 = vector.broadcast %mul3A_2953 : f32 to vector<64x1xf32>
    %mul3A_2955 = arith.mulf %mul3A_2954, %mul3A_2952 : vector<64x1xf32>
    %add3A_2956 = arith.addf %add3A_2938, %mul3A_2951 : vector<64x1xf32>
    %add3A_2957 = arith.addf %add3A_2939, %mul3A_2955 : vector<64x1xf32>
    %mul3A_2958 = arith.mulf %select_n3A_67, %mul3A_2371 : vector<64x64xf32>
    %mul3A_2959 = arith.mulf %mul3A_71, %mul3A_2371 : vector<64x64xf32>
    %reduce_sum3A_2960 = arith.constant dense<0.000000e+00> : vector<64xf32>
    %reduce_sum3A_2961 = vector.multi_reduction <add>, %mul3A_2958, %reduce_sum3A_2960 [1] : vector<64x64xf32> to vector<64xf32>
    %broadcast_in_dim3A_2962 = vector.shape_cast %reduce_sum3A_2961 : vector<64xf32> to vector<64x1xf32>
    %reduce_sum3A_2963 = arith.constant dense<0.000000e+00> : vector<64xf32>
    %reduce_sum3A_2964 = vector.multi_reduction <add>, %mul3A_2959, %reduce_sum3A_2963 [1] : vector<64x64xf32> to vector<64xf32>
    %broadcast_in_dim3A_2965 = vector.shape_cast %reduce_sum3A_2964 : vector<64xf32> to vector<64x1xf32>
    %mul3A_2966 = arith.mulf %broadcast_in_dim3A_2962, %broadcast_in_dim3A_2962 : vector<64x1xf32>
    %mul3A_2967 = arith.constant 2.800000e+02 : f32
    %mul3A_2968 = vector.broadcast %mul3A_2967 : f32 to vector<64x1xf32>
    %mul3A_2969 = arith.mulf %mul3A_2968, %mul3A_2966 : vector<64x1xf32>
    %mul3A_2970 = arith.mulf %broadcast_in_dim3A_2965, %broadcast_in_dim3A_2965 : vector<64x1xf32>
    %mul3A_2971 = arith.constant 2.800000e+02 : f32
    %mul3A_2972 = vector.broadcast %mul3A_2971 : f32 to vector<64x1xf32>
    %mul3A_2973 = arith.mulf %mul3A_2972, %mul3A_2970 : vector<64x1xf32>
    %add3A_2974 = arith.addf %add3A_2956, %mul3A_2969 : vector<64x1xf32>
    %add3A_2975 = arith.addf %add3A_2957, %mul3A_2973 : vector<64x1xf32>
    %mul3A_2976 = arith.mulf %select_n3A_67, %mul3A_2372 : vector<64x64xf32>
    %mul3A_2977 = arith.mulf %mul3A_71, %mul3A_2372 : vector<64x64xf32>
    %reduce_sum3A_2978 = arith.constant dense<0.000000e+00> : vector<64xf32>
    %reduce_sum3A_2979 = vector.multi_reduction <add>, %mul3A_2976, %reduce_sum3A_2978 [1] : vector<64x64xf32> to vector<64xf32>
    %broadcast_in_dim3A_2980 = vector.shape_cast %reduce_sum3A_2979 : vector<64xf32> to vector<64x1xf32>
    %reduce_sum3A_2981 = arith.constant dense<0.000000e+00> : vector<64xf32>
    %reduce_sum3A_2982 = vector.multi_reduction <add>, %mul3A_2977, %reduce_sum3A_2981 [1] : vector<64x64xf32> to vector<64xf32>
    %broadcast_in_dim3A_2983 = vector.shape_cast %reduce_sum3A_2982 : vector<64xf32> to vector<64x1xf32>
    %mul3A_2984 = arith.mulf %broadcast_in_dim3A_2980, %broadcast_in_dim3A_2980 : vector<64x1xf32>
    %mul3A_2985 = arith.constant 1.680000e+02 : f32
    %mul3A_2986 = vector.broadcast %mul3A_2985 : f32 to vector<64x1xf32>
    %mul3A_2987 = arith.mulf %mul3A_2986, %mul3A_2984 : vector<64x1xf32>
    %mul3A_2988 = arith.mulf %broadcast_in_dim3A_2983, %broadcast_in_dim3A_2983 : vector<64x1xf32>
    %mul3A_2989 = arith.constant 1.680000e+02 : f32
    %mul3A_2990 = vector.broadcast %mul3A_2989 : f32 to vector<64x1xf32>
    %mul3A_2991 = arith.mulf %mul3A_2990, %mul3A_2988 : vector<64x1xf32>
    %add3A_2992 = arith.addf %add3A_2974, %mul3A_2987 : vector<64x1xf32>
    %add3A_2993 = arith.addf %add3A_2975, %mul3A_2991 : vector<64x1xf32>
    %mul3A_2994 = arith.mulf %select_n3A_67, %mul3A_2373 : vector<64x64xf32>
    %mul3A_2995 = arith.mulf %mul3A_71, %mul3A_2373 : vector<64x64xf32>
    %reduce_sum3A_2996 = arith.constant dense<0.000000e+00> : vector<64xf32>
    %reduce_sum3A_2997 = vector.multi_reduction <add>, %mul3A_2994, %reduce_sum3A_2996 [1] : vector<64x64xf32> to vector<64xf32>
    %broadcast_in_dim3A_2998 = vector.shape_cast %reduce_sum3A_2997 : vector<64xf32> to vector<64x1xf32>
    %reduce_sum3A_2999 = arith.constant dense<0.000000e+00> : vector<64xf32>
    %reduce_sum3A_3000 = vector.multi_reduction <add>, %mul3A_2995, %reduce_sum3A_2999 [1] : vector<64x64xf32> to vector<64xf32>
    %broadcast_in_dim3A_3001 = vector.shape_cast %reduce_sum3A_3000 : vector<64xf32> to vector<64x1xf32>
    %mul3A_3002 = arith.mulf %broadcast_in_dim3A_2998, %broadcast_in_dim3A_2998 : vector<64x1xf32>
    %mul3A_3003 = arith.constant 5.600000e+01 : f32
    %mul3A_3004 = vector.broadcast %mul3A_3003 : f32 to vector<64x1xf32>
    %mul3A_3005 = arith.mulf %mul3A_3004, %mul3A_3002 : vector<64x1xf32>
    %mul3A_3006 = arith.mulf %broadcast_in_dim3A_3001, %broadcast_in_dim3A_3001 : vector<64x1xf32>
    %mul3A_3007 = arith.constant 5.600000e+01 : f32
    %mul3A_3008 = vector.broadcast %mul3A_3007 : f32 to vector<64x1xf32>
    %mul3A_3009 = arith.mulf %mul3A_3008, %mul3A_3006 : vector<64x1xf32>
    %add3A_3010 = arith.addf %add3A_2992, %mul3A_3005 : vector<64x1xf32>
    %add3A_3011 = arith.addf %add3A_2993, %mul3A_3009 : vector<64x1xf32>
    %mul3A_3012 = arith.mulf %select_n3A_67, %mul3A_2374 : vector<64x64xf32>
    %mul3A_3013 = arith.mulf %mul3A_71, %mul3A_2374 : vector<64x64xf32>
    %reduce_sum3A_3014 = arith.constant dense<0.000000e+00> : vector<64xf32>
    %reduce_sum3A_3015 = vector.multi_reduction <add>, %mul3A_3012, %reduce_sum3A_3014 [1] : vector<64x64xf32> to vector<64xf32>
    %broadcast_in_dim3A_3016 = vector.shape_cast %reduce_sum3A_3015 : vector<64xf32> to vector<64x1xf32>
    %reduce_sum3A_3017 = arith.constant dense<0.000000e+00> : vector<64xf32>
    %reduce_sum3A_3018 = vector.multi_reduction <add>, %mul3A_3013, %reduce_sum3A_3017 [1] : vector<64x64xf32> to vector<64xf32>
    %broadcast_in_dim3A_3019 = vector.shape_cast %reduce_sum3A_3018 : vector<64xf32> to vector<64x1xf32>
    %mul3A_3020 = arith.mulf %broadcast_in_dim3A_3016, %broadcast_in_dim3A_3016 : vector<64x1xf32>
    %mul3A_3021 = arith.constant 8.000000e+00 : f32
    %mul3A_3022 = vector.broadcast %mul3A_3021 : f32 to vector<64x1xf32>
    %mul3A_3023 = arith.mulf %mul3A_3022, %mul3A_3020 : vector<64x1xf32>
    %mul3A_3024 = arith.mulf %broadcast_in_dim3A_3019, %broadcast_in_dim3A_3019 : vector<64x1xf32>
    %mul3A_3025 = arith.constant 8.000000e+00 : f32
    %mul3A_3026 = vector.broadcast %mul3A_3025 : f32 to vector<64x1xf32>
    %mul3A_3027 = arith.mulf %mul3A_3026, %mul3A_3024 : vector<64x1xf32>
    %add3A_3028 = arith.addf %add3A_3010, %mul3A_3023 : vector<64x1xf32>
    %add3A_3029 = arith.addf %add3A_3011, %mul3A_3027 : vector<64x1xf32>
    %mul3A_3030 = arith.mulf %select_n3A_67, %mul3A_2375 : vector<64x64xf32>
    %mul3A_3031 = arith.mulf %mul3A_71, %mul3A_2375 : vector<64x64xf32>
    %reduce_sum3A_3032 = arith.constant dense<0.000000e+00> : vector<64xf32>
    %reduce_sum3A_3033 = vector.multi_reduction <add>, %mul3A_3030, %reduce_sum3A_3032 [1] : vector<64x64xf32> to vector<64xf32>
    %broadcast_in_dim3A_3034 = vector.shape_cast %reduce_sum3A_3033 : vector<64xf32> to vector<64x1xf32>
    %reduce_sum3A_3035 = arith.constant dense<0.000000e+00> : vector<64xf32>
    %reduce_sum3A_3036 = vector.multi_reduction <add>, %mul3A_3031, %reduce_sum3A_3035 [1] : vector<64x64xf32> to vector<64xf32>
    %broadcast_in_dim3A_3037 = vector.shape_cast %reduce_sum3A_3036 : vector<64xf32> to vector<64x1xf32>
    %mul3A_3038 = arith.mulf %broadcast_in_dim3A_3034, %broadcast_in_dim3A_3034 : vector<64x1xf32>
    %mul3A_3039 = arith.constant 1.000000e+00 : f32
    %mul3A_3040 = vector.broadcast %mul3A_3039 : f32 to vector<64x1xf32>
    %mul3A_3041 = arith.mulf %mul3A_3040, %mul3A_3038 : vector<64x1xf32>
    %mul3A_3042 = arith.mulf %broadcast_in_dim3A_3037, %broadcast_in_dim3A_3037 : vector<64x1xf32>
    %mul3A_3043 = arith.constant 1.000000e+00 : f32
    %mul3A_3044 = vector.broadcast %mul3A_3043 : f32 to vector<64x1xf32>
    %mul3A_3045 = arith.mulf %mul3A_3044, %mul3A_3042 : vector<64x1xf32>
    %add3A_3046 = arith.addf %add3A_3028, %mul3A_3041 : vector<64x1xf32>
    %add3A_3047 = arith.addf %add3A_3029, %mul3A_3045 : vector<64x1xf32>
    %mul3A_3048 = arith.mulf %select_n3A_67, %mul3A_2376 : vector<64x64xf32>
    %mul3A_3049 = arith.mulf %mul3A_71, %mul3A_2376 : vector<64x64xf32>
    %reduce_sum3A_3050 = arith.constant dense<0.000000e+00> : vector<64xf32>
    %reduce_sum3A_3051 = vector.multi_reduction <add>, %mul3A_3048, %reduce_sum3A_3050 [1] : vector<64x64xf32> to vector<64xf32>
    %broadcast_in_dim3A_3052 = vector.shape_cast %reduce_sum3A_3051 : vector<64xf32> to vector<64x1xf32>
    %reduce_sum3A_3053 = arith.constant dense<0.000000e+00> : vector<64xf32>
    %reduce_sum3A_3054 = vector.multi_reduction <add>, %mul3A_3049, %reduce_sum3A_3053 [1] : vector<64x64xf32> to vector<64xf32>
    %broadcast_in_dim3A_3055 = vector.shape_cast %reduce_sum3A_3054 : vector<64xf32> to vector<64x1xf32>
    %mul3A_3056 = arith.mulf %broadcast_in_dim3A_3052, %broadcast_in_dim3A_3052 : vector<64x1xf32>
    %mul3A_3057 = arith.constant 8.000000e+00 : f32
    %mul3A_3058 = vector.broadcast %mul3A_3057 : f32 to vector<64x1xf32>
    %mul3A_3059 = arith.mulf %mul3A_3058, %mul3A_3056 : vector<64x1xf32>
    %mul3A_3060 = arith.mulf %broadcast_in_dim3A_3055, %broadcast_in_dim3A_3055 : vector<64x1xf32>
    %mul3A_3061 = arith.constant 8.000000e+00 : f32
    %mul3A_3062 = vector.broadcast %mul3A_3061 : f32 to vector<64x1xf32>
    %mul3A_3063 = arith.mulf %mul3A_3062, %mul3A_3060 : vector<64x1xf32>
    %add3A_3064 = arith.addf %add3A_3046, %mul3A_3059 : vector<64x1xf32>
    %add3A_3065 = arith.addf %add3A_3047, %mul3A_3063 : vector<64x1xf32>
    %mul3A_3066 = arith.mulf %select_n3A_67, %mul3A_2377 : vector<64x64xf32>
    %mul3A_3067 = arith.mulf %mul3A_71, %mul3A_2377 : vector<64x64xf32>
    %reduce_sum3A_3068 = arith.constant dense<0.000000e+00> : vector<64xf32>
    %reduce_sum3A_3069 = vector.multi_reduction <add>, %mul3A_3066, %reduce_sum3A_3068 [1] : vector<64x64xf32> to vector<64xf32>
    %broadcast_in_dim3A_3070 = vector.shape_cast %reduce_sum3A_3069 : vector<64xf32> to vector<64x1xf32>
    %reduce_sum3A_3071 = arith.constant dense<0.000000e+00> : vector<64xf32>
    %reduce_sum3A_3072 = vector.multi_reduction <add>, %mul3A_3067, %reduce_sum3A_3071 [1] : vector<64x64xf32> to vector<64xf32>
    %broadcast_in_dim3A_3073 = vector.shape_cast %reduce_sum3A_3072 : vector<64xf32> to vector<64x1xf32>
    %mul3A_3074 = arith.mulf %broadcast_in_dim3A_3070, %broadcast_in_dim3A_3070 : vector<64x1xf32>
    %mul3A_3075 = arith.constant 2.800000e+01 : f32
    %mul3A_3076 = vector.broadcast %mul3A_3075 : f32 to vector<64x1xf32>
    %mul3A_3077 = arith.mulf %mul3A_3076, %mul3A_3074 : vector<64x1xf32>
    %mul3A_3078 = arith.mulf %broadcast_in_dim3A_3073, %broadcast_in_dim3A_3073 : vector<64x1xf32>
    %mul3A_3079 = arith.constant 2.800000e+01 : f32
    %mul3A_3080 = vector.broadcast %mul3A_3079 : f32 to vector<64x1xf32>
    %mul3A_3081 = arith.mulf %mul3A_3080, %mul3A_3078 : vector<64x1xf32>
    %add3A_3082 = arith.addf %add3A_3064, %mul3A_3077 : vector<64x1xf32>
    %add3A_3083 = arith.addf %add3A_3065, %mul3A_3081 : vector<64x1xf32>
    %mul3A_3084 = arith.mulf %select_n3A_67, %mul3A_2378 : vector<64x64xf32>
    %mul3A_3085 = arith.mulf %mul3A_71, %mul3A_2378 : vector<64x64xf32>
    %reduce_sum3A_3086 = arith.constant dense<0.000000e+00> : vector<64xf32>
    %reduce_sum3A_3087 = vector.multi_reduction <add>, %mul3A_3084, %reduce_sum3A_3086 [1] : vector<64x64xf32> to vector<64xf32>
    %broadcast_in_dim3A_3088 = vector.shape_cast %reduce_sum3A_3087 : vector<64xf32> to vector<64x1xf32>
    %reduce_sum3A_3089 = arith.constant dense<0.000000e+00> : vector<64xf32>
    %reduce_sum3A_3090 = vector.multi_reduction <add>, %mul3A_3085, %reduce_sum3A_3089 [1] : vector<64x64xf32> to vector<64xf32>
    %broadcast_in_dim3A_3091 = vector.shape_cast %reduce_sum3A_3090 : vector<64xf32> to vector<64x1xf32>
    %mul3A_3092 = arith.mulf %broadcast_in_dim3A_3088, %broadcast_in_dim3A_3088 : vector<64x1xf32>
    %mul3A_3093 = arith.constant 5.600000e+01 : f32
    %mul3A_3094 = vector.broadcast %mul3A_3093 : f32 to vector<64x1xf32>
    %mul3A_3095 = arith.mulf %mul3A_3094, %mul3A_3092 : vector<64x1xf32>
    %mul3A_3096 = arith.mulf %broadcast_in_dim3A_3091, %broadcast_in_dim3A_3091 : vector<64x1xf32>
    %mul3A_3097 = arith.constant 5.600000e+01 : f32
    %mul3A_3098 = vector.broadcast %mul3A_3097 : f32 to vector<64x1xf32>
    %mul3A_3099 = arith.mulf %mul3A_3098, %mul3A_3096 : vector<64x1xf32>
    %add3A_3100 = arith.addf %add3A_3082, %mul3A_3095 : vector<64x1xf32>
    %add3A_3101 = arith.addf %add3A_3083, %mul3A_3099 : vector<64x1xf32>
    %mul3A_3102 = arith.mulf %select_n3A_67, %mul3A_2379 : vector<64x64xf32>
    %mul3A_3103 = arith.mulf %mul3A_71, %mul3A_2379 : vector<64x64xf32>
    %reduce_sum3A_3104 = arith.constant dense<0.000000e+00> : vector<64xf32>
    %reduce_sum3A_3105 = vector.multi_reduction <add>, %mul3A_3102, %reduce_sum3A_3104 [1] : vector<64x64xf32> to vector<64xf32>
    %broadcast_in_dim3A_3106 = vector.shape_cast %reduce_sum3A_3105 : vector<64xf32> to vector<64x1xf32>
    %reduce_sum3A_3107 = arith.constant dense<0.000000e+00> : vector<64xf32>
    %reduce_sum3A_3108 = vector.multi_reduction <add>, %mul3A_3103, %reduce_sum3A_3107 [1] : vector<64x64xf32> to vector<64xf32>
    %broadcast_in_dim3A_3109 = vector.shape_cast %reduce_sum3A_3108 : vector<64xf32> to vector<64x1xf32>
    %mul3A_3110 = arith.mulf %broadcast_in_dim3A_3106, %broadcast_in_dim3A_3106 : vector<64x1xf32>
    %mul3A_3111 = arith.constant 7.000000e+01 : f32
    %mul3A_3112 = vector.broadcast %mul3A_3111 : f32 to vector<64x1xf32>
    %mul3A_3113 = arith.mulf %mul3A_3112, %mul3A_3110 : vector<64x1xf32>
    %mul3A_3114 = arith.mulf %broadcast_in_dim3A_3109, %broadcast_in_dim3A_3109 : vector<64x1xf32>
    %mul3A_3115 = arith.constant 7.000000e+01 : f32
    %mul3A_3116 = vector.broadcast %mul3A_3115 : f32 to vector<64x1xf32>
    %mul3A_3117 = arith.mulf %mul3A_3116, %mul3A_3114 : vector<64x1xf32>
    %add3A_3118 = arith.addf %add3A_3100, %mul3A_3113 : vector<64x1xf32>
    %add3A_3119 = arith.addf %add3A_3101, %mul3A_3117 : vector<64x1xf32>
    %mul3A_3120 = arith.mulf %select_n3A_67, %mul3A_2380 : vector<64x64xf32>
    %mul3A_3121 = arith.mulf %mul3A_71, %mul3A_2380 : vector<64x64xf32>
    %reduce_sum3A_3122 = arith.constant dense<0.000000e+00> : vector<64xf32>
    %reduce_sum3A_3123 = vector.multi_reduction <add>, %mul3A_3120, %reduce_sum3A_3122 [1] : vector<64x64xf32> to vector<64xf32>
    %broadcast_in_dim3A_3124 = vector.shape_cast %reduce_sum3A_3123 : vector<64xf32> to vector<64x1xf32>
    %reduce_sum3A_3125 = arith.constant dense<0.000000e+00> : vector<64xf32>
    %reduce_sum3A_3126 = vector.multi_reduction <add>, %mul3A_3121, %reduce_sum3A_3125 [1] : vector<64x64xf32> to vector<64xf32>
    %broadcast_in_dim3A_3127 = vector.shape_cast %reduce_sum3A_3126 : vector<64xf32> to vector<64x1xf32>
    %mul3A_3128 = arith.mulf %broadcast_in_dim3A_3124, %broadcast_in_dim3A_3124 : vector<64x1xf32>
    %mul3A_3129 = arith.constant 5.600000e+01 : f32
    %mul3A_3130 = vector.broadcast %mul3A_3129 : f32 to vector<64x1xf32>
    %mul3A_3131 = arith.mulf %mul3A_3130, %mul3A_3128 : vector<64x1xf32>
    %mul3A_3132 = arith.mulf %broadcast_in_dim3A_3127, %broadcast_in_dim3A_3127 : vector<64x1xf32>
    %mul3A_3133 = arith.constant 5.600000e+01 : f32
    %mul3A_3134 = vector.broadcast %mul3A_3133 : f32 to vector<64x1xf32>
    %mul3A_3135 = arith.mulf %mul3A_3134, %mul3A_3132 : vector<64x1xf32>
    %add3A_3136 = arith.addf %add3A_3118, %mul3A_3131 : vector<64x1xf32>
    %add3A_3137 = arith.addf %add3A_3119, %mul3A_3135 : vector<64x1xf32>
    %mul3A_3138 = arith.mulf %select_n3A_67, %mul3A_2381 : vector<64x64xf32>
    %mul3A_3139 = arith.mulf %mul3A_71, %mul3A_2381 : vector<64x64xf32>
    %reduce_sum3A_3140 = arith.constant dense<0.000000e+00> : vector<64xf32>
    %reduce_sum3A_3141 = vector.multi_reduction <add>, %mul3A_3138, %reduce_sum3A_3140 [1] : vector<64x64xf32> to vector<64xf32>
    %broadcast_in_dim3A_3142 = vector.shape_cast %reduce_sum3A_3141 : vector<64xf32> to vector<64x1xf32>
    %reduce_sum3A_3143 = arith.constant dense<0.000000e+00> : vector<64xf32>
    %reduce_sum3A_3144 = vector.multi_reduction <add>, %mul3A_3139, %reduce_sum3A_3143 [1] : vector<64x64xf32> to vector<64xf32>
    %broadcast_in_dim3A_3145 = vector.shape_cast %reduce_sum3A_3144 : vector<64xf32> to vector<64x1xf32>
    %mul3A_3146 = arith.mulf %broadcast_in_dim3A_3142, %broadcast_in_dim3A_3142 : vector<64x1xf32>
    %mul3A_3147 = arith.constant 2.800000e+01 : f32
    %mul3A_3148 = vector.broadcast %mul3A_3147 : f32 to vector<64x1xf32>
    %mul3A_3149 = arith.mulf %mul3A_3148, %mul3A_3146 : vector<64x1xf32>
    %mul3A_3150 = arith.mulf %broadcast_in_dim3A_3145, %broadcast_in_dim3A_3145 : vector<64x1xf32>
    %mul3A_3151 = arith.constant 2.800000e+01 : f32
    %mul3A_3152 = vector.broadcast %mul3A_3151 : f32 to vector<64x1xf32>
    %mul3A_3153 = arith.mulf %mul3A_3152, %mul3A_3150 : vector<64x1xf32>
    %add3A_3154 = arith.addf %add3A_3136, %mul3A_3149 : vector<64x1xf32>
    %add3A_3155 = arith.addf %add3A_3137, %mul3A_3153 : vector<64x1xf32>
    %mul3A_3156 = arith.mulf %select_n3A_67, %mul3A_2382 : vector<64x64xf32>
    %mul3A_3157 = arith.mulf %mul3A_71, %mul3A_2382 : vector<64x64xf32>
    %reduce_sum3A_3158 = arith.constant dense<0.000000e+00> : vector<64xf32>
    %reduce_sum3A_3159 = vector.multi_reduction <add>, %mul3A_3156, %reduce_sum3A_3158 [1] : vector<64x64xf32> to vector<64xf32>
    %broadcast_in_dim3A_3160 = vector.shape_cast %reduce_sum3A_3159 : vector<64xf32> to vector<64x1xf32>
    %reduce_sum3A_3161 = arith.constant dense<0.000000e+00> : vector<64xf32>
    %reduce_sum3A_3162 = vector.multi_reduction <add>, %mul3A_3157, %reduce_sum3A_3161 [1] : vector<64x64xf32> to vector<64xf32>
    %broadcast_in_dim3A_3163 = vector.shape_cast %reduce_sum3A_3162 : vector<64xf32> to vector<64x1xf32>
    %mul3A_3164 = arith.mulf %broadcast_in_dim3A_3160, %broadcast_in_dim3A_3160 : vector<64x1xf32>
    %mul3A_3165 = arith.constant 8.000000e+00 : f32
    %mul3A_3166 = vector.broadcast %mul3A_3165 : f32 to vector<64x1xf32>
    %mul3A_3167 = arith.mulf %mul3A_3166, %mul3A_3164 : vector<64x1xf32>
    %mul3A_3168 = arith.mulf %broadcast_in_dim3A_3163, %broadcast_in_dim3A_3163 : vector<64x1xf32>
    %mul3A_3169 = arith.constant 8.000000e+00 : f32
    %mul3A_3170 = vector.broadcast %mul3A_3169 : f32 to vector<64x1xf32>
    %mul3A_3171 = arith.mulf %mul3A_3170, %mul3A_3168 : vector<64x1xf32>
    %add3A_3172 = arith.addf %add3A_3154, %mul3A_3167 : vector<64x1xf32>
    %add3A_3173 = arith.addf %add3A_3155, %mul3A_3171 : vector<64x1xf32>
    %mul3A_3174 = arith.mulf %select_n3A_67, %mul3A_2383 : vector<64x64xf32>
    %mul3A_3175 = arith.mulf %mul3A_71, %mul3A_2383 : vector<64x64xf32>
    %reduce_sum3A_3176 = arith.constant dense<0.000000e+00> : vector<64xf32>
    %reduce_sum3A_3177 = vector.multi_reduction <add>, %mul3A_3174, %reduce_sum3A_3176 [1] : vector<64x64xf32> to vector<64xf32>
    %broadcast_in_dim3A_3178 = vector.shape_cast %reduce_sum3A_3177 : vector<64xf32> to vector<64x1xf32>
    %reduce_sum3A_3179 = arith.constant dense<0.000000e+00> : vector<64xf32>
    %reduce_sum3A_3180 = vector.multi_reduction <add>, %mul3A_3175, %reduce_sum3A_3179 [1] : vector<64x64xf32> to vector<64xf32>
    %broadcast_in_dim3A_3181 = vector.shape_cast %reduce_sum3A_3180 : vector<64xf32> to vector<64x1xf32>
    %mul3A_3182 = arith.mulf %broadcast_in_dim3A_3178, %broadcast_in_dim3A_3178 : vector<64x1xf32>
    %mul3A_3183 = arith.constant 1.000000e+00 : f32
    %mul3A_3184 = vector.broadcast %mul3A_3183 : f32 to vector<64x1xf32>
    %mul3A_3185 = arith.mulf %mul3A_3184, %mul3A_3182 : vector<64x1xf32>
    %mul3A_3186 = arith.mulf %broadcast_in_dim3A_3181, %broadcast_in_dim3A_3181 : vector<64x1xf32>
    %mul3A_3187 = arith.constant 1.000000e+00 : f32
    %mul3A_3188 = vector.broadcast %mul3A_3187 : f32 to vector<64x1xf32>
    %mul3A_3189 = arith.mulf %mul3A_3188, %mul3A_3186 : vector<64x1xf32>
    %add3A_3190 = arith.addf %add3A_3172, %mul3A_3185 : vector<64x1xf32>
    %add3A_3191 = arith.addf %add3A_3173, %mul3A_3189 : vector<64x1xf32>
    %mul3A_3192 = arith.mulf %select_n3A_67, %select_n3A_67 : vector<64x64xf32>
    %reduce_sum3A_3193 = arith.constant dense<0.000000e+00> : vector<64xf32>
    %reduce_sum3A_3194 = vector.multi_reduction <add>, %mul3A_3192, %reduce_sum3A_3193 [1] : vector<64x64xf32> to vector<64xf32>
    %broadcast_in_dim3A_3195 = vector.shape_cast %reduce_sum3A_3194 : vector<64xf32> to vector<64x1xf32>
    %mul3A_3196 = arith.constant 1.000000e+00 : f32
    %mul3A_3197 = vector.broadcast %mul3A_3196 : f32 to vector<64x1xf32>
    %mul3A_3198 = arith.mulf %mul3A_3197, %mul3A_90 : vector<64x1xf32>
    %mul3A_3199 = arith.constant 1.000000e+00 : f32
    %mul3A_3200 = vector.broadcast %mul3A_3199 : f32 to vector<64x1xf32>
    %mul3A_3201 = arith.mulf %mul3A_3200, %mul3A_94 : vector<64x1xf32>
    %sub3A_3202 = arith.subf %mul3A_3198, %broadcast_in_dim3A_3195 : vector<64x1xf32>
    %mul3A_3203 = arith.constant 5.000000e-01 : f32
    %mul3A_3204 = vector.broadcast %mul3A_3203 : f32 to vector<64x1xf32>
    %mul3A_3205 = arith.mulf %mul3A_3204, %sub3A_3202 : vector<64x1xf32>
    %sub3A_3206 = arith.subf %mul3A_3201, %broadcast_in_dim3A_3195 : vector<64x1xf32>
    %mul3A_3207 = arith.constant 5.000000e-01 : f32
    %mul3A_3208 = vector.broadcast %mul3A_3207 : f32 to vector<64x1xf32>
    %mul3A_3209 = arith.mulf %mul3A_3208, %sub3A_3206 : vector<64x1xf32>
    %mul3A_3210 = arith.constant 1.000000e+00 : f32
    %mul3A_3211 = vector.broadcast %mul3A_3210 : f32 to vector<64x1xf32>
    %mul3A_3212 = arith.mulf %mul3A_3211, %add3A_145 : vector<64x1xf32>
    %mul3A_3213 = arith.constant 1.000000e+00 : f32
    %mul3A_3214 = vector.broadcast %mul3A_3213 : f32 to vector<64x1xf32>
    %mul3A_3215 = arith.mulf %mul3A_3214, %add3A_146 : vector<64x1xf32>
    %sub3A_3216 = arith.subf %mul3A_3212, %broadcast_in_dim3A_3195 : vector<64x1xf32>
    %mul3A_3217 = arith.constant 5.000000e-01 : f32
    %mul3A_3218 = vector.broadcast %mul3A_3217 : f32 to vector<64x1xf32>
    %mul3A_3219 = arith.mulf %mul3A_3218, %sub3A_3216 : vector<64x1xf32>
    %sub3A_3220 = arith.subf %mul3A_3215, %broadcast_in_dim3A_3195 : vector<64x1xf32>
    %mul3A_3221 = arith.constant 5.000000e-01 : f32
    %mul3A_3222 = vector.broadcast %mul3A_3221 : f32 to vector<64x1xf32>
    %mul3A_3223 = arith.mulf %mul3A_3222, %sub3A_3220 : vector<64x1xf32>
    %mul3A_3224 = arith.constant -1.000000e+00 : f32
    %mul3A_3225 = vector.broadcast %mul3A_3224 : f32 to vector<64x1xf32>
    %mul3A_3226 = arith.mulf %mul3A_3225, %mul3A_90 : vector<64x1xf32>
    %mul3A_3227 = arith.constant -1.000000e+00 : f32
    %mul3A_3228 = vector.broadcast %mul3A_3227 : f32 to vector<64x1xf32>
    %mul3A_3229 = arith.mulf %mul3A_3228, %mul3A_94 : vector<64x1xf32>
    %mul3A_3230 = arith.constant 2.000000e+00 : f32
    %mul3A_3231 = vector.broadcast %mul3A_3230 : f32 to vector<64x1xf32>
    %mul3A_3232 = arith.mulf %mul3A_3231, %add3A_257 : vector<64x1xf32>
    %mul3A_3233 = arith.constant 2.000000e+00 : f32
    %mul3A_3234 = vector.broadcast %mul3A_3233 : f32 to vector<64x1xf32>
    %mul3A_3235 = arith.mulf %mul3A_3234, %add3A_258 : vector<64x1xf32>
    %add3A_3236 = arith.addf %mul3A_3226, %mul3A_3232 : vector<64x1xf32>
    %add3A_3237 = arith.addf %mul3A_3229, %mul3A_3235 : vector<64x1xf32>
    %sub3A_3238 = arith.subf %add3A_3236, %broadcast_in_dim3A_3195 : vector<64x1xf32>
    %mul3A_3239 = arith.constant 5.000000e-01 : f32
    %mul3A_3240 = vector.broadcast %mul3A_3239 : f32 to vector<64x1xf32>
    %mul3A_3241 = arith.mulf %mul3A_3240, %sub3A_3238 : vector<64x1xf32>
    %sub3A_3242 = arith.subf %add3A_3237, %broadcast_in_dim3A_3195 : vector<64x1xf32>
    %mul3A_3243 = arith.constant 5.000000e-01 : f32
    %mul3A_3244 = vector.broadcast %mul3A_3243 : f32 to vector<64x1xf32>
    %mul3A_3245 = arith.mulf %mul3A_3244, %sub3A_3242 : vector<64x1xf32>
    %mul3A_3246 = arith.constant -3.000000e+00 : f32
    %mul3A_3247 = vector.broadcast %mul3A_3246 : f32 to vector<64x1xf32>
    %mul3A_3248 = arith.mulf %mul3A_3247, %add3A_145 : vector<64x1xf32>
    %mul3A_3249 = arith.constant -3.000000e+00 : f32
    %mul3A_3250 = vector.broadcast %mul3A_3249 : f32 to vector<64x1xf32>
    %mul3A_3251 = arith.mulf %mul3A_3250, %add3A_146 : vector<64x1xf32>
    %mul3A_3252 = arith.constant 4.000000e+00 : f32
    %mul3A_3253 = vector.broadcast %mul3A_3252 : f32 to vector<64x1xf32>
    %mul3A_3254 = arith.mulf %mul3A_3253, %add3A_445 : vector<64x1xf32>
    %mul3A_3255 = arith.constant 4.000000e+00 : f32
    %mul3A_3256 = vector.broadcast %mul3A_3255 : f32 to vector<64x1xf32>
    %mul3A_3257 = arith.mulf %mul3A_3256, %add3A_446 : vector<64x1xf32>
    %add3A_3258 = arith.addf %mul3A_3248, %mul3A_3254 : vector<64x1xf32>
    %add3A_3259 = arith.addf %mul3A_3251, %mul3A_3257 : vector<64x1xf32>
    %sub3A_3260 = arith.subf %add3A_3258, %broadcast_in_dim3A_3195 : vector<64x1xf32>
    %mul3A_3261 = arith.constant 5.000000e-01 : f32
    %mul3A_3262 = vector.broadcast %mul3A_3261 : f32 to vector<64x1xf32>
    %mul3A_3263 = arith.mulf %mul3A_3262, %sub3A_3260 : vector<64x1xf32>
    %sub3A_3264 = arith.subf %add3A_3259, %broadcast_in_dim3A_3195 : vector<64x1xf32>
    %mul3A_3265 = arith.constant 5.000000e-01 : f32
    %mul3A_3266 = vector.broadcast %mul3A_3265 : f32 to vector<64x1xf32>
    %mul3A_3267 = arith.mulf %mul3A_3266, %sub3A_3264 : vector<64x1xf32>
    %mul3A_3268 = arith.constant 1.000000e+00 : f32
    %mul3A_3269 = vector.broadcast %mul3A_3268 : f32 to vector<64x1xf32>
    %mul3A_3270 = arith.mulf %mul3A_3269, %mul3A_90 : vector<64x1xf32>
    %mul3A_3271 = arith.constant 1.000000e+00 : f32
    %mul3A_3272 = vector.broadcast %mul3A_3271 : f32 to vector<64x1xf32>
    %mul3A_3273 = arith.mulf %mul3A_3272, %mul3A_94 : vector<64x1xf32>
    %mul3A_3274 = arith.constant -8.000000e+00 : f32
    %mul3A_3275 = vector.broadcast %mul3A_3274 : f32 to vector<64x1xf32>
    %mul3A_3276 = arith.mulf %mul3A_3275, %add3A_257 : vector<64x1xf32>
    %mul3A_3277 = arith.constant -8.000000e+00 : f32
    %mul3A_3278 = vector.broadcast %mul3A_3277 : f32 to vector<64x1xf32>
    %mul3A_3279 = arith.mulf %mul3A_3278, %add3A_258 : vector<64x1xf32>
    %add3A_3280 = arith.addf %mul3A_3270, %mul3A_3276 : vector<64x1xf32>
    %add3A_3281 = arith.addf %mul3A_3273, %mul3A_3279 : vector<64x1xf32>
    %mul3A_3282 = arith.constant 8.000000e+00 : f32
    %mul3A_3283 = vector.broadcast %mul3A_3282 : f32 to vector<64x1xf32>
    %mul3A_3284 = arith.mulf %mul3A_3283, %add3A_728 : vector<64x1xf32>
    %mul3A_3285 = arith.constant 8.000000e+00 : f32
    %mul3A_3286 = vector.broadcast %mul3A_3285 : f32 to vector<64x1xf32>
    %mul3A_3287 = arith.mulf %mul3A_3286, %add3A_729 : vector<64x1xf32>
    %add3A_3288 = arith.addf %add3A_3280, %mul3A_3284 : vector<64x1xf32>
    %add3A_3289 = arith.addf %add3A_3281, %mul3A_3287 : vector<64x1xf32>
    %sub3A_3290 = arith.subf %add3A_3288, %broadcast_in_dim3A_3195 : vector<64x1xf32>
    %mul3A_3291 = arith.constant 5.000000e-01 : f32
    %mul3A_3292 = vector.broadcast %mul3A_3291 : f32 to vector<64x1xf32>
    %mul3A_3293 = arith.mulf %mul3A_3292, %sub3A_3290 : vector<64x1xf32>
    %sub3A_3294 = arith.subf %add3A_3289, %broadcast_in_dim3A_3195 : vector<64x1xf32>
    %mul3A_3295 = arith.constant 5.000000e-01 : f32
    %mul3A_3296 = vector.broadcast %mul3A_3295 : f32 to vector<64x1xf32>
    %mul3A_3297 = arith.mulf %mul3A_3296, %sub3A_3294 : vector<64x1xf32>
    %mul3A_3298 = arith.constant 5.000000e+00 : f32
    %mul3A_3299 = vector.broadcast %mul3A_3298 : f32 to vector<64x1xf32>
    %mul3A_3300 = arith.mulf %mul3A_3299, %add3A_145 : vector<64x1xf32>
    %mul3A_3301 = arith.constant 5.000000e+00 : f32
    %mul3A_3302 = vector.broadcast %mul3A_3301 : f32 to vector<64x1xf32>
    %mul3A_3303 = arith.mulf %mul3A_3302, %add3A_146 : vector<64x1xf32>
    %mul3A_3304 = arith.constant -2.000000e+01 : f32
    %mul3A_3305 = vector.broadcast %mul3A_3304 : f32 to vector<64x1xf32>
    %mul3A_3306 = arith.mulf %mul3A_3305, %add3A_445 : vector<64x1xf32>
    %mul3A_3307 = arith.constant -2.000000e+01 : f32
    %mul3A_3308 = vector.broadcast %mul3A_3307 : f32 to vector<64x1xf32>
    %mul3A_3309 = arith.mulf %mul3A_3308, %add3A_446 : vector<64x1xf32>
    %add3A_3310 = arith.addf %mul3A_3300, %mul3A_3306 : vector<64x1xf32>
    %add3A_3311 = arith.addf %mul3A_3303, %mul3A_3309 : vector<64x1xf32>
    %mul3A_3312 = arith.constant 1.600000e+01 : f32
    %mul3A_3313 = vector.broadcast %mul3A_3312 : f32 to vector<64x1xf32>
    %mul3A_3314 = arith.mulf %mul3A_3313, %add3A_1125 : vector<64x1xf32>
    %mul3A_3315 = arith.constant 1.600000e+01 : f32
    %mul3A_3316 = vector.broadcast %mul3A_3315 : f32 to vector<64x1xf32>
    %mul3A_3317 = arith.mulf %mul3A_3316, %add3A_1126 : vector<64x1xf32>
    %add3A_3318 = arith.addf %add3A_3310, %mul3A_3314 : vector<64x1xf32>
    %add3A_3319 = arith.addf %add3A_3311, %mul3A_3317 : vector<64x1xf32>
    %sub3A_3320 = arith.subf %add3A_3318, %broadcast_in_dim3A_3195 : vector<64x1xf32>
    %mul3A_3321 = arith.constant 5.000000e-01 : f32
    %mul3A_3322 = vector.broadcast %mul3A_3321 : f32 to vector<64x1xf32>
    %mul3A_3323 = arith.mulf %mul3A_3322, %sub3A_3320 : vector<64x1xf32>
    %sub3A_3324 = arith.subf %add3A_3319, %broadcast_in_dim3A_3195 : vector<64x1xf32>
    %mul3A_3325 = arith.constant 5.000000e-01 : f32
    %mul3A_3326 = vector.broadcast %mul3A_3325 : f32 to vector<64x1xf32>
    %mul3A_3327 = arith.mulf %mul3A_3326, %sub3A_3324 : vector<64x1xf32>
    %mul3A_3328 = arith.constant -1.000000e+00 : f32
    %mul3A_3329 = vector.broadcast %mul3A_3328 : f32 to vector<64x1xf32>
    %mul3A_3330 = arith.mulf %mul3A_3329, %mul3A_90 : vector<64x1xf32>
    %mul3A_3331 = arith.constant -1.000000e+00 : f32
    %mul3A_3332 = vector.broadcast %mul3A_3331 : f32 to vector<64x1xf32>
    %mul3A_3333 = arith.mulf %mul3A_3332, %mul3A_94 : vector<64x1xf32>
    %mul3A_3334 = arith.constant 1.800000e+01 : f32
    %mul3A_3335 = vector.broadcast %mul3A_3334 : f32 to vector<64x1xf32>
    %mul3A_3336 = arith.mulf %mul3A_3335, %add3A_257 : vector<64x1xf32>
    %mul3A_3337 = arith.constant 1.800000e+01 : f32
    %mul3A_3338 = vector.broadcast %mul3A_3337 : f32 to vector<64x1xf32>
    %mul3A_3339 = arith.mulf %mul3A_3338, %add3A_258 : vector<64x1xf32>
    %add3A_3340 = arith.addf %mul3A_3330, %mul3A_3336 : vector<64x1xf32>
    %add3A_3341 = arith.addf %mul3A_3333, %mul3A_3339 : vector<64x1xf32>
    %mul3A_3342 = arith.constant -4.800000e+01 : f32
    %mul3A_3343 = vector.broadcast %mul3A_3342 : f32 to vector<64x1xf32>
    %mul3A_3344 = arith.mulf %mul3A_3343, %add3A_728 : vector<64x1xf32>
    %mul3A_3345 = arith.constant -4.800000e+01 : f32
    %mul3A_3346 = vector.broadcast %mul3A_3345 : f32 to vector<64x1xf32>
    %mul3A_3347 = arith.mulf %mul3A_3346, %add3A_729 : vector<64x1xf32>
    %add3A_3348 = arith.addf %add3A_3340, %mul3A_3344 : vector<64x1xf32>
    %add3A_3349 = arith.addf %add3A_3341, %mul3A_3347 : vector<64x1xf32>
    %mul3A_3350 = arith.constant 3.200000e+01 : f32
    %mul3A_3351 = vector.broadcast %mul3A_3350 : f32 to vector<64x1xf32>
    %mul3A_3352 = arith.mulf %mul3A_3351, %add3A_1655 : vector<64x1xf32>
    %mul3A_3353 = arith.constant 3.200000e+01 : f32
    %mul3A_3354 = vector.broadcast %mul3A_3353 : f32 to vector<64x1xf32>
    %mul3A_3355 = arith.mulf %mul3A_3354, %add3A_1656 : vector<64x1xf32>
    %add3A_3356 = arith.addf %add3A_3348, %mul3A_3352 : vector<64x1xf32>
    %add3A_3357 = arith.addf %add3A_3349, %mul3A_3355 : vector<64x1xf32>
    %sub3A_3358 = arith.subf %add3A_3356, %broadcast_in_dim3A_3195 : vector<64x1xf32>
    %mul3A_3359 = arith.constant 5.000000e-01 : f32
    %mul3A_3360 = vector.broadcast %mul3A_3359 : f32 to vector<64x1xf32>
    %mul3A_3361 = arith.mulf %mul3A_3360, %sub3A_3358 : vector<64x1xf32>
    %sub3A_3362 = arith.subf %add3A_3357, %broadcast_in_dim3A_3195 : vector<64x1xf32>
    %mul3A_3363 = arith.constant 5.000000e-01 : f32
    %mul3A_3364 = vector.broadcast %mul3A_3363 : f32 to vector<64x1xf32>
    %mul3A_3365 = arith.mulf %mul3A_3364, %sub3A_3362 : vector<64x1xf32>
    %mul3A_3366 = arith.constant -7.000000e+00 : f32
    %mul3A_3367 = vector.broadcast %mul3A_3366 : f32 to vector<64x1xf32>
    %mul3A_3368 = arith.mulf %mul3A_3367, %add3A_145 : vector<64x1xf32>
    %mul3A_3369 = arith.constant -7.000000e+00 : f32
    %mul3A_3370 = vector.broadcast %mul3A_3369 : f32 to vector<64x1xf32>
    %mul3A_3371 = arith.mulf %mul3A_3370, %add3A_146 : vector<64x1xf32>
    %mul3A_3372 = arith.constant 5.600000e+01 : f32
    %mul3A_3373 = vector.broadcast %mul3A_3372 : f32 to vector<64x1xf32>
    %mul3A_3374 = arith.mulf %mul3A_3373, %add3A_445 : vector<64x1xf32>
    %mul3A_3375 = arith.constant 5.600000e+01 : f32
    %mul3A_3376 = vector.broadcast %mul3A_3375 : f32 to vector<64x1xf32>
    %mul3A_3377 = arith.mulf %mul3A_3376, %add3A_446 : vector<64x1xf32>
    %add3A_3378 = arith.addf %mul3A_3368, %mul3A_3374 : vector<64x1xf32>
    %add3A_3379 = arith.addf %mul3A_3371, %mul3A_3377 : vector<64x1xf32>
    %mul3A_3380 = arith.constant -1.120000e+02 : f32
    %mul3A_3381 = vector.broadcast %mul3A_3380 : f32 to vector<64x1xf32>
    %mul3A_3382 = arith.mulf %mul3A_3381, %add3A_1125 : vector<64x1xf32>
    %mul3A_3383 = arith.constant -1.120000e+02 : f32
    %mul3A_3384 = vector.broadcast %mul3A_3383 : f32 to vector<64x1xf32>
    %mul3A_3385 = arith.mulf %mul3A_3384, %add3A_1126 : vector<64x1xf32>
    %add3A_3386 = arith.addf %add3A_3378, %mul3A_3382 : vector<64x1xf32>
    %add3A_3387 = arith.addf %add3A_3379, %mul3A_3385 : vector<64x1xf32>
    %mul3A_3388 = arith.constant 6.400000e+01 : f32
    %mul3A_3389 = vector.broadcast %mul3A_3388 : f32 to vector<64x1xf32>
    %mul3A_3390 = arith.mulf %mul3A_3389, %add3A_2337 : vector<64x1xf32>
    %mul3A_3391 = arith.constant 6.400000e+01 : f32
    %mul3A_3392 = vector.broadcast %mul3A_3391 : f32 to vector<64x1xf32>
    %mul3A_3393 = arith.mulf %mul3A_3392, %add3A_2338 : vector<64x1xf32>
    %add3A_3394 = arith.addf %add3A_3386, %mul3A_3390 : vector<64x1xf32>
    %add3A_3395 = arith.addf %add3A_3387, %mul3A_3393 : vector<64x1xf32>
    %sub3A_3396 = arith.subf %add3A_3394, %broadcast_in_dim3A_3195 : vector<64x1xf32>
    %mul3A_3397 = arith.constant 5.000000e-01 : f32
    %mul3A_3398 = vector.broadcast %mul3A_3397 : f32 to vector<64x1xf32>
    %mul3A_3399 = arith.mulf %mul3A_3398, %sub3A_3396 : vector<64x1xf32>
    %sub3A_3400 = arith.subf %add3A_3395, %broadcast_in_dim3A_3195 : vector<64x1xf32>
    %mul3A_3401 = arith.constant 5.000000e-01 : f32
    %mul3A_3402 = vector.broadcast %mul3A_3401 : f32 to vector<64x1xf32>
    %mul3A_3403 = arith.mulf %mul3A_3402, %sub3A_3400 : vector<64x1xf32>
    %mul3A_3404 = arith.constant 1.000000e+00 : f32
    %mul3A_3405 = vector.broadcast %mul3A_3404 : f32 to vector<64x1xf32>
    %mul3A_3406 = arith.mulf %mul3A_3405, %mul3A_90 : vector<64x1xf32>
    %mul3A_3407 = arith.constant 1.000000e+00 : f32
    %mul3A_3408 = vector.broadcast %mul3A_3407 : f32 to vector<64x1xf32>
    %mul3A_3409 = arith.mulf %mul3A_3408, %mul3A_94 : vector<64x1xf32>
    %mul3A_3410 = arith.constant -3.200000e+01 : f32
    %mul3A_3411 = vector.broadcast %mul3A_3410 : f32 to vector<64x1xf32>
    %mul3A_3412 = arith.mulf %mul3A_3411, %add3A_257 : vector<64x1xf32>
    %mul3A_3413 = arith.constant -3.200000e+01 : f32
    %mul3A_3414 = vector.broadcast %mul3A_3413 : f32 to vector<64x1xf32>
    %mul3A_3415 = arith.mulf %mul3A_3414, %add3A_258 : vector<64x1xf32>
    %add3A_3416 = arith.addf %mul3A_3406, %mul3A_3412 : vector<64x1xf32>
    %add3A_3417 = arith.addf %mul3A_3409, %mul3A_3415 : vector<64x1xf32>
    %mul3A_3418 = arith.constant 1.600000e+02 : f32
    %mul3A_3419 = vector.broadcast %mul3A_3418 : f32 to vector<64x1xf32>
    %mul3A_3420 = arith.mulf %mul3A_3419, %add3A_728 : vector<64x1xf32>
    %mul3A_3421 = arith.constant 1.600000e+02 : f32
    %mul3A_3422 = vector.broadcast %mul3A_3421 : f32 to vector<64x1xf32>
    %mul3A_3423 = arith.mulf %mul3A_3422, %add3A_729 : vector<64x1xf32>
    %add3A_3424 = arith.addf %add3A_3416, %mul3A_3420 : vector<64x1xf32>
    %add3A_3425 = arith.addf %add3A_3417, %mul3A_3423 : vector<64x1xf32>
    %mul3A_3426 = arith.constant -2.560000e+02 : f32
    %mul3A_3427 = vector.broadcast %mul3A_3426 : f32 to vector<64x1xf32>
    %mul3A_3428 = arith.mulf %mul3A_3427, %add3A_1655 : vector<64x1xf32>
    %mul3A_3429 = arith.constant -2.560000e+02 : f32
    %mul3A_3430 = vector.broadcast %mul3A_3429 : f32 to vector<64x1xf32>
    %mul3A_3431 = arith.mulf %mul3A_3430, %add3A_1656 : vector<64x1xf32>
    %add3A_3432 = arith.addf %add3A_3424, %mul3A_3428 : vector<64x1xf32>
    %add3A_3433 = arith.addf %add3A_3425, %mul3A_3431 : vector<64x1xf32>
    %mul3A_3434 = arith.constant 1.280000e+02 : f32
    %mul3A_3435 = vector.broadcast %mul3A_3434 : f32 to vector<64x1xf32>
    %mul3A_3436 = arith.mulf %mul3A_3435, %add3A_3190 : vector<64x1xf32>
    %mul3A_3437 = arith.constant 1.280000e+02 : f32
    %mul3A_3438 = vector.broadcast %mul3A_3437 : f32 to vector<64x1xf32>
    %mul3A_3439 = arith.mulf %mul3A_3438, %add3A_3191 : vector<64x1xf32>
    %add3A_3440 = arith.addf %add3A_3432, %mul3A_3436 : vector<64x1xf32>
    %add3A_3441 = arith.addf %add3A_3433, %mul3A_3439 : vector<64x1xf32>
    %sub3A_3442 = arith.subf %add3A_3440, %broadcast_in_dim3A_3195 : vector<64x1xf32>
    %mul3A_3443 = arith.constant 5.000000e-01 : f32
    %mul3A_3444 = vector.broadcast %mul3A_3443 : f32 to vector<64x1xf32>
    %mul3A_3445 = arith.mulf %mul3A_3444, %sub3A_3442 : vector<64x1xf32>
    %sub3A_3446 = arith.subf %add3A_3441, %broadcast_in_dim3A_3195 : vector<64x1xf32>
    %mul3A_3447 = arith.constant 5.000000e-01 : f32
    %mul3A_3448 = vector.broadcast %mul3A_3447 : f32 to vector<64x1xf32>
    %mul3A_3449 = arith.mulf %mul3A_3448, %sub3A_3446 : vector<64x1xf32>
    %concatenate3A = tpu.concatenate %mul3A_3205, %mul3A_3219, %mul3A_3241, %mul3A_3263, %mul3A_3293, %mul3A_3323, %mul3A_3361, %mul3A_3399, %mul3A_3445 in 1 : vector<64x1xf32>, vector<64x1xf32>, vector<64x1xf32>, vector<64x1xf32>, vector<64x1xf32>, vector<64x1xf32>, vector<64x1xf32>, vector<64x1xf32>, vector<64x1xf32> -> vector<64x9xf32>
    %swap3A = arith.constant 0 : index
    %swap3A_3450 = arith.constant 0 : index
    %swap3A_3451 = vector.load %arg7[%swap3A, %swap3A_3450] : memref<64x9xf32, #tpu.memory_space<vmem>>, vector<64x9xf32>
    tpu.vector_store %arg7[%swap3A, %swap3A_3450], %concatenate3A {strides = array<i32>} : memref<64x9xf32, #tpu.memory_space<vmem>>, vector<64x9xf32>,
    %concatenate3A_3452 = tpu.concatenate %mul3A_3209, %mul3A_3223, %mul3A_3245, %mul3A_3267, %mul3A_3297, %mul3A_3327, %mul3A_3365, %mul3A_3403, %mul3A_3449 in 1 : vector<64x1xf32>, vector<64x1xf32>, vector<64x1xf32>, vector<64x1xf32>, vector<64x1xf32>, vector<64x1xf32>, vector<64x1xf32>, vector<64x1xf32>, vector<64x1xf32> -> vector<64x9xf32>
    %swap3A_3453 = arith.constant 0 : index
    %swap3A_3454 = arith.constant 0 : index
    %swap3A_3455 = vector.load %arg8[%swap3A_3453, %swap3A_3454] : memref<64x9xf32, #tpu.memory_space<vmem>>, vector<64x9xf32>
    tpu.vector_store %arg8[%swap3A_3453, %swap3A_3454], %concatenate3A_3452 {strides = array<i32>} : memref<64x9xf32, #tpu.memory_space<vmem>>, vector<64x9xf32>,
    return
  }
  func.func @transform_0(%arg0: i32) -> (i32, i32) {
    %c0_i32 = arith.constant 0 : i32
    %c0_i32_0 = arith.constant 0 : i32
    return %arg0, %c0_i32 : i32, i32
  }
  func.func @transform_1(%arg0: i32) -> (i32, i32) {
    %c0_i32 = arith.constant 0 : i32
    %c0_i32_0 = arith.constant 0 : i32
    return %arg0, %c0_i32 : i32, i32
  }
  func.func @transform_2(%arg0: i32) -> (i32, i32) {
    %c0_i32 = arith.constant 0 : i32
    %c0_i32_0 = arith.constant 0 : i32
    return %arg0, %c0_i32 : i32, i32
  }
  func.func @transform_3(%arg0: i32) -> (i32, i32) {
    %c0_i32 = arith.constant 0 : i32
    %c0_i32_0 = arith.constant 0 : i32
    return %arg0, %c0_i32 : i32, i32
  }
  func.func @transform_4(%arg0: i32) -> (i32, i32) {
    %c0_i32 = arith.constant 0 : i32
    %c0_i32_0 = arith.constant 0 : i32
    return %arg0, %c0_i32 : i32, i32
  }
  func.func @transform_5(%arg0: i32) -> (i32, i32) {
    %c0_i32 = arith.constant 0 : i32
    %c0_i32_0 = arith.constant 0 : i32
    return %arg0, %c0_i32 : i32, i32
  }
  func.func @transform_6(%arg0: i32) -> (i32, i32) {
    %c0_i32 = arith.constant 0 : i32
    %c0_i32_0 = arith.constant 0 : i32
    return %arg0, %c0_i32 : i32, i32
  }
  func.func @transform_7(%arg0: i32) -> (i32, i32) {
    %c0_i32 = arith.constant 0 : i32
    %c0_i32_0 = arith.constant 0 : i32
    return %arg0, %c0_i32 : i32, i32
  }
}

</mosaic_0001>

<sc_bundles>
// kernel: kernel.6.cloned.1.call-start
scs
__scs_entry_jumppad:
0x0: {  	(pc) =	sbr.rel $0x88, $3  }
0x1: {  	(tag) =	ssettag $0x0;
	lr =	simm.s32 $0x1  }
0x2: {  	[smem:$0x3F9F] =	sst lr;
	_ =	strace $0xD0000000  }
0x3: {  	_ = 	snop  }
0x4: {  	_ = 	snop  }
0x5: {  	_ = 	snop  }
0x6: {  	_ = 	snop  }
0x7: {  	_ = 	snop  }
__scs_overlays_trampoline_lowered:
0x8: {  	[smem:$0x3FAE] =	sst s0  }
0x9: {  	[smem:$0x3FAF] =	sst s1  }
0xa: {  	[smem:$0x3FB0] =	sst s2  }
0xb: {  	[smem:$0x3FB1] =	sst s3  }
0xc: {  	[smem:$0x3FB2] =	sst s4  }
0xd: {  	[smem:$0x3FB3] =	sst s5  }
0xe: {  	[smem:$0x3FB4] =	sst s6  }
0xf: {  	[smem:$0x3FB5] =	sst s7  }
0x10: {  	[smem:$0x3FB6] =	sst s8  }
0x11: {  	[smem:$0x3FB7] =	sst s9;
	s0 =	simm.s32 @!p0 $0x0  }
0x12: {  	s1 =	sld [smem:$0x3F9D];
	s0 =	simm.s32 @p0 $0x1  }
0x13: {  	[smem:$0x3FB8] =	sst s0;
	s0 =	simm.s32 @!p1 $0x0  }
0x14: {  	s2 =	sld [smem:$0x3F9C];
	s0 =	simm.s32 @p1 $0x1  }
0x15: {  	[smem:$0x3FB9] =	sst s0;
	s0 =	simm.s32 @!p2 $0x0  }
0x16: {  	s3 =	sld [smem:$0x3FDB];
	s0 =	simm.s32 @p2 $0x1  }
0x17: {  	s4 =	simm.s32 $0x1BF5;
	[smem:$0x3FBB] =	sst s0  }
0x18: {  	s0 =	sld [smem:$0x3F9E];
	_ =	swait.ge [sflag:s4], $0x0  }
0x19: {  	s7 =	sld [smem:$0x3F9F]  }
0x1a: {  	s8 =	sadd.s32 $0xFFFFE003, lr  }
0x1b: {  	s9 =	sadd.s32 $0xFFFFFEF7, lr;
	s5 =	simm.s32 $0xFFFFFFFF;
	p2 =	slt.u32 s8, $0xFFFFF086  }
0x1c: {  	p1 =	slt.u32 s9, $0xF7A;
	s5 =	simm.s32 @!p2 $0x0  }
0x1d: {  	s5 =	simm.s32 @p1 $0x1;
	p0 =	seq.s32 s7, s2  }
0x1e: {  	s7 =	smul.u32 @!p0 $0xF7A, s2;
	p2 =	seq.s32 @!p0 s5, $0x0  }
0x1f: {  	s9 =	smul.u32 $0xF7A, s1;
	s8 =	simm.s32 @!p0 $0x1BF5;
	p2 =	por !p2, p0  }
0x20: {  	[sflag:s8] =	ssyncset.s32 @!p0 $0xFFFFF086;
	s6 =	sadd.s32 @!p0 s3, s7;
	s7 =	simm.s32 @!p0 $0x108  }
0x21: {  	s3 =	sadd.s32 s3, s9;
	s6 =	sadd.s32 @!p0 $0x88, s6;
	s7 =	simm.s32 @p2 $0x1082  }
0x22: {  	[simem:s7], [sflag:s8] =	dma.local @!p0 [hbm:s6], $0xF7A  }
0x23: {  	s9 =	sor.u32 $0xD0000000, s2;
	s6 =	simm.s32 $0x108;
	_ =	swait.ge @!p0 [sflag:s8], $0x0  }
0x24: {  	s3 =	sadd.s32 $0x88, s3;
	s6 =	simm.s32 @!p1 $0x1082;
	[sflag:s4] =	ssyncset.s32 $0xFFFFF086  }
0x25: {  	[simem:s6], [sflag:s4] =	dma.local [hbm:s3], $0xF7A  }
0x26: {  	[smem:$0x3F9F] =	sst s1;
	(tag) =	ssettag s2;
	_ =	strace s9  }
0x27: {  	s1 =	sld [smem:$0x3FAF]  }
0x28: {  	s2 =	sld [smem:$0x3FB0]  }
0x29: {  	s4 =	sld [smem:$0x3FB2]  }
0x2a: {  	p0 =	seq.s32 s5, $0x0;
	s5 =	sld [smem:$0x3FB3]  }
0x2b: {  	s6 =	sld [smem:$0x3FB4]  }
0x2c: {  	s7 =	sld [smem:$0x3FB5]  }
0x2d: {  	s3 =	simm.s32 $0x108;
	s8 =	sld [smem:$0x3FB6]  }
0x2e: {  	s3 =	simm.s32 @!p0 $0x1082;
	s9 =	sld [smem:$0x3FB7]  }
0x2f: {  	lr =	sadd.s32 s0, s3;
	s0 =	sld [smem:$0x3FAE]  }
0x30: {  	s3 =	sld [smem:$0x3FB1]  }
0x31: {  	[smem:$0x3FBA] =	sst s10  }
0x32: {  	s10 =	sld [smem:$0x3FB8];
	_ =	sdelay $0x3  }
0x33: {  	p0 =	seq.s32 s10, $0x1;
	s10 =	sld [smem:$0x3FBA];
	_ =	sdelay $0x3  }
0x34: {  	[smem:$0x3FBA] =	sst s10  }
0x35: {  	s10 =	sld [smem:$0x3FB9];
	_ =	sdelay $0x3  }
0x36: {  	p1 =	seq.s32 s10, $0x1;
	s10 =	sld [smem:$0x3FBA];
	_ =	sdelay $0x3  }
0x37: {  	[smem:$0x3FBA] =	sst s10  }
0x38: {  	s10 =	sld [smem:$0x3FBB]  }
0x39: {  	_ = 	snop;
	(pc) =	sbr.ind lr, $3  }
0x3a: {  	_ = 	snop  }
0x3b: {  	_ = 	snop  }
0x3c: {  	p2 =	seq.s32 s10, $0x1;
	s10 =	sld [smem:$0x3FBA]  }
0x3d: {  	_ =	shalt  }
0x3e: {  	_ =	shalt  }
0x3f: {  	_ =	shalt  }
0x40: {  	_ =	shalt  }
0x41: {  	_ =	shalt  }
0x42: {  	_ =	shalt  }
0x43: {  	_ =	shalt  }
0x44: {  	_ =	shalt  }
0x45: {  	_ =	shalt  }
0x46: {  	_ =	shalt  }
0x47: {  	_ =	shalt  }
0x48: {  	_ =	shalt  }
0x49: {  	_ =	shalt  }
0x4a: {  	_ =	shalt  }
0x4b: {  	_ =	shalt  }
0x4c: {  	_ =	shalt  }
0x4d: {  	_ =	shalt  }
0x4e: {  	_ =	shalt  }
0x4f: {  	_ =	shalt  }
0x50: {  	_ =	shalt  }
0x51: {  	_ =	shalt  }
0x52: {  	_ =	shalt  }
0x53: {  	_ =	shalt  }
0x54: {  	_ =	shalt  }
0x55: {  	_ =	shalt  }
0x56: {  	_ =	shalt  }
0x57: {  	_ =	shalt  }
0x58: {  	_ =	shalt  }
0x59: {  	_ =	shalt  }
0x5a: {  	_ =	shalt  }
0x5b: {  	_ =	shalt  }
0x5c: {  	_ =	shalt  }
0x5d: {  	_ =	shalt  }
0x5e: {  	_ =	shalt  }
0x5f: {  	_ =	shalt  }
0x60: {  	_ =	shalt  }
0x61: {  	_ =	shalt  }
0x62: {  	_ =	shalt  }
0x63: {  	_ =	shalt  }
0x64: {  	_ =	shalt  }
0x65: {  	_ =	shalt  }
0x66: {  	_ =	shalt  }
0x67: {  	_ =	shalt  }
0x68: {  	_ =	shalt  }
0x69: {  	_ =	shalt  }
0x6a: {  	_ =	shalt  }
0x6b: {  	_ =	shalt  }
0x6c: {  	_ =	shalt  }
0x6d: {  	_ =	shalt  }
0x6e: {  	_ =	shalt  }
0x6f: {  	_ =	shalt  }
0x70: {  	_ =	shalt  }
0x71: {  	_ =	shalt  }
0x72: {  	_ =	shalt  }
0x73: {  	_ =	shalt  }
0x74: {  	_ =	shalt  }
0x75: {  	_ =	shalt  }
0x76: {  	_ =	shalt  }
0x77: {  	_ =	shalt  }
0x78: {  	_ =	shalt  }
0x79: {  	_ =	shalt  }
0x7a: {  	_ =	shalt  }
0x7b: {  	_ =	shalt  }
0x7c: {  	_ =	shalt  }
0x7d: {  	_ =	shalt  }
0x7e: {  	_ =	shalt  }
0x7f: {  	_ =	shalt  }
0x80: {  	_ =	shalt  }
0x81: {  	_ =	shalt  }
0x82: {  	_ =	shalt  }
0x83: {  	_ =	shalt  }
0x84: {  	_ =	shalt  }
0x85: {  	_ =	shalt  }
0x86: {  	_ =	shalt  }
0x87: {  	_ =	shalt  }
.Lfunc_end0:
.L_simem_size_0:
called_computation_lowered:
.L_overlay_start_0:
0x88: {  	s2 =	sld [smem:$0x3FD9]  }
0x89: {  	s3 =	sld [smem:$0x3FFE];
	_ =	sdelay $0x1  }
0x8a: {  	s1 =	srdreg.scid  }
0x8b: {  	s0 =	sand.u32 $0x1, s1  }
0x8c: {  	s17 =	sshll.u32 s0, $0xA;
	s2 =	sadd.s32 s3, s2  }
0x8d: {  	s2 =	sadd.s32 s2, s17  }
0x8e: {  	[smem:$0x3FC6] =	sst s2  }
0x8f: {  	_ = 	snop  }
0x90: {  	s2 =	sld [smem:$0x3FD0];
	(tm) =	ssettm $0x1  }
0x91: {  	s18 =	sld [smem:$0x3FFB];
	_ =	sdelay $0x3  }
0x92: {  	_ =	strace s18  }
0x93: {  	s3 =	sld [smem:$0x3FFC];
	_ =	sdelay $0x3  }
0x94: {  	_ =	strace s3  }
0x95: {  	s3 =	sld [smem:$0x3FFD];
	_ =	sdelay $0x3  }
0x96: {  	_ =	strace s3  }
0x97: {  	_ =	strace $0x8FFFFFFF  }
0x98: {  	s19 =	sld [smem:$0x3FDB];
	_ =	sdelay $0x1  }
0x99: {  	s4 =	simm.s32 $_scs_section_size  }
0x9a: {  	s5 =	simm.s32 $_size__tile_overlayer_lowered;
	s6 =	simm.s32 $_tile_overlayer_lowered  }
0x9b: {  	s22 =	simm.s32 $0x1BFF;
	s21 =	sshll.u32 s6, $0x1;
	s3 =	sadd.s32 s4, s19  }
0x9c: {  	s7 =	simm.s32 $0x0;
	s20 =	sshll.u32 s5, $0x1;
	s5 =	sadd.s32 s21, s3  }
0x9d: {  	[timem:s7], [sflag:s22] =	dma.local [hbm:s5], s20  }
0x9e: {  	_ =	swait.ge [sflag:s22], s20  }
0x9f: {  	s4 =	ssub.s32 $0x0, s20;
	[sflag:s22] =	ssyncset.done $0x0  }
0xa0: {  	[sflag:s22] =	ssyncadd.s32 s4;
	_ =	sdelay $0x1  }
0xa1: {  	s23 =	simm.s32 $0x1B8B  }
0xa2: {  	_ =	swait.ge [sflag:s23], $0x1  }
0xa3: {  	[sflag:s23] =	ssyncset.done $0x0  }
0xa4: {  	s25 =	simm.s32 $0x1B8E;
	s24 =	sld [smem:$0x3FFE];
	[sflag:s23] =	ssyncadd.s32 $0xFFFFFFFF  }
0xa5: {  	s26 =	simm.s32 $execute0_lowered;
	[smem:$0x3FD2] =	sst s25  }
0xa6: {  	s5 =	sshll.u32 s26, $0x1;
	_ =	strace $0x80000046;
	[dreg:$0x1] =	wrdreg $0xFFFFFFFF  }
0xa7: {  	s28 =	simm.s32 $_size_execute0_lowered;
	s3 =	sadd.s32 s3, s5;
	[dreg:$0x0] =	wrdreg $0x0  }
0xa8: {  	s5 =	sshll.u32 s28, $0x1;
	[dreg:$0x2] =	wrdreg s3  }
0xa9: {  	[dreg:$0x3] =	wrdreg s5  }
0xaa: {  	[dreg:$0x4] =	wrdreg $0xC0  }
0xab: {  	_ =	task [dreg:s7], $0x5FFFF  }
0xac: {  	[dreg:$0x1] =	wrdreg $0xFFFFFFFF  }
0xad: {  	[dreg:$0x0] =	wrdreg $0x60  }
0xae: {  	[dreg:$0x2] =	wrdreg s24  }
0xaf: {  	[dreg:$0x3] =	wrdreg s2  }
0xb0: {  	[dreg:$0x4] =	wrdreg $0x9  }
0xb1: {  	_ =	task.clear_ibuf [dreg:s7], $0x5FFFF;
	_ =	strace $0x90000046  }
0xb2: {  	s29 =	simm.s32 $0x9;
	_ =	strace $0x80000048  }
0xb3: {  	_ =	swait.ge [sflag:s29], $0x1  }
0xb4: {  	[sflag:s29] =	ssyncadd.s32 $0xFFFFFFFF  }
0xb5: {  	_ =	strace $0x90000048  }
0xb6: {  	_ =	sfence  }
0xb7: {  	s30 =	sld [smem:$0x0];
	_ =	sdelay $0x2  }
0xb8: {  	s31 =	sshll.u32 s1, $0xD;
	s1 =	sshrl.u32 s1, $0x2  }
0xb9: {  	s3 =	sand.u32 $0x4000, s31;
	s1 =	sadd.s32 s1, s30  }
0xba: {  	s0 =	sor.u32 s3, s0;
	s1 =	sshll.u32 s1, $0x11  }
0xbb: {  	s0 =	sor.u32 s1, s0  }
0xbc: {  	s0 =	sadd.s32 $0x8F2B, s0  }
0xbd: {  	[sflag:s0] =	ssyncadd.remote.s32 $0x1  }
0xbe: {  	_ =	sfence.sel $0xFFFF  }
0xbf: {  	[dreg:$0x0] =	wrdreg $0xFFFFFFFF;
	(pc) =	sbr.abs _section_cstart, $3  }
0xc0: {  	[dreg:$0x1] =	wrdreg $0xFFFFFFFF  }
0xc1: {  	_ =	task.clear_ibuf [dreg:s7], $0x2FFFF;
	_ =	strace $0x9FFFFFFF  }
0xc2: {  	(tm) =	ssettm $0x7FFFFFFF  }
0xc3: {  	_ =	shalt  }
tec
execute0_lowered:
.L_overlay_start_1:
0x0: {  	(tag) =	ssettag $0x1  }
0x1: {  	s0 =	srdreg.scid;
	s1 =	rddreg [dreg:$0x0]  }
0x2: {  	s2 =	stileid.u32;
	s3 =	simm.s32 $0x0;
	s14 =	simm.s32 $0x1  }
0x3: {  	s15 =	simm.s32 $0x1000;
	s16 =	simm.s32 $0x2000;
	s17 =	simm.s32 $0x3000  }
0x4: {  	s18 =	simm.s32 $0x200;
	s19 =	simm.s32 $0x400;
	s20 =	simm.s32 $0x4000  }
0x5: {  	s21 =	simm.s32 $0x8000;
	s22 =	simm.s32 $0x9080;
	s29 =	simm.s32 $0x0  }
0x6: {  	s0 =	sand.u32 $0x1, s0;
	s2 =	sshll.u32 s2, $0x8;
	[smem:$0x7FF] =	sst s3  }
0x7: {  	s30 =	sadd.s32 $0x2000, s1;
	s5 =	sadd.s32 $0x1E00, s1;
	s4 =	sshll.u32 s0, $0x7  }
0x8: {  	s6 =	sadd.s32 $0x202200, s1;
	_ =	strace $0x80000047;
	s2 =	sor.u32 s4, s2  }
0x9: {  	[dreg:$0x3] =	wrdreg s30;
	s4 =	sshll.u32 s2, $0x9;
	s2 =	sshll.u32 s2, $0x4  }
0xa: {  	s0 =	ssub.s32 $0x2, s0;
	s7 =	sadd.s32 s4, s1;
	s1 =	sadd.s32 s2, s1  }
0xb: {  	s31 =	sshrl.u32 s0, $0x1;
	s7 =	sadd.s32 $0x2200, s7;
	s8 =	sadd.s32 $0x202400, s1  }
0xc: {  	s0 =	ssub.s32 s0, s31;
	s9 =	sadd.s32 $0x212400, s1;
	s10 =	sadd.s32 $0x222400, s1  }
0xd: {  	v0 =	vimm.f32 $1.000000020e+30;
	v1 =	vimm.s32 $0x0;
	v2 =	vlaneseq.u32;
	s13 =	smax.u32 s0, $0x1;
	s11 =	sadd.s32 $0x232400, s1;
	s12 =	sadd.s32 $0x242400, s1  }
.LBB2_1:
0xe: {  	s0 =	rddreg [dreg:$0x3]  }
0xf: {  	[tilespmem:s3], [sflag:$0x1] =	stream.linear.gather [hbm4b:s0+s3], $0x1000, $0x38;
	[tilespmem:$0x1E100] =	vst v63  }
0x10: {  	_ =	swait.ge [sflag:s14], $0x1000  }
0x11: {  	[sflag:s14] =	ssyncset.done $0x0  }
0x12: {  	[sflag:s14] =	ssyncadd.s32 $0xFFFFF000  }
0x13: {  	[tilespmem:s15], [sflag:$0x1] =	stream.linear.gather [hbm4b:s5+s3], $0x1000, $0x38;
	[tilespmem:$0x1E100] =	vst v63  }
0x14: {  	_ =	swait.ge [sflag:s14], $0x1000  }
0x15: {  	[sflag:s14] =	ssyncset.done $0x0  }
0x16: {  	[sflag:s14] =	ssyncadd.s32 $0xFFFFF000  }
0x17: {  	s31 =	rddreg [dreg:$0x1]  }
0x18: {  	[tilespmem:s16], [sflag:$0x1] =	stream.linear.gather [hbm4b:s31+s3], $0x1000, $0x38;
	[tilespmem:$0x1E100] =	vst v63  }
0x19: {  	_ =	swait.ge [sflag:s14], $0x1000  }
0x1a: {  	[sflag:s14] =	ssyncset.done $0x0  }
0x1b: {  	[sflag:s14] =	ssyncadd.s32 $0xFFFFF000  }
0x1c: {  	[tilespmem:s17], [sflag:$0x1] =	stream.linear.gather [hbm4b:s6+s3], $0x1000, $0x38;
	[tilespmem:$0x1E100] =	vst v63  }
0x1d: {  	_ =	swait.ge [sflag:s14], $0x1000  }
0x1e: {  	[sflag:s14] =	ssyncset.done $0x0  }
0x1f: {  	s30 =	simm.s32 $0x0;
	[sflag:s14] =	ssyncadd.s32 $0xFFFFF000  }
.LBB2_2:
0x20: {  	s0 =	sshll.u32 s30, $0xB  }
0x21: {  	s1 =	sshll.u32 s30, $0x6;
	s0 =	sand.u32 $0xF000, s0  }
0x22: {  	s1 =	sand.u32 $0x40, s1;
	s0 =	sadd.s32 s0, s7  }
0x23: {  	s0 =	sadd.s32 s1, s0  }
0x24: {  	[tilespmem:s20], [sflag:$0x1] =	stream.strided.gather [hbm4b:s0+s18], $0x4000, s19, s18, $0x38;
	[tilespmem:$0x1E100] =	vst v63  }
0x25: {  	_ =	swait.ge [sflag:s14], $0x4000  }
0x26: {  	[sflag:s14] =	ssyncset.done $0x0  }
0x27: {  	[sflag:s14] =	ssyncadd.s32 $0xFFFFC000  }
0x28: {  	v3 =	vimm.s32 $0x0;
	[tilespmem:$0x8000] =	vst v0  }
0x29: {  	[tilespmem:$0x9080] =	vst v3  }
0x2a: {  	[tilespmem:$0x8010] =	vst v0  }
0x2b: {  	[tilespmem:$0x9090] =	vst v3  }
0x2c: {  	[tilespmem:$0x8020] =	vst v0  }
0x2d: {  	[tilespmem:$0x90A0] =	vst v3  }
0x2e: {  	[tilespmem:$0x8030] =	vst v0  }
0x2f: {  	[tilespmem:$0x90B0] =	vst v3  }
0x30: {  	[tilespmem:$0x8040] =	vst v0  }
0x31: {  	s2 =	simm.s32 $0x30;
	s1 =	simm.s32 $0x0;
	s0 =	simm.s32 $0xFFFFFFFC;
	[tilespmem:$0x90C0] =	vst v3  }
.LBB2_3:
0x32: {  	s23 =	sadd.s32 $0xFFFFFFD0, s2;
	s24 =	sand.u32 $0x3E00, s1  }
0x33: {  	s25 =	sand.u32 $0x40, s23;
	s24 =	sor.u32 $0x4000, s24  }
0x34: {  	s25 =	sor.u32 s25, s24  }
0x35: {  	v4 =	vld [tilespmem:s25+$0x0];
	_ =	sdelay $0x4  }
0x36: {  	vm0 =	vlt.f32 v4, $1.000000020e+20  }
0x37: {  	v5 =	vsel vm0, $0x1, v1  }
0x38: {  	(xrf0) =	vadd.scan.msk.s32 $0xffff, v5;
	_ =	sdelay $0x5  }
0x39: {  	v5, _, _ =	vpop (xrf0)  }
0x3a: {  	v5 =	vadd.s32 v5, v3  }
0x3b: {  	v5 =	vadd.s32 $0xFFFFFFFF, v5;
	_ =	sdelay $0x3  }
0x3c: {  	s31 =	sadd.s32 $0xFFFFFFE0, s2  }
0x3d: {  	v6 =	vor.u32 s23, v2;
	s4 =	sand.u32 $0x50, s31;
	[tilespmem:v5+s21+$0x0] =	vst.idx.msk vm0, v4  }
0x3e: {  	s23 =	sor.u32 s4, s24;
	[tilespmem:v5+s22+$0x0] =	vst.idx.msk vm0, v6  }
0x3f: {  	v4 =	vld [tilespmem:s23+$0x0];
	_ =	sdelay $0x4  }
0x40: {  	vm1 =	vlt.f32 v4, $1.000000020e+20  }
0x41: {  	v5 =	vsel vm1, $0x1, v1  }
0x42: {  	(xrf0) =	vadd.scan.msk.s32 $0xffff, v5;
	_ =	sdelay $0x1  }
0x43: {  	v5 =	vmpcnt.ones.xlane vm0;
	_ =	sdelay $0x3  }
0x44: {  	v3 =	vadd.s32 v3, v5;
	v5, _, _ =	vpop (xrf0)  }
0x45: {  	v5 =	vadd.s32 v5, v3  }
0x46: {  	v5 =	vadd.s32 $0xFFFFFFFF, v5;
	_ =	sdelay $0x3  }
0x47: {  	s26 =	sadd.s32 $0xFFFFFFF0, s2  }
0x48: {  	v61 =	vor.u32 s31, v2;
	s28 =	sand.u32 $0x60, s26;
	[tilespmem:v5+s21+$0x0] =	vst.idx.msk vm1, v4  }
0x49: {  	s25 =	sor.u32 s28, s24;
	[tilespmem:v5+s22+$0x0] =	vst.idx.msk vm1, v61  }
0x4a: {  	v4 =	vld [tilespmem:s25+$0x0];
	_ =	sdelay $0x4  }
0x4b: {  	vm14 =	vlt.f32 v4, $1.000000020e+20  }
0x4c: {  	v5 =	vsel vm14, $0x1, v1  }
0x4d: {  	(xrf0) =	vadd.scan.msk.s32 $0xffff, v5;
	_ =	sdelay $0x1  }
0x4e: {  	v5 =	vmpcnt.ones.xlane vm1;
	_ =	sdelay $0x3  }
0x4f: {  	v3 =	vadd.s32 v3, v5;
	v5, _, _ =	vpop (xrf0)  }
0x50: {  	v5 =	vadd.s32 v5, v3  }
0x51: {  	v5 =	vadd.s32 $0xFFFFFFFF, v5;
	_ =	sdelay $0x4  }
0x52: {  	v62 =	vor.u32 s26, v2;
	s31 =	sand.u32 $0x70, s2;
	[tilespmem:v5+s21+$0x0] =	vst.idx.msk vm14, v4  }
0x53: {  	s23 =	sor.u32 s31, s24;
	[tilespmem:v5+s22+$0x0] =	vst.idx.msk vm14, v62  }
0x54: {  	v4 =	vld [tilespmem:s23+$0x0];
	_ =	sdelay $0x4  }
0x55: {  	vm15 =	vlt.f32 v4, $1.000000020e+20  }
0x56: {  	v5 =	vsel vm15, $0x1, v1  }
0x57: {  	(xrf0) =	vadd.scan.msk.s32 $0xffff, v5;
	_ =	sdelay $0x1  }
0x58: {  	v5 =	vmpcnt.ones.xlane vm14;
	_ =	sdelay $0x3  }
0x59: {  	v3 =	vadd.s32 v3, v5;
	v5, _, _ =	vpop (xrf0)  }
0x5a: {  	v5 =	vadd.s32 v5, v3  }
0x5b: {  	s0 =	sadd.s32 $0x4, s0;
	v5 =	vadd.s32 $0xFFFFFFFF, v5  }
0x5c: {  	p0 =	slt.u32 s0, $0xFC  }
.Ltmp0:
0x5d: {  	_ = 	snop;
	(pc) =	sbr.rel @p0 .LBB2_3-.Ltmp0, $4  }
0x5e: {  	_ = 	snop  }
0x5f: {  	v63 =	vmpcnt.ones.xlane vm15  }
0x60: {  	[tilespmem:v5+s21+$0x0] =	vst.idx.msk vm15, v4;
	v4 =	vor.u32 s2, v2  }
0x61: {  	s1 =	sadd.s32 $0x100, s1;
	v3 =	vadd.s32 v3, v63;
	s2 =	sadd.s32 $0x40, s2;
	[tilespmem:v5+s22+$0x0] =	vst.idx.msk vm15, v4  }
0x62: {  	v3 =	vld [tilespmem:$0x9080];
	_ =	sdelay $0x1  }
0x63: {  	v4 =	vld [tilespmem:$0x8000];
	_ =	sdelay $0x3  }
0x64: {  	s31 =	sshll.u32 s30, $0x9  }
0x65: {  	s1 =	simm.s32 $0x0;
	[tilespmem:s31+$0xA100] =	vst v4  }
0x66: {  	v4 =	vld.idx.msk [tilespmem:v3+s1+$0x0], $0xffff;
	_ =	sdelay $0x4  }
0x67: {  	[tilespmem:s31+$0xE100] =	vst v4  }
0x68: {  	v4 =	vld.idx.msk [tilespmem:v3+s15+$0x0], $0xffff;
	_ =	sdelay $0x4  }
0x69: {  	[tilespmem:s31+$0x12100] =	vst v4  }
0x6a: {  	v4 =	vld.idx.msk [tilespmem:v3+s16+$0x0], $0xffff;
	_ =	sdelay $0x4  }
0x6b: {  	[tilespmem:s31+$0x16100] =	vst v4  }
0x6c: {  	v3 =	vld.idx.msk [tilespmem:v3+s17+$0x0], $0xffff;
	_ =	sdelay $0x4  }
0x6d: {  	[tilespmem:s31+$0x1A100] =	vst v3  }
0x6e: {  	v3 =	vld [tilespmem:$0x9090];
	_ =	sdelay $0x1  }
0x6f: {  	v4 =	vld [tilespmem:$0x8010];
	_ =	sdelay $0x4  }
0x70: {  	[tilespmem:s31+$0xA110] =	vst v4  }
0x71: {  	v4 =	vld.idx.msk [tilespmem:v3+s1+$0x0], $0xffff;
	_ =	sdelay $0x4  }
0x72: {  	[tilespmem:s31+$0xE110] =	vst v4  }
0x73: {  	v4 =	vld.idx.msk [tilespmem:v3+s15+$0x0], $0xffff;
	_ =	sdelay $0x4  }
0x74: {  	[tilespmem:s31+$0x12110] =	vst v4  }
0x75: {  	v4 =	vld.idx.msk [tilespmem:v3+s16+$0x0], $0xffff;
	_ =	sdelay $0x4  }
0x76: {  	[tilespmem:s31+$0x16110] =	vst v4  }
0x77: {  	v3 =	vld.idx.msk [tilespmem:v3+s17+$0x0], $0xffff;
	_ =	sdelay $0x4  }
0x78: {  	[tilespmem:s31+$0x1A110] =	vst v3  }
0x79: {  	v3 =	vld [tilespmem:$0x90A0];
	_ =	sdelay $0x1  }
0x7a: {  	v4 =	vld [tilespmem:$0x8020];
	_ =	sdelay $0x4  }
0x7b: {  	[tilespmem:s31+$0xA120] =	vst v4  }
0x7c: {  	v4 =	vld.idx.msk [tilespmem:v3+s1+$0x0], $0xffff;
	_ =	sdelay $0x4  }
0x7d: {  	[tilespmem:s31+$0xE120] =	vst v4  }
0x7e: {  	v4 =	vld.idx.msk [tilespmem:v3+s15+$0x0], $0xffff;
	_ =	sdelay $0x4  }
0x7f: {  	[tilespmem:s31+$0x12120] =	vst v4  }
0x80: {  	v4 =	vld.idx.msk [tilespmem:v3+s16+$0x0], $0xffff;
	_ =	sdelay $0x4  }
0x81: {  	[tilespmem:s31+$0x16120] =	vst v4  }
0x82: {  	v3 =	vld.idx.msk [tilespmem:v3+s17+$0x0], $0xffff;
	_ =	sdelay $0x4  }
0x83: {  	[tilespmem:s31+$0x1A120] =	vst v3  }
0x84: {  	v3 =	vld [tilespmem:$0x90B0];
	_ =	sdelay $0x1  }
0x85: {  	v4 =	vld [tilespmem:$0x8030];
	_ =	sdelay $0x4  }
0x86: {  	[tilespmem:s31+$0xA130] =	vst v4  }
0x87: {  	v4 =	vld.idx.msk [tilespmem:v3+s1+$0x0], $0xffff;
	_ =	sdelay $0x4  }
0x88: {  	[tilespmem:s31+$0xE130] =	vst v4  }
0x89: {  	v4 =	vld.idx.msk [tilespmem:v3+s15+$0x0], $0xffff;
	_ =	sdelay $0x4  }
0x8a: {  	[tilespmem:s31+$0x12130] =	vst v4  }
0x8b: {  	v4 =	vld.idx.msk [tilespmem:v3+s16+$0x0], $0xffff;
	_ =	sdelay $0x4  }
0x8c: {  	[tilespmem:s31+$0x16130] =	vst v4  }
0x8d: {  	v3 =	vld.idx.msk [tilespmem:v3+s17+$0x0], $0xffff;
	_ =	sdelay $0x4  }
0x8e: {  	[tilespmem:s31+$0x1A130] =	vst v3  }
0x8f: {  	v3 =	vimm.s32 $0x0;
	[tilespmem:$0x8000] =	vst v0  }
0x90: {  	[tilespmem:$0x9080] =	vst v3  }
0x91: {  	[tilespmem:$0x8010] =	vst v0  }
0x92: {  	[tilespmem:$0x9090] =	vst v3  }
0x93: {  	[tilespmem:$0x8020] =	vst v0  }
0x94: {  	[tilespmem:$0x90A0] =	vst v3  }
0x95: {  	[tilespmem:$0x8030] =	vst v0  }
0x96: {  	[tilespmem:$0x90B0] =	vst v3  }
0x97: {  	[tilespmem:$0x8040] =	vst v0  }
0x98: {  	s0 =	simm.s32 $0xFFFFFFFC;
	s2 =	simm.s32 $0x30;
	[tilespmem:$0x90C0] =	vst v3  }
.LBB2_5:
0x99: {  	s23 =	sadd.s32 $0xFFFFFFD0, s2;
	s24 =	sand.u32 $0x3E00, s1  }
0x9a: {  	s25 =	sand.u32 $0x40, s23;
	s24 =	sor.u32 $0x4000, s24  }
0x9b: {  	s25 =	sor.u32 s25, s24  }
0x9c: {  	v4 =	vld [tilespmem:s25+$0x80];
	_ =	sdelay $0x4  }
0x9d: {  	vm0 =	vlt.f32 v4, $1.000000020e+20  }
0x9e: {  	v5 =	vsel vm0, $0x1, v1  }
0x9f: {  	(xrf0) =	vadd.scan.msk.s32 $0xffff, v5;
	_ =	sdelay $0x5  }
0xa0: {  	v5, _, _ =	vpop (xrf0)  }
0xa1: {  	v5 =	vadd.s32 v5, v3  }
0xa2: {  	v5 =	vadd.s32 $0xFFFFFFFF, v5;
	_ =	sdelay $0x3  }
0xa3: {  	s26 =	sadd.s32 $0xFFFFFFE0, s2  }
0xa4: {  	v6 =	vor.u32 s23, v2;
	s28 =	sand.u32 $0x50, s26;
	[tilespmem:v5+s21+$0x0] =	vst.idx.msk vm0, v4  }
0xa5: {  	s23 =	sor.u32 s28, s24;
	[tilespmem:v5+s22+$0x0] =	vst.idx.msk vm0, v6  }
0xa6: {  	v4 =	vld [tilespmem:s23+$0x80];
	_ =	sdelay $0x4  }
0xa7: {  	vm1 =	vlt.f32 v4, $1.000000020e+20  }
0xa8: {  	v5 =	vsel vm1, $0x1, v1  }
0xa9: {  	(xrf0) =	vadd.scan.msk.s32 $0xffff, v5;
	_ =	sdelay $0x1  }
0xaa: {  	v5 =	vmpcnt.ones.xlane vm0;
	_ =	sdelay $0x3  }
0xab: {  	v3 =	vadd.s32 v3, v5;
	v5, _, _ =	vpop (xrf0)  }
0xac: {  	v5 =	vadd.s32 v5, v3  }
0xad: {  	v5 =	vadd.s32 $0xFFFFFFFF, v5;
	_ =	sdelay $0x3  }
0xae: {  	s4 =	sadd.s32 $0xFFFFFFF0, s2  }
0xaf: {  	v61 =	vor.u32 s26, v2;
	s26 =	sand.u32 $0x60, s4;
	[tilespmem:v5+s21+$0x0] =	vst.idx.msk vm1, v4  }
0xb0: {  	s25 =	sor.u32 s26, s24;
	[tilespmem:v5+s22+$0x0] =	vst.idx.msk vm1, v61  }
0xb1: {  	v4 =	vld [tilespmem:s25+$0x80];
	_ =	sdelay $0x4  }
0xb2: {  	vm14 =	vlt.f32 v4, $1.000000020e+20  }
0xb3: {  	v5 =	vsel vm14, $0x1, v1  }
0xb4: {  	(xrf0) =	vadd.scan.msk.s32 $0xffff, v5;
	_ =	sdelay $0x1  }
0xb5: {  	v5 =	vmpcnt.ones.xlane vm1;
	_ =	sdelay $0x3  }
0xb6: {  	v3 =	vadd.s32 v3, v5;
	v5, _, _ =	vpop (xrf0)  }
0xb7: {  	v5 =	vadd.s32 v5, v3  }
0xb8: {  	v5 =	vadd.s32 $0xFFFFFFFF, v5;
	_ =	sdelay $0x4  }
0xb9: {  	v62 =	vor.u32 s4, v2;
	s28 =	sand.u32 $0x70, s2;
	[tilespmem:v5+s21+$0x0] =	vst.idx.msk vm14, v4  }
0xba: {  	s23 =	sor.u32 s28, s24;
	[tilespmem:v5+s22+$0x0] =	vst.idx.msk vm14, v62  }
0xbb: {  	v4 =	vld [tilespmem:s23+$0x80];
	_ =	sdelay $0x4  }
0xbc: {  	vm15 =	vlt.f32 v4, $1.000000020e+20  }
0xbd: {  	v5 =	vsel vm15, $0x1, v1  }
0xbe: {  	(xrf0) =	vadd.scan.msk.s32 $0xffff, v5;
	_ =	sdelay $0x1  }
0xbf: {  	v5 =	vmpcnt.ones.xlane vm14;
	_ =	sdelay $0x3  }
0xc0: {  	v3 =	vadd.s32 v3, v5;
	v5, _, _ =	vpop (xrf0)  }
0xc1: {  	v5 =	vadd.s32 v5, v3  }
0xc2: {  	s0 =	sadd.s32 $0x4, s0;
	v5 =	vadd.s32 $0xFFFFFFFF, v5  }
0xc3: {  	p0 =	slt.u32 s0, $0xFC  }
.Ltmp1:
0xc4: {  	_ = 	snop;
	(pc) =	sbr.rel @p0 .LBB2_5-.Ltmp1, $4  }
0xc5: {  	_ = 	snop  }
0xc6: {  	v63 =	vmpcnt.ones.xlane vm15  }
0xc7: {  	[tilespmem:v5+s21+$0x0] =	vst.idx.msk vm15, v4;
	v4 =	vor.u32 s2, v2  }
0xc8: {  	s1 =	sadd.s32 $0x100, s1;
	v3 =	vadd.s32 v3, v63;
	s2 =	sadd.s32 $0x40, s2;
	[tilespmem:v5+s22+$0x0] =	vst.idx.msk vm15, v4  }
0xc9: {  	v3 =	vld [tilespmem:$0x9080];
	_ =	sdelay $0x1  }
0xca: {  	v4 =	vld [tilespmem:$0x8000];
	_ =	sdelay $0x4  }
0xcb: {  	s1 =	simm.s32 $0x0;
	[tilespmem:s31+$0xA180] =	vst v4  }
0xcc: {  	v4 =	vld.idx.msk [tilespmem:v3+s1+$0x0], $0xffff;
	_ =	sdelay $0x4  }
0xcd: {  	[tilespmem:s31+$0xE180] =	vst v4  }
0xce: {  	v4 =	vld.idx.msk [tilespmem:v3+s15+$0x0], $0xffff;
	_ =	sdelay $0x4  }
0xcf: {  	[tilespmem:s31+$0x12180] =	vst v4  }
0xd0: {  	v4 =	vld.idx.msk [tilespmem:v3+s16+$0x0], $0xffff;
	_ =	sdelay $0x4  }
0xd1: {  	[tilespmem:s31+$0x16180] =	vst v4  }
0xd2: {  	v3 =	vld.idx.msk [tilespmem:v3+s17+$0x0], $0xffff;
	_ =	sdelay $0x4  }
0xd3: {  	[tilespmem:s31+$0x1A180] =	vst v3  }
0xd4: {  	v3 =	vld [tilespmem:$0x9090];
	_ =	sdelay $0x1  }
0xd5: {  	v4 =	vld [tilespmem:$0x8010];
	_ =	sdelay $0x4  }
0xd6: {  	[tilespmem:s31+$0xA190] =	vst v4  }
0xd7: {  	v4 =	vld.idx.msk [tilespmem:v3+s1+$0x0], $0xffff;
	_ =	sdelay $0x4  }
0xd8: {  	[tilespmem:s31+$0xE190] =	vst v4  }
0xd9: {  	v4 =	vld.idx.msk [tilespmem:v3+s15+$0x0], $0xffff;
	_ =	sdelay $0x4  }
0xda: {  	[tilespmem:s31+$0x12190] =	vst v4  }
0xdb: {  	v4 =	vld.idx.msk [tilespmem:v3+s16+$0x0], $0xffff;
	_ =	sdelay $0x4  }
0xdc: {  	[tilespmem:s31+$0x16190] =	vst v4  }
0xdd: {  	v3 =	vld.idx.msk [tilespmem:v3+s17+$0x0], $0xffff;
	_ =	sdelay $0x4  }
0xde: {  	[tilespmem:s31+$0x1A190] =	vst v3  }
0xdf: {  	v3 =	vld [tilespmem:$0x90A0];
	_ =	sdelay $0x1  }
0xe0: {  	v4 =	vld [tilespmem:$0x8020];
	_ =	sdelay $0x4  }
0xe1: {  	[tilespmem:s31+$0xA1A0] =	vst v4  }
0xe2: {  	v4 =	vld.idx.msk [tilespmem:v3+s1+$0x0], $0xffff;
	_ =	sdelay $0x4  }
0xe3: {  	[tilespmem:s31+$0xE1A0] =	vst v4  }
0xe4: {  	v4 =	vld.idx.msk [tilespmem:v3+s15+$0x0], $0xffff;
	_ =	sdelay $0x4  }
0xe5: {  	[tilespmem:s31+$0x121A0] =	vst v4  }
0xe6: {  	v4 =	vld.idx.msk [tilespmem:v3+s16+$0x0], $0xffff;
	_ =	sdelay $0x4  }
0xe7: {  	[tilespmem:s31+$0x161A0] =	vst v4  }
0xe8: {  	v3 =	vld.idx.msk [tilespmem:v3+s17+$0x0], $0xffff;
	_ =	sdelay $0x4  }
0xe9: {  	[tilespmem:s31+$0x1A1A0] =	vst v3  }
0xea: {  	v3 =	vld [tilespmem:$0x90B0];
	_ =	sdelay $0x1  }
0xeb: {  	v4 =	vld [tilespmem:$0x8030];
	_ =	sdelay $0x4  }
0xec: {  	[tilespmem:s31+$0xA1B0] =	vst v4  }
0xed: {  	v4 =	vld.idx.msk [tilespmem:v3+s1+$0x0], $0xffff;
	_ =	sdelay $0x4  }
0xee: {  	[tilespmem:s31+$0xE1B0] =	vst v4  }
0xef: {  	v4 =	vld.idx.msk [tilespmem:v3+s15+$0x0], $0xffff;
	_ =	sdelay $0x4  }
0xf0: {  	[tilespmem:s31+$0x121B0] =	vst v4  }
0xf1: {  	v4 =	vld.idx.msk [tilespmem:v3+s16+$0x0], $0xffff;
	_ =	sdelay $0x4  }
0xf2: {  	[tilespmem:s31+$0x161B0] =	vst v4  }
0xf3: {  	v3 =	vld.idx.msk [tilespmem:v3+s17+$0x0], $0xffff;
	_ =	sdelay $0x4  }
0xf4: {  	[tilespmem:s31+$0x1A1B0] =	vst v3  }
0xf5: {  	v3 =	vimm.s32 $0x0;
	[tilespmem:$0x8000] =	vst v0  }
0xf6: {  	[tilespmem:$0x9080] =	vst v3  }
0xf7: {  	[tilespmem:$0x8010] =	vst v0  }
0xf8: {  	[tilespmem:$0x9090] =	vst v3  }
0xf9: {  	[tilespmem:$0x8020] =	vst v0  }
0xfa: {  	[tilespmem:$0x90A0] =	vst v3  }
0xfb: {  	[tilespmem:$0x8030] =	vst v0  }
0xfc: {  	[tilespmem:$0x90B0] =	vst v3  }
0xfd: {  	s0 =	simm.s32 $0xFFFFFFFC;
	s2 =	simm.s32 $0x20;
	p0 =	por $0x0, $0x0;
	[tilespmem:$0x8040] =	vst v0  }
0xfe: {  	s23 =	simm.s32 $0x30;
	s24 =	simm.s32 $0x0;
	s25 =	simm.s32 $0x0;
	[tilespmem:$0x90C0] =	vst v3  }
.LBB2_7:
0xff: {  	s26 =	simm.s32 $0x1  }
0x100: {  	s26 =	simm.s32 @!p0 $0x0  }
0x101: {  	s26 =	sshll.u32 s26, $0x6  }
0x102: {  	s26 =	sadd.s32 s26, s25  }
0x103: {  	s26 =	sor.u32 $0x100, s26  }
0x104: {  	v4 =	vld [tilespmem:s26+$0x4000];
	_ =	sdelay $0x4  }
0x105: {  	vm0 =	vlt.f32 v4, $1.000000020e+20  }
0x106: {  	v5 =	vsel vm0, $0x1, v1  }
0x107: {  	(xrf0) =	vadd.scan.msk.s32 $0xffff, v5;
	_ =	sdelay $0x5  }
0x108: {  	v5, _, _ =	vpop (xrf0)  }
0x109: {  	v5 =	vadd.s32 v5, v3  }
0x10a: {  	v5 =	vadd.s32 $0xFFFFFFFF, v5;
	_ =	sdelay $0x1  }
0x10b: {  	s28 =	sand.u32 $0x7, s24  }
0x10c: {  	s26 =	sshll.u32 s28, $0x4  }
0x10d: {  	s28 =	sadd.s32 $0xFFFFFFD0, s23;
	s26 =	sadd.s32 s26, s25  }
0x10e: {  	v6 =	vor.u32 s28, v2;
	s4 =	sadd.s32 $0x10, s26;
	[tilespmem:v5+s21+$0x0] =	vst.idx.msk vm0, v4  }
0x10f: {  	s28 =	sor.u32 $0x100, s4;
	[tilespmem:v5+s22+$0x0] =	vst.idx.msk vm0, v6  }
0x110: {  	v4 =	vld [tilespmem:s28+$0x4000];
	_ =	sdelay $0x4  }
0x111: {  	vm1 =	vlt.f32 v4, $1.000000020e+20  }
0x112: {  	v5 =	vsel vm1, $0x1, v1  }
0x113: {  	(xrf0) =	vadd.scan.msk.s32 $0xffff, v5;
	_ =	sdelay $0x1  }
0x114: {  	v5 =	vmpcnt.ones.xlane vm0;
	_ =	sdelay $0x3  }
0x115: {  	v3 =	vadd.s32 v3, v5;
	v5, _, _ =	vpop (xrf0)  }
0x116: {  	v5 =	vadd.s32 v5, v3  }
0x117: {  	v5 =	vadd.s32 $0xFFFFFFFF, v5;
	_ =	sdelay $0x2  }
0x118: {  	s4 =	sand.u32 $0x3, s1  }
0x119: {  	s28 =	sshll.u32 s4, $0x5;
	s4 =	sadd.s32 $0xFFFFFFE0, s23  }
0x11a: {  	s28 =	sadd.s32 s28, s2;
	v61 =	vor.u32 s4, v2;
	[tilespmem:v5+s21+$0x0] =	vst.idx.msk vm1, v4  }
0x11b: {  	s28 =	sor.u32 $0x100, s28;
	[tilespmem:v5+s22+$0x0] =	vst.idx.msk vm1, v61  }
0x11c: {  	v4 =	vld [tilespmem:s28+$0x4000];
	_ =	sdelay $0x4  }
0x11d: {  	vm14 =	vlt.f32 v4, $1.000000020e+20  }
0x11e: {  	v5 =	vsel vm14, $0x1, v1  }
0x11f: {  	(xrf0) =	vadd.scan.msk.s32 $0xffff, v5;
	_ =	sdelay $0x1  }
0x120: {  	v5 =	vmpcnt.ones.xlane vm1;
	_ =	sdelay $0x3  }
0x121: {  	v3 =	vadd.s32 v3, v5;
	v5, _, _ =	vpop (xrf0)  }
0x122: {  	v5 =	vadd.s32 v5, v3  }
0x123: {  	v5 =	vadd.s32 $0xFFFFFFFF, v5;
	_ =	sdelay $0x3  }
0x124: {  	s28 =	sadd.s32 $0xFFFFFFF0, s23  }
0x125: {  	v62 =	vor.u32 s28, v2;
	s28 =	sadd.s32 $0x30, s26;
	[tilespmem:v5+s21+$0x0] =	vst.idx.msk vm14, v4  }
0x126: {  	s4 =	sor.u32 $0x100, s28;
	[tilespmem:v5+s22+$0x0] =	vst.idx.msk vm14, v62  }
0x127: {  	v4 =	vld [tilespmem:s4+$0x4000];
	_ =	sdelay $0x4  }
0x128: {  	vm15 =	vlt.f32 v4, $1.000000020e+20  }
0x129: {  	v5 =	vsel vm15, $0x1, v1  }
0x12a: {  	(xrf0) =	vadd.scan.msk.s32 $0xffff, v5;
	_ =	sdelay $0x1  }
0x12b: {  	v5 =	vmpcnt.ones.xlane vm14;
	_ =	sdelay $0x3  }
0x12c: {  	v3 =	vadd.s32 v3, v5;
	v5, _, _ =	vpop (xrf0)  }
0x12d: {  	v5 =	vadd.s32 v5, v3  }
0x12e: {  	s0 =	sadd.s32 $0x4, s0;
	v5 =	vadd.s32 $0xFFFFFFFF, v5  }
0x12f: {  	p1 =	slt.u32 s0, $0xFC  }
.Ltmp2:
0x130: {  	_ = 	snop;
	(pc) =	sbr.rel @p1 .LBB2_7-.Ltmp2, $4  }
0x131: {  	_ = 	snop  }
0x132: {  	v63 =	vmpcnt.ones.xlane vm15  }
0x133: {  	s24 =	sadd.s32 $0x4, s24;
	p0 =	por !p0, !p0;
	s25 =	sadd.s32 $0x100, s25;
	[tilespmem:v5+s21+$0x0] =	vst.idx.msk vm15, v4;
	v4 =	vor.u32 s23, v2  }
0x134: {  	s1 =	sadd.s32 $0x2, s1;
	s2 =	sadd.s32 $0x100, s2;
	v3 =	vadd.s32 v3, v63;
	s23 =	sadd.s32 $0x40, s23;
	[tilespmem:v5+s22+$0x0] =	vst.idx.msk vm15, v4  }
0x135: {  	v3 =	vld [tilespmem:$0x9080];
	_ =	sdelay $0x1  }
0x136: {  	v4 =	vld [tilespmem:$0x8000];
	_ =	sdelay $0x4  }
0x137: {  	s1 =	simm.s32 $0x0;
	[tilespmem:s31+$0xA200] =	vst v4  }
0x138: {  	v4 =	vld.idx.msk [tilespmem:v3+s1+$0x0], $0xffff;
	_ =	sdelay $0x4  }
0x139: {  	[tilespmem:s31+$0xE200] =	vst v4  }
0x13a: {  	v4 =	vld.idx.msk [tilespmem:v3+s15+$0x0], $0xffff;
	_ =	sdelay $0x4  }
0x13b: {  	[tilespmem:s31+$0x12200] =	vst v4  }
0x13c: {  	v4 =	vld.idx.msk [tilespmem:v3+s16+$0x0], $0xffff;
	_ =	sdelay $0x4  }
0x13d: {  	[tilespmem:s31+$0x16200] =	vst v4  }
0x13e: {  	v3 =	vld.idx.msk [tilespmem:v3+s17+$0x0], $0xffff;
	_ =	sdelay $0x4  }
0x13f: {  	[tilespmem:s31+$0x1A200] =	vst v3  }
0x140: {  	v3 =	vld [tilespmem:$0x9090];
	_ =	sdelay $0x1  }
0x141: {  	v4 =	vld [tilespmem:$0x8010];
	_ =	sdelay $0x4  }
0x142: {  	[tilespmem:s31+$0xA210] =	vst v4  }
0x143: {  	v4 =	vld.idx.msk [tilespmem:v3+s1+$0x0], $0xffff;
	_ =	sdelay $0x4  }
0x144: {  	[tilespmem:s31+$0xE210] =	vst v4  }
0x145: {  	v4 =	vld.idx.msk [tilespmem:v3+s15+$0x0], $0xffff;
	_ =	sdelay $0x4  }
0x146: {  	[tilespmem:s31+$0x12210] =	vst v4  }
0x147: {  	v4 =	vld.idx.msk [tilespmem:v3+s16+$0x0], $0xffff;
	_ =	sdelay $0x4  }
0x148: {  	[tilespmem:s31+$0x16210] =	vst v4  }
0x149: {  	v3 =	vld.idx.msk [tilespmem:v3+s17+$0x0], $0xffff;
	_ =	sdelay $0x4  }
0x14a: {  	[tilespmem:s31+$0x1A210] =	vst v3  }
0x14b: {  	v3 =	vld [tilespmem:$0x90A0];
	_ =	sdelay $0x1  }
0x14c: {  	v4 =	vld [tilespmem:$0x8020];
	_ =	sdelay $0x4  }
0x14d: {  	[tilespmem:s31+$0xA220] =	vst v4  }
0x14e: {  	v4 =	vld.idx.msk [tilespmem:v3+s1+$0x0], $0xffff;
	_ =	sdelay $0x4  }
0x14f: {  	[tilespmem:s31+$0xE220] =	vst v4  }
0x150: {  	v4 =	vld.idx.msk [tilespmem:v3+s15+$0x0], $0xffff;
	_ =	sdelay $0x4  }
0x151: {  	[tilespmem:s31+$0x12220] =	vst v4  }
0x152: {  	v4 =	vld.idx.msk [tilespmem:v3+s16+$0x0], $0xffff;
	_ =	sdelay $0x4  }
0x153: {  	[tilespmem:s31+$0x16220] =	vst v4  }
0x154: {  	v3 =	vld.idx.msk [tilespmem:v3+s17+$0x0], $0xffff;
	_ =	sdelay $0x4  }
0x155: {  	[tilespmem:s31+$0x1A220] =	vst v3  }
0x156: {  	v3 =	vld [tilespmem:$0x90B0];
	_ =	sdelay $0x1  }
0x157: {  	v4 =	vld [tilespmem:$0x8030];
	_ =	sdelay $0x4  }
0x158: {  	[tilespmem:s31+$0xA230] =	vst v4  }
0x159: {  	v4 =	vld.idx.msk [tilespmem:v3+s1+$0x0], $0xffff;
	_ =	sdelay $0x4  }
0x15a: {  	[tilespmem:s31+$0xE230] =	vst v4  }
0x15b: {  	v4 =	vld.idx.msk [tilespmem:v3+s15+$0x0], $0xffff;
	_ =	sdelay $0x4  }
0x15c: {  	[tilespmem:s31+$0x12230] =	vst v4  }
0x15d: {  	v4 =	vld.idx.msk [tilespmem:v3+s16+$0x0], $0xffff;
	_ =	sdelay $0x4  }
0x15e: {  	[tilespmem:s31+$0x16230] =	vst v4  }
0x15f: {  	v3 =	vld.idx.msk [tilespmem:v3+s17+$0x0], $0xffff;
	_ =	sdelay $0x4  }
0x160: {  	[tilespmem:s31+$0x1A230] =	vst v3  }
0x161: {  	v3 =	vimm.s32 $0x0;
	[tilespmem:$0x8000] =	vst v0  }
0x162: {  	[tilespmem:$0x9080] =	vst v3  }
0x163: {  	[tilespmem:$0x8010] =	vst v0  }
0x164: {  	[tilespmem:$0x9090] =	vst v3  }
0x165: {  	[tilespmem:$0x8020] =	vst v0  }
0x166: {  	[tilespmem:$0x90A0] =	vst v3  }
0x167: {  	[tilespmem:$0x8030] =	vst v0  }
0x168: {  	[tilespmem:$0x90B0] =	vst v3  }
0x169: {  	s0 =	simm.s32 $0xFFFFFFFC;
	s2 =	simm.s32 $0x20;
	p0 =	por $0x0, $0x0;
	[tilespmem:$0x8040] =	vst v0  }
0x16a: {  	s23 =	simm.s32 $0x30;
	s24 =	simm.s32 $0x0;
	s25 =	simm.s32 $0x0;
	[tilespmem:$0x90C0] =	vst v3  }
.LBB2_9:
0x16b: {  	s4 =	simm.s32 $0x1  }
0x16c: {  	s4 =	simm.s32 @!p0 $0x0  }
0x16d: {  	s4 =	sshll.u32 s4, $0x6  }
0x16e: {  	s4 =	sadd.s32 s4, s25  }
0x16f: {  	s4 =	sor.u32 $0x180, s4  }
0x170: {  	v4 =	vld [tilespmem:s4+$0x4000];
	_ =	sdelay $0x4  }
0x171: {  	vm0 =	vlt.f32 v4, $1.000000020e+20  }
0x172: {  	v5 =	vsel vm0, $0x1, v1  }
0x173: {  	(xrf0) =	vadd.scan.msk.s32 $0xffff, v5;
	_ =	sdelay $0x5  }
0x174: {  	v5, _, _ =	vpop (xrf0)  }
0x175: {  	v5 =	vadd.s32 v5, v3  }
0x176: {  	v5 =	vadd.s32 $0xFFFFFFFF, v5;
	_ =	sdelay $0x1  }
0x177: {  	s26 =	sand.u32 $0x7, s24  }
0x178: {  	s4 =	sshll.u32 s26, $0x4  }
0x179: {  	s26 =	sadd.s32 $0xFFFFFFD0, s23;
	s4 =	sadd.s32 s4, s25  }
0x17a: {  	v6 =	vor.u32 s26, v2;
	s28 =	sadd.s32 $0x10, s4;
	[tilespmem:v5+s21+$0x0] =	vst.idx.msk vm0, v4  }
0x17b: {  	s26 =	sor.u32 $0x180, s28;
	[tilespmem:v5+s22+$0x0] =	vst.idx.msk vm0, v6  }
0x17c: {  	v4 =	vld [tilespmem:s26+$0x4000];
	_ =	sdelay $0x4  }
0x17d: {  	vm1 =	vlt.f32 v4, $1.000000020e+20  }
0x17e: {  	v5 =	vsel vm1, $0x1, v1  }
0x17f: {  	(xrf0) =	vadd.scan.msk.s32 $0xffff, v5;
	_ =	sdelay $0x1  }
0x180: {  	v5 =	vmpcnt.ones.xlane vm0;
	_ =	sdelay $0x3  }
0x181: {  	v3 =	vadd.s32 v3, v5;
	v5, _, _ =	vpop (xrf0)  }
0x182: {  	v5 =	vadd.s32 v5, v3  }
0x183: {  	v5 =	vadd.s32 $0xFFFFFFFF, v5;
	_ =	sdelay $0x2  }
0x184: {  	s28 =	sand.u32 $0x3, s1  }
0x185: {  	s26 =	sshll.u32 s28, $0x5;
	s28 =	sadd.s32 $0xFFFFFFE0, s23  }
0x186: {  	s26 =	sadd.s32 s26, s2;
	v61 =	vor.u32 s28, v2;
	[tilespmem:v5+s21+$0x0] =	vst.idx.msk vm1, v4  }
0x187: {  	s26 =	sor.u32 $0x180, s26;
	[tilespmem:v5+s22+$0x0] =	vst.idx.msk vm1, v61  }
0x188: {  	v4 =	vld [tilespmem:s26+$0x4000];
	_ =	sdelay $0x4  }
0x189: {  	vm14 =	vlt.f32 v4, $1.000000020e+20  }
0x18a: {  	v5 =	vsel vm14, $0x1, v1  }
0x18b: {  	(xrf0) =	vadd.scan.msk.s32 $0xffff, v5;
	_ =	sdelay $0x1  }
0x18c: {  	v5 =	vmpcnt.ones.xlane vm1;
	_ =	sdelay $0x3  }
0x18d: {  	v3 =	vadd.s32 v3, v5;
	v5, _, _ =	vpop (xrf0)  }
0x18e: {  	v5 =	vadd.s32 v5, v3  }
0x18f: {  	v5 =	vadd.s32 $0xFFFFFFFF, v5;
	_ =	sdelay $0x3  }
0x190: {  	s28 =	sadd.s32 $0xFFFFFFF0, s23  }
0x191: {  	s4 =	sadd.s32 $0x30, s4;
	v62 =	vor.u32 s28, v2;
	[tilespmem:v5+s21+$0x0] =	vst.idx.msk vm14, v4  }
0x192: {  	s4 =	sor.u32 $0x180, s4;
	[tilespmem:v5+s22+$0x0] =	vst.idx.msk vm14, v62  }
0x193: {  	v4 =	vld [tilespmem:s4+$0x4000];
	_ =	sdelay $0x4  }
0x194: {  	vm15 =	vlt.f32 v4, $1.000000020e+20  }
0x195: {  	v5 =	vsel vm15, $0x1, v1  }
0x196: {  	(xrf0) =	vadd.scan.msk.s32 $0xffff, v5;
	_ =	sdelay $0x1  }
0x197: {  	v5 =	vmpcnt.ones.xlane vm14;
	_ =	sdelay $0x3  }
0x198: {  	v3 =	vadd.s32 v3, v5;
	v5, _, _ =	vpop (xrf0)  }
0x199: {  	v5 =	vadd.s32 v5, v3  }
0x19a: {  	s0 =	sadd.s32 $0x4, s0;
	v5 =	vadd.s32 $0xFFFFFFFF, v5  }
0x19b: {  	p1 =	slt.u32 s0, $0xFC  }
.Ltmp3:
0x19c: {  	_ = 	snop;
	(pc) =	sbr.rel @p1 .LBB2_9-.Ltmp3, $4  }
0x19d: {  	_ = 	snop  }
0x19e: {  	v63 =	vmpcnt.ones.xlane vm15  }
0x19f: {  	s24 =	sadd.s32 $0x4, s24;
	p0 =	por !p0, !p0;
	s25 =	sadd.s32 $0x100, s25;
	[tilespmem:v5+s21+$0x0] =	vst.idx.msk vm15, v4;
	v4 =	vor.u32 s23, v2  }
0x1a0: {  	s1 =	sadd.s32 $0x2, s1;
	s2 =	sadd.s32 $0x100, s2;
	v3 =	vadd.s32 v3, v63;
	s23 =	sadd.s32 $0x40, s23;
	[tilespmem:v5+s22+$0x0] =	vst.idx.msk vm15, v4  }
0x1a1: {  	v3 =	vld [tilespmem:$0x9080];
	_ =	sdelay $0x1  }
0x1a2: {  	v4 =	vld [tilespmem:$0x8000];
	_ =	sdelay $0x4  }
0x1a3: {  	[tilespmem:s31+$0xA280] =	vst v4  }
0x1a4: {  	v4 =	vld.idx.msk [tilespmem:v3+s3+$0x0], $0xffff;
	_ =	sdelay $0x4  }
0x1a5: {  	[tilespmem:s31+$0xE280] =	vst v4  }
0x1a6: {  	v4 =	vld.idx.msk [tilespmem:v3+s15+$0x0], $0xffff;
	_ =	sdelay $0x4  }
0x1a7: {  	[tilespmem:s31+$0x12280] =	vst v4  }
0x1a8: {  	v4 =	vld.idx.msk [tilespmem:v3+s16+$0x0], $0xffff;
	_ =	sdelay $0x4  }
0x1a9: {  	[tilespmem:s31+$0x16280] =	vst v4  }
0x1aa: {  	v3 =	vld.idx.msk [tilespmem:v3+s17+$0x0], $0xffff;
	_ =	sdelay $0x4  }
0x1ab: {  	[tilespmem:s31+$0x1A280] =	vst v3  }
0x1ac: {  	v3 =	vld [tilespmem:$0x9090];
	_ =	sdelay $0x1  }
0x1ad: {  	v4 =	vld [tilespmem:$0x8010];
	_ =	sdelay $0x4  }
0x1ae: {  	[tilespmem:s31+$0xA290] =	vst v4  }
0x1af: {  	v4 =	vld.idx.msk [tilespmem:v3+s3+$0x0], $0xffff;
	_ =	sdelay $0x4  }
0x1b0: {  	[tilespmem:s31+$0xE290] =	vst v4  }
0x1b1: {  	v4 =	vld.idx.msk [tilespmem:v3+s15+$0x0], $0xffff;
	_ =	sdelay $0x4  }
0x1b2: {  	[tilespmem:s31+$0x12290] =	vst v4  }
0x1b3: {  	v4 =	vld.idx.msk [tilespmem:v3+s16+$0x0], $0xffff;
	_ =	sdelay $0x4  }
0x1b4: {  	[tilespmem:s31+$0x16290] =	vst v4  }
0x1b5: {  	v3 =	vld.idx.msk [tilespmem:v3+s17+$0x0], $0xffff;
	_ =	sdelay $0x4  }
0x1b6: {  	[tilespmem:s31+$0x1A290] =	vst v3  }
0x1b7: {  	v3 =	vld [tilespmem:$0x90A0];
	_ =	sdelay $0x1  }
0x1b8: {  	v4 =	vld [tilespmem:$0x8020];
	_ =	sdelay $0x4  }
0x1b9: {  	[tilespmem:s31+$0xA2A0] =	vst v4  }
0x1ba: {  	v4 =	vld.idx.msk [tilespmem:v3+s3+$0x0], $0xffff;
	_ =	sdelay $0x4  }
0x1bb: {  	[tilespmem:s31+$0xE2A0] =	vst v4  }
0x1bc: {  	v4 =	vld.idx.msk [tilespmem:v3+s15+$0x0], $0xffff;
	_ =	sdelay $0x4  }
0x1bd: {  	[tilespmem:s31+$0x122A0] =	vst v4  }
0x1be: {  	v4 =	vld.idx.msk [tilespmem:v3+s16+$0x0], $0xffff;
	_ =	sdelay $0x4  }
0x1bf: {  	[tilespmem:s31+$0x162A0] =	vst v4  }
0x1c0: {  	v3 =	vld.idx.msk [tilespmem:v3+s17+$0x0], $0xffff;
	_ =	sdelay $0x4  }
0x1c1: {  	[tilespmem:s31+$0x1A2A0] =	vst v3  }
0x1c2: {  	v3 =	vld [tilespmem:$0x90B0];
	_ =	sdelay $0x1  }
0x1c3: {  	v4 =	vld [tilespmem:$0x8030];
	_ =	sdelay $0x4  }
0x1c4: {  	[tilespmem:s31+$0xA2B0] =	vst v4  }
0x1c5: {  	v4 =	vld.idx.msk [tilespmem:v3+s3+$0x0], $0xffff;
	_ =	sdelay $0x4  }
0x1c6: {  	[tilespmem:s31+$0xE2B0] =	vst v4  }
0x1c7: {  	v4 =	vld.idx.msk [tilespmem:v3+s15+$0x0], $0xffff;
	_ =	sdelay $0x4  }
0x1c8: {  	[tilespmem:s31+$0x122B0] =	vst v4  }
0x1c9: {  	v4 =	vld.idx.msk [tilespmem:v3+s16+$0x0], $0xffff;
	_ =	sdelay $0x4  }
0x1ca: {  	s30 =	sadd.s32 $0x1, s30;
	[tilespmem:s31+$0x162B0] =	vst v4  }
0x1cb: {  	p0 =	sne.s32 s30, $0x20;
	v3 =	vld.idx.msk [tilespmem:v3+s17+$0x0], $0xffff  }
.Ltmp4:
0x1cc: {  	_ = 	snop;
	(pc) =	sbr.rel @p0 .LBB2_2-.Ltmp4, $2  }
0x1cd: {  	_ =	sdelay $0x2  }
0x1ce: {  	[tilespmem:s31+$0x1A2B0] =	vst v3  }
0x1cf: {  	s0 =	simm.s32 $0xA100  }
0x1d0: {  	[hbm4b:s8+s3] =	stream.linear.scatter [tilespmem:s0], [sflag:$0x1], $0x4000, $0x38;
	[tilespmem:$0x1E100] =	vst v63  }
0x1d1: {  	_ =	swait.ge [sflag:s14], $0x4000  }
0x1d2: {  	[sflag:s14] =	ssyncset.done $0x0  }
0x1d3: {  	s26 =	simm.s32 $0xE100;
	[sflag:s14] =	ssyncadd.s32 $0xFFFFC000  }
0x1d4: {  	[hbm4b:s9+s3] =	stream.linear.scatter [tilespmem:s26], [sflag:$0x1], $0x4000, $0x38;
	[tilespmem:$0x1E100] =	vst v63  }
0x1d5: {  	_ =	swait.ge [sflag:s14], $0x4000  }
0x1d6: {  	[sflag:s14] =	ssyncset.done $0x0  }
0x1d7: {  	s28 =	simm.s32 $0x12100;
	[sflag:s14] =	ssyncadd.s32 $0xFFFFC000  }
0x1d8: {  	[hbm4b:s10+s3] =	stream.linear.scatter [tilespmem:s28], [sflag:$0x1], $0x4000, $0x38;
	[tilespmem:$0x1E100] =	vst v63  }
0x1d9: {  	_ =	swait.ge [sflag:s14], $0x4000  }
0x1da: {  	[sflag:s14] =	ssyncset.done $0x0  }
0x1db: {  	s30 =	simm.s32 $0x16100;
	[sflag:s14] =	ssyncadd.s32 $0xFFFFC000  }
0x1dc: {  	[hbm4b:s11+s3] =	stream.linear.scatter [tilespmem:s30], [sflag:$0x1], $0x4000, $0x38;
	[tilespmem:$0x1E100] =	vst v63  }
0x1dd: {  	s29 =	sadd.s32 $0x1, s29;
	_ =	swait.ge [sflag:s14], $0x4000  }
0x1de: {  	p0 =	sne.s32 s29, s13;
	[sflag:s14] =	ssyncset.done $0x0  }
.Ltmp5:
0x1df: {  	s31 =	simm.s32 $0x1A100;
	[sflag:s14] =	ssyncadd.s32 $0xFFFFC000;
	(pc) =	sbr.rel @p0 .LBB2_1-.Ltmp5, $4  }
0x1e0: {  	[hbm4b:s12+s3] =	stream.linear.scatter [tilespmem:s31], [sflag:$0x1], $0x4000, $0x38;
	[tilespmem:$0x1E100] =	vst v63  }
0x1e1: {  	_ =	swait.ge [sflag:s14], $0x4000  }
0x1e2: {  	[sflag:s14] =	ssyncset.done $0x0  }
0x1e3: {  	[sflag:s14] =	ssyncadd.s32 $0xFFFFC000  }
0x1e4: {  	_ =	sfence.sel $0x180000  }
0x1e5: {  	[bflag:$0x0] =	sbarrier.arrive $0xFFFF  }
0x1e6: {  	_ =	strace $0x90000047  }
0x1e7: {  	s0 =	stileid.u32;
	[bflag:$0x2] =	sbarrier.arrive $0xFFFF  }
0x1e8: {  	p0 =	sne.s32 s0, $0x0;
	s0 =	rddreg [dreg:$0x2]  }
0x1e9: {  	s0 =	sadd.s32 @!p0 $0x100000, s0  }
0x1ea: {  	[sflag:s0] =	ssyncadd.tile.s32 @!p0 $0x1;
	_ =	shalt  }
.Lfunc_end2:
_tile_overlayer_lowered:
.L_overlay_start_2:
0x1eb: {  	(tag) =	ssettag $0x2  }
0x1ec: {  	s0 =	rddreg [dreg:$0x0];
	s2 =	stileid.u32  }
0x1ed: {  	s1 =	rddreg [dreg:$0x1];
	p0 =	sne.s32 s2, $0x0  }
0x1ee: {  	s3 =	rddreg [dreg:$0x2];
	[bflag:$0x3] =	sbarrier.arrive $0xFFFF;
	s2 =	simm.s32 @!p0 $0x1C01  }
0x1ef: {  	[timem:s3], [sflag:s2] =	dma.local @!p0 [hbm:s0], s1  }
0x1f0: {  	s0 =	simm.s32 @!p0 $0x1  }
0x1f1: {  	_ =	swait.ge @!p0 [sflag:s0], s1  }
0x1f2: {  	s1 =	ssub.s32 @!p0 $0x0, s1;
	[sflag:s0] =	ssyncset.done @!p0 $0x0  }
0x1f3: {  	[sflag:s0] =	ssyncadd.s32 @!p0 s1  }
0x1f4: {  	[bflag:$0x3] =	sbarrier.arrive $0xFFFF  }
0x1f5: {  	_ =	shalt  }

</sc_bundles>
